<compile_context>
chip_gen: v7x
topology: tpu7x:2x2x1
jax: 0.10.2.dev20260603
libtpu: 0.0.44.dev20260713+nightly
codegen_flags: <defaults>
</compile_context>

<pallas_src>
import jax
import jax.numpy as jnp
from jax import lax
from jax.experimental import pallas as pl
from jax.experimental.pallas import tpu as pltpu
from jax.experimental.pallas import tpu_sc as plsc

N = 10000
E = 320000
D = 128

NC = 2
NS = 16
NW = NC * NS
CH = 64
EPW = 10240
NCHUNK = EPW // CH
PAD = NW * EPW - E

NBUF = 4
TOTCH = E // CH + (PAD // CH)

NCH0 = 296
NCH1 = 24
C0TOT = NS * NCH0

ACC_ROWS = 10112
ROWS_PER_TILE = 632
TRASH = N

_MM_BLK = 1000



def _mm_body(x_ref, w_ref, o_ref):
    o_ref[...] = jnp.dot(x_ref[...], w_ref[...],
                         preferred_element_type=jnp.float32)


def _cmb_mm_body(p_ref, b_ref, w_ref, o_ref):
    a = jnp.maximum(p_ref[0] + p_ref[1] + b_ref[...], 0.0)
    o_ref[...] = jnp.dot(a, w_ref[...], preferred_element_type=jnp.float32)


def _cmb_body(p_ref, b_ref, o_ref):
    o_ref[...] = p_ref[0] + p_ref[1] + b_ref[...]


def _mm(x, w):
    return pl.pallas_call(
        _mm_body,
        grid=(N // _MM_BLK,),
        in_specs=[
            pl.BlockSpec((_MM_BLK, D), lambda i: (i, 0)),
            pl.BlockSpec((D, D), lambda i: (0, 0)),
        ],
        out_specs=pl.BlockSpec((_MM_BLK, D), lambda i: (i, 0)),
        out_shape=jax.ShapeDtypeStruct((N, D), jnp.float32),
    )(x, w)


def _cmb_mm(p, b, w):
    return pl.pallas_call(
        _cmb_mm_body,
        grid=(N // _MM_BLK,),
        in_specs=[
            pl.BlockSpec((2, _MM_BLK, D), lambda i: (0, i, 0)),
            pl.BlockSpec((1, D), lambda i: (0, 0)),
            pl.BlockSpec((D, D), lambda i: (0, 0)),
        ],
        out_specs=pl.BlockSpec((_MM_BLK, D), lambda i: (i, 0)),
        out_shape=jax.ShapeDtypeStruct((N, D), jnp.float32),
    )(p, b.reshape(1, D), w)


def _cmb(p, b):
    return pl.pallas_call(
        _cmb_body,
        grid=(N // _MM_BLK,),
        in_specs=[
            pl.BlockSpec((2, _MM_BLK, D), lambda i: (0, i, 0)),
            pl.BlockSpec((1, D), lambda i: (0, 0)),
        ],
        out_specs=pl.BlockSpec((_MM_BLK, D), lambda i: (i, 0)),
        out_shape=jax.ShapeDtypeStruct((N, D), jnp.float32),
    )(p, b.reshape(1, D))



ZR = 79


def _sc_agg_body(h_hbm, src_hbm, dst_hbm, out_hbm,
                 srcb, dstb, rows_v, zbuf, acc_sh, *sems):
    gsem = sems[:NBUF]
    ssem = sems[NBUF:2 * NBUF]
    isem = sems[2 * NBUF]
    cid = lax.axis_index("c")
    sid = lax.axis_index("s")

    def i_start(c0, p):
        pltpu.async_copy(src_hbm.at[pl.ds(c0, NBUF)], srcb.at[p], isem)
        pltpu.async_copy(dst_hbm.at[pl.ds(c0, NBUF)], dstb.at[p], isem)

    def i_wait(c0, p):
        pltpu.make_async_copy(src_hbm.at[pl.ds(c0, NBUF)],
                              srcb.at[p], isem).wait()
        pltpu.make_async_copy(dst_hbm.at[pl.ds(c0, NBUF)],
                              dstb.at[p], isem).wait()

    def g_start(p, b):
        pltpu.async_copy(h_hbm.at[srcb.at[p, b]], rows_v.at[b], gsem[b])

    def g_wait(p, b):
        pltpu.make_async_copy(h_hbm.at[srcb.at[p, b]], rows_v.at[b],
                              gsem[b]).wait()

    def s_start(p, b):
        pltpu.async_copy(rows_v.at[b], acc_sh.at[dstb.at[p, b]], ssem[b],
                         add=True)

    def s_wait(p, b):
        pltpu.make_async_copy(rows_v.at[b], acc_sh.at[dstb.at[p, b]],
                              ssem[b]).wait()

    def zrow(i, _):
        for j in range(D // 16):
            zbuf[i, pl.ds(j * 16, 16)] = jnp.zeros((16,), jnp.float32)
        return ()
    lax.fori_loop(0, ZR, zrow, (), unroll=False)
    for z in range(8):
        pltpu.sync_copy(zbuf,
                        acc_sh.at[pl.ds(sid * ROWS_PER_TILE + z * ZR, ZR)])

    plsc.subcore_barrier()

    def run(nch, start):
        ng = nch // NBUF

        i_start(start, 0)
        i_wait(start, 0)
        for b in range(NBUF):
            g_start(0, b)
        i_start(start + NBUF, 1)

        def group(g, _):
            p = lax.rem(g, 2)
            pn = lax.rem(g + 1, 2)
            for b in range(NBUF):
                g_wait(p, b)
                s_start(p, b)
            @pl.when(g + 1 < ng)
            def _():
                i_wait(start + (g + 1) * NBUF, pn)
            for b in range(NBUF):
                s_wait(p, b)
                @pl.when(g + 1 < ng)
                def _():
                    g_start(pn, b)
            @pl.when(g + 2 < ng)
            def _():
                i_start(start + (g + 2) * NBUF, p)
            return ()

        lax.fori_loop(0, ng, group, (), unroll=False)

    @pl.when(cid == 0)
    def _():
        run(NCH0, sid * NCH0)

    if NCH1 > 0:
        @pl.when(cid == 1)
        def _():
            run(NCH1, C0TOT + sid * NCH1)

    plsc.subcore_barrier()

    pltpu.sync_copy(acc_sh.at[pl.ds(sid * ROWS_PER_TILE, ROWS_PER_TILE)],
                    out_hbm.at[cid, pl.ds(sid * ROWS_PER_TILE, ROWS_PER_TILE)])


_sc_agg = pl.kernel(
    _sc_agg_body,
    out_type=jax.ShapeDtypeStruct((NC, ACC_ROWS, D), jnp.float32),
    mesh=plsc.VectorSubcoreMesh(core_axis_name="c", subcore_axis_name="s"),
    scratch_types=[
        pltpu.VMEM((2, NBUF, CH), jnp.int32),
        pltpu.VMEM((2, NBUF, CH), jnp.int32),
        pltpu.VMEM((NBUF, CH, D), jnp.float32),
        pltpu.VMEM((ZR, D), jnp.float32),
        pltpu.VMEM_SHARED((ACC_ROWS, D), jnp.float32),
    ] + [pltpu.SemaphoreType.DMA] * (2 * NBUF + 1),
)



def kernel(x, edge_index, W1, b1, W2, b2, W3, b3):
    src = edge_index[0].astype(jnp.int32)
    dst = edge_index[1].astype(jnp.int32)
    src = jnp.concatenate([src, jnp.zeros((PAD,), jnp.int32)])
    dst = jnp.concatenate([dst, jnp.full((PAD,), TRASH, jnp.int32)])
    src = src.reshape(TOTCH, CH)
    dst = dst.reshape(TOTCH, CH)

    h = _mm(x, W1)
    p = _sc_agg(h, src, dst)
    h = _cmb_mm(p, b1, W2)
    p = _sc_agg(h, src, dst)
    h = _cmb_mm(p, b2, W3)
    p = _sc_agg(h, src, dst)
    return _cmb(p, b3)

# --- scband reference (transcript-rebuilt; emitter-appended) ---
"""Pipeline reference for scband-gcn-60232621359253 (READ-ONLY COPY).

The authoritative reference and input builder live on the scoring server;
editing this copy changes nothing except your own understanding.
"""

import jax, jax.numpy as jnp
import numpy as np

N_NODES = 10000
N_EDGES = 320000
D_IN = 128
D_HID = 128
D_OUT = 128


def setup_inputs(seed: int = 0) -> dict:
    key = jax.random.key(seed)
    ks = jax.random.split(key, 8)
    x = jax.random.normal(ks[0], (N_NODES, D_IN), dtype=jnp.float32)
    edge_index = jax.random.randint(ks[1], (2, N_EDGES), 0, N_NODES, dtype=jnp.int64)
    W1 = jax.random.normal(ks[2], (D_IN, D_HID), dtype=jnp.float32) * (1.0 / np.sqrt(D_IN))
    b1 = jnp.zeros((D_HID,), dtype=jnp.float32)
    W2 = jax.random.normal(ks[3], (D_HID, D_HID), dtype=jnp.float32) * (1.0 / np.sqrt(D_HID))
    b2 = jnp.zeros((D_HID,), dtype=jnp.float32)
    W3 = jax.random.normal(ks[4], (D_HID, D_OUT), dtype=jnp.float32) * (1.0 / np.sqrt(D_HID))
    b3 = jnp.zeros((D_OUT,), dtype=jnp.float32)
    return {"x": x, "edge_index": edge_index, "W1": W1, "b1": b1, "W2": W2, "b2": b2, "W3": W3, "b3": b3}


def _gcn_conv(x, edge_index, W, b):
    # GCNConv with normalize=False: h = x @ W; out[dst] += h[src]; out += b
    h = x @ W
    src = edge_index[0]
    dst = edge_index[1]
    msgs = jnp.take(h, src, axis=0)
    out = jax.ops.segment_sum(msgs, dst, num_segments=N_NODES)
    return out + b


def reference(x, edge_index, W1, b1, W2, b2, W3, b3):
    # eval mode: dropout p=0.0 is a no-op
    h = _gcn_conv(x, edge_index, W1, b1)
    h = jax.nn.relu(h)
    h = _gcn_conv(h, edge_index, W2, b2)
    h = jax.nn.relu(h)
    out = _gcn_conv(h, edge_index, W3, b3)
    return out

if __name__ == "__main__":
    import jax
    _d = setup_inputs()
    print(jax.jit(kernel)(*tuple(_d.values())))

</pallas_src>

<mosaic_0001>
#map = affine_map<(d0, d1) -> (0, 0)>
#map1 = affine_map<(d0, d1) -> (0, 0, 0)>
module attributes {stable_mosaic.version = 14 : i64} {
  func.func @_sc_agg_body(%arg0: i32, %arg1: i32, %arg2: memref<10000x128xf32, #tpu.memory_space<hbm>>, %arg3: memref<5120x64xi32, #tpu.memory_space<hbm>>, %arg4: memref<5120x64xi32, #tpu.memory_space<hbm>>, %arg5: memref<2x10112x128xf32, #tpu.memory_space<hbm>>, %arg6: memref<2x4x64xi32, #tpu.memory_space<vmem>>, %arg7: memref<2x4x64xi32, #tpu.memory_space<vmem>>, %arg8: memref<4x64x128xf32, #tpu.memory_space<vmem>>, %arg9: memref<79x128xf32, #tpu.memory_space<vmem>>, %arg10: memref<10112x128xf32, #tpu.memory_space<vmem_shared>>, %arg11: memref<!tpu.dma_semaphore, #tpu.memory_space<semaphore_mem>>, %arg12: memref<!tpu.dma_semaphore, #tpu.memory_space<semaphore_mem>>, %arg13: memref<!tpu.dma_semaphore, #tpu.memory_space<semaphore_mem>>, %arg14: memref<!tpu.dma_semaphore, #tpu.memory_space<semaphore_mem>>, %arg15: memref<!tpu.dma_semaphore, #tpu.memory_space<semaphore_mem>>, %arg16: memref<!tpu.dma_semaphore, #tpu.memory_space<semaphore_mem>>, %arg17: memref<!tpu.dma_semaphore, #tpu.memory_space<semaphore_mem>>, %arg18: memref<!tpu.dma_semaphore, #tpu.memory_space<semaphore_mem>>, %arg19: memref<!tpu.dma_semaphore, #tpu.memory_space<semaphore_mem>>) attributes {dimension_semantics = [#tpu.dimension_semantics<core_parallel>, #tpu.dimension_semantics<subcore_parallel>], iteration_bounds = array<i64: 2, 16>, scalar_prefetch = 0 : i64, scratch_operands = 14 : i64, tpu.core_type = #tpu.core_type<sc_vector_subcore>, window_params = [{transform_indices = #map}, {transform_indices = #map}, {transform_indices = #map}, {transform_indices = #map1}]} {
    %scan3A = arith.constant 0 : i32
    %scan3A_0 = arith.constant 79 : i32
    %scan3A_1 = arith.addi %scan3A, %scan3A_0 : i32
    %scan3A_2 = arith.constant 1 : i32
    scf.for %scan3A_46 = %scan3A to %scan3A_1 step %scan3A_2  : i32 {
      %broadcast_in_dim3A = arith.constant 0.000000e+00 : f32
      %broadcast_in_dim3A_47 = vector.broadcast %broadcast_in_dim3A : f32 to vector<16xf32>
      %swap3A = arith.index_cast %scan3A_46 : i32 to index
      %swap3A_48 = arith.constant 0 : index
      %swap3A_49 = tpu.vector_load %arg9[%swap3A, %swap3A_48] {strides = array<i32>} : memref<79x128xf32, #tpu.memory_space<vmem>>, vector<1x16xf32>,
      %swap3A_50 = vector.shape_cast %swap3A_49 : vector<1x16xf32> to vector<16xf32>
      %swap3A_51 = vector.shape_cast %broadcast_in_dim3A_47 : vector<16xf32> to vector<1x16xf32>
      tpu.vector_store %arg9[%swap3A, %swap3A_48], %swap3A_51 {strides = array<i32>} : memref<79x128xf32, #tpu.memory_space<vmem>>, vector<1x16xf32>,
      %broadcast_in_dim3A_52 = arith.constant 0.000000e+00 : f32
      %broadcast_in_dim3A_53 = vector.broadcast %broadcast_in_dim3A_52 : f32 to vector<16xf32>
      %swap3A_54 = arith.index_cast %scan3A_46 : i32 to index
      %swap3A_55 = arith.constant 16 : index
      %swap3A_56 = tpu.vector_load %arg9[%swap3A_54, %swap3A_55] {strides = array<i32>} : memref<79x128xf32, #tpu.memory_space<vmem>>, vector<1x16xf32>,
      %swap3A_57 = vector.shape_cast %swap3A_56 : vector<1x16xf32> to vector<16xf32>
      %swap3A_58 = vector.shape_cast %broadcast_in_dim3A_53 : vector<16xf32> to vector<1x16xf32>
      tpu.vector_store %arg9[%swap3A_54, %swap3A_55], %swap3A_58 {strides = array<i32>} : memref<79x128xf32, #tpu.memory_space<vmem>>, vector<1x16xf32>,
      %broadcast_in_dim3A_59 = arith.constant 0.000000e+00 : f32
      %broadcast_in_dim3A_60 = vector.broadcast %broadcast_in_dim3A_59 : f32 to vector<16xf32>
      %swap3A_61 = arith.index_cast %scan3A_46 : i32 to index
      %swap3A_62 = arith.constant 32 : index
      %swap3A_63 = tpu.vector_load %arg9[%swap3A_61, %swap3A_62] {strides = array<i32>} : memref<79x128xf32, #tpu.memory_space<vmem>>, vector<1x16xf32>,
      %swap3A_64 = vector.shape_cast %swap3A_63 : vector<1x16xf32> to vector<16xf32>
      %swap3A_65 = vector.shape_cast %broadcast_in_dim3A_60 : vector<16xf32> to vector<1x16xf32>
      tpu.vector_store %arg9[%swap3A_61, %swap3A_62], %swap3A_65 {strides = array<i32>} : memref<79x128xf32, #tpu.memory_space<vmem>>, vector<1x16xf32>,
      %broadcast_in_dim3A_66 = arith.constant 0.000000e+00 : f32
      %broadcast_in_dim3A_67 = vector.broadcast %broadcast_in_dim3A_66 : f32 to vector<16xf32>
      %swap3A_68 = arith.index_cast %scan3A_46 : i32 to index
      %swap3A_69 = arith.constant 48 : index
      %swap3A_70 = tpu.vector_load %arg9[%swap3A_68, %swap3A_69] {strides = array<i32>} : memref<79x128xf32, #tpu.memory_space<vmem>>, vector<1x16xf32>,
      %swap3A_71 = vector.shape_cast %swap3A_70 : vector<1x16xf32> to vector<16xf32>
      %swap3A_72 = vector.shape_cast %broadcast_in_dim3A_67 : vector<16xf32> to vector<1x16xf32>
      tpu.vector_store %arg9[%swap3A_68, %swap3A_69], %swap3A_72 {strides = array<i32>} : memref<79x128xf32, #tpu.memory_space<vmem>>, vector<1x16xf32>,
      %broadcast_in_dim3A_73 = arith.constant 0.000000e+00 : f32
      %broadcast_in_dim3A_74 = vector.broadcast %broadcast_in_dim3A_73 : f32 to vector<16xf32>
      %swap3A_75 = arith.index_cast %scan3A_46 : i32 to index
      %swap3A_76 = arith.constant 64 : index
      %swap3A_77 = tpu.vector_load %arg9[%swap3A_75, %swap3A_76] {strides = array<i32>} : memref<79x128xf32, #tpu.memory_space<vmem>>, vector<1x16xf32>,
      %swap3A_78 = vector.shape_cast %swap3A_77 : vector<1x16xf32> to vector<16xf32>
      %swap3A_79 = vector.shape_cast %broadcast_in_dim3A_74 : vector<16xf32> to vector<1x16xf32>
      tpu.vector_store %arg9[%swap3A_75, %swap3A_76], %swap3A_79 {strides = array<i32>} : memref<79x128xf32, #tpu.memory_space<vmem>>, vector<1x16xf32>,
      %broadcast_in_dim3A_80 = arith.constant 0.000000e+00 : f32
      %broadcast_in_dim3A_81 = vector.broadcast %broadcast_in_dim3A_80 : f32 to vector<16xf32>
      %swap3A_82 = arith.index_cast %scan3A_46 : i32 to index
      %swap3A_83 = arith.constant 80 : index
      %swap3A_84 = tpu.vector_load %arg9[%swap3A_82, %swap3A_83] {strides = array<i32>} : memref<79x128xf32, #tpu.memory_space<vmem>>, vector<1x16xf32>,
      %swap3A_85 = vector.shape_cast %swap3A_84 : vector<1x16xf32> to vector<16xf32>
      %swap3A_86 = vector.shape_cast %broadcast_in_dim3A_81 : vector<16xf32> to vector<1x16xf32>
      tpu.vector_store %arg9[%swap3A_82, %swap3A_83], %swap3A_86 {strides = array<i32>} : memref<79x128xf32, #tpu.memory_space<vmem>>, vector<1x16xf32>,
      %broadcast_in_dim3A_87 = arith.constant 0.000000e+00 : f32
      %broadcast_in_dim3A_88 = vector.broadcast %broadcast_in_dim3A_87 : f32 to vector<16xf32>
      %swap3A_89 = arith.index_cast %scan3A_46 : i32 to index
      %swap3A_90 = arith.constant 96 : index
      %swap3A_91 = tpu.vector_load %arg9[%swap3A_89, %swap3A_90] {strides = array<i32>} : memref<79x128xf32, #tpu.memory_space<vmem>>, vector<1x16xf32>,
      %swap3A_92 = vector.shape_cast %swap3A_91 : vector<1x16xf32> to vector<16xf32>
      %swap3A_93 = vector.shape_cast %broadcast_in_dim3A_88 : vector<16xf32> to vector<1x16xf32>
      tpu.vector_store %arg9[%swap3A_89, %swap3A_90], %swap3A_93 {strides = array<i32>} : memref<79x128xf32, #tpu.memory_space<vmem>>, vector<1x16xf32>,
      %broadcast_in_dim3A_94 = arith.constant 0.000000e+00 : f32
      %broadcast_in_dim3A_95 = vector.broadcast %broadcast_in_dim3A_94 : f32 to vector<16xf32>
      %swap3A_96 = arith.index_cast %scan3A_46 : i32 to index
      %swap3A_97 = arith.constant 112 : index
      %swap3A_98 = tpu.vector_load %arg9[%swap3A_96, %swap3A_97] {strides = array<i32>} : memref<79x128xf32, #tpu.memory_space<vmem>>, vector<1x16xf32>,
      %swap3A_99 = vector.shape_cast %swap3A_98 : vector<1x16xf32> to vector<16xf32>
      %swap3A_100 = vector.shape_cast %broadcast_in_dim3A_95 : vector<16xf32> to vector<1x16xf32>
      tpu.vector_store %arg9[%swap3A_96, %swap3A_97], %swap3A_100 {strides = array<i32>} : memref<79x128xf32, #tpu.memory_space<vmem>>, vector<1x16xf32>,
    }
    %scan3A_3 = arith.constant 79 : i32
    %mul3A = arith.constant 632 : i32
    %mul3A_4 = arith.muli %arg1, %mul3A : i32
    %add3A = arith.constant 0 : i32
    %add3A_5 = arith.addi %mul3A_4, %add3A : i32
    "tpu.region"() ({
      %run_scoped3A = tpu.sem_alloc : memref<!tpu.dma_semaphore, #tpu.memory_space<semaphore_mem>>
      %dma_start3A = arith.constant 0 : i32
      %dma_start3A_46 = tpu.memref_slice %arg10[%add3A_5, %dma_start3A] : memref<10112x128xf32, #tpu.memory_space<vmem_shared>> -> memref<79x128xf32, #tpu.memory_space<vmem_shared>>
      %dma_start3A_47 = arith.constant 0 : i32
      %dma_start3A_48 = tpu.memref_slice %arg10[%add3A_5, %dma_start3A_47] : memref<10112x128xf32, #tpu.memory_space<vmem_shared>> -> memref<79x128xf32, #tpu.memory_space<vmem_shared>>
      tpu.enqueue_dma source(%arg9 : memref<79x128xf32, #tpu.memory_space<vmem>>) target(%dma_start3A_48 : memref<79x128xf32, #tpu.memory_space<vmem_shared>>) target_semaphore(%run_scoped3A : memref<!tpu.dma_semaphore, #tpu.memory_space<semaphore_mem>>)
      %dma_wait3A = arith.constant 0 : i32
      %dma_wait3A_49 = tpu.memref_slice %arg10[%add3A_5, %dma_wait3A] : memref<10112x128xf32, #tpu.memory_space<vmem_shared>> -> memref<79x128xf32, #tpu.memory_space<vmem_shared>>
      %dma_wait3A_50 = arith.constant 0 : i32
      %dma_wait3A_51 = tpu.memref_slice %arg10[%add3A_5, %dma_wait3A_50] : memref<10112x128xf32, #tpu.memory_space<vmem_shared>> -> memref<79x128xf32, #tpu.memory_space<vmem_shared>>
      tpu.wait_dma2 semaphore(%run_scoped3A : memref<!tpu.dma_semaphore, #tpu.memory_space<semaphore_mem>>) src(%arg9 : memref<79x128xf32, #tpu.memory_space<vmem>>) dst(%dma_wait3A_51 : memref<79x128xf32, #tpu.memory_space<vmem_shared>>)
      tpu.yield
    }) : () -> ()
    %mul3A_6 = arith.constant 632 : i32
    %mul3A_7 = arith.muli %arg1, %mul3A_6 : i32
    %add3A_8 = arith.constant 79 : i32
    %add3A_9 = arith.addi %mul3A_7, %add3A_8 : i32
    "tpu.region"() ({
      %run_scoped3A = tpu.sem_alloc : memref<!tpu.dma_semaphore, #tpu.memory_space<semaphore_mem>>
      %dma_start3A = arith.constant 0 : i32
      %dma_start3A_46 = tpu.memref_slice %arg10[%add3A_9, %dma_start3A] : memref<10112x128xf32, #tpu.memory_space<vmem_shared>> -> memref<79x128xf32, #tpu.memory_space<vmem_shared>>
      %dma_start3A_47 = arith.constant 0 : i32
      %dma_start3A_48 = tpu.memref_slice %arg10[%add3A_9, %dma_start3A_47] : memref<10112x128xf32, #tpu.memory_space<vmem_shared>> -> memref<79x128xf32, #tpu.memory_space<vmem_shared>>
      tpu.enqueue_dma source(%arg9 : memref<79x128xf32, #tpu.memory_space<vmem>>) target(%dma_start3A_48 : memref<79x128xf32, #tpu.memory_space<vmem_shared>>) target_semaphore(%run_scoped3A : memref<!tpu.dma_semaphore, #tpu.memory_space<semaphore_mem>>)
      %dma_wait3A = arith.constant 0 : i32
      %dma_wait3A_49 = tpu.memref_slice %arg10[%add3A_9, %dma_wait3A] : memref<10112x128xf32, #tpu.memory_space<vmem_shared>> -> memref<79x128xf32, #tpu.memory_space<vmem_shared>>
      %dma_wait3A_50 = arith.constant 0 : i32
      %dma_wait3A_51 = tpu.memref_slice %arg10[%add3A_9, %dma_wait3A_50] : memref<10112x128xf32, #tpu.memory_space<vmem_shared>> -> memref<79x128xf32, #tpu.memory_space<vmem_shared>>
      tpu.wait_dma2 semaphore(%run_scoped3A : memref<!tpu.dma_semaphore, #tpu.memory_space<semaphore_mem>>) src(%arg9 : memref<79x128xf32, #tpu.memory_space<vmem>>) dst(%dma_wait3A_51 : memref<79x128xf32, #tpu.memory_space<vmem_shared>>)
      tpu.yield
    }) : () -> ()
    %mul3A_10 = arith.constant 632 : i32
    %mul3A_11 = arith.muli %arg1, %mul3A_10 : i32
    %add3A_12 = arith.constant 158 : i32
    %add3A_13 = arith.addi %mul3A_11, %add3A_12 : i32
    "tpu.region"() ({
      %run_scoped3A = tpu.sem_alloc : memref<!tpu.dma_semaphore, #tpu.memory_space<semaphore_mem>>
      %dma_start3A = arith.constant 0 : i32
      %dma_start3A_46 = tpu.memref_slice %arg10[%add3A_13, %dma_start3A] : memref<10112x128xf32, #tpu.memory_space<vmem_shared>> -> memref<79x128xf32, #tpu.memory_space<vmem_shared>>
      %dma_start3A_47 = arith.constant 0 : i32
      %dma_start3A_48 = tpu.memref_slice %arg10[%add3A_13, %dma_start3A_47] : memref<10112x128xf32, #tpu.memory_space<vmem_shared>> -> memref<79x128xf32, #tpu.memory_space<vmem_shared>>
      tpu.enqueue_dma source(%arg9 : memref<79x128xf32, #tpu.memory_space<vmem>>) target(%dma_start3A_48 : memref<79x128xf32, #tpu.memory_space<vmem_shared>>) target_semaphore(%run_scoped3A : memref<!tpu.dma_semaphore, #tpu.memory_space<semaphore_mem>>)
      %dma_wait3A = arith.constant 0 : i32
      %dma_wait3A_49 = tpu.memref_slice %arg10[%add3A_13, %dma_wait3A] : memref<10112x128xf32, #tpu.memory_space<vmem_shared>> -> memref<79x128xf32, #tpu.memory_space<vmem_shared>>
      %dma_wait3A_50 = arith.constant 0 : i32
      %dma_wait3A_51 = tpu.memref_slice %arg10[%add3A_13, %dma_wait3A_50] : memref<10112x128xf32, #tpu.memory_space<vmem_shared>> -> memref<79x128xf32, #tpu.memory_space<vmem_shared>>
      tpu.wait_dma2 semaphore(%run_scoped3A : memref<!tpu.dma_semaphore, #tpu.memory_space<semaphore_mem>>) src(%arg9 : memref<79x128xf32, #tpu.memory_space<vmem>>) dst(%dma_wait3A_51 : memref<79x128xf32, #tpu.memory_space<vmem_shared>>)
      tpu.yield
    }) : () -> ()
    %mul3A_14 = arith.constant 632 : i32
    %mul3A_15 = arith.muli %arg1, %mul3A_14 : i32
    %add3A_16 = arith.constant 237 : i32
    %add3A_17 = arith.addi %mul3A_15, %add3A_16 : i32
    "tpu.region"() ({
      %run_scoped3A = tpu.sem_alloc : memref<!tpu.dma_semaphore, #tpu.memory_space<semaphore_mem>>
      %dma_start3A = arith.constant 0 : i32
      %dma_start3A_46 = tpu.memref_slice %arg10[%add3A_17, %dma_start3A] : memref<10112x128xf32, #tpu.memory_space<vmem_shared>> -> memref<79x128xf32, #tpu.memory_space<vmem_shared>>
      %dma_start3A_47 = arith.constant 0 : i32
      %dma_start3A_48 = tpu.memref_slice %arg10[%add3A_17, %dma_start3A_47] : memref<10112x128xf32, #tpu.memory_space<vmem_shared>> -> memref<79x128xf32, #tpu.memory_space<vmem_shared>>
      tpu.enqueue_dma source(%arg9 : memref<79x128xf32, #tpu.memory_space<vmem>>) target(%dma_start3A_48 : memref<79x128xf32, #tpu.memory_space<vmem_shared>>) target_semaphore(%run_scoped3A : memref<!tpu.dma_semaphore, #tpu.memory_space<semaphore_mem>>)
      %dma_wait3A = arith.constant 0 : i32
      %dma_wait3A_49 = tpu.memref_slice %arg10[%add3A_17, %dma_wait3A] : memref<10112x128xf32, #tpu.memory_space<vmem_shared>> -> memref<79x128xf32, #tpu.memory_space<vmem_shared>>
      %dma_wait3A_50 = arith.constant 0 : i32
      %dma_wait3A_51 = tpu.memref_slice %arg10[%add3A_17, %dma_wait3A_50] : memref<10112x128xf32, #tpu.memory_space<vmem_shared>> -> memref<79x128xf32, #tpu.memory_space<vmem_shared>>
      tpu.wait_dma2 semaphore(%run_scoped3A : memref<!tpu.dma_semaphore, #tpu.memory_space<semaphore_mem>>) src(%arg9 : memref<79x128xf32, #tpu.memory_space<vmem>>) dst(%dma_wait3A_51 : memref<79x128xf32, #tpu.memory_space<vmem_shared>>)
      tpu.yield
    }) : () -> ()
    %mul3A_18 = arith.constant 632 : i32
    %mul3A_19 = arith.muli %arg1, %mul3A_18 : i32
    %add3A_20 = arith.constant 316 : i32
    %add3A_21 = arith.addi %mul3A_19, %add3A_20 : i32
    "tpu.region"() ({
      %run_scoped3A = tpu.sem_alloc : memref<!tpu.dma_semaphore, #tpu.memory_space<semaphore_mem>>
      %dma_start3A = arith.constant 0 : i32
      %dma_start3A_46 = tpu.memref_slice %arg10[%add3A_21, %dma_start3A] : memref<10112x128xf32, #tpu.memory_space<vmem_shared>> -> memref<79x128xf32, #tpu.memory_space<vmem_shared>>
      %dma_start3A_47 = arith.constant 0 : i32
      %dma_start3A_48 = tpu.memref_slice %arg10[%add3A_21, %dma_start3A_47] : memref<10112x128xf32, #tpu.memory_space<vmem_shared>> -> memref<79x128xf32, #tpu.memory_space<vmem_shared>>
      tpu.enqueue_dma source(%arg9 : memref<79x128xf32, #tpu.memory_space<vmem>>) target(%dma_start3A_48 : memref<79x128xf32, #tpu.memory_space<vmem_shared>>) target_semaphore(%run_scoped3A : memref<!tpu.dma_semaphore, #tpu.memory_space<semaphore_mem>>)
      %dma_wait3A = arith.constant 0 : i32
      %dma_wait3A_49 = tpu.memref_slice %arg10[%add3A_21, %dma_wait3A] : memref<10112x128xf32, #tpu.memory_space<vmem_shared>> -> memref<79x128xf32, #tpu.memory_space<vmem_shared>>
      %dma_wait3A_50 = arith.constant 0 : i32
      %dma_wait3A_51 = tpu.memref_slice %arg10[%add3A_21, %dma_wait3A_50] : memref<10112x128xf32, #tpu.memory_space<vmem_shared>> -> memref<79x128xf32, #tpu.memory_space<vmem_shared>>
      tpu.wait_dma2 semaphore(%run_scoped3A : memref<!tpu.dma_semaphore, #tpu.memory_space<semaphore_mem>>) src(%arg9 : memref<79x128xf32, #tpu.memory_space<vmem>>) dst(%dma_wait3A_51 : memref<79x128xf32, #tpu.memory_space<vmem_shared>>)
      tpu.yield
    }) : () -> ()
    %mul3A_22 = arith.constant 632 : i32
    %mul3A_23 = arith.muli %arg1, %mul3A_22 : i32
    %add3A_24 = arith.constant 395 : i32
    %add3A_25 = arith.addi %mul3A_23, %add3A_24 : i32
    "tpu.region"() ({
      %run_scoped3A = tpu.sem_alloc : memref<!tpu.dma_semaphore, #tpu.memory_space<semaphore_mem>>
      %dma_start3A = arith.constant 0 : i32
      %dma_start3A_46 = tpu.memref_slice %arg10[%add3A_25, %dma_start3A] : memref<10112x128xf32, #tpu.memory_space<vmem_shared>> -> memref<79x128xf32, #tpu.memory_space<vmem_shared>>
      %dma_start3A_47 = arith.constant 0 : i32
      %dma_start3A_48 = tpu.memref_slice %arg10[%add3A_25, %dma_start3A_47] : memref<10112x128xf32, #tpu.memory_space<vmem_shared>> -> memref<79x128xf32, #tpu.memory_space<vmem_shared>>
      tpu.enqueue_dma source(%arg9 : memref<79x128xf32, #tpu.memory_space<vmem>>) target(%dma_start3A_48 : memref<79x128xf32, #tpu.memory_space<vmem_shared>>) target_semaphore(%run_scoped3A : memref<!tpu.dma_semaphore, #tpu.memory_space<semaphore_mem>>)
      %dma_wait3A = arith.constant 0 : i32
      %dma_wait3A_49 = tpu.memref_slice %arg10[%add3A_25, %dma_wait3A] : memref<10112x128xf32, #tpu.memory_space<vmem_shared>> -> memref<79x128xf32, #tpu.memory_space<vmem_shared>>
      %dma_wait3A_50 = arith.constant 0 : i32
      %dma_wait3A_51 = tpu.memref_slice %arg10[%add3A_25, %dma_wait3A_50] : memref<10112x128xf32, #tpu.memory_space<vmem_shared>> -> memref<79x128xf32, #tpu.memory_space<vmem_shared>>
      tpu.wait_dma2 semaphore(%run_scoped3A : memref<!tpu.dma_semaphore, #tpu.memory_space<semaphore_mem>>) src(%arg9 : memref<79x128xf32, #tpu.memory_space<vmem>>) dst(%dma_wait3A_51 : memref<79x128xf32, #tpu.memory_space<vmem_shared>>)
      tpu.yield
    }) : () -> ()
    %mul3A_26 = arith.constant 632 : i32
    %mul3A_27 = arith.muli %arg1, %mul3A_26 : i32
    %add3A_28 = arith.constant 474 : i32
    %add3A_29 = arith.addi %mul3A_27, %add3A_28 : i32
    "tpu.region"() ({
      %run_scoped3A = tpu.sem_alloc : memref<!tpu.dma_semaphore, #tpu.memory_space<semaphore_mem>>
      %dma_start3A = arith.constant 0 : i32
      %dma_start3A_46 = tpu.memref_slice %arg10[%add3A_29, %dma_start3A] : memref<10112x128xf32, #tpu.memory_space<vmem_shared>> -> memref<79x128xf32, #tpu.memory_space<vmem_shared>>
      %dma_start3A_47 = arith.constant 0 : i32
      %dma_start3A_48 = tpu.memref_slice %arg10[%add3A_29, %dma_start3A_47] : memref<10112x128xf32, #tpu.memory_space<vmem_shared>> -> memref<79x128xf32, #tpu.memory_space<vmem_shared>>
      tpu.enqueue_dma source(%arg9 : memref<79x128xf32, #tpu.memory_space<vmem>>) target(%dma_start3A_48 : memref<79x128xf32, #tpu.memory_space<vmem_shared>>) target_semaphore(%run_scoped3A : memref<!tpu.dma_semaphore, #tpu.memory_space<semaphore_mem>>)
      %dma_wait3A = arith.constant 0 : i32
      %dma_wait3A_49 = tpu.memref_slice %arg10[%add3A_29, %dma_wait3A] : memref<10112x128xf32, #tpu.memory_space<vmem_shared>> -> memref<79x128xf32, #tpu.memory_space<vmem_shared>>
      %dma_wait3A_50 = arith.constant 0 : i32
      %dma_wait3A_51 = tpu.memref_slice %arg10[%add3A_29, %dma_wait3A_50] : memref<10112x128xf32, #tpu.memory_space<vmem_shared>> -> memref<79x128xf32, #tpu.memory_space<vmem_shared>>
      tpu.wait_dma2 semaphore(%run_scoped3A : memref<!tpu.dma_semaphore, #tpu.memory_space<semaphore_mem>>) src(%arg9 : memref<79x128xf32, #tpu.memory_space<vmem>>) dst(%dma_wait3A_51 : memref<79x128xf32, #tpu.memory_space<vmem_shared>>)
      tpu.yield
    }) : () -> ()
    %mul3A_30 = arith.constant 632 : i32
    %mul3A_31 = arith.muli %arg1, %mul3A_30 : i32
    %add3A_32 = arith.constant 553 : i32
    %add3A_33 = arith.addi %mul3A_31, %add3A_32 : i32
    "tpu.region"() ({
      %run_scoped3A = tpu.sem_alloc : memref<!tpu.dma_semaphore, #tpu.memory_space<semaphore_mem>>
      %dma_start3A = arith.constant 0 : i32
      %dma_start3A_46 = tpu.memref_slice %arg10[%add3A_33, %dma_start3A] : memref<10112x128xf32, #tpu.memory_space<vmem_shared>> -> memref<79x128xf32, #tpu.memory_space<vmem_shared>>
      %dma_start3A_47 = arith.constant 0 : i32
      %dma_start3A_48 = tpu.memref_slice %arg10[%add3A_33, %dma_start3A_47] : memref<10112x128xf32, #tpu.memory_space<vmem_shared>> -> memref<79x128xf32, #tpu.memory_space<vmem_shared>>
      tpu.enqueue_dma source(%arg9 : memref<79x128xf32, #tpu.memory_space<vmem>>) target(%dma_start3A_48 : memref<79x128xf32, #tpu.memory_space<vmem_shared>>) target_semaphore(%run_scoped3A : memref<!tpu.dma_semaphore, #tpu.memory_space<semaphore_mem>>)
      %dma_wait3A = arith.constant 0 : i32
      %dma_wait3A_49 = tpu.memref_slice %arg10[%add3A_33, %dma_wait3A] : memref<10112x128xf32, #tpu.memory_space<vmem_shared>> -> memref<79x128xf32, #tpu.memory_space<vmem_shared>>
      %dma_wait3A_50 = arith.constant 0 : i32
      %dma_wait3A_51 = tpu.memref_slice %arg10[%add3A_33, %dma_wait3A_50] : memref<10112x128xf32, #tpu.memory_space<vmem_shared>> -> memref<79x128xf32, #tpu.memory_space<vmem_shared>>
      tpu.wait_dma2 semaphore(%run_scoped3A : memref<!tpu.dma_semaphore, #tpu.memory_space<semaphore_mem>>) src(%arg9 : memref<79x128xf32, #tpu.memory_space<vmem>>) dst(%dma_wait3A_51 : memref<79x128xf32, #tpu.memory_space<vmem_shared>>)
      tpu.yield
    }) : () -> ()
    %barrier3A = arith.constant 0 : index
    tpu.barrier barrier_id(%barrier3A)
    %eq3A = arith.constant 0 : i32
    %eq3A_34 = arith.cmpi eq, %arg0, %eq3A : i32
    %convert_element_type3A = arith.extui %eq3A_34 : i1 to i32
    %cond3A = arith.constant 0 : i32
    %cond3A_35 = arith.cmpi ne, %convert_element_type3A, %cond3A : i32
    scf.if %cond3A_35 {
      %mul3A_46 = arith.constant 296 : i32
      %mul3A_47 = arith.muli %arg1, %mul3A_46 : i32
      %dma_start3A = arith.constant 0 : i32
      %dma_start3A_48 = arith.constant 0 : i32
      %dma_start3A_49 = arith.constant 0 : i32
      %dma_start3A_50 = tpu.memref_slice %arg6[%dma_start3A, %dma_start3A_48, %dma_start3A_49] : memref<2x4x64xi32, #tpu.memory_space<vmem>> -> memref<1x4x64xi32, #tpu.memory_space<vmem>>
      %dma_start3A_51 = tpu.memref_squeeze %dma_start3A_50 : memref<1x4x64xi32, #tpu.memory_space<vmem>> -> memref<4x64xi32, #tpu.memory_space<vmem>>
      %dma_start3A_52 = arith.constant 0 : i32
      %dma_start3A_53 = tpu.memref_slice %arg3[%mul3A_47, %dma_start3A_52] : memref<5120x64xi32, #tpu.memory_space<hbm>> -> memref<4x64xi32, #tpu.memory_space<hbm>>
      %dma_start3A_54 = arith.constant 0 : i32
      %dma_start3A_55 = arith.constant 0 : i32
      %dma_start3A_56 = tpu.memref_slice %arg6[%dma_start3A, %dma_start3A_54, %dma_start3A_55] : memref<2x4x64xi32, #tpu.memory_space<vmem>> -> memref<1x4x64xi32, #tpu.memory_space<vmem>>
      %dma_start3A_57 = tpu.memref_squeeze %dma_start3A_56 : memref<1x4x64xi32, #tpu.memory_space<vmem>> -> memref<4x64xi32, #tpu.memory_space<vmem>>
      %dma_start3A_58 = arith.constant 0 : i32
      %dma_start3A_59 = tpu.memref_slice %arg3[%mul3A_47, %dma_start3A_58] : memref<5120x64xi32, #tpu.memory_space<hbm>> -> memref<4x64xi32, #tpu.memory_space<hbm>>
      tpu.enqueue_dma source(%dma_start3A_59 : memref<4x64xi32, #tpu.memory_space<hbm>>) target(%dma_start3A_57 : memref<4x64xi32, #tpu.memory_space<vmem>>) target_semaphore(%arg19 : memref<!tpu.dma_semaphore, #tpu.memory_space<semaphore_mem>>)
      %dma_start3A_60 = arith.constant 0 : i32
      %dma_start3A_61 = arith.constant 0 : i32
      %dma_start3A_62 = arith.constant 0 : i32
      %dma_start3A_63 = tpu.memref_slice %arg7[%dma_start3A_60, %dma_start3A_61, %dma_start3A_62] : memref<2x4x64xi32, #tpu.memory_space<vmem>> -> memref<1x4x64xi32, #tpu.memory_space<vmem>>
      %dma_start3A_64 = tpu.memref_squeeze %dma_start3A_63 : memref<1x4x64xi32, #tpu.memory_space<vmem>> -> memref<4x64xi32, #tpu.memory_space<vmem>>
      %dma_start3A_65 = arith.constant 0 : i32
      %dma_start3A_66 = tpu.memref_slice %arg4[%mul3A_47, %dma_start3A_65] : memref<5120x64xi32, #tpu.memory_space<hbm>> -> memref<4x64xi32, #tpu.memory_space<hbm>>
      %dma_start3A_67 = arith.constant 0 : i32
      %dma_start3A_68 = arith.constant 0 : i32
      %dma_start3A_69 = tpu.memref_slice %arg7[%dma_start3A_60, %dma_start3A_67, %dma_start3A_68] : memref<2x4x64xi32, #tpu.memory_space<vmem>> -> memref<1x4x64xi32, #tpu.memory_space<vmem>>
      %dma_start3A_70 = tpu.memref_squeeze %dma_start3A_69 : memref<1x4x64xi32, #tpu.memory_space<vmem>> -> memref<4x64xi32, #tpu.memory_space<vmem>>
      %dma_start3A_71 = arith.constant 0 : i32
      %dma_start3A_72 = tpu.memref_slice %arg4[%mul3A_47, %dma_start3A_71] : memref<5120x64xi32, #tpu.memory_space<hbm>> -> memref<4x64xi32, #tpu.memory_space<hbm>>
      tpu.enqueue_dma source(%dma_start3A_72 : memref<4x64xi32, #tpu.memory_space<hbm>>) target(%dma_start3A_70 : memref<4x64xi32, #tpu.memory_space<vmem>>) target_semaphore(%arg19 : memref<!tpu.dma_semaphore, #tpu.memory_space<semaphore_mem>>)
      %dma_wait3A = arith.constant 0 : i32
      %dma_wait3A_73 = arith.constant 0 : i32
      %dma_wait3A_74 = arith.constant 0 : i32
      %dma_wait3A_75 = tpu.memref_slice %arg6[%dma_wait3A, %dma_wait3A_73, %dma_wait3A_74] : memref<2x4x64xi32, #tpu.memory_space<vmem>> -> memref<1x4x64xi32, #tpu.memory_space<vmem>>
      %dma_wait3A_76 = tpu.memref_squeeze %dma_wait3A_75 : memref<1x4x64xi32, #tpu.memory_space<vmem>> -> memref<4x64xi32, #tpu.memory_space<vmem>>
      %dma_wait3A_77 = arith.constant 0 : i32
      %dma_wait3A_78 = tpu.memref_slice %arg3[%mul3A_47, %dma_wait3A_77] : memref<5120x64xi32, #tpu.memory_space<hbm>> -> memref<4x64xi32, #tpu.memory_space<hbm>>
      %dma_wait3A_79 = arith.constant 0 : i32
      %dma_wait3A_80 = arith.constant 0 : i32
      %dma_wait3A_81 = tpu.memref_slice %arg6[%dma_wait3A, %dma_wait3A_79, %dma_wait3A_80] : memref<2x4x64xi32, #tpu.memory_space<vmem>> -> memref<1x4x64xi32, #tpu.memory_space<vmem>>
      %dma_wait3A_82 = tpu.memref_squeeze %dma_wait3A_81 : memref<1x4x64xi32, #tpu.memory_space<vmem>> -> memref<4x64xi32, #tpu.memory_space<vmem>>
      %dma_wait3A_83 = arith.constant 0 : i32
      %dma_wait3A_84 = tpu.memref_slice %arg3[%mul3A_47, %dma_wait3A_83] : memref<5120x64xi32, #tpu.memory_space<hbm>> -> memref<4x64xi32, #tpu.memory_space<hbm>>
      tpu.wait_dma2 semaphore(%arg19 : memref<!tpu.dma_semaphore, #tpu.memory_space<semaphore_mem>>) src(%dma_wait3A_84 : memref<4x64xi32, #tpu.memory_space<hbm>>) dst(%dma_wait3A_82 : memref<4x64xi32, #tpu.memory_space<vmem>>)
      %dma_wait3A_85 = arith.constant 0 : i32
      %dma_wait3A_86 = arith.constant 0 : i32
      %dma_wait3A_87 = arith.constant 0 : i32
      %dma_wait3A_88 = tpu.memref_slice %arg7[%dma_wait3A_85, %dma_wait3A_86, %dma_wait3A_87] : memref<2x4x64xi32, #tpu.memory_space<vmem>> -> memref<1x4x64xi32, #tpu.memory_space<vmem>>
      %dma_wait3A_89 = tpu.memref_squeeze %dma_wait3A_88 : memref<1x4x64xi32, #tpu.memory_space<vmem>> -> memref<4x64xi32, #tpu.memory_space<vmem>>
      %dma_wait3A_90 = arith.constant 0 : i32
      %dma_wait3A_91 = tpu.memref_slice %arg4[%mul3A_47, %dma_wait3A_90] : memref<5120x64xi32, #tpu.memory_space<hbm>> -> memref<4x64xi32, #tpu.memory_space<hbm>>
      %dma_wait3A_92 = arith.constant 0 : i32
      %dma_wait3A_93 = arith.constant 0 : i32
      %dma_wait3A_94 = tpu.memref_slice %arg7[%dma_wait3A_85, %dma_wait3A_92, %dma_wait3A_93] : memref<2x4x64xi32, #tpu.memory_space<vmem>> -> memref<1x4x64xi32, #tpu.memory_space<vmem>>
      %dma_wait3A_95 = tpu.memref_squeeze %dma_wait3A_94 : memref<1x4x64xi32, #tpu.memory_space<vmem>> -> memref<4x64xi32, #tpu.memory_space<vmem>>
      %dma_wait3A_96 = arith.constant 0 : i32
      %dma_wait3A_97 = tpu.memref_slice %arg4[%mul3A_47, %dma_wait3A_96] : memref<5120x64xi32, #tpu.memory_space<hbm>> -> memref<4x64xi32, #tpu.memory_space<hbm>>
      tpu.wait_dma2 semaphore(%arg19 : memref<!tpu.dma_semaphore, #tpu.memory_space<semaphore_mem>>) src(%dma_wait3A_97 : memref<4x64xi32, #tpu.memory_space<hbm>>) dst(%dma_wait3A_95 : memref<4x64xi32, #tpu.memory_space<vmem>>)
      %dma_start3A_98 = arith.constant 0 : i32
      %dma_start3A_99 = arith.constant 0 : i32
      %dma_start3A_100 = arith.constant 0 : i32
      %dma_start3A_101 = arith.constant 0 : i32
      %dma_start3A_102 = arith.constant 0 : i32
      %dma_start3A_103 = tpu.memref_slice %arg8[%dma_start3A_100, %dma_start3A_101, %dma_start3A_102] : memref<4x64x128xf32, #tpu.memory_space<vmem>> -> memref<1x64x128xf32, #tpu.memory_space<vmem>>
      %dma_start3A_104 = tpu.memref_squeeze %dma_start3A_103 : memref<1x64x128xf32, #tpu.memory_space<vmem>> -> memref<64x128xf32, #tpu.memory_space<vmem>>
      %dma_start3A_105 = arith.constant 0 : i32
      %dma_start3A_106 = tpu.memref_slice %arg6[%dma_start3A_98, %dma_start3A_99, %dma_start3A_105] : memref<2x4x64xi32, #tpu.memory_space<vmem>> -> memref<1x1x64xi32, #tpu.memory_space<vmem>>
      %dma_start3A_107 = tpu.memref_squeeze %dma_start3A_106 : memref<1x1x64xi32, #tpu.memory_space<vmem>> -> memref<64xi32, #tpu.memory_space<vmem>>
      %dma_start3A_108 = arith.constant 0 : i32
      %dma_start3A_109 = arith.constant 0 : i32
      %dma_start3A_110 = tpu.memref_slice %arg2[%dma_start3A_108, %dma_start3A_109] : memref<10000x128xf32, #tpu.memory_space<hbm>> -> memref<10000x128xf32, #tpu.memory_space<hbm>>
      tpu.enqueue_indirect_dma source(%dma_start3A_110 : memref<10000x128xf32, #tpu.memory_space<hbm>>) target(%dma_start3A_104 : memref<64x128xf32, #tpu.memory_space<vmem>>) offsets(%dma_start3A_107 : memref<64xi32, #tpu.memory_space<vmem>>) semaphore(%arg11 : memref<!tpu.dma_semaphore, #tpu.memory_space<semaphore_mem>>)
      %dma_start3A_111 = arith.constant 0 : i32
      %dma_start3A_112 = arith.constant 1 : i32
      %dma_start3A_113 = arith.constant 1 : i32
      %dma_start3A_114 = arith.constant 0 : i32
      %dma_start3A_115 = arith.constant 0 : i32
      %dma_start3A_116 = tpu.memref_slice %arg8[%dma_start3A_113, %dma_start3A_114, %dma_start3A_115] : memref<4x64x128xf32, #tpu.memory_space<vmem>> -> memref<1x64x128xf32, #tpu.memory_space<vmem>>
      %dma_start3A_117 = tpu.memref_squeeze %dma_start3A_116 : memref<1x64x128xf32, #tpu.memory_space<vmem>> -> memref<64x128xf32, #tpu.memory_space<vmem>>
      %dma_start3A_118 = arith.constant 0 : i32
      %dma_start3A_119 = tpu.memref_slice %arg6[%dma_start3A_111, %dma_start3A_112, %dma_start3A_118] : memref<2x4x64xi32, #tpu.memory_space<vmem>> -> memref<1x1x64xi32, #tpu.memory_space<vmem>>
      %dma_start3A_120 = tpu.memref_squeeze %dma_start3A_119 : memref<1x1x64xi32, #tpu.memory_space<vmem>> -> memref<64xi32, #tpu.memory_space<vmem>>
      %dma_start3A_121 = arith.constant 0 : i32
      %dma_start3A_122 = arith.constant 0 : i32
      %dma_start3A_123 = tpu.memref_slice %arg2[%dma_start3A_121, %dma_start3A_122] : memref<10000x128xf32, #tpu.memory_space<hbm>> -> memref<10000x128xf32, #tpu.memory_space<hbm>>
      tpu.enqueue_indirect_dma source(%dma_start3A_123 : memref<10000x128xf32, #tpu.memory_space<hbm>>) target(%dma_start3A_117 : memref<64x128xf32, #tpu.memory_space<vmem>>) offsets(%dma_start3A_120 : memref<64xi32, #tpu.memory_space<vmem>>) semaphore(%arg12 : memref<!tpu.dma_semaphore, #tpu.memory_space<semaphore_mem>>)
      %dma_start3A_124 = arith.constant 0 : i32
      %dma_start3A_125 = arith.constant 2 : i32
      %dma_start3A_126 = arith.constant 2 : i32
      %dma_start3A_127 = arith.constant 0 : i32
      %dma_start3A_128 = arith.constant 0 : i32
      %dma_start3A_129 = tpu.memref_slice %arg8[%dma_start3A_126, %dma_start3A_127, %dma_start3A_128] : memref<4x64x128xf32, #tpu.memory_space<vmem>> -> memref<1x64x128xf32, #tpu.memory_space<vmem>>
      %dma_start3A_130 = tpu.memref_squeeze %dma_start3A_129 : memref<1x64x128xf32, #tpu.memory_space<vmem>> -> memref<64x128xf32, #tpu.memory_space<vmem>>
      %dma_start3A_131 = arith.constant 0 : i32
      %dma_start3A_132 = tpu.memref_slice %arg6[%dma_start3A_124, %dma_start3A_125, %dma_start3A_131] : memref<2x4x64xi32, #tpu.memory_space<vmem>> -> memref<1x1x64xi32, #tpu.memory_space<vmem>>
      %dma_start3A_133 = tpu.memref_squeeze %dma_start3A_132 : memref<1x1x64xi32, #tpu.memory_space<vmem>> -> memref<64xi32, #tpu.memory_space<vmem>>
      %dma_start3A_134 = arith.constant 0 : i32
      %dma_start3A_135 = arith.constant 0 : i32
      %dma_start3A_136 = tpu.memref_slice %arg2[%dma_start3A_134, %dma_start3A_135] : memref<10000x128xf32, #tpu.memory_space<hbm>> -> memref<10000x128xf32, #tpu.memory_space<hbm>>
      tpu.enqueue_indirect_dma source(%dma_start3A_136 : memref<10000x128xf32, #tpu.memory_space<hbm>>) target(%dma_start3A_130 : memref<64x128xf32, #tpu.memory_space<vmem>>) offsets(%dma_start3A_133 : memref<64xi32, #tpu.memory_space<vmem>>) semaphore(%arg13 : memref<!tpu.dma_semaphore, #tpu.memory_space<semaphore_mem>>)
      %dma_start3A_137 = arith.constant 0 : i32
      %dma_start3A_138 = arith.constant 3 : i32
      %dma_start3A_139 = arith.constant 3 : i32
      %dma_start3A_140 = arith.constant 0 : i32
      %dma_start3A_141 = arith.constant 0 : i32
      %dma_start3A_142 = tpu.memref_slice %arg8[%dma_start3A_139, %dma_start3A_140, %dma_start3A_141] : memref<4x64x128xf32, #tpu.memory_space<vmem>> -> memref<1x64x128xf32, #tpu.memory_space<vmem>>
      %dma_start3A_143 = tpu.memref_squeeze %dma_start3A_142 : memref<1x64x128xf32, #tpu.memory_space<vmem>> -> memref<64x128xf32, #tpu.memory_space<vmem>>
      %dma_start3A_144 = arith.constant 0 : i32
      %dma_start3A_145 = tpu.memref_slice %arg6[%dma_start3A_137, %dma_start3A_138, %dma_start3A_144] : memref<2x4x64xi32, #tpu.memory_space<vmem>> -> memref<1x1x64xi32, #tpu.memory_space<vmem>>
      %dma_start3A_146 = tpu.memref_squeeze %dma_start3A_145 : memref<1x1x64xi32, #tpu.memory_space<vmem>> -> memref<64xi32, #tpu.memory_space<vmem>>
      %dma_start3A_147 = arith.constant 0 : i32
      %dma_start3A_148 = arith.constant 0 : i32
      %dma_start3A_149 = tpu.memref_slice %arg2[%dma_start3A_147, %dma_start3A_148] : memref<10000x128xf32, #tpu.memory_space<hbm>> -> memref<10000x128xf32, #tpu.memory_space<hbm>>
      tpu.enqueue_indirect_dma source(%dma_start3A_149 : memref<10000x128xf32, #tpu.memory_space<hbm>>) target(%dma_start3A_143 : memref<64x128xf32, #tpu.memory_space<vmem>>) offsets(%dma_start3A_146 : memref<64xi32, #tpu.memory_space<vmem>>) semaphore(%arg14 : memref<!tpu.dma_semaphore, #tpu.memory_space<semaphore_mem>>)
      %add3A_150 = arith.constant 4 : i32
      %add3A_151 = arith.addi %mul3A_47, %add3A_150 : i32
      %dma_start3A_152 = arith.constant 1 : i32
      %dma_start3A_153 = arith.constant 0 : i32
      %dma_start3A_154 = arith.constant 0 : i32
      %dma_start3A_155 = tpu.memref_slice %arg6[%dma_start3A_152, %dma_start3A_153, %dma_start3A_154] : memref<2x4x64xi32, #tpu.memory_space<vmem>> -> memref<1x4x64xi32, #tpu.memory_space<vmem>>
      %dma_start3A_156 = tpu.memref_squeeze %dma_start3A_155 : memref<1x4x64xi32, #tpu.memory_space<vmem>> -> memref<4x64xi32, #tpu.memory_space<vmem>>
      %dma_start3A_157 = arith.constant 0 : i32
      %dma_start3A_158 = tpu.memref_slice %arg3[%add3A_151, %dma_start3A_157] : memref<5120x64xi32, #tpu.memory_space<hbm>> -> memref<4x64xi32, #tpu.memory_space<hbm>>
      %dma_start3A_159 = arith.constant 0 : i32
      %dma_start3A_160 = arith.constant 0 : i32
      %dma_start3A_161 = tpu.memref_slice %arg6[%dma_start3A_152, %dma_start3A_159, %dma_start3A_160] : memref<2x4x64xi32, #tpu.memory_space<vmem>> -> memref<1x4x64xi32, #tpu.memory_space<vmem>>
      %dma_start3A_162 = tpu.memref_squeeze %dma_start3A_161 : memref<1x4x64xi32, #tpu.memory_space<vmem>> -> memref<4x64xi32, #tpu.memory_space<vmem>>
      %dma_start3A_163 = arith.constant 0 : i32
      %dma_start3A_164 = tpu.memref_slice %arg3[%add3A_151, %dma_start3A_163] : memref<5120x64xi32, #tpu.memory_space<hbm>> -> memref<4x64xi32, #tpu.memory_space<hbm>>
      tpu.enqueue_dma source(%dma_start3A_164 : memref<4x64xi32, #tpu.memory_space<hbm>>) target(%dma_start3A_162 : memref<4x64xi32, #tpu.memory_space<vmem>>) target_semaphore(%arg19 : memref<!tpu.dma_semaphore, #tpu.memory_space<semaphore_mem>>)
      %dma_start3A_165 = arith.constant 1 : i32
      %dma_start3A_166 = arith.constant 0 : i32
      %dma_start3A_167 = arith.constant 0 : i32
      %dma_start3A_168 = tpu.memref_slice %arg7[%dma_start3A_165, %dma_start3A_166, %dma_start3A_167] : memref<2x4x64xi32, #tpu.memory_space<vmem>> -> memref<1x4x64xi32, #tpu.memory_space<vmem>>
      %dma_start3A_169 = tpu.memref_squeeze %dma_start3A_168 : memref<1x4x64xi32, #tpu.memory_space<vmem>> -> memref<4x64xi32, #tpu.memory_space<vmem>>
      %dma_start3A_170 = arith.constant 0 : i32
      %dma_start3A_171 = tpu.memref_slice %arg4[%add3A_151, %dma_start3A_170] : memref<5120x64xi32, #tpu.memory_space<hbm>> -> memref<4x64xi32, #tpu.memory_space<hbm>>
      %dma_start3A_172 = arith.constant 0 : i32
      %dma_start3A_173 = arith.constant 0 : i32
      %dma_start3A_174 = tpu.memref_slice %arg7[%dma_start3A_165, %dma_start3A_172, %dma_start3A_173] : memref<2x4x64xi32, #tpu.memory_space<vmem>> -> memref<1x4x64xi32, #tpu.memory_space<vmem>>
      %dma_start3A_175 = tpu.memref_squeeze %dma_start3A_174 : memref<1x4x64xi32, #tpu.memory_space<vmem>> -> memref<4x64xi32, #tpu.memory_space<vmem>>
      %dma_start3A_176 = arith.constant 0 : i32
      %dma_start3A_177 = tpu.memref_slice %arg4[%add3A_151, %dma_start3A_176] : memref<5120x64xi32, #tpu.memory_space<hbm>> -> memref<4x64xi32, #tpu.memory_space<hbm>>
      tpu.enqueue_dma source(%dma_start3A_177 : memref<4x64xi32, #tpu.memory_space<hbm>>) target(%dma_start3A_175 : memref<4x64xi32, #tpu.memory_space<vmem>>) target_semaphore(%arg19 : memref<!tpu.dma_semaphore, #tpu.memory_space<semaphore_mem>>)
      %scan3A_178 = arith.constant 0 : i32
      %scan3A_179 = arith.constant 74 : i32
      %scan3A_180 = arith.addi %scan3A_178, %scan3A_179 : i32
      %scan3A_181 = arith.constant 1 : i32
      scf.for %scan3A_183 = %scan3A_178 to %scan3A_180 step %scan3A_181  : i32 {
        %rem3A = arith.constant 2 : i32
        %rem3A_184 = arith.remsi %scan3A_183, %rem3A : i32
        %add3A_185 = arith.constant 1 : i32
        %add3A_186 = arith.addi %scan3A_183, %add3A_185 : i32
        %rem3A_187 = arith.constant 2 : i32
        %rem3A_188 = arith.remsi %add3A_186, %rem3A_187 : i32
        %dma_wait3A_189 = arith.constant 0 : i32
        %dma_wait3A_190 = arith.constant 0 : i32
        %dma_wait3A_191 = arith.constant 0 : i32
        %dma_wait3A_192 = arith.constant 0 : i32
        %dma_wait3A_193 = tpu.memref_slice %arg8[%dma_wait3A_190, %dma_wait3A_191, %dma_wait3A_192] : memref<4x64x128xf32, #tpu.memory_space<vmem>> -> memref<1x64x128xf32, #tpu.memory_space<vmem>>
        %dma_wait3A_194 = tpu.memref_squeeze %dma_wait3A_193 : memref<1x64x128xf32, #tpu.memory_space<vmem>> -> memref<64x128xf32, #tpu.memory_space<vmem>>
        %dma_wait3A_195 = arith.constant 0 : i32
        %dma_wait3A_196 = tpu.memref_slice %arg6[%rem3A_184, %dma_wait3A_189, %dma_wait3A_195] : memref<2x4x64xi32, #tpu.memory_space<vmem>> -> memref<1x1x64xi32, #tpu.memory_space<vmem>>
        %dma_wait3A_197 = tpu.memref_squeeze %dma_wait3A_196 : memref<1x1x64xi32, #tpu.memory_space<vmem>> -> memref<64xi32, #tpu.memory_space<vmem>>
        %dma_wait3A_198 = arith.constant 0 : i32
        %dma_wait3A_199 = arith.constant 0 : i32
        %dma_wait3A_200 = tpu.memref_slice %arg2[%dma_wait3A_198, %dma_wait3A_199] : memref<10000x128xf32, #tpu.memory_space<hbm>> -> memref<10000x128xf32, #tpu.memory_space<hbm>>
        tpu.wait_indirect_dma semaphore(%arg11 : memref<!tpu.dma_semaphore, #tpu.memory_space<semaphore_mem>>) src(%dma_wait3A_200 : memref<10000x128xf32, #tpu.memory_space<hbm>>) dst(%dma_wait3A_194 : memref<64x128xf32, #tpu.memory_space<vmem>>)
        %dma_start3A_201 = arith.constant 0 : i32
        %dma_start3A_202 = arith.constant 0 : i32
        %dma_start3A_203 = arith.constant 0 : i32
        %dma_start3A_204 = arith.constant 0 : i32
        %dma_start3A_205 = tpu.memref_slice %arg8[%dma_start3A_201, %dma_start3A_203, %dma_start3A_204] : memref<4x64x128xf32, #tpu.memory_space<vmem>> -> memref<1x64x128xf32, #tpu.memory_space<vmem>>
        %dma_start3A_206 = tpu.memref_squeeze %dma_start3A_205 : memref<1x64x128xf32, #tpu.memory_space<vmem>> -> memref<64x128xf32, #tpu.memory_space<vmem>>
        %dma_start3A_207 = arith.constant 0 : i32
        %dma_start3A_208 = tpu.memref_slice %arg7[%rem3A_184, %dma_start3A_202, %dma_start3A_207] : memref<2x4x64xi32, #tpu.memory_space<vmem>> -> memref<1x1x64xi32, #tpu.memory_space<vmem>>
        %dma_start3A_209 = tpu.memref_squeeze %dma_start3A_208 : memref<1x1x64xi32, #tpu.memory_space<vmem>> -> memref<64xi32, #tpu.memory_space<vmem>>
        %dma_start3A_210 = arith.constant 0 : i32
        %dma_start3A_211 = arith.constant 0 : i32
        %dma_start3A_212 = tpu.memref_slice %arg10[%dma_start3A_210, %dma_start3A_211] : memref<10112x128xf32, #tpu.memory_space<vmem_shared>> -> memref<10112x128xf32, #tpu.memory_space<vmem_shared>>
        tpu.enqueue_indirect_dma source(%dma_start3A_206 : memref<64x128xf32, #tpu.memory_space<vmem>>) target(%dma_start3A_212 : memref<10112x128xf32, #tpu.memory_space<vmem_shared>>) offsets(%dma_start3A_209 : memref<64xi32, #tpu.memory_space<vmem>>) semaphore(%arg15 : memref<!tpu.dma_semaphore, #tpu.memory_space<semaphore_mem>>) {add = true}
        %dma_wait3A_213 = arith.constant 1 : i32
        %dma_wait3A_214 = arith.constant 1 : i32
        %dma_wait3A_215 = arith.constant 0 : i32
        %dma_wait3A_216 = arith.constant 0 : i32
        %dma_wait3A_217 = tpu.memref_slice %arg8[%dma_wait3A_214, %dma_wait3A_215, %dma_wait3A_216] : memref<4x64x128xf32, #tpu.memory_space<vmem>> -> memref<1x64x128xf32, #tpu.memory_space<vmem>>
        %dma_wait3A_218 = tpu.memref_squeeze %dma_wait3A_217 : memref<1x64x128xf32, #tpu.memory_space<vmem>> -> memref<64x128xf32, #tpu.memory_space<vmem>>
        %dma_wait3A_219 = arith.constant 0 : i32
        %dma_wait3A_220 = tpu.memref_slice %arg6[%rem3A_184, %dma_wait3A_213, %dma_wait3A_219] : memref<2x4x64xi32, #tpu.memory_space<vmem>> -> memref<1x1x64xi32, #tpu.memory_space<vmem>>
        %dma_wait3A_221 = tpu.memref_squeeze %dma_wait3A_220 : memref<1x1x64xi32, #tpu.memory_space<vmem>> -> memref<64xi32, #tpu.memory_space<vmem>>
        %dma_wait3A_222 = arith.constant 0 : i32
        %dma_wait3A_223 = arith.constant 0 : i32
        %dma_wait3A_224 = tpu.memref_slice %arg2[%dma_wait3A_222, %dma_wait3A_223] : memref<10000x128xf32, #tpu.memory_space<hbm>> -> memref<10000x128xf32, #tpu.memory_space<hbm>>
        tpu.wait_indirect_dma semaphore(%arg12 : memref<!tpu.dma_semaphore, #tpu.memory_space<semaphore_mem>>) src(%dma_wait3A_224 : memref<10000x128xf32, #tpu.memory_space<hbm>>) dst(%dma_wait3A_218 : memref<64x128xf32, #tpu.memory_space<vmem>>)
        %dma_start3A_225 = arith.constant 1 : i32
        %dma_start3A_226 = arith.constant 1 : i32
        %dma_start3A_227 = arith.constant 0 : i32
        %dma_start3A_228 = arith.constant 0 : i32
        %dma_start3A_229 = tpu.memref_slice %arg8[%dma_start3A_225, %dma_start3A_227, %dma_start3A_228] : memref<4x64x128xf32, #tpu.memory_space<vmem>> -> memref<1x64x128xf32, #tpu.memory_space<vmem>>
        %dma_start3A_230 = tpu.memref_squeeze %dma_start3A_229 : memref<1x64x128xf32, #tpu.memory_space<vmem>> -> memref<64x128xf32, #tpu.memory_space<vmem>>
        %dma_start3A_231 = arith.constant 0 : i32
        %dma_start3A_232 = tpu.memref_slice %arg7[%rem3A_184, %dma_start3A_226, %dma_start3A_231] : memref<2x4x64xi32, #tpu.memory_space<vmem>> -> memref<1x1x64xi32, #tpu.memory_space<vmem>>
        %dma_start3A_233 = tpu.memref_squeeze %dma_start3A_232 : memref<1x1x64xi32, #tpu.memory_space<vmem>> -> memref<64xi32, #tpu.memory_space<vmem>>
        %dma_start3A_234 = arith.constant 0 : i32
        %dma_start3A_235 = arith.constant 0 : i32
        %dma_start3A_236 = tpu.memref_slice %arg10[%dma_start3A_234, %dma_start3A_235] : memref<10112x128xf32, #tpu.memory_space<vmem_shared>> -> memref<10112x128xf32, #tpu.memory_space<vmem_shared>>
        tpu.enqueue_indirect_dma source(%dma_start3A_230 : memref<64x128xf32, #tpu.memory_space<vmem>>) target(%dma_start3A_236 : memref<10112x128xf32, #tpu.memory_space<vmem_shared>>) offsets(%dma_start3A_233 : memref<64xi32, #tpu.memory_space<vmem>>) semaphore(%arg16 : memref<!tpu.dma_semaphore, #tpu.memory_space<semaphore_mem>>) {add = true}
        %dma_wait3A_237 = arith.constant 2 : i32
        %dma_wait3A_238 = arith.constant 2 : i32
        %dma_wait3A_239 = arith.constant 0 : i32
        %dma_wait3A_240 = arith.constant 0 : i32
        %dma_wait3A_241 = tpu.memref_slice %arg8[%dma_wait3A_238, %dma_wait3A_239, %dma_wait3A_240] : memref<4x64x128xf32, #tpu.memory_space<vmem>> -> memref<1x64x128xf32, #tpu.memory_space<vmem>>
        %dma_wait3A_242 = tpu.memref_squeeze %dma_wait3A_241 : memref<1x64x128xf32, #tpu.memory_space<vmem>> -> memref<64x128xf32, #tpu.memory_space<vmem>>
        %dma_wait3A_243 = arith.constant 0 : i32
        %dma_wait3A_244 = tpu.memref_slice %arg6[%rem3A_184, %dma_wait3A_237, %dma_wait3A_243] : memref<2x4x64xi32, #tpu.memory_space<vmem>> -> memref<1x1x64xi32, #tpu.memory_space<vmem>>
        %dma_wait3A_245 = tpu.memref_squeeze %dma_wait3A_244 : memref<1x1x64xi32, #tpu.memory_space<vmem>> -> memref<64xi32, #tpu.memory_space<vmem>>
        %dma_wait3A_246 = arith.constant 0 : i32
        %dma_wait3A_247 = arith.constant 0 : i32
        %dma_wait3A_248 = tpu.memref_slice %arg2[%dma_wait3A_246, %dma_wait3A_247] : memref<10000x128xf32, #tpu.memory_space<hbm>> -> memref<10000x128xf32, #tpu.memory_space<hbm>>
        tpu.wait_indirect_dma semaphore(%arg13 : memref<!tpu.dma_semaphore, #tpu.memory_space<semaphore_mem>>) src(%dma_wait3A_248 : memref<10000x128xf32, #tpu.memory_space<hbm>>) dst(%dma_wait3A_242 : memref<64x128xf32, #tpu.memory_space<vmem>>)
        %dma_start3A_249 = arith.constant 2 : i32
        %dma_start3A_250 = arith.constant 2 : i32
        %dma_start3A_251 = arith.constant 0 : i32
        %dma_start3A_252 = arith.constant 0 : i32
        %dma_start3A_253 = tpu.memref_slice %arg8[%dma_start3A_249, %dma_start3A_251, %dma_start3A_252] : memref<4x64x128xf32, #tpu.memory_space<vmem>> -> memref<1x64x128xf32, #tpu.memory_space<vmem>>
        %dma_start3A_254 = tpu.memref_squeeze %dma_start3A_253 : memref<1x64x128xf32, #tpu.memory_space<vmem>> -> memref<64x128xf32, #tpu.memory_space<vmem>>
        %dma_start3A_255 = arith.constant 0 : i32
        %dma_start3A_256 = tpu.memref_slice %arg7[%rem3A_184, %dma_start3A_250, %dma_start3A_255] : memref<2x4x64xi32, #tpu.memory_space<vmem>> -> memref<1x1x64xi32, #tpu.memory_space<vmem>>
        %dma_start3A_257 = tpu.memref_squeeze %dma_start3A_256 : memref<1x1x64xi32, #tpu.memory_space<vmem>> -> memref<64xi32, #tpu.memory_space<vmem>>
        %dma_start3A_258 = arith.constant 0 : i32
        %dma_start3A_259 = arith.constant 0 : i32
        %dma_start3A_260 = tpu.memref_slice %arg10[%dma_start3A_258, %dma_start3A_259] : memref<10112x128xf32, #tpu.memory_space<vmem_shared>> -> memref<10112x128xf32, #tpu.memory_space<vmem_shared>>
        tpu.enqueue_indirect_dma source(%dma_start3A_254 : memref<64x128xf32, #tpu.memory_space<vmem>>) target(%dma_start3A_260 : memref<10112x128xf32, #tpu.memory_space<vmem_shared>>) offsets(%dma_start3A_257 : memref<64xi32, #tpu.memory_space<vmem>>) semaphore(%arg17 : memref<!tpu.dma_semaphore, #tpu.memory_space<semaphore_mem>>) {add = true}
        %dma_wait3A_261 = arith.constant 3 : i32
        %dma_wait3A_262 = arith.constant 3 : i32
        %dma_wait3A_263 = arith.constant 0 : i32
        %dma_wait3A_264 = arith.constant 0 : i32
        %dma_wait3A_265 = tpu.memref_slice %arg8[%dma_wait3A_262, %dma_wait3A_263, %dma_wait3A_264] : memref<4x64x128xf32, #tpu.memory_space<vmem>> -> memref<1x64x128xf32, #tpu.memory_space<vmem>>
        %dma_wait3A_266 = tpu.memref_squeeze %dma_wait3A_265 : memref<1x64x128xf32, #tpu.memory_space<vmem>> -> memref<64x128xf32, #tpu.memory_space<vmem>>
        %dma_wait3A_267 = arith.constant 0 : i32
        %dma_wait3A_268 = tpu.memref_slice %arg6[%rem3A_184, %dma_wait3A_261, %dma_wait3A_267] : memref<2x4x64xi32, #tpu.memory_space<vmem>> -> memref<1x1x64xi32, #tpu.memory_space<vmem>>
        %dma_wait3A_269 = tpu.memref_squeeze %dma_wait3A_268 : memref<1x1x64xi32, #tpu.memory_space<vmem>> -> memref<64xi32, #tpu.memory_space<vmem>>
        %dma_wait3A_270 = arith.constant 0 : i32
        %dma_wait3A_271 = arith.constant 0 : i32
        %dma_wait3A_272 = tpu.memref_slice %arg2[%dma_wait3A_270, %dma_wait3A_271] : memref<10000x128xf32, #tpu.memory_space<hbm>> -> memref<10000x128xf32, #tpu.memory_space<hbm>>
        tpu.wait_indirect_dma semaphore(%arg14 : memref<!tpu.dma_semaphore, #tpu.memory_space<semaphore_mem>>) src(%dma_wait3A_272 : memref<10000x128xf32, #tpu.memory_space<hbm>>) dst(%dma_wait3A_266 : memref<64x128xf32, #tpu.memory_space<vmem>>)
        %dma_start3A_273 = arith.constant 3 : i32
        %dma_start3A_274 = arith.constant 3 : i32
        %dma_start3A_275 = arith.constant 0 : i32
        %dma_start3A_276 = arith.constant 0 : i32
        %dma_start3A_277 = tpu.memref_slice %arg8[%dma_start3A_273, %dma_start3A_275, %dma_start3A_276] : memref<4x64x128xf32, #tpu.memory_space<vmem>> -> memref<1x64x128xf32, #tpu.memory_space<vmem>>
        %dma_start3A_278 = tpu.memref_squeeze %dma_start3A_277 : memref<1x64x128xf32, #tpu.memory_space<vmem>> -> memref<64x128xf32, #tpu.memory_space<vmem>>
        %dma_start3A_279 = arith.constant 0 : i32
        %dma_start3A_280 = tpu.memref_slice %arg7[%rem3A_184, %dma_start3A_274, %dma_start3A_279] : memref<2x4x64xi32, #tpu.memory_space<vmem>> -> memref<1x1x64xi32, #tpu.memory_space<vmem>>
        %dma_start3A_281 = tpu.memref_squeeze %dma_start3A_280 : memref<1x1x64xi32, #tpu.memory_space<vmem>> -> memref<64xi32, #tpu.memory_space<vmem>>
        %dma_start3A_282 = arith.constant 0 : i32
        %dma_start3A_283 = arith.constant 0 : i32
        %dma_start3A_284 = tpu.memref_slice %arg10[%dma_start3A_282, %dma_start3A_283] : memref<10112x128xf32, #tpu.memory_space<vmem_shared>> -> memref<10112x128xf32, #tpu.memory_space<vmem_shared>>
        tpu.enqueue_indirect_dma source(%dma_start3A_278 : memref<64x128xf32, #tpu.memory_space<vmem>>) target(%dma_start3A_284 : memref<10112x128xf32, #tpu.memory_space<vmem_shared>>) offsets(%dma_start3A_281 : memref<64xi32, #tpu.memory_space<vmem>>) semaphore(%arg18 : memref<!tpu.dma_semaphore, #tpu.memory_space<semaphore_mem>>) {add = true}
        %add3A_285 = arith.constant 1 : i32
        %add3A_286 = arith.addi %scan3A_183, %add3A_285 : i32
        %lt3A = arith.constant 74 : i32
        %lt3A_287 = arith.cmpi slt, %add3A_286, %lt3A : i32
        %convert_element_type3A_288 = arith.extui %lt3A_287 : i1 to i32
        %cond3A_289 = arith.constant 0 : i32
        %cond3A_290 = arith.cmpi ne, %convert_element_type3A_288, %cond3A_289 : i32
        scf.if %cond3A_290 {
          %add3A_374 = arith.constant 1 : i32
          %add3A_375 = arith.addi %scan3A_183, %add3A_374 : i32
          %mul3A_376 = arith.constant 4 : i32
          %mul3A_377 = arith.muli %add3A_375, %mul3A_376 : i32
          %add3A_378 = arith.addi %mul3A_47, %mul3A_377 : i32
          %dma_wait3A_379 = arith.constant 0 : i32
          %dma_wait3A_380 = arith.constant 0 : i32
          %dma_wait3A_381 = tpu.memref_slice %arg6[%rem3A_188, %dma_wait3A_379, %dma_wait3A_380] : memref<2x4x64xi32, #tpu.memory_space<vmem>> -> memref<1x4x64xi32, #tpu.memory_space<vmem>>
          %dma_wait3A_382 = tpu.memref_squeeze %dma_wait3A_381 : memref<1x4x64xi32, #tpu.memory_space<vmem>> -> memref<4x64xi32, #tpu.memory_space<vmem>>
          %dma_wait3A_383 = arith.constant 0 : i32
          %dma_wait3A_384 = tpu.memref_slice %arg3[%add3A_378, %dma_wait3A_383] : memref<5120x64xi32, #tpu.memory_space<hbm>> -> memref<4x64xi32, #tpu.memory_space<hbm>>
          %dma_wait3A_385 = arith.constant 0 : i32
          %dma_wait3A_386 = arith.constant 0 : i32
          %dma_wait3A_387 = tpu.memref_slice %arg6[%rem3A_188, %dma_wait3A_385, %dma_wait3A_386] : memref<2x4x64xi32, #tpu.memory_space<vmem>> -> memref<1x4x64xi32, #tpu.memory_space<vmem>>
          %dma_wait3A_388 = tpu.memref_squeeze %dma_wait3A_387 : memref<1x4x64xi32, #tpu.memory_space<vmem>> -> memref<4x64xi32, #tpu.memory_space<vmem>>
          %dma_wait3A_389 = arith.constant 0 : i32
          %dma_wait3A_390 = tpu.memref_slice %arg3[%add3A_378, %dma_wait3A_389] : memref<5120x64xi32, #tpu.memory_space<hbm>> -> memref<4x64xi32, #tpu.memory_space<hbm>>
          tpu.wait_dma2 semaphore(%arg19 : memref<!tpu.dma_semaphore, #tpu.memory_space<semaphore_mem>>) src(%dma_wait3A_390 : memref<4x64xi32, #tpu.memory_space<hbm>>) dst(%dma_wait3A_388 : memref<4x64xi32, #tpu.memory_space<vmem>>)
          %dma_wait3A_391 = arith.constant 0 : i32
          %dma_wait3A_392 = arith.constant 0 : i32
          %dma_wait3A_393 = tpu.memref_slice %arg7[%rem3A_188, %dma_wait3A_391, %dma_wait3A_392] : memref<2x4x64xi32, #tpu.memory_space<vmem>> -> memref<1x4x64xi32, #tpu.memory_space<vmem>>
          %dma_wait3A_394 = tpu.memref_squeeze %dma_wait3A_393 : memref<1x4x64xi32, #tpu.memory_space<vmem>> -> memref<4x64xi32, #tpu.memory_space<vmem>>
          %dma_wait3A_395 = arith.constant 0 : i32
          %dma_wait3A_396 = tpu.memref_slice %arg4[%add3A_378, %dma_wait3A_395] : memref<5120x64xi32, #tpu.memory_space<hbm>> -> memref<4x64xi32, #tpu.memory_space<hbm>>
          %dma_wait3A_397 = arith.constant 0 : i32
          %dma_wait3A_398 = arith.constant 0 : i32
          %dma_wait3A_399 = tpu.memref_slice %arg7[%rem3A_188, %dma_wait3A_397, %dma_wait3A_398] : memref<2x4x64xi32, #tpu.memory_space<vmem>> -> memref<1x4x64xi32, #tpu.memory_space<vmem>>
          %dma_wait3A_400 = tpu.memref_squeeze %dma_wait3A_399 : memref<1x4x64xi32, #tpu.memory_space<vmem>> -> memref<4x64xi32, #tpu.memory_space<vmem>>
          %dma_wait3A_401 = arith.constant 0 : i32
          %dma_wait3A_402 = tpu.memref_slice %arg4[%add3A_378, %dma_wait3A_401] : memref<5120x64xi32, #tpu.memory_space<hbm>> -> memref<4x64xi32, #tpu.memory_space<hbm>>
          tpu.wait_dma2 semaphore(%arg19 : memref<!tpu.dma_semaphore, #tpu.memory_space<semaphore_mem>>) src(%dma_wait3A_402 : memref<4x64xi32, #tpu.memory_space<hbm>>) dst(%dma_wait3A_400 : memref<4x64xi32, #tpu.memory_space<vmem>>)
        } else {
        }
        %dma_wait3A_291 = arith.constant 0 : i32
        %dma_wait3A_292 = arith.constant 0 : i32
        %dma_wait3A_293 = arith.constant 0 : i32
        %dma_wait3A_294 = arith.constant 0 : i32
        %dma_wait3A_295 = tpu.memref_slice %arg8[%dma_wait3A_291, %dma_wait3A_293, %dma_wait3A_294] : memref<4x64x128xf32, #tpu.memory_space<vmem>> -> memref<1x64x128xf32, #tpu.memory_space<vmem>>
        %dma_wait3A_296 = tpu.memref_squeeze %dma_wait3A_295 : memref<1x64x128xf32, #tpu.memory_space<vmem>> -> memref<64x128xf32, #tpu.memory_space<vmem>>
        %dma_wait3A_297 = arith.constant 0 : i32
        %dma_wait3A_298 = tpu.memref_slice %arg7[%rem3A_184, %dma_wait3A_292, %dma_wait3A_297] : memref<2x4x64xi32, #tpu.memory_space<vmem>> -> memref<1x1x64xi32, #tpu.memory_space<vmem>>
        %dma_wait3A_299 = tpu.memref_squeeze %dma_wait3A_298 : memref<1x1x64xi32, #tpu.memory_space<vmem>> -> memref<64xi32, #tpu.memory_space<vmem>>
        %dma_wait3A_300 = arith.constant 0 : i32
        %dma_wait3A_301 = arith.constant 0 : i32
        %dma_wait3A_302 = tpu.memref_slice %arg10[%dma_wait3A_300, %dma_wait3A_301] : memref<10112x128xf32, #tpu.memory_space<vmem_shared>> -> memref<10112x128xf32, #tpu.memory_space<vmem_shared>>
        tpu.wait_indirect_dma semaphore(%arg15 : memref<!tpu.dma_semaphore, #tpu.memory_space<semaphore_mem>>) src(%dma_wait3A_296 : memref<64x128xf32, #tpu.memory_space<vmem>>) dst(%dma_wait3A_302 : memref<10112x128xf32, #tpu.memory_space<vmem_shared>>)
        %add3A_303 = arith.constant 1 : i32
        %add3A_304 = arith.addi %scan3A_183, %add3A_303 : i32
        %lt3A_305 = arith.constant 74 : i32
        %lt3A_306 = arith.cmpi slt, %add3A_304, %lt3A_305 : i32
        %convert_element_type3A_307 = arith.extui %lt3A_306 : i1 to i32
        %cond3A_308 = arith.constant 0 : i32
        %cond3A_309 = arith.cmpi ne, %convert_element_type3A_307, %cond3A_308 : i32
        scf.if %cond3A_309 {
          %dma_start3A_374 = arith.constant 0 : i32
          %dma_start3A_375 = arith.constant 0 : i32
          %dma_start3A_376 = arith.constant 0 : i32
          %dma_start3A_377 = arith.constant 0 : i32
          %dma_start3A_378 = tpu.memref_slice %arg8[%dma_start3A_375, %dma_start3A_376, %dma_start3A_377] : memref<4x64x128xf32, #tpu.memory_space<vmem>> -> memref<1x64x128xf32, #tpu.memory_space<vmem>>
          %dma_start3A_379 = tpu.memref_squeeze %dma_start3A_378 : memref<1x64x128xf32, #tpu.memory_space<vmem>> -> memref<64x128xf32, #tpu.memory_space<vmem>>
          %dma_start3A_380 = arith.constant 0 : i32
          %dma_start3A_381 = tpu.memref_slice %arg6[%rem3A_188, %dma_start3A_374, %dma_start3A_380] : memref<2x4x64xi32, #tpu.memory_space<vmem>> -> memref<1x1x64xi32, #tpu.memory_space<vmem>>
          %dma_start3A_382 = tpu.memref_squeeze %dma_start3A_381 : memref<1x1x64xi32, #tpu.memory_space<vmem>> -> memref<64xi32, #tpu.memory_space<vmem>>
          %dma_start3A_383 = arith.constant 0 : i32
          %dma_start3A_384 = arith.constant 0 : i32
          %dma_start3A_385 = tpu.memref_slice %arg2[%dma_start3A_383, %dma_start3A_384] : memref<10000x128xf32, #tpu.memory_space<hbm>> -> memref<10000x128xf32, #tpu.memory_space<hbm>>
          tpu.enqueue_indirect_dma source(%dma_start3A_385 : memref<10000x128xf32, #tpu.memory_space<hbm>>) target(%dma_start3A_379 : memref<64x128xf32, #tpu.memory_space<vmem>>) offsets(%dma_start3A_382 : memref<64xi32, #tpu.memory_space<vmem>>) semaphore(%arg11 : memref<!tpu.dma_semaphore, #tpu.memory_space<semaphore_mem>>)
        } else {
        }
        %dma_wait3A_310 = arith.constant 1 : i32
        %dma_wait3A_311 = arith.constant 1 : i32
        %dma_wait3A_312 = arith.constant 0 : i32
        %dma_wait3A_313 = arith.constant 0 : i32
        %dma_wait3A_314 = tpu.memref_slice %arg8[%dma_wait3A_310, %dma_wait3A_312, %dma_wait3A_313] : memref<4x64x128xf32, #tpu.memory_space<vmem>> -> memref<1x64x128xf32, #tpu.memory_space<vmem>>
        %dma_wait3A_315 = tpu.memref_squeeze %dma_wait3A_314 : memref<1x64x128xf32, #tpu.memory_space<vmem>> -> memref<64x128xf32, #tpu.memory_space<vmem>>
        %dma_wait3A_316 = arith.constant 0 : i32
        %dma_wait3A_317 = tpu.memref_slice %arg7[%rem3A_184, %dma_wait3A_311, %dma_wait3A_316] : memref<2x4x64xi32, #tpu.memory_space<vmem>> -> memref<1x1x64xi32, #tpu.memory_space<vmem>>
        %dma_wait3A_318 = tpu.memref_squeeze %dma_wait3A_317 : memref<1x1x64xi32, #tpu.memory_space<vmem>> -> memref<64xi32, #tpu.memory_space<vmem>>
        %dma_wait3A_319 = arith.constant 0 : i32
        %dma_wait3A_320 = arith.constant 0 : i32
        %dma_wait3A_321 = tpu.memref_slice %arg10[%dma_wait3A_319, %dma_wait3A_320] : memref<10112x128xf32, #tpu.memory_space<vmem_shared>> -> memref<10112x128xf32, #tpu.memory_space<vmem_shared>>
        tpu.wait_indirect_dma semaphore(%arg16 : memref<!tpu.dma_semaphore, #tpu.memory_space<semaphore_mem>>) src(%dma_wait3A_315 : memref<64x128xf32, #tpu.memory_space<vmem>>) dst(%dma_wait3A_321 : memref<10112x128xf32, #tpu.memory_space<vmem_shared>>)
        %add3A_322 = arith.constant 1 : i32
        %add3A_323 = arith.addi %scan3A_183, %add3A_322 : i32
        %lt3A_324 = arith.constant 74 : i32
        %lt3A_325 = arith.cmpi slt, %add3A_323, %lt3A_324 : i32
        %convert_element_type3A_326 = arith.extui %lt3A_325 : i1 to i32
        %cond3A_327 = arith.constant 0 : i32
        %cond3A_328 = arith.cmpi ne, %convert_element_type3A_326, %cond3A_327 : i32
        scf.if %cond3A_328 {
          %dma_start3A_374 = arith.constant 1 : i32
          %dma_start3A_375 = arith.constant 1 : i32
          %dma_start3A_376 = arith.constant 0 : i32
          %dma_start3A_377 = arith.constant 0 : i32
          %dma_start3A_378 = tpu.memref_slice %arg8[%dma_start3A_375, %dma_start3A_376, %dma_start3A_377] : memref<4x64x128xf32, #tpu.memory_space<vmem>> -> memref<1x64x128xf32, #tpu.memory_space<vmem>>
          %dma_start3A_379 = tpu.memref_squeeze %dma_start3A_378 : memref<1x64x128xf32, #tpu.memory_space<vmem>> -> memref<64x128xf32, #tpu.memory_space<vmem>>
          %dma_start3A_380 = arith.constant 0 : i32
          %dma_start3A_381 = tpu.memref_slice %arg6[%rem3A_188, %dma_start3A_374, %dma_start3A_380] : memref<2x4x64xi32, #tpu.memory_space<vmem>> -> memref<1x1x64xi32, #tpu.memory_space<vmem>>
          %dma_start3A_382 = tpu.memref_squeeze %dma_start3A_381 : memref<1x1x64xi32, #tpu.memory_space<vmem>> -> memref<64xi32, #tpu.memory_space<vmem>>
          %dma_start3A_383 = arith.constant 0 : i32
          %dma_start3A_384 = arith.constant 0 : i32
          %dma_start3A_385 = tpu.memref_slice %arg2[%dma_start3A_383, %dma_start3A_384] : memref<10000x128xf32, #tpu.memory_space<hbm>> -> memref<10000x128xf32, #tpu.memory_space<hbm>>
          tpu.enqueue_indirect_dma source(%dma_start3A_385 : memref<10000x128xf32, #tpu.memory_space<hbm>>) target(%dma_start3A_379 : memref<64x128xf32, #tpu.memory_space<vmem>>) offsets(%dma_start3A_382 : memref<64xi32, #tpu.memory_space<vmem>>) semaphore(%arg12 : memref<!tpu.dma_semaphore, #tpu.memory_space<semaphore_mem>>)
        } else {
        }
        %dma_wait3A_329 = arith.constant 2 : i32
        %dma_wait3A_330 = arith.constant 2 : i32
        %dma_wait3A_331 = arith.constant 0 : i32
        %dma_wait3A_332 = arith.constant 0 : i32
        %dma_wait3A_333 = tpu.memref_slice %arg8[%dma_wait3A_329, %dma_wait3A_331, %dma_wait3A_332] : memref<4x64x128xf32, #tpu.memory_space<vmem>> -> memref<1x64x128xf32, #tpu.memory_space<vmem>>
        %dma_wait3A_334 = tpu.memref_squeeze %dma_wait3A_333 : memref<1x64x128xf32, #tpu.memory_space<vmem>> -> memref<64x128xf32, #tpu.memory_space<vmem>>
        %dma_wait3A_335 = arith.constant 0 : i32
        %dma_wait3A_336 = tpu.memref_slice %arg7[%rem3A_184, %dma_wait3A_330, %dma_wait3A_335] : memref<2x4x64xi32, #tpu.memory_space<vmem>> -> memref<1x1x64xi32, #tpu.memory_space<vmem>>
        %dma_wait3A_337 = tpu.memref_squeeze %dma_wait3A_336 : memref<1x1x64xi32, #tpu.memory_space<vmem>> -> memref<64xi32, #tpu.memory_space<vmem>>
        %dma_wait3A_338 = arith.constant 0 : i32
        %dma_wait3A_339 = arith.constant 0 : i32
        %dma_wait3A_340 = tpu.memref_slice %arg10[%dma_wait3A_338, %dma_wait3A_339] : memref<10112x128xf32, #tpu.memory_space<vmem_shared>> -> memref<10112x128xf32, #tpu.memory_space<vmem_shared>>
        tpu.wait_indirect_dma semaphore(%arg17 : memref<!tpu.dma_semaphore, #tpu.memory_space<semaphore_mem>>) src(%dma_wait3A_334 : memref<64x128xf32, #tpu.memory_space<vmem>>) dst(%dma_wait3A_340 : memref<10112x128xf32, #tpu.memory_space<vmem_shared>>)
        %add3A_341 = arith.constant 1 : i32
        %add3A_342 = arith.addi %scan3A_183, %add3A_341 : i32
        %lt3A_343 = arith.constant 74 : i32
        %lt3A_344 = arith.cmpi slt, %add3A_342, %lt3A_343 : i32
        %convert_element_type3A_345 = arith.extui %lt3A_344 : i1 to i32
        %cond3A_346 = arith.constant 0 : i32
        %cond3A_347 = arith.cmpi ne, %convert_element_type3A_345, %cond3A_346 : i32
        scf.if %cond3A_347 {
          %dma_start3A_374 = arith.constant 2 : i32
          %dma_start3A_375 = arith.constant 2 : i32
          %dma_start3A_376 = arith.constant 0 : i32
          %dma_start3A_377 = arith.constant 0 : i32
          %dma_start3A_378 = tpu.memref_slice %arg8[%dma_start3A_375, %dma_start3A_376, %dma_start3A_377] : memref<4x64x128xf32, #tpu.memory_space<vmem>> -> memref<1x64x128xf32, #tpu.memory_space<vmem>>
          %dma_start3A_379 = tpu.memref_squeeze %dma_start3A_378 : memref<1x64x128xf32, #tpu.memory_space<vmem>> -> memref<64x128xf32, #tpu.memory_space<vmem>>
          %dma_start3A_380 = arith.constant 0 : i32
          %dma_start3A_381 = tpu.memref_slice %arg6[%rem3A_188, %dma_start3A_374, %dma_start3A_380] : memref<2x4x64xi32, #tpu.memory_space<vmem>> -> memref<1x1x64xi32, #tpu.memory_space<vmem>>
          %dma_start3A_382 = tpu.memref_squeeze %dma_start3A_381 : memref<1x1x64xi32, #tpu.memory_space<vmem>> -> memref<64xi32, #tpu.memory_space<vmem>>
          %dma_start3A_383 = arith.constant 0 : i32
          %dma_start3A_384 = arith.constant 0 : i32
          %dma_start3A_385 = tpu.memref_slice %arg2[%dma_start3A_383, %dma_start3A_384] : memref<10000x128xf32, #tpu.memory_space<hbm>> -> memref<10000x128xf32, #tpu.memory_space<hbm>>
          tpu.enqueue_indirect_dma source(%dma_start3A_385 : memref<10000x128xf32, #tpu.memory_space<hbm>>) target(%dma_start3A_379 : memref<64x128xf32, #tpu.memory_space<vmem>>) offsets(%dma_start3A_382 : memref<64xi32, #tpu.memory_space<vmem>>) semaphore(%arg13 : memref<!tpu.dma_semaphore, #tpu.memory_space<semaphore_mem>>)
        } else {
        }
        %dma_wait3A_348 = arith.constant 3 : i32
        %dma_wait3A_349 = arith.constant 3 : i32
        %dma_wait3A_350 = arith.constant 0 : i32
        %dma_wait3A_351 = arith.constant 0 : i32
        %dma_wait3A_352 = tpu.memref_slice %arg8[%dma_wait3A_348, %dma_wait3A_350, %dma_wait3A_351] : memref<4x64x128xf32, #tpu.memory_space<vmem>> -> memref<1x64x128xf32, #tpu.memory_space<vmem>>
        %dma_wait3A_353 = tpu.memref_squeeze %dma_wait3A_352 : memref<1x64x128xf32, #tpu.memory_space<vmem>> -> memref<64x128xf32, #tpu.memory_space<vmem>>
        %dma_wait3A_354 = arith.constant 0 : i32
        %dma_wait3A_355 = tpu.memref_slice %arg7[%rem3A_184, %dma_wait3A_349, %dma_wait3A_354] : memref<2x4x64xi32, #tpu.memory_space<vmem>> -> memref<1x1x64xi32, #tpu.memory_space<vmem>>
        %dma_wait3A_356 = tpu.memref_squeeze %dma_wait3A_355 : memref<1x1x64xi32, #tpu.memory_space<vmem>> -> memref<64xi32, #tpu.memory_space<vmem>>
        %dma_wait3A_357 = arith.constant 0 : i32
        %dma_wait3A_358 = arith.constant 0 : i32
        %dma_wait3A_359 = tpu.memref_slice %arg10[%dma_wait3A_357, %dma_wait3A_358] : memref<10112x128xf32, #tpu.memory_space<vmem_shared>> -> memref<10112x128xf32, #tpu.memory_space<vmem_shared>>
        tpu.wait_indirect_dma semaphore(%arg18 : memref<!tpu.dma_semaphore, #tpu.memory_space<semaphore_mem>>) src(%dma_wait3A_353 : memref<64x128xf32, #tpu.memory_space<vmem>>) dst(%dma_wait3A_359 : memref<10112x128xf32, #tpu.memory_space<vmem_shared>>)
        %add3A_360 = arith.constant 1 : i32
        %add3A_361 = arith.addi %scan3A_183, %add3A_360 : i32
        %lt3A_362 = arith.constant 74 : i32
        %lt3A_363 = arith.cmpi slt, %add3A_361, %lt3A_362 : i32
        %convert_element_type3A_364 = arith.extui %lt3A_363 : i1 to i32
        %cond3A_365 = arith.constant 0 : i32
        %cond3A_366 = arith.cmpi ne, %convert_element_type3A_364, %cond3A_365 : i32
        scf.if %cond3A_366 {
          %dma_start3A_374 = arith.constant 3 : i32
          %dma_start3A_375 = arith.constant 3 : i32
          %dma_start3A_376 = arith.constant 0 : i32
          %dma_start3A_377 = arith.constant 0 : i32
          %dma_start3A_378 = tpu.memref_slice %arg8[%dma_start3A_375, %dma_start3A_376, %dma_start3A_377] : memref<4x64x128xf32, #tpu.memory_space<vmem>> -> memref<1x64x128xf32, #tpu.memory_space<vmem>>
          %dma_start3A_379 = tpu.memref_squeeze %dma_start3A_378 : memref<1x64x128xf32, #tpu.memory_space<vmem>> -> memref<64x128xf32, #tpu.memory_space<vmem>>
          %dma_start3A_380 = arith.constant 0 : i32
          %dma_start3A_381 = tpu.memref_slice %arg6[%rem3A_188, %dma_start3A_374, %dma_start3A_380] : memref<2x4x64xi32, #tpu.memory_space<vmem>> -> memref<1x1x64xi32, #tpu.memory_space<vmem>>
          %dma_start3A_382 = tpu.memref_squeeze %dma_start3A_381 : memref<1x1x64xi32, #tpu.memory_space<vmem>> -> memref<64xi32, #tpu.memory_space<vmem>>
          %dma_start3A_383 = arith.constant 0 : i32
          %dma_start3A_384 = arith.constant 0 : i32
          %dma_start3A_385 = tpu.memref_slice %arg2[%dma_start3A_383, %dma_start3A_384] : memref<10000x128xf32, #tpu.memory_space<hbm>> -> memref<10000x128xf32, #tpu.memory_space<hbm>>
          tpu.enqueue_indirect_dma source(%dma_start3A_385 : memref<10000x128xf32, #tpu.memory_space<hbm>>) target(%dma_start3A_379 : memref<64x128xf32, #tpu.memory_space<vmem>>) offsets(%dma_start3A_382 : memref<64xi32, #tpu.memory_space<vmem>>) semaphore(%arg14 : memref<!tpu.dma_semaphore, #tpu.memory_space<semaphore_mem>>)
        } else {
        }
        %add3A_367 = arith.constant 2 : i32
        %add3A_368 = arith.addi %scan3A_183, %add3A_367 : i32
        %lt3A_369 = arith.constant 74 : i32
        %lt3A_370 = arith.cmpi slt, %add3A_368, %lt3A_369 : i32
        %convert_element_type3A_371 = arith.extui %lt3A_370 : i1 to i32
        %cond3A_372 = arith.constant 0 : i32
        %cond3A_373 = arith.cmpi ne, %convert_element_type3A_371, %cond3A_372 : i32
        scf.if %cond3A_373 {
          %add3A_374 = arith.constant 2 : i32
          %add3A_375 = arith.addi %scan3A_183, %add3A_374 : i32
          %mul3A_376 = arith.constant 4 : i32
          %mul3A_377 = arith.muli %add3A_375, %mul3A_376 : i32
          %add3A_378 = arith.addi %mul3A_47, %mul3A_377 : i32
          %dma_start3A_379 = arith.constant 0 : i32
          %dma_start3A_380 = arith.constant 0 : i32
          %dma_start3A_381 = tpu.memref_slice %arg6[%rem3A_184, %dma_start3A_379, %dma_start3A_380] : memref<2x4x64xi32, #tpu.memory_space<vmem>> -> memref<1x4x64xi32, #tpu.memory_space<vmem>>
          %dma_start3A_382 = tpu.memref_squeeze %dma_start3A_381 : memref<1x4x64xi32, #tpu.memory_space<vmem>> -> memref<4x64xi32, #tpu.memory_space<vmem>>
          %dma_start3A_383 = arith.constant 0 : i32
          %dma_start3A_384 = tpu.memref_slice %arg3[%add3A_378, %dma_start3A_383] : memref<5120x64xi32, #tpu.memory_space<hbm>> -> memref<4x64xi32, #tpu.memory_space<hbm>>
          %dma_start3A_385 = arith.constant 0 : i32
          %dma_start3A_386 = arith.constant 0 : i32
          %dma_start3A_387 = tpu.memref_slice %arg6[%rem3A_184, %dma_start3A_385, %dma_start3A_386] : memref<2x4x64xi32, #tpu.memory_space<vmem>> -> memref<1x4x64xi32, #tpu.memory_space<vmem>>
          %dma_start3A_388 = tpu.memref_squeeze %dma_start3A_387 : memref<1x4x64xi32, #tpu.memory_space<vmem>> -> memref<4x64xi32, #tpu.memory_space<vmem>>
          %dma_start3A_389 = arith.constant 0 : i32
          %dma_start3A_390 = tpu.memref_slice %arg3[%add3A_378, %dma_start3A_389] : memref<5120x64xi32, #tpu.memory_space<hbm>> -> memref<4x64xi32, #tpu.memory_space<hbm>>
          tpu.enqueue_dma source(%dma_start3A_390 : memref<4x64xi32, #tpu.memory_space<hbm>>) target(%dma_start3A_388 : memref<4x64xi32, #tpu.memory_space<vmem>>) target_semaphore(%arg19 : memref<!tpu.dma_semaphore, #tpu.memory_space<semaphore_mem>>)
          %dma_start3A_391 = arith.constant 0 : i32
          %dma_start3A_392 = arith.constant 0 : i32
          %dma_start3A_393 = tpu.memref_slice %arg7[%rem3A_184, %dma_start3A_391, %dma_start3A_392] : memref<2x4x64xi32, #tpu.memory_space<vmem>> -> memref<1x4x64xi32, #tpu.memory_space<vmem>>
          %dma_start3A_394 = tpu.memref_squeeze %dma_start3A_393 : memref<1x4x64xi32, #tpu.memory_space<vmem>> -> memref<4x64xi32, #tpu.memory_space<vmem>>
          %dma_start3A_395 = arith.constant 0 : i32
          %dma_start3A_396 = tpu.memref_slice %arg4[%add3A_378, %dma_start3A_395] : memref<5120x64xi32, #tpu.memory_space<hbm>> -> memref<4x64xi32, #tpu.memory_space<hbm>>
          %dma_start3A_397 = arith.constant 0 : i32
          %dma_start3A_398 = arith.constant 0 : i32
          %dma_start3A_399 = tpu.memref_slice %arg7[%rem3A_184, %dma_start3A_397, %dma_start3A_398] : memref<2x4x64xi32, #tpu.memory_space<vmem>> -> memref<1x4x64xi32, #tpu.memory_space<vmem>>
          %dma_start3A_400 = tpu.memref_squeeze %dma_start3A_399 : memref<1x4x64xi32, #tpu.memory_space<vmem>> -> memref<4x64xi32, #tpu.memory_space<vmem>>
          %dma_start3A_401 = arith.constant 0 : i32
          %dma_start3A_402 = tpu.memref_slice %arg4[%add3A_378, %dma_start3A_401] : memref<5120x64xi32, #tpu.memory_space<hbm>> -> memref<4x64xi32, #tpu.memory_space<hbm>>
          tpu.enqueue_dma source(%dma_start3A_402 : memref<4x64xi32, #tpu.memory_space<hbm>>) target(%dma_start3A_400 : memref<4x64xi32, #tpu.memory_space<vmem>>) target_semaphore(%arg19 : memref<!tpu.dma_semaphore, #tpu.memory_space<semaphore_mem>>)
        } else {
        }
      }
      %scan3A_182 = arith.constant 74 : i32
    } else {
    }
    %eq3A_36 = arith.constant 1 : i32
    %eq3A_37 = arith.cmpi eq, %arg0, %eq3A_36 : i32
    %convert_element_type3A_38 = arith.extui %eq3A_37 : i1 to i32
    %cond3A_39 = arith.constant 0 : i32
    %cond3A_40 = arith.cmpi ne, %convert_element_type3A_38, %cond3A_39 : i32
    scf.if %cond3A_40 {
      %mul3A_46 = arith.constant 24 : i32
      %mul3A_47 = arith.muli %arg1, %mul3A_46 : i32
      %add3A_48 = arith.constant 4736 : i32
      %add3A_49 = arith.addi %add3A_48, %mul3A_47 : i32
      %dma_start3A = arith.constant 0 : i32
      %dma_start3A_50 = arith.constant 0 : i32
      %dma_start3A_51 = arith.constant 0 : i32
      %dma_start3A_52 = tpu.memref_slice %arg6[%dma_start3A, %dma_start3A_50, %dma_start3A_51] : memref<2x4x64xi32, #tpu.memory_space<vmem>> -> memref<1x4x64xi32, #tpu.memory_space<vmem>>
      %dma_start3A_53 = tpu.memref_squeeze %dma_start3A_52 : memref<1x4x64xi32, #tpu.memory_space<vmem>> -> memref<4x64xi32, #tpu.memory_space<vmem>>
      %dma_start3A_54 = arith.constant 0 : i32
      %dma_start3A_55 = tpu.memref_slice %arg3[%add3A_49, %dma_start3A_54] : memref<5120x64xi32, #tpu.memory_space<hbm>> -> memref<4x64xi32, #tpu.memory_space<hbm>>
      %dma_start3A_56 = arith.constant 0 : i32
      %dma_start3A_57 = arith.constant 0 : i32
      %dma_start3A_58 = tpu.memref_slice %arg6[%dma_start3A, %dma_start3A_56, %dma_start3A_57] : memref<2x4x64xi32, #tpu.memory_space<vmem>> -> memref<1x4x64xi32, #tpu.memory_space<vmem>>
      %dma_start3A_59 = tpu.memref_squeeze %dma_start3A_58 : memref<1x4x64xi32, #tpu.memory_space<vmem>> -> memref<4x64xi32, #tpu.memory_space<vmem>>
      %dma_start3A_60 = arith.constant 0 : i32
      %dma_start3A_61 = tpu.memref_slice %arg3[%add3A_49, %dma_start3A_60] : memref<5120x64xi32, #tpu.memory_space<hbm>> -> memref<4x64xi32, #tpu.memory_space<hbm>>
      tpu.enqueue_dma source(%dma_start3A_61 : memref<4x64xi32, #tpu.memory_space<hbm>>) target(%dma_start3A_59 : memref<4x64xi32, #tpu.memory_space<vmem>>) target_semaphore(%arg19 : memref<!tpu.dma_semaphore, #tpu.memory_space<semaphore_mem>>)
      %dma_start3A_62 = arith.constant 0 : i32
      %dma_start3A_63 = arith.constant 0 : i32
      %dma_start3A_64 = arith.constant 0 : i32
      %dma_start3A_65 = tpu.memref_slice %arg7[%dma_start3A_62, %dma_start3A_63, %dma_start3A_64] : memref<2x4x64xi32, #tpu.memory_space<vmem>> -> memref<1x4x64xi32, #tpu.memory_space<vmem>>
      %dma_start3A_66 = tpu.memref_squeeze %dma_start3A_65 : memref<1x4x64xi32, #tpu.memory_space<vmem>> -> memref<4x64xi32, #tpu.memory_space<vmem>>
      %dma_start3A_67 = arith.constant 0 : i32
      %dma_start3A_68 = tpu.memref_slice %arg4[%add3A_49, %dma_start3A_67] : memref<5120x64xi32, #tpu.memory_space<hbm>> -> memref<4x64xi32, #tpu.memory_space<hbm>>
      %dma_start3A_69 = arith.constant 0 : i32
      %dma_start3A_70 = arith.constant 0 : i32
      %dma_start3A_71 = tpu.memref_slice %arg7[%dma_start3A_62, %dma_start3A_69, %dma_start3A_70] : memref<2x4x64xi32, #tpu.memory_space<vmem>> -> memref<1x4x64xi32, #tpu.memory_space<vmem>>
      %dma_start3A_72 = tpu.memref_squeeze %dma_start3A_71 : memref<1x4x64xi32, #tpu.memory_space<vmem>> -> memref<4x64xi32, #tpu.memory_space<vmem>>
      %dma_start3A_73 = arith.constant 0 : i32
      %dma_start3A_74 = tpu.memref_slice %arg4[%add3A_49, %dma_start3A_73] : memref<5120x64xi32, #tpu.memory_space<hbm>> -> memref<4x64xi32, #tpu.memory_space<hbm>>
      tpu.enqueue_dma source(%dma_start3A_74 : memref<4x64xi32, #tpu.memory_space<hbm>>) target(%dma_start3A_72 : memref<4x64xi32, #tpu.memory_space<vmem>>) target_semaphore(%arg19 : memref<!tpu.dma_semaphore, #tpu.memory_space<semaphore_mem>>)
      %dma_wait3A = arith.constant 0 : i32
      %dma_wait3A_75 = arith.constant 0 : i32
      %dma_wait3A_76 = arith.constant 0 : i32
      %dma_wait3A_77 = tpu.memref_slice %arg6[%dma_wait3A, %dma_wait3A_75, %dma_wait3A_76] : memref<2x4x64xi32, #tpu.memory_space<vmem>> -> memref<1x4x64xi32, #tpu.memory_space<vmem>>
      %dma_wait3A_78 = tpu.memref_squeeze %dma_wait3A_77 : memref<1x4x64xi32, #tpu.memory_space<vmem>> -> memref<4x64xi32, #tpu.memory_space<vmem>>
      %dma_wait3A_79 = arith.constant 0 : i32
      %dma_wait3A_80 = tpu.memref_slice %arg3[%add3A_49, %dma_wait3A_79] : memref<5120x64xi32, #tpu.memory_space<hbm>> -> memref<4x64xi32, #tpu.memory_space<hbm>>
      %dma_wait3A_81 = arith.constant 0 : i32
      %dma_wait3A_82 = arith.constant 0 : i32
      %dma_wait3A_83 = tpu.memref_slice %arg6[%dma_wait3A, %dma_wait3A_81, %dma_wait3A_82] : memref<2x4x64xi32, #tpu.memory_space<vmem>> -> memref<1x4x64xi32, #tpu.memory_space<vmem>>
      %dma_wait3A_84 = tpu.memref_squeeze %dma_wait3A_83 : memref<1x4x64xi32, #tpu.memory_space<vmem>> -> memref<4x64xi32, #tpu.memory_space<vmem>>
      %dma_wait3A_85 = arith.constant 0 : i32
      %dma_wait3A_86 = tpu.memref_slice %arg3[%add3A_49, %dma_wait3A_85] : memref<5120x64xi32, #tpu.memory_space<hbm>> -> memref<4x64xi32, #tpu.memory_space<hbm>>
      tpu.wait_dma2 semaphore(%arg19 : memref<!tpu.dma_semaphore, #tpu.memory_space<semaphore_mem>>) src(%dma_wait3A_86 : memref<4x64xi32, #tpu.memory_space<hbm>>) dst(%dma_wait3A_84 : memref<4x64xi32, #tpu.memory_space<vmem>>)
      %dma_wait3A_87 = arith.constant 0 : i32
      %dma_wait3A_88 = arith.constant 0 : i32
      %dma_wait3A_89 = arith.constant 0 : i32
      %dma_wait3A_90 = tpu.memref_slice %arg7[%dma_wait3A_87, %dma_wait3A_88, %dma_wait3A_89] : memref<2x4x64xi32, #tpu.memory_space<vmem>> -> memref<1x4x64xi32, #tpu.memory_space<vmem>>
      %dma_wait3A_91 = tpu.memref_squeeze %dma_wait3A_90 : memref<1x4x64xi32, #tpu.memory_space<vmem>> -> memref<4x64xi32, #tpu.memory_space<vmem>>
      %dma_wait3A_92 = arith.constant 0 : i32
      %dma_wait3A_93 = tpu.memref_slice %arg4[%add3A_49, %dma_wait3A_92] : memref<5120x64xi32, #tpu.memory_space<hbm>> -> memref<4x64xi32, #tpu.memory_space<hbm>>
      %dma_wait3A_94 = arith.constant 0 : i32
      %dma_wait3A_95 = arith.constant 0 : i32
      %dma_wait3A_96 = tpu.memref_slice %arg7[%dma_wait3A_87, %dma_wait3A_94, %dma_wait3A_95] : memref<2x4x64xi32, #tpu.memory_space<vmem>> -> memref<1x4x64xi32, #tpu.memory_space<vmem>>
      %dma_wait3A_97 = tpu.memref_squeeze %dma_wait3A_96 : memref<1x4x64xi32, #tpu.memory_space<vmem>> -> memref<4x64xi32, #tpu.memory_space<vmem>>
      %dma_wait3A_98 = arith.constant 0 : i32
      %dma_wait3A_99 = tpu.memref_slice %arg4[%add3A_49, %dma_wait3A_98] : memref<5120x64xi32, #tpu.memory_space<hbm>> -> memref<4x64xi32, #tpu.memory_space<hbm>>
      tpu.wait_dma2 semaphore(%arg19 : memref<!tpu.dma_semaphore, #tpu.memory_space<semaphore_mem>>) src(%dma_wait3A_99 : memref<4x64xi32, #tpu.memory_space<hbm>>) dst(%dma_wait3A_97 : memref<4x64xi32, #tpu.memory_space<vmem>>)
      %dma_start3A_100 = arith.constant 0 : i32
      %dma_start3A_101 = arith.constant 0 : i32
      %dma_start3A_102 = arith.constant 0 : i32
      %dma_start3A_103 = arith.constant 0 : i32
      %dma_start3A_104 = arith.constant 0 : i32
      %dma_start3A_105 = tpu.memref_slice %arg8[%dma_start3A_102, %dma_start3A_103, %dma_start3A_104] : memref<4x64x128xf32, #tpu.memory_space<vmem>> -> memref<1x64x128xf32, #tpu.memory_space<vmem>>
      %dma_start3A_106 = tpu.memref_squeeze %dma_start3A_105 : memref<1x64x128xf32, #tpu.memory_space<vmem>> -> memref<64x128xf32, #tpu.memory_space<vmem>>
      %dma_start3A_107 = arith.constant 0 : i32
      %dma_start3A_108 = tpu.memref_slice %arg6[%dma_start3A_100, %dma_start3A_101, %dma_start3A_107] : memref<2x4x64xi32, #tpu.memory_space<vmem>> -> memref<1x1x64xi32, #tpu.memory_space<vmem>>
      %dma_start3A_109 = tpu.memref_squeeze %dma_start3A_108 : memref<1x1x64xi32, #tpu.memory_space<vmem>> -> memref<64xi32, #tpu.memory_space<vmem>>
      %dma_start3A_110 = arith.constant 0 : i32
      %dma_start3A_111 = arith.constant 0 : i32
      %dma_start3A_112 = tpu.memref_slice %arg2[%dma_start3A_110, %dma_start3A_111] : memref<10000x128xf32, #tpu.memory_space<hbm>> -> memref<10000x128xf32, #tpu.memory_space<hbm>>
      tpu.enqueue_indirect_dma source(%dma_start3A_112 : memref<10000x128xf32, #tpu.memory_space<hbm>>) target(%dma_start3A_106 : memref<64x128xf32, #tpu.memory_space<vmem>>) offsets(%dma_start3A_109 : memref<64xi32, #tpu.memory_space<vmem>>) semaphore(%arg11 : memref<!tpu.dma_semaphore, #tpu.memory_space<semaphore_mem>>)
      %dma_start3A_113 = arith.constant 0 : i32
      %dma_start3A_114 = arith.constant 1 : i32
      %dma_start3A_115 = arith.constant 1 : i32
      %dma_start3A_116 = arith.constant 0 : i32
      %dma_start3A_117 = arith.constant 0 : i32
      %dma_start3A_118 = tpu.memref_slice %arg8[%dma_start3A_115, %dma_start3A_116, %dma_start3A_117] : memref<4x64x128xf32, #tpu.memory_space<vmem>> -> memref<1x64x128xf32, #tpu.memory_space<vmem>>
      %dma_start3A_119 = tpu.memref_squeeze %dma_start3A_118 : memref<1x64x128xf32, #tpu.memory_space<vmem>> -> memref<64x128xf32, #tpu.memory_space<vmem>>
      %dma_start3A_120 = arith.constant 0 : i32
      %dma_start3A_121 = tpu.memref_slice %arg6[%dma_start3A_113, %dma_start3A_114, %dma_start3A_120] : memref<2x4x64xi32, #tpu.memory_space<vmem>> -> memref<1x1x64xi32, #tpu.memory_space<vmem>>
      %dma_start3A_122 = tpu.memref_squeeze %dma_start3A_121 : memref<1x1x64xi32, #tpu.memory_space<vmem>> -> memref<64xi32, #tpu.memory_space<vmem>>
      %dma_start3A_123 = arith.constant 0 : i32
      %dma_start3A_124 = arith.constant 0 : i32
      %dma_start3A_125 = tpu.memref_slice %arg2[%dma_start3A_123, %dma_start3A_124] : memref<10000x128xf32, #tpu.memory_space<hbm>> -> memref<10000x128xf32, #tpu.memory_space<hbm>>
      tpu.enqueue_indirect_dma source(%dma_start3A_125 : memref<10000x128xf32, #tpu.memory_space<hbm>>) target(%dma_start3A_119 : memref<64x128xf32, #tpu.memory_space<vmem>>) offsets(%dma_start3A_122 : memref<64xi32, #tpu.memory_space<vmem>>) semaphore(%arg12 : memref<!tpu.dma_semaphore, #tpu.memory_space<semaphore_mem>>)
      %dma_start3A_126 = arith.constant 0 : i32
      %dma_start3A_127 = arith.constant 2 : i32
      %dma_start3A_128 = arith.constant 2 : i32
      %dma_start3A_129 = arith.constant 0 : i32
      %dma_start3A_130 = arith.constant 0 : i32
      %dma_start3A_131 = tpu.memref_slice %arg8[%dma_start3A_128, %dma_start3A_129, %dma_start3A_130] : memref<4x64x128xf32, #tpu.memory_space<vmem>> -> memref<1x64x128xf32, #tpu.memory_space<vmem>>
      %dma_start3A_132 = tpu.memref_squeeze %dma_start3A_131 : memref<1x64x128xf32, #tpu.memory_space<vmem>> -> memref<64x128xf32, #tpu.memory_space<vmem>>
      %dma_start3A_133 = arith.constant 0 : i32
      %dma_start3A_134 = tpu.memref_slice %arg6[%dma_start3A_126, %dma_start3A_127, %dma_start3A_133] : memref<2x4x64xi32, #tpu.memory_space<vmem>> -> memref<1x1x64xi32, #tpu.memory_space<vmem>>
      %dma_start3A_135 = tpu.memref_squeeze %dma_start3A_134 : memref<1x1x64xi32, #tpu.memory_space<vmem>> -> memref<64xi32, #tpu.memory_space<vmem>>
      %dma_start3A_136 = arith.constant 0 : i32
      %dma_start3A_137 = arith.constant 0 : i32
      %dma_start3A_138 = tpu.memref_slice %arg2[%dma_start3A_136, %dma_start3A_137] : memref<10000x128xf32, #tpu.memory_space<hbm>> -> memref<10000x128xf32, #tpu.memory_space<hbm>>
      tpu.enqueue_indirect_dma source(%dma_start3A_138 : memref<10000x128xf32, #tpu.memory_space<hbm>>) target(%dma_start3A_132 : memref<64x128xf32, #tpu.memory_space<vmem>>) offsets(%dma_start3A_135 : memref<64xi32, #tpu.memory_space<vmem>>) semaphore(%arg13 : memref<!tpu.dma_semaphore, #tpu.memory_space<semaphore_mem>>)
      %dma_start3A_139 = arith.constant 0 : i32
      %dma_start3A_140 = arith.constant 3 : i32
      %dma_start3A_141 = arith.constant 3 : i32
      %dma_start3A_142 = arith.constant 0 : i32
      %dma_start3A_143 = arith.constant 0 : i32
      %dma_start3A_144 = tpu.memref_slice %arg8[%dma_start3A_141, %dma_start3A_142, %dma_start3A_143] : memref<4x64x128xf32, #tpu.memory_space<vmem>> -> memref<1x64x128xf32, #tpu.memory_space<vmem>>
      %dma_start3A_145 = tpu.memref_squeeze %dma_start3A_144 : memref<1x64x128xf32, #tpu.memory_space<vmem>> -> memref<64x128xf32, #tpu.memory_space<vmem>>
      %dma_start3A_146 = arith.constant 0 : i32
      %dma_start3A_147 = tpu.memref_slice %arg6[%dma_start3A_139, %dma_start3A_140, %dma_start3A_146] : memref<2x4x64xi32, #tpu.memory_space<vmem>> -> memref<1x1x64xi32, #tpu.memory_space<vmem>>
      %dma_start3A_148 = tpu.memref_squeeze %dma_start3A_147 : memref<1x1x64xi32, #tpu.memory_space<vmem>> -> memref<64xi32, #tpu.memory_space<vmem>>
      %dma_start3A_149 = arith.constant 0 : i32
      %dma_start3A_150 = arith.constant 0 : i32
      %dma_start3A_151 = tpu.memref_slice %arg2[%dma_start3A_149, %dma_start3A_150] : memref<10000x128xf32, #tpu.memory_space<hbm>> -> memref<10000x128xf32, #tpu.memory_space<hbm>>
      tpu.enqueue_indirect_dma source(%dma_start3A_151 : memref<10000x128xf32, #tpu.memory_space<hbm>>) target(%dma_start3A_145 : memref<64x128xf32, #tpu.memory_space<vmem>>) offsets(%dma_start3A_148 : memref<64xi32, #tpu.memory_space<vmem>>) semaphore(%arg14 : memref<!tpu.dma_semaphore, #tpu.memory_space<semaphore_mem>>)
      %add3A_152 = arith.constant 4 : i32
      %add3A_153 = arith.addi %add3A_49, %add3A_152 : i32
      %dma_start3A_154 = arith.constant 1 : i32
      %dma_start3A_155 = arith.constant 0 : i32
      %dma_start3A_156 = arith.constant 0 : i32
      %dma_start3A_157 = tpu.memref_slice %arg6[%dma_start3A_154, %dma_start3A_155, %dma_start3A_156] : memref<2x4x64xi32, #tpu.memory_space<vmem>> -> memref<1x4x64xi32, #tpu.memory_space<vmem>>
      %dma_start3A_158 = tpu.memref_squeeze %dma_start3A_157 : memref<1x4x64xi32, #tpu.memory_space<vmem>> -> memref<4x64xi32, #tpu.memory_space<vmem>>
      %dma_start3A_159 = arith.constant 0 : i32
      %dma_start3A_160 = tpu.memref_slice %arg3[%add3A_153, %dma_start3A_159] : memref<5120x64xi32, #tpu.memory_space<hbm>> -> memref<4x64xi32, #tpu.memory_space<hbm>>
      %dma_start3A_161 = arith.constant 0 : i32
      %dma_start3A_162 = arith.constant 0 : i32
      %dma_start3A_163 = tpu.memref_slice %arg6[%dma_start3A_154, %dma_start3A_161, %dma_start3A_162] : memref<2x4x64xi32, #tpu.memory_space<vmem>> -> memref<1x4x64xi32, #tpu.memory_space<vmem>>
      %dma_start3A_164 = tpu.memref_squeeze %dma_start3A_163 : memref<1x4x64xi32, #tpu.memory_space<vmem>> -> memref<4x64xi32, #tpu.memory_space<vmem>>
      %dma_start3A_165 = arith.constant 0 : i32
      %dma_start3A_166 = tpu.memref_slice %arg3[%add3A_153, %dma_start3A_165] : memref<5120x64xi32, #tpu.memory_space<hbm>> -> memref<4x64xi32, #tpu.memory_space<hbm>>
      tpu.enqueue_dma source(%dma_start3A_166 : memref<4x64xi32, #tpu.memory_space<hbm>>) target(%dma_start3A_164 : memref<4x64xi32, #tpu.memory_space<vmem>>) target_semaphore(%arg19 : memref<!tpu.dma_semaphore, #tpu.memory_space<semaphore_mem>>)
      %dma_start3A_167 = arith.constant 1 : i32
      %dma_start3A_168 = arith.constant 0 : i32
      %dma_start3A_169 = arith.constant 0 : i32
      %dma_start3A_170 = tpu.memref_slice %arg7[%dma_start3A_167, %dma_start3A_168, %dma_start3A_169] : memref<2x4x64xi32, #tpu.memory_space<vmem>> -> memref<1x4x64xi32, #tpu.memory_space<vmem>>
      %dma_start3A_171 = tpu.memref_squeeze %dma_start3A_170 : memref<1x4x64xi32, #tpu.memory_space<vmem>> -> memref<4x64xi32, #tpu.memory_space<vmem>>
      %dma_start3A_172 = arith.constant 0 : i32
      %dma_start3A_173 = tpu.memref_slice %arg4[%add3A_153, %dma_start3A_172] : memref<5120x64xi32, #tpu.memory_space<hbm>> -> memref<4x64xi32, #tpu.memory_space<hbm>>
      %dma_start3A_174 = arith.constant 0 : i32
      %dma_start3A_175 = arith.constant 0 : i32
      %dma_start3A_176 = tpu.memref_slice %arg7[%dma_start3A_167, %dma_start3A_174, %dma_start3A_175] : memref<2x4x64xi32, #tpu.memory_space<vmem>> -> memref<1x4x64xi32, #tpu.memory_space<vmem>>
      %dma_start3A_177 = tpu.memref_squeeze %dma_start3A_176 : memref<1x4x64xi32, #tpu.memory_space<vmem>> -> memref<4x64xi32, #tpu.memory_space<vmem>>
      %dma_start3A_178 = arith.constant 0 : i32
      %dma_start3A_179 = tpu.memref_slice %arg4[%add3A_153, %dma_start3A_178] : memref<5120x64xi32, #tpu.memory_space<hbm>> -> memref<4x64xi32, #tpu.memory_space<hbm>>
      tpu.enqueue_dma source(%dma_start3A_179 : memref<4x64xi32, #tpu.memory_space<hbm>>) target(%dma_start3A_177 : memref<4x64xi32, #tpu.memory_space<vmem>>) target_semaphore(%arg19 : memref<!tpu.dma_semaphore, #tpu.memory_space<semaphore_mem>>)
      %scan3A_180 = arith.constant 0 : i32
      %scan3A_181 = arith.constant 6 : i32
      %scan3A_182 = arith.addi %scan3A_180, %scan3A_181 : i32
      %scan3A_183 = arith.constant 1 : i32
      scf.for %scan3A_185 = %scan3A_180 to %scan3A_182 step %scan3A_183  : i32 {
        %rem3A = arith.constant 2 : i32
        %rem3A_186 = arith.remsi %scan3A_185, %rem3A : i32
        %add3A_187 = arith.constant 1 : i32
        %add3A_188 = arith.addi %scan3A_185, %add3A_187 : i32
        %rem3A_189 = arith.constant 2 : i32
        %rem3A_190 = arith.remsi %add3A_188, %rem3A_189 : i32
        %dma_wait3A_191 = arith.constant 0 : i32
        %dma_wait3A_192 = arith.constant 0 : i32
        %dma_wait3A_193 = arith.constant 0 : i32
        %dma_wait3A_194 = arith.constant 0 : i32
        %dma_wait3A_195 = tpu.memref_slice %arg8[%dma_wait3A_192, %dma_wait3A_193, %dma_wait3A_194] : memref<4x64x128xf32, #tpu.memory_space<vmem>> -> memref<1x64x128xf32, #tpu.memory_space<vmem>>
        %dma_wait3A_196 = tpu.memref_squeeze %dma_wait3A_195 : memref<1x64x128xf32, #tpu.memory_space<vmem>> -> memref<64x128xf32, #tpu.memory_space<vmem>>
        %dma_wait3A_197 = arith.constant 0 : i32
        %dma_wait3A_198 = tpu.memref_slice %arg6[%rem3A_186, %dma_wait3A_191, %dma_wait3A_197] : memref<2x4x64xi32, #tpu.memory_space<vmem>> -> memref<1x1x64xi32, #tpu.memory_space<vmem>>
        %dma_wait3A_199 = tpu.memref_squeeze %dma_wait3A_198 : memref<1x1x64xi32, #tpu.memory_space<vmem>> -> memref<64xi32, #tpu.memory_space<vmem>>
        %dma_wait3A_200 = arith.constant 0 : i32
        %dma_wait3A_201 = arith.constant 0 : i32
        %dma_wait3A_202 = tpu.memref_slice %arg2[%dma_wait3A_200, %dma_wait3A_201] : memref<10000x128xf32, #tpu.memory_space<hbm>> -> memref<10000x128xf32, #tpu.memory_space<hbm>>
        tpu.wait_indirect_dma semaphore(%arg11 : memref<!tpu.dma_semaphore, #tpu.memory_space<semaphore_mem>>) src(%dma_wait3A_202 : memref<10000x128xf32, #tpu.memory_space<hbm>>) dst(%dma_wait3A_196 : memref<64x128xf32, #tpu.memory_space<vmem>>)
        %dma_start3A_203 = arith.constant 0 : i32
        %dma_start3A_204 = arith.constant 0 : i32
        %dma_start3A_205 = arith.constant 0 : i32
        %dma_start3A_206 = arith.constant 0 : i32
        %dma_start3A_207 = tpu.memref_slice %arg8[%dma_start3A_203, %dma_start3A_205, %dma_start3A_206] : memref<4x64x128xf32, #tpu.memory_space<vmem>> -> memref<1x64x128xf32, #tpu.memory_space<vmem>>
        %dma_start3A_208 = tpu.memref_squeeze %dma_start3A_207 : memref<1x64x128xf32, #tpu.memory_space<vmem>> -> memref<64x128xf32, #tpu.memory_space<vmem>>
        %dma_start3A_209 = arith.constant 0 : i32
        %dma_start3A_210 = tpu.memref_slice %arg7[%rem3A_186, %dma_start3A_204, %dma_start3A_209] : memref<2x4x64xi32, #tpu.memory_space<vmem>> -> memref<1x1x64xi32, #tpu.memory_space<vmem>>
        %dma_start3A_211 = tpu.memref_squeeze %dma_start3A_210 : memref<1x1x64xi32, #tpu.memory_space<vmem>> -> memref<64xi32, #tpu.memory_space<vmem>>
        %dma_start3A_212 = arith.constant 0 : i32
        %dma_start3A_213 = arith.constant 0 : i32
        %dma_start3A_214 = tpu.memref_slice %arg10[%dma_start3A_212, %dma_start3A_213] : memref<10112x128xf32, #tpu.memory_space<vmem_shared>> -> memref<10112x128xf32, #tpu.memory_space<vmem_shared>>
        tpu.enqueue_indirect_dma source(%dma_start3A_208 : memref<64x128xf32, #tpu.memory_space<vmem>>) target(%dma_start3A_214 : memref<10112x128xf32, #tpu.memory_space<vmem_shared>>) offsets(%dma_start3A_211 : memref<64xi32, #tpu.memory_space<vmem>>) semaphore(%arg15 : memref<!tpu.dma_semaphore, #tpu.memory_space<semaphore_mem>>) {add = true}
        %dma_wait3A_215 = arith.constant 1 : i32
        %dma_wait3A_216 = arith.constant 1 : i32
        %dma_wait3A_217 = arith.constant 0 : i32
        %dma_wait3A_218 = arith.constant 0 : i32
        %dma_wait3A_219 = tpu.memref_slice %arg8[%dma_wait3A_216, %dma_wait3A_217, %dma_wait3A_218] : memref<4x64x128xf32, #tpu.memory_space<vmem>> -> memref<1x64x128xf32, #tpu.memory_space<vmem>>
        %dma_wait3A_220 = tpu.memref_squeeze %dma_wait3A_219 : memref<1x64x128xf32, #tpu.memory_space<vmem>> -> memref<64x128xf32, #tpu.memory_space<vmem>>
        %dma_wait3A_221 = arith.constant 0 : i32
        %dma_wait3A_222 = tpu.memref_slice %arg6[%rem3A_186, %dma_wait3A_215, %dma_wait3A_221] : memref<2x4x64xi32, #tpu.memory_space<vmem>> -> memref<1x1x64xi32, #tpu.memory_space<vmem>>
        %dma_wait3A_223 = tpu.memref_squeeze %dma_wait3A_222 : memref<1x1x64xi32, #tpu.memory_space<vmem>> -> memref<64xi32, #tpu.memory_space<vmem>>
        %dma_wait3A_224 = arith.constant 0 : i32
        %dma_wait3A_225 = arith.constant 0 : i32
        %dma_wait3A_226 = tpu.memref_slice %arg2[%dma_wait3A_224, %dma_wait3A_225] : memref<10000x128xf32, #tpu.memory_space<hbm>> -> memref<10000x128xf32, #tpu.memory_space<hbm>>
        tpu.wait_indirect_dma semaphore(%arg12 : memref<!tpu.dma_semaphore, #tpu.memory_space<semaphore_mem>>) src(%dma_wait3A_226 : memref<10000x128xf32, #tpu.memory_space<hbm>>) dst(%dma_wait3A_220 : memref<64x128xf32, #tpu.memory_space<vmem>>)
        %dma_start3A_227 = arith.constant 1 : i32
        %dma_start3A_228 = arith.constant 1 : i32
        %dma_start3A_229 = arith.constant 0 : i32
        %dma_start3A_230 = arith.constant 0 : i32
        %dma_start3A_231 = tpu.memref_slice %arg8[%dma_start3A_227, %dma_start3A_229, %dma_start3A_230] : memref<4x64x128xf32, #tpu.memory_space<vmem>> -> memref<1x64x128xf32, #tpu.memory_space<vmem>>
        %dma_start3A_232 = tpu.memref_squeeze %dma_start3A_231 : memref<1x64x128xf32, #tpu.memory_space<vmem>> -> memref<64x128xf32, #tpu.memory_space<vmem>>
        %dma_start3A_233 = arith.constant 0 : i32
        %dma_start3A_234 = tpu.memref_slice %arg7[%rem3A_186, %dma_start3A_228, %dma_start3A_233] : memref<2x4x64xi32, #tpu.memory_space<vmem>> -> memref<1x1x64xi32, #tpu.memory_space<vmem>>
        %dma_start3A_235 = tpu.memref_squeeze %dma_start3A_234 : memref<1x1x64xi32, #tpu.memory_space<vmem>> -> memref<64xi32, #tpu.memory_space<vmem>>
        %dma_start3A_236 = arith.constant 0 : i32
        %dma_start3A_237 = arith.constant 0 : i32
        %dma_start3A_238 = tpu.memref_slice %arg10[%dma_start3A_236, %dma_start3A_237] : memref<10112x128xf32, #tpu.memory_space<vmem_shared>> -> memref<10112x128xf32, #tpu.memory_space<vmem_shared>>
        tpu.enqueue_indirect_dma source(%dma_start3A_232 : memref<64x128xf32, #tpu.memory_space<vmem>>) target(%dma_start3A_238 : memref<10112x128xf32, #tpu.memory_space<vmem_shared>>) offsets(%dma_start3A_235 : memref<64xi32, #tpu.memory_space<vmem>>) semaphore(%arg16 : memref<!tpu.dma_semaphore, #tpu.memory_space<semaphore_mem>>) {add = true}
        %dma_wait3A_239 = arith.constant 2 : i32
        %dma_wait3A_240 = arith.constant 2 : i32
        %dma_wait3A_241 = arith.constant 0 : i32
        %dma_wait3A_242 = arith.constant 0 : i32
        %dma_wait3A_243 = tpu.memref_slice %arg8[%dma_wait3A_240, %dma_wait3A_241, %dma_wait3A_242] : memref<4x64x128xf32, #tpu.memory_space<vmem>> -> memref<1x64x128xf32, #tpu.memory_space<vmem>>
        %dma_wait3A_244 = tpu.memref_squeeze %dma_wait3A_243 : memref<1x64x128xf32, #tpu.memory_space<vmem>> -> memref<64x128xf32, #tpu.memory_space<vmem>>
        %dma_wait3A_245 = arith.constant 0 : i32
        %dma_wait3A_246 = tpu.memref_slice %arg6[%rem3A_186, %dma_wait3A_239, %dma_wait3A_245] : memref<2x4x64xi32, #tpu.memory_space<vmem>> -> memref<1x1x64xi32, #tpu.memory_space<vmem>>
        %dma_wait3A_247 = tpu.memref_squeeze %dma_wait3A_246 : memref<1x1x64xi32, #tpu.memory_space<vmem>> -> memref<64xi32, #tpu.memory_space<vmem>>
        %dma_wait3A_248 = arith.constant 0 : i32
        %dma_wait3A_249 = arith.constant 0 : i32
        %dma_wait3A_250 = tpu.memref_slice %arg2[%dma_wait3A_248, %dma_wait3A_249] : memref<10000x128xf32, #tpu.memory_space<hbm>> -> memref<10000x128xf32, #tpu.memory_space<hbm>>
        tpu.wait_indirect_dma semaphore(%arg13 : memref<!tpu.dma_semaphore, #tpu.memory_space<semaphore_mem>>) src(%dma_wait3A_250 : memref<10000x128xf32, #tpu.memory_space<hbm>>) dst(%dma_wait3A_244 : memref<64x128xf32, #tpu.memory_space<vmem>>)
        %dma_start3A_251 = arith.constant 2 : i32
        %dma_start3A_252 = arith.constant 2 : i32
        %dma_start3A_253 = arith.constant 0 : i32
        %dma_start3A_254 = arith.constant 0 : i32
        %dma_start3A_255 = tpu.memref_slice %arg8[%dma_start3A_251, %dma_start3A_253, %dma_start3A_254] : memref<4x64x128xf32, #tpu.memory_space<vmem>> -> memref<1x64x128xf32, #tpu.memory_space<vmem>>
        %dma_start3A_256 = tpu.memref_squeeze %dma_start3A_255 : memref<1x64x128xf32, #tpu.memory_space<vmem>> -> memref<64x128xf32, #tpu.memory_space<vmem>>
        %dma_start3A_257 = arith.constant 0 : i32
        %dma_start3A_258 = tpu.memref_slice %arg7[%rem3A_186, %dma_start3A_252, %dma_start3A_257] : memref<2x4x64xi32, #tpu.memory_space<vmem>> -> memref<1x1x64xi32, #tpu.memory_space<vmem>>
        %dma_start3A_259 = tpu.memref_squeeze %dma_start3A_258 : memref<1x1x64xi32, #tpu.memory_space<vmem>> -> memref<64xi32, #tpu.memory_space<vmem>>
        %dma_start3A_260 = arith.constant 0 : i32
        %dma_start3A_261 = arith.constant 0 : i32
        %dma_start3A_262 = tpu.memref_slice %arg10[%dma_start3A_260, %dma_start3A_261] : memref<10112x128xf32, #tpu.memory_space<vmem_shared>> -> memref<10112x128xf32, #tpu.memory_space<vmem_shared>>
        tpu.enqueue_indirect_dma source(%dma_start3A_256 : memref<64x128xf32, #tpu.memory_space<vmem>>) target(%dma_start3A_262 : memref<10112x128xf32, #tpu.memory_space<vmem_shared>>) offsets(%dma_start3A_259 : memref<64xi32, #tpu.memory_space<vmem>>) semaphore(%arg17 : memref<!tpu.dma_semaphore, #tpu.memory_space<semaphore_mem>>) {add = true}
        %dma_wait3A_263 = arith.constant 3 : i32
        %dma_wait3A_264 = arith.constant 3 : i32
        %dma_wait3A_265 = arith.constant 0 : i32
        %dma_wait3A_266 = arith.constant 0 : i32
        %dma_wait3A_267 = tpu.memref_slice %arg8[%dma_wait3A_264, %dma_wait3A_265, %dma_wait3A_266] : memref<4x64x128xf32, #tpu.memory_space<vmem>> -> memref<1x64x128xf32, #tpu.memory_space<vmem>>
        %dma_wait3A_268 = tpu.memref_squeeze %dma_wait3A_267 : memref<1x64x128xf32, #tpu.memory_space<vmem>> -> memref<64x128xf32, #tpu.memory_space<vmem>>
        %dma_wait3A_269 = arith.constant 0 : i32
        %dma_wait3A_270 = tpu.memref_slice %arg6[%rem3A_186, %dma_wait3A_263, %dma_wait3A_269] : memref<2x4x64xi32, #tpu.memory_space<vmem>> -> memref<1x1x64xi32, #tpu.memory_space<vmem>>
        %dma_wait3A_271 = tpu.memref_squeeze %dma_wait3A_270 : memref<1x1x64xi32, #tpu.memory_space<vmem>> -> memref<64xi32, #tpu.memory_space<vmem>>
        %dma_wait3A_272 = arith.constant 0 : i32
        %dma_wait3A_273 = arith.constant 0 : i32
        %dma_wait3A_274 = tpu.memref_slice %arg2[%dma_wait3A_272, %dma_wait3A_273] : memref<10000x128xf32, #tpu.memory_space<hbm>> -> memref<10000x128xf32, #tpu.memory_space<hbm>>
        tpu.wait_indirect_dma semaphore(%arg14 : memref<!tpu.dma_semaphore, #tpu.memory_space<semaphore_mem>>) src(%dma_wait3A_274 : memref<10000x128xf32, #tpu.memory_space<hbm>>) dst(%dma_wait3A_268 : memref<64x128xf32, #tpu.memory_space<vmem>>)
        %dma_start3A_275 = arith.constant 3 : i32
        %dma_start3A_276 = arith.constant 3 : i32
        %dma_start3A_277 = arith.constant 0 : i32
        %dma_start3A_278 = arith.constant 0 : i32
        %dma_start3A_279 = tpu.memref_slice %arg8[%dma_start3A_275, %dma_start3A_277, %dma_start3A_278] : memref<4x64x128xf32, #tpu.memory_space<vmem>> -> memref<1x64x128xf32, #tpu.memory_space<vmem>>
        %dma_start3A_280 = tpu.memref_squeeze %dma_start3A_279 : memref<1x64x128xf32, #tpu.memory_space<vmem>> -> memref<64x128xf32, #tpu.memory_space<vmem>>
        %dma_start3A_281 = arith.constant 0 : i32
        %dma_start3A_282 = tpu.memref_slice %arg7[%rem3A_186, %dma_start3A_276, %dma_start3A_281] : memref<2x4x64xi32, #tpu.memory_space<vmem>> -> memref<1x1x64xi32, #tpu.memory_space<vmem>>
        %dma_start3A_283 = tpu.memref_squeeze %dma_start3A_282 : memref<1x1x64xi32, #tpu.memory_space<vmem>> -> memref<64xi32, #tpu.memory_space<vmem>>
        %dma_start3A_284 = arith.constant 0 : i32
        %dma_start3A_285 = arith.constant 0 : i32
        %dma_start3A_286 = tpu.memref_slice %arg10[%dma_start3A_284, %dma_start3A_285] : memref<10112x128xf32, #tpu.memory_space<vmem_shared>> -> memref<10112x128xf32, #tpu.memory_space<vmem_shared>>
        tpu.enqueue_indirect_dma source(%dma_start3A_280 : memref<64x128xf32, #tpu.memory_space<vmem>>) target(%dma_start3A_286 : memref<10112x128xf32, #tpu.memory_space<vmem_shared>>) offsets(%dma_start3A_283 : memref<64xi32, #tpu.memory_space<vmem>>) semaphore(%arg18 : memref<!tpu.dma_semaphore, #tpu.memory_space<semaphore_mem>>) {add = true}
        %add3A_287 = arith.constant 1 : i32
        %add3A_288 = arith.addi %scan3A_185, %add3A_287 : i32
        %lt3A = arith.constant 6 : i32
        %lt3A_289 = arith.cmpi slt, %add3A_288, %lt3A : i32
        %convert_element_type3A_290 = arith.extui %lt3A_289 : i1 to i32
        %cond3A_291 = arith.constant 0 : i32
        %cond3A_292 = arith.cmpi ne, %convert_element_type3A_290, %cond3A_291 : i32
        scf.if %cond3A_292 {
          %add3A_376 = arith.constant 1 : i32
          %add3A_377 = arith.addi %scan3A_185, %add3A_376 : i32
          %mul3A_378 = arith.constant 4 : i32
          %mul3A_379 = arith.muli %add3A_377, %mul3A_378 : i32
          %add3A_380 = arith.addi %add3A_49, %mul3A_379 : i32
          %dma_wait3A_381 = arith.constant 0 : i32
          %dma_wait3A_382 = arith.constant 0 : i32
          %dma_wait3A_383 = tpu.memref_slice %arg6[%rem3A_190, %dma_wait3A_381, %dma_wait3A_382] : memref<2x4x64xi32, #tpu.memory_space<vmem>> -> memref<1x4x64xi32, #tpu.memory_space<vmem>>
          %dma_wait3A_384 = tpu.memref_squeeze %dma_wait3A_383 : memref<1x4x64xi32, #tpu.memory_space<vmem>> -> memref<4x64xi32, #tpu.memory_space<vmem>>
          %dma_wait3A_385 = arith.constant 0 : i32
          %dma_wait3A_386 = tpu.memref_slice %arg3[%add3A_380, %dma_wait3A_385] : memref<5120x64xi32, #tpu.memory_space<hbm>> -> memref<4x64xi32, #tpu.memory_space<hbm>>
          %dma_wait3A_387 = arith.constant 0 : i32
          %dma_wait3A_388 = arith.constant 0 : i32
          %dma_wait3A_389 = tpu.memref_slice %arg6[%rem3A_190, %dma_wait3A_387, %dma_wait3A_388] : memref<2x4x64xi32, #tpu.memory_space<vmem>> -> memref<1x4x64xi32, #tpu.memory_space<vmem>>
          %dma_wait3A_390 = tpu.memref_squeeze %dma_wait3A_389 : memref<1x4x64xi32, #tpu.memory_space<vmem>> -> memref<4x64xi32, #tpu.memory_space<vmem>>
          %dma_wait3A_391 = arith.constant 0 : i32
          %dma_wait3A_392 = tpu.memref_slice %arg3[%add3A_380, %dma_wait3A_391] : memref<5120x64xi32, #tpu.memory_space<hbm>> -> memref<4x64xi32, #tpu.memory_space<hbm>>
          tpu.wait_dma2 semaphore(%arg19 : memref<!tpu.dma_semaphore, #tpu.memory_space<semaphore_mem>>) src(%dma_wait3A_392 : memref<4x64xi32, #tpu.memory_space<hbm>>) dst(%dma_wait3A_390 : memref<4x64xi32, #tpu.memory_space<vmem>>)
          %dma_wait3A_393 = arith.constant 0 : i32
          %dma_wait3A_394 = arith.constant 0 : i32
          %dma_wait3A_395 = tpu.memref_slice %arg7[%rem3A_190, %dma_wait3A_393, %dma_wait3A_394] : memref<2x4x64xi32, #tpu.memory_space<vmem>> -> memref<1x4x64xi32, #tpu.memory_space<vmem>>
          %dma_wait3A_396 = tpu.memref_squeeze %dma_wait3A_395 : memref<1x4x64xi32, #tpu.memory_space<vmem>> -> memref<4x64xi32, #tpu.memory_space<vmem>>
          %dma_wait3A_397 = arith.constant 0 : i32
          %dma_wait3A_398 = tpu.memref_slice %arg4[%add3A_380, %dma_wait3A_397] : memref<5120x64xi32, #tpu.memory_space<hbm>> -> memref<4x64xi32, #tpu.memory_space<hbm>>
          %dma_wait3A_399 = arith.constant 0 : i32
          %dma_wait3A_400 = arith.constant 0 : i32
          %dma_wait3A_401 = tpu.memref_slice %arg7[%rem3A_190, %dma_wait3A_399, %dma_wait3A_400] : memref<2x4x64xi32, #tpu.memory_space<vmem>> -> memref<1x4x64xi32, #tpu.memory_space<vmem>>
          %dma_wait3A_402 = tpu.memref_squeeze %dma_wait3A_401 : memref<1x4x64xi32, #tpu.memory_space<vmem>> -> memref<4x64xi32, #tpu.memory_space<vmem>>
          %dma_wait3A_403 = arith.constant 0 : i32
          %dma_wait3A_404 = tpu.memref_slice %arg4[%add3A_380, %dma_wait3A_403] : memref<5120x64xi32, #tpu.memory_space<hbm>> -> memref<4x64xi32, #tpu.memory_space<hbm>>
          tpu.wait_dma2 semaphore(%arg19 : memref<!tpu.dma_semaphore, #tpu.memory_space<semaphore_mem>>) src(%dma_wait3A_404 : memref<4x64xi32, #tpu.memory_space<hbm>>) dst(%dma_wait3A_402 : memref<4x64xi32, #tpu.memory_space<vmem>>)
        } else {
        }
        %dma_wait3A_293 = arith.constant 0 : i32
        %dma_wait3A_294 = arith.constant 0 : i32
        %dma_wait3A_295 = arith.constant 0 : i32
        %dma_wait3A_296 = arith.constant 0 : i32
        %dma_wait3A_297 = tpu.memref_slice %arg8[%dma_wait3A_293, %dma_wait3A_295, %dma_wait3A_296] : memref<4x64x128xf32, #tpu.memory_space<vmem>> -> memref<1x64x128xf32, #tpu.memory_space<vmem>>
        %dma_wait3A_298 = tpu.memref_squeeze %dma_wait3A_297 : memref<1x64x128xf32, #tpu.memory_space<vmem>> -> memref<64x128xf32, #tpu.memory_space<vmem>>
        %dma_wait3A_299 = arith.constant 0 : i32
        %dma_wait3A_300 = tpu.memref_slice %arg7[%rem3A_186, %dma_wait3A_294, %dma_wait3A_299] : memref<2x4x64xi32, #tpu.memory_space<vmem>> -> memref<1x1x64xi32, #tpu.memory_space<vmem>>
        %dma_wait3A_301 = tpu.memref_squeeze %dma_wait3A_300 : memref<1x1x64xi32, #tpu.memory_space<vmem>> -> memref<64xi32, #tpu.memory_space<vmem>>
        %dma_wait3A_302 = arith.constant 0 : i32
        %dma_wait3A_303 = arith.constant 0 : i32
        %dma_wait3A_304 = tpu.memref_slice %arg10[%dma_wait3A_302, %dma_wait3A_303] : memref<10112x128xf32, #tpu.memory_space<vmem_shared>> -> memref<10112x128xf32, #tpu.memory_space<vmem_shared>>
        tpu.wait_indirect_dma semaphore(%arg15 : memref<!tpu.dma_semaphore, #tpu.memory_space<semaphore_mem>>) src(%dma_wait3A_298 : memref<64x128xf32, #tpu.memory_space<vmem>>) dst(%dma_wait3A_304 : memref<10112x128xf32, #tpu.memory_space<vmem_shared>>)
        %add3A_305 = arith.constant 1 : i32
        %add3A_306 = arith.addi %scan3A_185, %add3A_305 : i32
        %lt3A_307 = arith.constant 6 : i32
        %lt3A_308 = arith.cmpi slt, %add3A_306, %lt3A_307 : i32
        %convert_element_type3A_309 = arith.extui %lt3A_308 : i1 to i32
        %cond3A_310 = arith.constant 0 : i32
        %cond3A_311 = arith.cmpi ne, %convert_element_type3A_309, %cond3A_310 : i32
        scf.if %cond3A_311 {
          %dma_start3A_376 = arith.constant 0 : i32
          %dma_start3A_377 = arith.constant 0 : i32
          %dma_start3A_378 = arith.constant 0 : i32
          %dma_start3A_379 = arith.constant 0 : i32
          %dma_start3A_380 = tpu.memref_slice %arg8[%dma_start3A_377, %dma_start3A_378, %dma_start3A_379] : memref<4x64x128xf32, #tpu.memory_space<vmem>> -> memref<1x64x128xf32, #tpu.memory_space<vmem>>
          %dma_start3A_381 = tpu.memref_squeeze %dma_start3A_380 : memref<1x64x128xf32, #tpu.memory_space<vmem>> -> memref<64x128xf32, #tpu.memory_space<vmem>>
          %dma_start3A_382 = arith.constant 0 : i32
          %dma_start3A_383 = tpu.memref_slice %arg6[%rem3A_190, %dma_start3A_376, %dma_start3A_382] : memref<2x4x64xi32, #tpu.memory_space<vmem>> -> memref<1x1x64xi32, #tpu.memory_space<vmem>>
          %dma_start3A_384 = tpu.memref_squeeze %dma_start3A_383 : memref<1x1x64xi32, #tpu.memory_space<vmem>> -> memref<64xi32, #tpu.memory_space<vmem>>
          %dma_start3A_385 = arith.constant 0 : i32
          %dma_start3A_386 = arith.constant 0 : i32
          %dma_start3A_387 = tpu.memref_slice %arg2[%dma_start3A_385, %dma_start3A_386] : memref<10000x128xf32, #tpu.memory_space<hbm>> -> memref<10000x128xf32, #tpu.memory_space<hbm>>
          tpu.enqueue_indirect_dma source(%dma_start3A_387 : memref<10000x128xf32, #tpu.memory_space<hbm>>) target(%dma_start3A_381 : memref<64x128xf32, #tpu.memory_space<vmem>>) offsets(%dma_start3A_384 : memref<64xi32, #tpu.memory_space<vmem>>) semaphore(%arg11 : memref<!tpu.dma_semaphore, #tpu.memory_space<semaphore_mem>>)
        } else {
        }
        %dma_wait3A_312 = arith.constant 1 : i32
        %dma_wait3A_313 = arith.constant 1 : i32
        %dma_wait3A_314 = arith.constant 0 : i32
        %dma_wait3A_315 = arith.constant 0 : i32
        %dma_wait3A_316 = tpu.memref_slice %arg8[%dma_wait3A_312, %dma_wait3A_314, %dma_wait3A_315] : memref<4x64x128xf32, #tpu.memory_space<vmem>> -> memref<1x64x128xf32, #tpu.memory_space<vmem>>
        %dma_wait3A_317 = tpu.memref_squeeze %dma_wait3A_316 : memref<1x64x128xf32, #tpu.memory_space<vmem>> -> memref<64x128xf32, #tpu.memory_space<vmem>>
        %dma_wait3A_318 = arith.constant 0 : i32
        %dma_wait3A_319 = tpu.memref_slice %arg7[%rem3A_186, %dma_wait3A_313, %dma_wait3A_318] : memref<2x4x64xi32, #tpu.memory_space<vmem>> -> memref<1x1x64xi32, #tpu.memory_space<vmem>>
        %dma_wait3A_320 = tpu.memref_squeeze %dma_wait3A_319 : memref<1x1x64xi32, #tpu.memory_space<vmem>> -> memref<64xi32, #tpu.memory_space<vmem>>
        %dma_wait3A_321 = arith.constant 0 : i32
        %dma_wait3A_322 = arith.constant 0 : i32
        %dma_wait3A_323 = tpu.memref_slice %arg10[%dma_wait3A_321, %dma_wait3A_322] : memref<10112x128xf32, #tpu.memory_space<vmem_shared>> -> memref<10112x128xf32, #tpu.memory_space<vmem_shared>>
        tpu.wait_indirect_dma semaphore(%arg16 : memref<!tpu.dma_semaphore, #tpu.memory_space<semaphore_mem>>) src(%dma_wait3A_317 : memref<64x128xf32, #tpu.memory_space<vmem>>) dst(%dma_wait3A_323 : memref<10112x128xf32, #tpu.memory_space<vmem_shared>>)
        %add3A_324 = arith.constant 1 : i32
        %add3A_325 = arith.addi %scan3A_185, %add3A_324 : i32
        %lt3A_326 = arith.constant 6 : i32
        %lt3A_327 = arith.cmpi slt, %add3A_325, %lt3A_326 : i32
        %convert_element_type3A_328 = arith.extui %lt3A_327 : i1 to i32
        %cond3A_329 = arith.constant 0 : i32
        %cond3A_330 = arith.cmpi ne, %convert_element_type3A_328, %cond3A_329 : i32
        scf.if %cond3A_330 {
          %dma_start3A_376 = arith.constant 1 : i32
          %dma_start3A_377 = arith.constant 1 : i32
          %dma_start3A_378 = arith.constant 0 : i32
          %dma_start3A_379 = arith.constant 0 : i32
          %dma_start3A_380 = tpu.memref_slice %arg8[%dma_start3A_377, %dma_start3A_378, %dma_start3A_379] : memref<4x64x128xf32, #tpu.memory_space<vmem>> -> memref<1x64x128xf32, #tpu.memory_space<vmem>>
          %dma_start3A_381 = tpu.memref_squeeze %dma_start3A_380 : memref<1x64x128xf32, #tpu.memory_space<vmem>> -> memref<64x128xf32, #tpu.memory_space<vmem>>
          %dma_start3A_382 = arith.constant 0 : i32
          %dma_start3A_383 = tpu.memref_slice %arg6[%rem3A_190, %dma_start3A_376, %dma_start3A_382] : memref<2x4x64xi32, #tpu.memory_space<vmem>> -> memref<1x1x64xi32, #tpu.memory_space<vmem>>
          %dma_start3A_384 = tpu.memref_squeeze %dma_start3A_383 : memref<1x1x64xi32, #tpu.memory_space<vmem>> -> memref<64xi32, #tpu.memory_space<vmem>>
          %dma_start3A_385 = arith.constant 0 : i32
          %dma_start3A_386 = arith.constant 0 : i32
          %dma_start3A_387 = tpu.memref_slice %arg2[%dma_start3A_385, %dma_start3A_386] : memref<10000x128xf32, #tpu.memory_space<hbm>> -> memref<10000x128xf32, #tpu.memory_space<hbm>>
          tpu.enqueue_indirect_dma source(%dma_start3A_387 : memref<10000x128xf32, #tpu.memory_space<hbm>>) target(%dma_start3A_381 : memref<64x128xf32, #tpu.memory_space<vmem>>) offsets(%dma_start3A_384 : memref<64xi32, #tpu.memory_space<vmem>>) semaphore(%arg12 : memref<!tpu.dma_semaphore, #tpu.memory_space<semaphore_mem>>)
        } else {
        }
        %dma_wait3A_331 = arith.constant 2 : i32
        %dma_wait3A_332 = arith.constant 2 : i32
        %dma_wait3A_333 = arith.constant 0 : i32
        %dma_wait3A_334 = arith.constant 0 : i32
        %dma_wait3A_335 = tpu.memref_slice %arg8[%dma_wait3A_331, %dma_wait3A_333, %dma_wait3A_334] : memref<4x64x128xf32, #tpu.memory_space<vmem>> -> memref<1x64x128xf32, #tpu.memory_space<vmem>>
        %dma_wait3A_336 = tpu.memref_squeeze %dma_wait3A_335 : memref<1x64x128xf32, #tpu.memory_space<vmem>> -> memref<64x128xf32, #tpu.memory_space<vmem>>
        %dma_wait3A_337 = arith.constant 0 : i32
        %dma_wait3A_338 = tpu.memref_slice %arg7[%rem3A_186, %dma_wait3A_332, %dma_wait3A_337] : memref<2x4x64xi32, #tpu.memory_space<vmem>> -> memref<1x1x64xi32, #tpu.memory_space<vmem>>
        %dma_wait3A_339 = tpu.memref_squeeze %dma_wait3A_338 : memref<1x1x64xi32, #tpu.memory_space<vmem>> -> memref<64xi32, #tpu.memory_space<vmem>>
        %dma_wait3A_340 = arith.constant 0 : i32
        %dma_wait3A_341 = arith.constant 0 : i32
        %dma_wait3A_342 = tpu.memref_slice %arg10[%dma_wait3A_340, %dma_wait3A_341] : memref<10112x128xf32, #tpu.memory_space<vmem_shared>> -> memref<10112x128xf32, #tpu.memory_space<vmem_shared>>
        tpu.wait_indirect_dma semaphore(%arg17 : memref<!tpu.dma_semaphore, #tpu.memory_space<semaphore_mem>>) src(%dma_wait3A_336 : memref<64x128xf32, #tpu.memory_space<vmem>>) dst(%dma_wait3A_342 : memref<10112x128xf32, #tpu.memory_space<vmem_shared>>)
        %add3A_343 = arith.constant 1 : i32
        %add3A_344 = arith.addi %scan3A_185, %add3A_343 : i32
        %lt3A_345 = arith.constant 6 : i32
        %lt3A_346 = arith.cmpi slt, %add3A_344, %lt3A_345 : i32
        %convert_element_type3A_347 = arith.extui %lt3A_346 : i1 to i32
        %cond3A_348 = arith.constant 0 : i32
        %cond3A_349 = arith.cmpi ne, %convert_element_type3A_347, %cond3A_348 : i32
        scf.if %cond3A_349 {
          %dma_start3A_376 = arith.constant 2 : i32
          %dma_start3A_377 = arith.constant 2 : i32
          %dma_start3A_378 = arith.constant 0 : i32
          %dma_start3A_379 = arith.constant 0 : i32
          %dma_start3A_380 = tpu.memref_slice %arg8[%dma_start3A_377, %dma_start3A_378, %dma_start3A_379] : memref<4x64x128xf32, #tpu.memory_space<vmem>> -> memref<1x64x128xf32, #tpu.memory_space<vmem>>
          %dma_start3A_381 = tpu.memref_squeeze %dma_start3A_380 : memref<1x64x128xf32, #tpu.memory_space<vmem>> -> memref<64x128xf32, #tpu.memory_space<vmem>>
          %dma_start3A_382 = arith.constant 0 : i32
          %dma_start3A_383 = tpu.memref_slice %arg6[%rem3A_190, %dma_start3A_376, %dma_start3A_382] : memref<2x4x64xi32, #tpu.memory_space<vmem>> -> memref<1x1x64xi32, #tpu.memory_space<vmem>>
          %dma_start3A_384 = tpu.memref_squeeze %dma_start3A_383 : memref<1x1x64xi32, #tpu.memory_space<vmem>> -> memref<64xi32, #tpu.memory_space<vmem>>
          %dma_start3A_385 = arith.constant 0 : i32
          %dma_start3A_386 = arith.constant 0 : i32
          %dma_start3A_387 = tpu.memref_slice %arg2[%dma_start3A_385, %dma_start3A_386] : memref<10000x128xf32, #tpu.memory_space<hbm>> -> memref<10000x128xf32, #tpu.memory_space<hbm>>
          tpu.enqueue_indirect_dma source(%dma_start3A_387 : memref<10000x128xf32, #tpu.memory_space<hbm>>) target(%dma_start3A_381 : memref<64x128xf32, #tpu.memory_space<vmem>>) offsets(%dma_start3A_384 : memref<64xi32, #tpu.memory_space<vmem>>) semaphore(%arg13 : memref<!tpu.dma_semaphore, #tpu.memory_space<semaphore_mem>>)
        } else {
        }
        %dma_wait3A_350 = arith.constant 3 : i32
        %dma_wait3A_351 = arith.constant 3 : i32
        %dma_wait3A_352 = arith.constant 0 : i32
        %dma_wait3A_353 = arith.constant 0 : i32
        %dma_wait3A_354 = tpu.memref_slice %arg8[%dma_wait3A_350, %dma_wait3A_352, %dma_wait3A_353] : memref<4x64x128xf32, #tpu.memory_space<vmem>> -> memref<1x64x128xf32, #tpu.memory_space<vmem>>
        %dma_wait3A_355 = tpu.memref_squeeze %dma_wait3A_354 : memref<1x64x128xf32, #tpu.memory_space<vmem>> -> memref<64x128xf32, #tpu.memory_space<vmem>>
        %dma_wait3A_356 = arith.constant 0 : i32
        %dma_wait3A_357 = tpu.memref_slice %arg7[%rem3A_186, %dma_wait3A_351, %dma_wait3A_356] : memref<2x4x64xi32, #tpu.memory_space<vmem>> -> memref<1x1x64xi32, #tpu.memory_space<vmem>>
        %dma_wait3A_358 = tpu.memref_squeeze %dma_wait3A_357 : memref<1x1x64xi32, #tpu.memory_space<vmem>> -> memref<64xi32, #tpu.memory_space<vmem>>
        %dma_wait3A_359 = arith.constant 0 : i32
        %dma_wait3A_360 = arith.constant 0 : i32
        %dma_wait3A_361 = tpu.memref_slice %arg10[%dma_wait3A_359, %dma_wait3A_360] : memref<10112x128xf32, #tpu.memory_space<vmem_shared>> -> memref<10112x128xf32, #tpu.memory_space<vmem_shared>>
        tpu.wait_indirect_dma semaphore(%arg18 : memref<!tpu.dma_semaphore, #tpu.memory_space<semaphore_mem>>) src(%dma_wait3A_355 : memref<64x128xf32, #tpu.memory_space<vmem>>) dst(%dma_wait3A_361 : memref<10112x128xf32, #tpu.memory_space<vmem_shared>>)
        %add3A_362 = arith.constant 1 : i32
        %add3A_363 = arith.addi %scan3A_185, %add3A_362 : i32
        %lt3A_364 = arith.constant 6 : i32
        %lt3A_365 = arith.cmpi slt, %add3A_363, %lt3A_364 : i32
        %convert_element_type3A_366 = arith.extui %lt3A_365 : i1 to i32
        %cond3A_367 = arith.constant 0 : i32
        %cond3A_368 = arith.cmpi ne, %convert_element_type3A_366, %cond3A_367 : i32
        scf.if %cond3A_368 {
          %dma_start3A_376 = arith.constant 3 : i32
          %dma_start3A_377 = arith.constant 3 : i32
          %dma_start3A_378 = arith.constant 0 : i32
          %dma_start3A_379 = arith.constant 0 : i32
          %dma_start3A_380 = tpu.memref_slice %arg8[%dma_start3A_377, %dma_start3A_378, %dma_start3A_379] : memref<4x64x128xf32, #tpu.memory_space<vmem>> -> memref<1x64x128xf32, #tpu.memory_space<vmem>>
          %dma_start3A_381 = tpu.memref_squeeze %dma_start3A_380 : memref<1x64x128xf32, #tpu.memory_space<vmem>> -> memref<64x128xf32, #tpu.memory_space<vmem>>
          %dma_start3A_382 = arith.constant 0 : i32
          %dma_start3A_383 = tpu.memref_slice %arg6[%rem3A_190, %dma_start3A_376, %dma_start3A_382] : memref<2x4x64xi32, #tpu.memory_space<vmem>> -> memref<1x1x64xi32, #tpu.memory_space<vmem>>
          %dma_start3A_384 = tpu.memref_squeeze %dma_start3A_383 : memref<1x1x64xi32, #tpu.memory_space<vmem>> -> memref<64xi32, #tpu.memory_space<vmem>>
          %dma_start3A_385 = arith.constant 0 : i32
          %dma_start3A_386 = arith.constant 0 : i32
          %dma_start3A_387 = tpu.memref_slice %arg2[%dma_start3A_385, %dma_start3A_386] : memref<10000x128xf32, #tpu.memory_space<hbm>> -> memref<10000x128xf32, #tpu.memory_space<hbm>>
          tpu.enqueue_indirect_dma source(%dma_start3A_387 : memref<10000x128xf32, #tpu.memory_space<hbm>>) target(%dma_start3A_381 : memref<64x128xf32, #tpu.memory_space<vmem>>) offsets(%dma_start3A_384 : memref<64xi32, #tpu.memory_space<vmem>>) semaphore(%arg14 : memref<!tpu.dma_semaphore, #tpu.memory_space<semaphore_mem>>)
        } else {
        }
        %add3A_369 = arith.constant 2 : i32
        %add3A_370 = arith.addi %scan3A_185, %add3A_369 : i32
        %lt3A_371 = arith.constant 6 : i32
        %lt3A_372 = arith.cmpi slt, %add3A_370, %lt3A_371 : i32
        %convert_element_type3A_373 = arith.extui %lt3A_372 : i1 to i32
        %cond3A_374 = arith.constant 0 : i32
        %cond3A_375 = arith.cmpi ne, %convert_element_type3A_373, %cond3A_374 : i32
        scf.if %cond3A_375 {
          %add3A_376 = arith.constant 2 : i32
          %add3A_377 = arith.addi %scan3A_185, %add3A_376 : i32
          %mul3A_378 = arith.constant 4 : i32
          %mul3A_379 = arith.muli %add3A_377, %mul3A_378 : i32
          %add3A_380 = arith.addi %add3A_49, %mul3A_379 : i32
          %dma_start3A_381 = arith.constant 0 : i32
          %dma_start3A_382 = arith.constant 0 : i32
          %dma_start3A_383 = tpu.memref_slice %arg6[%rem3A_186, %dma_start3A_381, %dma_start3A_382] : memref<2x4x64xi32, #tpu.memory_space<vmem>> -> memref<1x4x64xi32, #tpu.memory_space<vmem>>
          %dma_start3A_384 = tpu.memref_squeeze %dma_start3A_383 : memref<1x4x64xi32, #tpu.memory_space<vmem>> -> memref<4x64xi32, #tpu.memory_space<vmem>>
          %dma_start3A_385 = arith.constant 0 : i32
          %dma_start3A_386 = tpu.memref_slice %arg3[%add3A_380, %dma_start3A_385] : memref<5120x64xi32, #tpu.memory_space<hbm>> -> memref<4x64xi32, #tpu.memory_space<hbm>>
          %dma_start3A_387 = arith.constant 0 : i32
          %dma_start3A_388 = arith.constant 0 : i32
          %dma_start3A_389 = tpu.memref_slice %arg6[%rem3A_186, %dma_start3A_387, %dma_start3A_388] : memref<2x4x64xi32, #tpu.memory_space<vmem>> -> memref<1x4x64xi32, #tpu.memory_space<vmem>>
          %dma_start3A_390 = tpu.memref_squeeze %dma_start3A_389 : memref<1x4x64xi32, #tpu.memory_space<vmem>> -> memref<4x64xi32, #tpu.memory_space<vmem>>
          %dma_start3A_391 = arith.constant 0 : i32
          %dma_start3A_392 = tpu.memref_slice %arg3[%add3A_380, %dma_start3A_391] : memref<5120x64xi32, #tpu.memory_space<hbm>> -> memref<4x64xi32, #tpu.memory_space<hbm>>
          tpu.enqueue_dma source(%dma_start3A_392 : memref<4x64xi32, #tpu.memory_space<hbm>>) target(%dma_start3A_390 : memref<4x64xi32, #tpu.memory_space<vmem>>) target_semaphore(%arg19 : memref<!tpu.dma_semaphore, #tpu.memory_space<semaphore_mem>>)
          %dma_start3A_393 = arith.constant 0 : i32
          %dma_start3A_394 = arith.constant 0 : i32
          %dma_start3A_395 = tpu.memref_slice %arg7[%rem3A_186, %dma_start3A_393, %dma_start3A_394] : memref<2x4x64xi32, #tpu.memory_space<vmem>> -> memref<1x4x64xi32, #tpu.memory_space<vmem>>
          %dma_start3A_396 = tpu.memref_squeeze %dma_start3A_395 : memref<1x4x64xi32, #tpu.memory_space<vmem>> -> memref<4x64xi32, #tpu.memory_space<vmem>>
          %dma_start3A_397 = arith.constant 0 : i32
          %dma_start3A_398 = tpu.memref_slice %arg4[%add3A_380, %dma_start3A_397] : memref<5120x64xi32, #tpu.memory_space<hbm>> -> memref<4x64xi32, #tpu.memory_space<hbm>>
          %dma_start3A_399 = arith.constant 0 : i32
          %dma_start3A_400 = arith.constant 0 : i32
          %dma_start3A_401 = tpu.memref_slice %arg7[%rem3A_186, %dma_start3A_399, %dma_start3A_400] : memref<2x4x64xi32, #tpu.memory_space<vmem>> -> memref<1x4x64xi32, #tpu.memory_space<vmem>>
          %dma_start3A_402 = tpu.memref_squeeze %dma_start3A_401 : memref<1x4x64xi32, #tpu.memory_space<vmem>> -> memref<4x64xi32, #tpu.memory_space<vmem>>
          %dma_start3A_403 = arith.constant 0 : i32
          %dma_start3A_404 = tpu.memref_slice %arg4[%add3A_380, %dma_start3A_403] : memref<5120x64xi32, #tpu.memory_space<hbm>> -> memref<4x64xi32, #tpu.memory_space<hbm>>
          tpu.enqueue_dma source(%dma_start3A_404 : memref<4x64xi32, #tpu.memory_space<hbm>>) target(%dma_start3A_402 : memref<4x64xi32, #tpu.memory_space<vmem>>) target_semaphore(%arg19 : memref<!tpu.dma_semaphore, #tpu.memory_space<semaphore_mem>>)
        } else {
        }
      }
      %scan3A_184 = arith.constant 6 : i32
    } else {
    }
    %barrier3A_41 = arith.constant 0 : index
    tpu.barrier barrier_id(%barrier3A_41)
    %mul3A_42 = arith.constant 632 : i32
    %mul3A_43 = arith.muli %arg1, %mul3A_42 : i32
    %mul3A_44 = arith.constant 632 : i32
    %mul3A_45 = arith.muli %arg1, %mul3A_44 : i32
    "tpu.region"() ({
      %run_scoped3A = tpu.sem_alloc : memref<!tpu.dma_semaphore, #tpu.memory_space<semaphore_mem>>
      %dma_start3A = arith.constant 0 : i32
      %dma_start3A_46 = tpu.memref_slice %arg5[%arg0, %mul3A_45, %dma_start3A] : memref<2x10112x128xf32, #tpu.memory_space<hbm>> -> memref<1x632x128xf32, #tpu.memory_space<hbm>>
      %dma_start3A_47 = tpu.memref_squeeze %dma_start3A_46 : memref<1x632x128xf32, #tpu.memory_space<hbm>> -> memref<632x128xf32, #tpu.memory_space<hbm>>
      %dma_start3A_48 = arith.constant 0 : i32
      %dma_start3A_49 = tpu.memref_slice %arg10[%mul3A_43, %dma_start3A_48] : memref<10112x128xf32, #tpu.memory_space<vmem_shared>> -> memref<632x128xf32, #tpu.memory_space<vmem_shared>>
      tpu.enqueue_dma source(%dma_start3A_49 : memref<632x128xf32, #tpu.memory_space<vmem_shared>>) target(%dma_start3A_47 : memref<632x128xf32, #tpu.memory_space<hbm>>) target_semaphore(%run_scoped3A : memref<!tpu.dma_semaphore, #tpu.memory_space<semaphore_mem>>)
      %dma_wait3A = arith.constant 0 : i32
      %dma_wait3A_50 = tpu.memref_slice %arg5[%arg0, %mul3A_45, %dma_wait3A] : memref<2x10112x128xf32, #tpu.memory_space<hbm>> -> memref<1x632x128xf32, #tpu.memory_space<hbm>>
      %dma_wait3A_51 = tpu.memref_squeeze %dma_wait3A_50 : memref<1x632x128xf32, #tpu.memory_space<hbm>> -> memref<632x128xf32, #tpu.memory_space<hbm>>
      %dma_wait3A_52 = arith.constant 0 : i32
      %dma_wait3A_53 = tpu.memref_slice %arg10[%mul3A_43, %dma_wait3A_52] : memref<10112x128xf32, #tpu.memory_space<vmem_shared>> -> memref<632x128xf32, #tpu.memory_space<vmem_shared>>
      tpu.wait_dma2 semaphore(%run_scoped3A : memref<!tpu.dma_semaphore, #tpu.memory_space<semaphore_mem>>) src(%dma_wait3A_53 : memref<632x128xf32, #tpu.memory_space<vmem_shared>>) dst(%dma_wait3A_51 : memref<632x128xf32, #tpu.memory_space<hbm>>)
      tpu.yield
    }) : () -> ()
    return
  }
}

#map = affine_map<(d0, d1) -> (0, 0)>
#map1 = affine_map<(d0, d1) -> (0, 0, 0)>
module attributes {stable_mosaic.version = 14 : i64} {
  func.func @_sc_agg_body(%arg0: i32, %arg1: i32, %arg2: memref<10000x128xf32, #tpu.memory_space<hbm>>, %arg3: memref<5120x64xi32, #tpu.memory_space<hbm>>, %arg4: memref<5120x64xi32, #tpu.memory_space<hbm>>, %arg5: memref<2x10112x128xf32, #tpu.memory_space<hbm>>, %arg6: memref<2x4x64xi32, #tpu.memory_space<vmem>>, %arg7: memref<2x4x64xi32, #tpu.memory_space<vmem>>, %arg8: memref<4x64x128xf32, #tpu.memory_space<vmem>>, %arg9: memref<79x128xf32, #tpu.memory_space<vmem>>, %arg10: memref<10112x128xf32, #tpu.memory_space<vmem_shared>>, %arg11: memref<!tpu.dma_semaphore, #tpu.memory_space<semaphore_mem>>, %arg12: memref<!tpu.dma_semaphore, #tpu.memory_space<semaphore_mem>>, %arg13: memref<!tpu.dma_semaphore, #tpu.memory_space<semaphore_mem>>, %arg14: memref<!tpu.dma_semaphore, #tpu.memory_space<semaphore_mem>>, %arg15: memref<!tpu.dma_semaphore, #tpu.memory_space<semaphore_mem>>, %arg16: memref<!tpu.dma_semaphore, #tpu.memory_space<semaphore_mem>>, %arg17: memref<!tpu.dma_semaphore, #tpu.memory_space<semaphore_mem>>, %arg18: memref<!tpu.dma_semaphore, #tpu.memory_space<semaphore_mem>>, %arg19: memref<!tpu.dma_semaphore, #tpu.memory_space<semaphore_mem>>) attributes {dimension_semantics = [#tpu.dimension_semantics<core_parallel>, #tpu.dimension_semantics<subcore_parallel>], iteration_bounds = array<i64: 2, 16>, scalar_prefetch = 0 : i64, scratch_operands = 14 : i64, tpu.core_type = #tpu.core_type<sc_vector_subcore>, window_params = [{transform_indices = #map}, {transform_indices = #map}, {transform_indices = #map}, {transform_indices = #map1}]} {
    %scan3A = arith.constant 0 : i32
    %scan3A_0 = arith.constant 79 : i32
    %scan3A_1 = arith.addi %scan3A, %scan3A_0 : i32
    %scan3A_2 = arith.constant 1 : i32
    scf.for %scan3A_46 = %scan3A to %scan3A_1 step %scan3A_2  : i32 {
      %broadcast_in_dim3A = arith.constant 0.000000e+00 : f32
      %broadcast_in_dim3A_47 = vector.broadcast %broadcast_in_dim3A : f32 to vector<16xf32>
      %swap3A = arith.index_cast %scan3A_46 : i32 to index
      %swap3A_48 = arith.constant 0 : index
      %swap3A_49 = tpu.vector_load %arg9[%swap3A, %swap3A_48] {strides = array<i32>} : memref<79x128xf32, #tpu.memory_space<vmem>>, vector<1x16xf32>,
      %swap3A_50 = vector.shape_cast %swap3A_49 : vector<1x16xf32> to vector<16xf32>
      %swap3A_51 = vector.shape_cast %broadcast_in_dim3A_47 : vector<16xf32> to vector<1x16xf32>
      tpu.vector_store %arg9[%swap3A, %swap3A_48], %swap3A_51 {strides = array<i32>} : memref<79x128xf32, #tpu.memory_space<vmem>>, vector<1x16xf32>,
      %broadcast_in_dim3A_52 = arith.constant 0.000000e+00 : f32
      %broadcast_in_dim3A_53 = vector.broadcast %broadcast_in_dim3A_52 : f32 to vector<16xf32>
      %swap3A_54 = arith.index_cast %scan3A_46 : i32 to index
      %swap3A_55 = arith.constant 16 : index
      %swap3A_56 = tpu.vector_load %arg9[%swap3A_54, %swap3A_55] {strides = array<i32>} : memref<79x128xf32, #tpu.memory_space<vmem>>, vector<1x16xf32>,
      %swap3A_57 = vector.shape_cast %swap3A_56 : vector<1x16xf32> to vector<16xf32>
      %swap3A_58 = vector.shape_cast %broadcast_in_dim3A_53 : vector<16xf32> to vector<1x16xf32>
      tpu.vector_store %arg9[%swap3A_54, %swap3A_55], %swap3A_58 {strides = array<i32>} : memref<79x128xf32, #tpu.memory_space<vmem>>, vector<1x16xf32>,
      %broadcast_in_dim3A_59 = arith.constant 0.000000e+00 : f32
      %broadcast_in_dim3A_60 = vector.broadcast %broadcast_in_dim3A_59 : f32 to vector<16xf32>
      %swap3A_61 = arith.index_cast %scan3A_46 : i32 to index
      %swap3A_62 = arith.constant 32 : index
      %swap3A_63 = tpu.vector_load %arg9[%swap3A_61, %swap3A_62] {strides = array<i32>} : memref<79x128xf32, #tpu.memory_space<vmem>>, vector<1x16xf32>,
      %swap3A_64 = vector.shape_cast %swap3A_63 : vector<1x16xf32> to vector<16xf32>
      %swap3A_65 = vector.shape_cast %broadcast_in_dim3A_60 : vector<16xf32> to vector<1x16xf32>
      tpu.vector_store %arg9[%swap3A_61, %swap3A_62], %swap3A_65 {strides = array<i32>} : memref<79x128xf32, #tpu.memory_space<vmem>>, vector<1x16xf32>,
      %broadcast_in_dim3A_66 = arith.constant 0.000000e+00 : f32
      %broadcast_in_dim3A_67 = vector.broadcast %broadcast_in_dim3A_66 : f32 to vector<16xf32>
      %swap3A_68 = arith.index_cast %scan3A_46 : i32 to index
      %swap3A_69 = arith.constant 48 : index
      %swap3A_70 = tpu.vector_load %arg9[%swap3A_68, %swap3A_69] {strides = array<i32>} : memref<79x128xf32, #tpu.memory_space<vmem>>, vector<1x16xf32>,
      %swap3A_71 = vector.shape_cast %swap3A_70 : vector<1x16xf32> to vector<16xf32>
      %swap3A_72 = vector.shape_cast %broadcast_in_dim3A_67 : vector<16xf32> to vector<1x16xf32>
      tpu.vector_store %arg9[%swap3A_68, %swap3A_69], %swap3A_72 {strides = array<i32>} : memref<79x128xf32, #tpu.memory_space<vmem>>, vector<1x16xf32>,
      %broadcast_in_dim3A_73 = arith.constant 0.000000e+00 : f32
      %broadcast_in_dim3A_74 = vector.broadcast %broadcast_in_dim3A_73 : f32 to vector<16xf32>
      %swap3A_75 = arith.index_cast %scan3A_46 : i32 to index
      %swap3A_76 = arith.constant 64 : index
      %swap3A_77 = tpu.vector_load %arg9[%swap3A_75, %swap3A_76] {strides = array<i32>} : memref<79x128xf32, #tpu.memory_space<vmem>>, vector<1x16xf32>,
      %swap3A_78 = vector.shape_cast %swap3A_77 : vector<1x16xf32> to vector<16xf32>
      %swap3A_79 = vector.shape_cast %broadcast_in_dim3A_74 : vector<16xf32> to vector<1x16xf32>
      tpu.vector_store %arg9[%swap3A_75, %swap3A_76], %swap3A_79 {strides = array<i32>} : memref<79x128xf32, #tpu.memory_space<vmem>>, vector<1x16xf32>,
      %broadcast_in_dim3A_80 = arith.constant 0.000000e+00 : f32
      %broadcast_in_dim3A_81 = vector.broadcast %broadcast_in_dim3A_80 : f32 to vector<16xf32>
      %swap3A_82 = arith.index_cast %scan3A_46 : i32 to index
      %swap3A_83 = arith.constant 80 : index
      %swap3A_84 = tpu.vector_load %arg9[%swap3A_82, %swap3A_83] {strides = array<i32>} : memref<79x128xf32, #tpu.memory_space<vmem>>, vector<1x16xf32>,
      %swap3A_85 = vector.shape_cast %swap3A_84 : vector<1x16xf32> to vector<16xf32>
      %swap3A_86 = vector.shape_cast %broadcast_in_dim3A_81 : vector<16xf32> to vector<1x16xf32>
      tpu.vector_store %arg9[%swap3A_82, %swap3A_83], %swap3A_86 {strides = array<i32>} : memref<79x128xf32, #tpu.memory_space<vmem>>, vector<1x16xf32>,
      %broadcast_in_dim3A_87 = arith.constant 0.000000e+00 : f32
      %broadcast_in_dim3A_88 = vector.broadcast %broadcast_in_dim3A_87 : f32 to vector<16xf32>
      %swap3A_89 = arith.index_cast %scan3A_46 : i32 to index
      %swap3A_90 = arith.constant 96 : index
      %swap3A_91 = tpu.vector_load %arg9[%swap3A_89, %swap3A_90] {strides = array<i32>} : memref<79x128xf32, #tpu.memory_space<vmem>>, vector<1x16xf32>,
      %swap3A_92 = vector.shape_cast %swap3A_91 : vector<1x16xf32> to vector<16xf32>
      %swap3A_93 = vector.shape_cast %broadcast_in_dim3A_88 : vector<16xf32> to vector<1x16xf32>
      tpu.vector_store %arg9[%swap3A_89, %swap3A_90], %swap3A_93 {strides = array<i32>} : memref<79x128xf32, #tpu.memory_space<vmem>>, vector<1x16xf32>,
      %broadcast_in_dim3A_94 = arith.constant 0.000000e+00 : f32
      %broadcast_in_dim3A_95 = vector.broadcast %broadcast_in_dim3A_94 : f32 to vector<16xf32>
      %swap3A_96 = arith.index_cast %scan3A_46 : i32 to index
      %swap3A_97 = arith.constant 112 : index
      %swap3A_98 = tpu.vector_load %arg9[%swap3A_96, %swap3A_97] {strides = array<i32>} : memref<79x128xf32, #tpu.memory_space<vmem>>, vector<1x16xf32>,
      %swap3A_99 = vector.shape_cast %swap3A_98 : vector<1x16xf32> to vector<16xf32>
      %swap3A_100 = vector.shape_cast %broadcast_in_dim3A_95 : vector<16xf32> to vector<1x16xf32>
      tpu.vector_store %arg9[%swap3A_96, %swap3A_97], %swap3A_100 {strides = array<i32>} : memref<79x128xf32, #tpu.memory_space<vmem>>, vector<1x16xf32>,
    }
    %scan3A_3 = arith.constant 79 : i32
    %mul3A = arith.constant 632 : i32
    %mul3A_4 = arith.muli %arg1, %mul3A : i32
    %add3A = arith.constant 0 : i32
    %add3A_5 = arith.addi %mul3A_4, %add3A : i32
    "tpu.region"() ({
      %run_scoped3A = tpu.sem_alloc : memref<!tpu.dma_semaphore, #tpu.memory_space<semaphore_mem>>
      %dma_start3A = arith.constant 0 : i32
      %dma_start3A_46 = tpu.memref_slice %arg10[%add3A_5, %dma_start3A] : memref<10112x128xf32, #tpu.memory_space<vmem_shared>> -> memref<79x128xf32, #tpu.memory_space<vmem_shared>>
      %dma_start3A_47 = arith.constant 0 : i32
      %dma_start3A_48 = tpu.memref_slice %arg10[%add3A_5, %dma_start3A_47] : memref<10112x128xf32, #tpu.memory_space<vmem_shared>> -> memref<79x128xf32, #tpu.memory_space<vmem_shared>>
      tpu.enqueue_dma source(%arg9 : memref<79x128xf32, #tpu.memory_space<vmem>>) target(%dma_start3A_48 : memref<79x128xf32, #tpu.memory_space<vmem_shared>>) target_semaphore(%run_scoped3A : memref<!tpu.dma_semaphore, #tpu.memory_space<semaphore_mem>>)
      %dma_wait3A = arith.constant 0 : i32
      %dma_wait3A_49 = tpu.memref_slice %arg10[%add3A_5, %dma_wait3A] : memref<10112x128xf32, #tpu.memory_space<vmem_shared>> -> memref<79x128xf32, #tpu.memory_space<vmem_shared>>
      %dma_wait3A_50 = arith.constant 0 : i32
      %dma_wait3A_51 = tpu.memref_slice %arg10[%add3A_5, %dma_wait3A_50] : memref<10112x128xf32, #tpu.memory_space<vmem_shared>> -> memref<79x128xf32, #tpu.memory_space<vmem_shared>>
      tpu.wait_dma2 semaphore(%run_scoped3A : memref<!tpu.dma_semaphore, #tpu.memory_space<semaphore_mem>>) src(%arg9 : memref<79x128xf32, #tpu.memory_space<vmem>>) dst(%dma_wait3A_51 : memref<79x128xf32, #tpu.memory_space<vmem_shared>>)
      tpu.yield
    }) : () -> ()
    %mul3A_6 = arith.constant 632 : i32
    %mul3A_7 = arith.muli %arg1, %mul3A_6 : i32
    %add3A_8 = arith.constant 79 : i32
    %add3A_9 = arith.addi %mul3A_7, %add3A_8 : i32
    "tpu.region"() ({
      %run_scoped3A = tpu.sem_alloc : memref<!tpu.dma_semaphore, #tpu.memory_space<semaphore_mem>>
      %dma_start3A = arith.constant 0 : i32
      %dma_start3A_46 = tpu.memref_slice %arg10[%add3A_9, %dma_start3A] : memref<10112x128xf32, #tpu.memory_space<vmem_shared>> -> memref<79x128xf32, #tpu.memory_space<vmem_shared>>
      %dma_start3A_47 = arith.constant 0 : i32
      %dma_start3A_48 = tpu.memref_slice %arg10[%add3A_9, %dma_start3A_47] : memref<10112x128xf32, #tpu.memory_space<vmem_shared>> -> memref<79x128xf32, #tpu.memory_space<vmem_shared>>
      tpu.enqueue_dma source(%arg9 : memref<79x128xf32, #tpu.memory_space<vmem>>) target(%dma_start3A_48 : memref<79x128xf32, #tpu.memory_space<vmem_shared>>) target_semaphore(%run_scoped3A : memref<!tpu.dma_semaphore, #tpu.memory_space<semaphore_mem>>)
      %dma_wait3A = arith.constant 0 : i32
      %dma_wait3A_49 = tpu.memref_slice %arg10[%add3A_9, %dma_wait3A] : memref<10112x128xf32, #tpu.memory_space<vmem_shared>> -> memref<79x128xf32, #tpu.memory_space<vmem_shared>>
      %dma_wait3A_50 = arith.constant 0 : i32
      %dma_wait3A_51 = tpu.memref_slice %arg10[%add3A_9, %dma_wait3A_50] : memref<10112x128xf32, #tpu.memory_space<vmem_shared>> -> memref<79x128xf32, #tpu.memory_space<vmem_shared>>
      tpu.wait_dma2 semaphore(%run_scoped3A : memref<!tpu.dma_semaphore, #tpu.memory_space<semaphore_mem>>) src(%arg9 : memref<79x128xf32, #tpu.memory_space<vmem>>) dst(%dma_wait3A_51 : memref<79x128xf32, #tpu.memory_space<vmem_shared>>)
      tpu.yield
    }) : () -> ()
    %mul3A_10 = arith.constant 632 : i32
    %mul3A_11 = arith.muli %arg1, %mul3A_10 : i32
    %add3A_12 = arith.constant 158 : i32
    %add3A_13 = arith.addi %mul3A_11, %add3A_12 : i32
    "tpu.region"() ({
      %run_scoped3A = tpu.sem_alloc : memref<!tpu.dma_semaphore, #tpu.memory_space<semaphore_mem>>
      %dma_start3A = arith.constant 0 : i32
      %dma_start3A_46 = tpu.memref_slice %arg10[%add3A_13, %dma_start3A] : memref<10112x128xf32, #tpu.memory_space<vmem_shared>> -> memref<79x128xf32, #tpu.memory_space<vmem_shared>>
      %dma_start3A_47 = arith.constant 0 : i32
      %dma_start3A_48 = tpu.memref_slice %arg10[%add3A_13, %dma_start3A_47] : memref<10112x128xf32, #tpu.memory_space<vmem_shared>> -> memref<79x128xf32, #tpu.memory_space<vmem_shared>>
      tpu.enqueue_dma source(%arg9 : memref<79x128xf32, #tpu.memory_space<vmem>>) target(%dma_start3A_48 : memref<79x128xf32, #tpu.memory_space<vmem_shared>>) target_semaphore(%run_scoped3A : memref<!tpu.dma_semaphore, #tpu.memory_space<semaphore_mem>>)
      %dma_wait3A = arith.constant 0 : i32
      %dma_wait3A_49 = tpu.memref_slice %arg10[%add3A_13, %dma_wait3A] : memref<10112x128xf32, #tpu.memory_space<vmem_shared>> -> memref<79x128xf32, #tpu.memory_space<vmem_shared>>
      %dma_wait3A_50 = arith.constant 0 : i32
      %dma_wait3A_51 = tpu.memref_slice %arg10[%add3A_13, %dma_wait3A_50] : memref<10112x128xf32, #tpu.memory_space<vmem_shared>> -> memref<79x128xf32, #tpu.memory_space<vmem_shared>>
      tpu.wait_dma2 semaphore(%run_scoped3A : memref<!tpu.dma_semaphore, #tpu.memory_space<semaphore_mem>>) src(%arg9 : memref<79x128xf32, #tpu.memory_space<vmem>>) dst(%dma_wait3A_51 : memref<79x128xf32, #tpu.memory_space<vmem_shared>>)
      tpu.yield
    }) : () -> ()
    %mul3A_14 = arith.constant 632 : i32
    %mul3A_15 = arith.muli %arg1, %mul3A_14 : i32
    %add3A_16 = arith.constant 237 : i32
    %add3A_17 = arith.addi %mul3A_15, %add3A_16 : i32
    "tpu.region"() ({
      %run_scoped3A = tpu.sem_alloc : memref<!tpu.dma_semaphore, #tpu.memory_space<semaphore_mem>>
      %dma_start3A = arith.constant 0 : i32
      %dma_start3A_46 = tpu.memref_slice %arg10[%add3A_17, %dma_start3A] : memref<10112x128xf32, #tpu.memory_space<vmem_shared>> -> memref<79x128xf32, #tpu.memory_space<vmem_shared>>
      %dma_start3A_47 = arith.constant 0 : i32
      %dma_start3A_48 = tpu.memref_slice %arg10[%add3A_17, %dma_start3A_47] : memref<10112x128xf32, #tpu.memory_space<vmem_shared>> -> memref<79x128xf32, #tpu.memory_space<vmem_shared>>
      tpu.enqueue_dma source(%arg9 : memref<79x128xf32, #tpu.memory_space<vmem>>) target(%dma_start3A_48 : memref<79x128xf32, #tpu.memory_space<vmem_shared>>) target_semaphore(%run_scoped3A : memref<!tpu.dma_semaphore, #tpu.memory_space<semaphore_mem>>)
      %dma_wait3A = arith.constant 0 : i32
      %dma_wait3A_49 = tpu.memref_slice %arg10[%add3A_17, %dma_wait3A] : memref<10112x128xf32, #tpu.memory_space<vmem_shared>> -> memref<79x128xf32, #tpu.memory_space<vmem_shared>>
      %dma_wait3A_50 = arith.constant 0 : i32
      %dma_wait3A_51 = tpu.memref_slice %arg10[%add3A_17, %dma_wait3A_50] : memref<10112x128xf32, #tpu.memory_space<vmem_shared>> -> memref<79x128xf32, #tpu.memory_space<vmem_shared>>
      tpu.wait_dma2 semaphore(%run_scoped3A : memref<!tpu.dma_semaphore, #tpu.memory_space<semaphore_mem>>) src(%arg9 : memref<79x128xf32, #tpu.memory_space<vmem>>) dst(%dma_wait3A_51 : memref<79x128xf32, #tpu.memory_space<vmem_shared>>)
      tpu.yield
    }) : () -> ()
    %mul3A_18 = arith.constant 632 : i32
    %mul3A_19 = arith.muli %arg1, %mul3A_18 : i32
    %add3A_20 = arith.constant 316 : i32
    %add3A_21 = arith.addi %mul3A_19, %add3A_20 : i32
    "tpu.region"() ({
      %run_scoped3A = tpu.sem_alloc : memref<!tpu.dma_semaphore, #tpu.memory_space<semaphore_mem>>
      %dma_start3A = arith.constant 0 : i32
      %dma_start3A_46 = tpu.memref_slice %arg10[%add3A_21, %dma_start3A] : memref<10112x128xf32, #tpu.memory_space<vmem_shared>> -> memref<79x128xf32, #tpu.memory_space<vmem_shared>>
      %dma_start3A_47 = arith.constant 0 : i32
      %dma_start3A_48 = tpu.memref_slice %arg10[%add3A_21, %dma_start3A_47] : memref<10112x128xf32, #tpu.memory_space<vmem_shared>> -> memref<79x128xf32, #tpu.memory_space<vmem_shared>>
      tpu.enqueue_dma source(%arg9 : memref<79x128xf32, #tpu.memory_space<vmem>>) target(%dma_start3A_48 : memref<79x128xf32, #tpu.memory_space<vmem_shared>>) target_semaphore(%run_scoped3A : memref<!tpu.dma_semaphore, #tpu.memory_space<semaphore_mem>>)
      %dma_wait3A = arith.constant 0 : i32
      %dma_wait3A_49 = tpu.memref_slice %arg10[%add3A_21, %dma_wait3A] : memref<10112x128xf32, #tpu.memory_space<vmem_shared>> -> memref<79x128xf32, #tpu.memory_space<vmem_shared>>
      %dma_wait3A_50 = arith.constant 0 : i32
      %dma_wait3A_51 = tpu.memref_slice %arg10[%add3A_21, %dma_wait3A_50] : memref<10112x128xf32, #tpu.memory_space<vmem_shared>> -> memref<79x128xf32, #tpu.memory_space<vmem_shared>>
      tpu.wait_dma2 semaphore(%run_scoped3A : memref<!tpu.dma_semaphore, #tpu.memory_space<semaphore_mem>>) src(%arg9 : memref<79x128xf32, #tpu.memory_space<vmem>>) dst(%dma_wait3A_51 : memref<79x128xf32, #tpu.memory_space<vmem_shared>>)
      tpu.yield
    }) : () -> ()
    %mul3A_22 = arith.constant 632 : i32
    %mul3A_23 = arith.muli %arg1, %mul3A_22 : i32
    %add3A_24 = arith.constant 395 : i32
    %add3A_25 = arith.addi %mul3A_23, %add3A_24 : i32
    "tpu.region"() ({
      %run_scoped3A = tpu.sem_alloc : memref<!tpu.dma_semaphore, #tpu.memory_space<semaphore_mem>>
      %dma_start3A = arith.constant 0 : i32
      %dma_start3A_46 = tpu.memref_slice %arg10[%add3A_25, %dma_start3A] : memref<10112x128xf32, #tpu.memory_space<vmem_shared>> -> memref<79x128xf32, #tpu.memory_space<vmem_shared>>
      %dma_start3A_47 = arith.constant 0 : i32
      %dma_start3A_48 = tpu.memref_slice %arg10[%add3A_25, %dma_start3A_47] : memref<10112x128xf32, #tpu.memory_space<vmem_shared>> -> memref<79x128xf32, #tpu.memory_space<vmem_shared>>
      tpu.enqueue_dma source(%arg9 : memref<79x128xf32, #tpu.memory_space<vmem>>) target(%dma_start3A_48 : memref<79x128xf32, #tpu.memory_space<vmem_shared>>) target_semaphore(%run_scoped3A : memref<!tpu.dma_semaphore, #tpu.memory_space<semaphore_mem>>)
      %dma_wait3A = arith.constant 0 : i32
      %dma_wait3A_49 = tpu.memref_slice %arg10[%add3A_25, %dma_wait3A] : memref<10112x128xf32, #tpu.memory_space<vmem_shared>> -> memref<79x128xf32, #tpu.memory_space<vmem_shared>>
      %dma_wait3A_50 = arith.constant 0 : i32
      %dma_wait3A_51 = tpu.memref_slice %arg10[%add3A_25, %dma_wait3A_50] : memref<10112x128xf32, #tpu.memory_space<vmem_shared>> -> memref<79x128xf32, #tpu.memory_space<vmem_shared>>
      tpu.wait_dma2 semaphore(%run_scoped3A : memref<!tpu.dma_semaphore, #tpu.memory_space<semaphore_mem>>) src(%arg9 : memref<79x128xf32, #tpu.memory_space<vmem>>) dst(%dma_wait3A_51 : memref<79x128xf32, #tpu.memory_space<vmem_shared>>)
      tpu.yield
    }) : () -> ()
    %mul3A_26 = arith.constant 632 : i32
    %mul3A_27 = arith.muli %arg1, %mul3A_26 : i32
    %add3A_28 = arith.constant 474 : i32
    %add3A_29 = arith.addi %mul3A_27, %add3A_28 : i32
    "tpu.region"() ({
      %run_scoped3A = tpu.sem_alloc : memref<!tpu.dma_semaphore, #tpu.memory_space<semaphore_mem>>
      %dma_start3A = arith.constant 0 : i32
      %dma_start3A_46 = tpu.memref_slice %arg10[%add3A_29, %dma_start3A] : memref<10112x128xf32, #tpu.memory_space<vmem_shared>> -> memref<79x128xf32, #tpu.memory_space<vmem_shared>>
      %dma_start3A_47 = arith.constant 0 : i32
      %dma_start3A_48 = tpu.memref_slice %arg10[%add3A_29, %dma_start3A_47] : memref<10112x128xf32, #tpu.memory_space<vmem_shared>> -> memref<79x128xf32, #tpu.memory_space<vmem_shared>>
      tpu.enqueue_dma source(%arg9 : memref<79x128xf32, #tpu.memory_space<vmem>>) target(%dma_start3A_48 : memref<79x128xf32, #tpu.memory_space<vmem_shared>>) target_semaphore(%run_scoped3A : memref<!tpu.dma_semaphore, #tpu.memory_space<semaphore_mem>>)
      %dma_wait3A = arith.constant 0 : i32
      %dma_wait3A_49 = tpu.memref_slice %arg10[%add3A_29, %dma_wait3A] : memref<10112x128xf32, #tpu.memory_space<vmem_shared>> -> memref<79x128xf32, #tpu.memory_space<vmem_shared>>
      %dma_wait3A_50 = arith.constant 0 : i32
      %dma_wait3A_51 = tpu.memref_slice %arg10[%add3A_29, %dma_wait3A_50] : memref<10112x128xf32, #tpu.memory_space<vmem_shared>> -> memref<79x128xf32, #tpu.memory_space<vmem_shared>>
      tpu.wait_dma2 semaphore(%run_scoped3A : memref<!tpu.dma_semaphore, #tpu.memory_space<semaphore_mem>>) src(%arg9 : memref<79x128xf32, #tpu.memory_space<vmem>>) dst(%dma_wait3A_51 : memref<79x128xf32, #tpu.memory_space<vmem_shared>>)
      tpu.yield
    }) : () -> ()
    %mul3A_30 = arith.constant 632 : i32
    %mul3A_31 = arith.muli %arg1, %mul3A_30 : i32
    %add3A_32 = arith.constant 553 : i32
    %add3A_33 = arith.addi %mul3A_31, %add3A_32 : i32
    "tpu.region"() ({
      %run_scoped3A = tpu.sem_alloc : memref<!tpu.dma_semaphore, #tpu.memory_space<semaphore_mem>>
      %dma_start3A = arith.constant 0 : i32
      %dma_start3A_46 = tpu.memref_slice %arg10[%add3A_33, %dma_start3A] : memref<10112x128xf32, #tpu.memory_space<vmem_shared>> -> memref<79x128xf32, #tpu.memory_space<vmem_shared>>
      %dma_start3A_47 = arith.constant 0 : i32
      %dma_start3A_48 = tpu.memref_slice %arg10[%add3A_33, %dma_start3A_47] : memref<10112x128xf32, #tpu.memory_space<vmem_shared>> -> memref<79x128xf32, #tpu.memory_space<vmem_shared>>
      tpu.enqueue_dma source(%arg9 : memref<79x128xf32, #tpu.memory_space<vmem>>) target(%dma_start3A_48 : memref<79x128xf32, #tpu.memory_space<vmem_shared>>) target_semaphore(%run_scoped3A : memref<!tpu.dma_semaphore, #tpu.memory_space<semaphore_mem>>)
      %dma_wait3A = arith.constant 0 : i32
      %dma_wait3A_49 = tpu.memref_slice %arg10[%add3A_33, %dma_wait3A] : memref<10112x128xf32, #tpu.memory_space<vmem_shared>> -> memref<79x128xf32, #tpu.memory_space<vmem_shared>>
      %dma_wait3A_50 = arith.constant 0 : i32
      %dma_wait3A_51 = tpu.memref_slice %arg10[%add3A_33, %dma_wait3A_50] : memref<10112x128xf32, #tpu.memory_space<vmem_shared>> -> memref<79x128xf32, #tpu.memory_space<vmem_shared>>
      tpu.wait_dma2 semaphore(%run_scoped3A : memref<!tpu.dma_semaphore, #tpu.memory_space<semaphore_mem>>) src(%arg9 : memref<79x128xf32, #tpu.memory_space<vmem>>) dst(%dma_wait3A_51 : memref<79x128xf32, #tpu.memory_space<vmem_shared>>)
      tpu.yield
    }) : () -> ()
    %barrier3A = arith.constant 0 : index
    tpu.barrier barrier_id(%barrier3A)
    %eq3A = arith.constant 0 : i32
    %eq3A_34 = arith.cmpi eq, %arg0, %eq3A : i32
    %convert_element_type3A = arith.extui %eq3A_34 : i1 to i32
    %cond3A = arith.constant 0 : i32
    %cond3A_35 = arith.cmpi ne, %convert_element_type3A, %cond3A : i32
    scf.if %cond3A_35 {
      %mul3A_46 = arith.constant 296 : i32
      %mul3A_47 = arith.muli %arg1, %mul3A_46 : i32
      %dma_start3A = arith.constant 0 : i32
      %dma_start3A_48 = arith.constant 0 : i32
      %dma_start3A_49 = arith.constant 0 : i32
      %dma_start3A_50 = tpu.memref_slice %arg6[%dma_start3A, %dma_start3A_48, %dma_start3A_49] : memref<2x4x64xi32, #tpu.memory_space<vmem>> -> memref<1x4x64xi32, #tpu.memory_space<vmem>>
      %dma_start3A_51 = tpu.memref_squeeze %dma_start3A_50 : memref<1x4x64xi32, #tpu.memory_space<vmem>> -> memref<4x64xi32, #tpu.memory_space<vmem>>
      %dma_start3A_52 = arith.constant 0 : i32
      %dma_start3A_53 = tpu.memref_slice %arg3[%mul3A_47, %dma_start3A_52] : memref<5120x64xi32, #tpu.memory_space<hbm>> -> memref<4x64xi32, #tpu.memory_space<hbm>>
      %dma_start3A_54 = arith.constant 0 : i32
      %dma_start3A_55 = arith.constant 0 : i32
      %dma_start3A_56 = tpu.memref_slice %arg6[%dma_start3A, %dma_start3A_54, %dma_start3A_55] : memref<2x4x64xi32, #tpu.memory_space<vmem>> -> memref<1x4x64xi32, #tpu.memory_space<vmem>>
      %dma_start3A_57 = tpu.memref_squeeze %dma_start3A_56 : memref<1x4x64xi32, #tpu.memory_space<vmem>> -> memref<4x64xi32, #tpu.memory_space<vmem>>
      %dma_start3A_58 = arith.constant 0 : i32
      %dma_start3A_59 = tpu.memref_slice %arg3[%mul3A_47, %dma_start3A_58] : memref<5120x64xi32, #tpu.memory_space<hbm>> -> memref<4x64xi32, #tpu.memory_space<hbm>>
      tpu.enqueue_dma source(%dma_start3A_59 : memref<4x64xi32, #tpu.memory_space<hbm>>) target(%dma_start3A_57 : memref<4x64xi32, #tpu.memory_space<vmem>>) target_semaphore(%arg19 : memref<!tpu.dma_semaphore, #tpu.memory_space<semaphore_mem>>)
      %dma_start3A_60 = arith.constant 0 : i32
      %dma_start3A_61 = arith.constant 0 : i32
      %dma_start3A_62 = arith.constant 0 : i32
      %dma_start3A_63 = tpu.memref_slice %arg7[%dma_start3A_60, %dma_start3A_61, %dma_start3A_62] : memref<2x4x64xi32, #tpu.memory_space<vmem>> -> memref<1x4x64xi32, #tpu.memory_space<vmem>>
      %dma_start3A_64 = tpu.memref_squeeze %dma_start3A_63 : memref<1x4x64xi32, #tpu.memory_space<vmem>> -> memref<4x64xi32, #tpu.memory_space<vmem>>
      %dma_start3A_65 = arith.constant 0 : i32
      %dma_start3A_66 = tpu.memref_slice %arg4[%mul3A_47, %dma_start3A_65] : memref<5120x64xi32, #tpu.memory_space<hbm>> -> memref<4x64xi32, #tpu.memory_space<hbm>>
      %dma_start3A_67 = arith.constant 0 : i32
      %dma_start3A_68 = arith.constant 0 : i32
      %dma_start3A_69 = tpu.memref_slice %arg7[%dma_start3A_60, %dma_start3A_67, %dma_start3A_68] : memref<2x4x64xi32, #tpu.memory_space<vmem>> -> memref<1x4x64xi32, #tpu.memory_space<vmem>>
      %dma_start3A_70 = tpu.memref_squeeze %dma_start3A_69 : memref<1x4x64xi32, #tpu.memory_space<vmem>> -> memref<4x64xi32, #tpu.memory_space<vmem>>
      %dma_start3A_71 = arith.constant 0 : i32
      %dma_start3A_72 = tpu.memref_slice %arg4[%mul3A_47, %dma_start3A_71] : memref<5120x64xi32, #tpu.memory_space<hbm>> -> memref<4x64xi32, #tpu.memory_space<hbm>>
      tpu.enqueue_dma source(%dma_start3A_72 : memref<4x64xi32, #tpu.memory_space<hbm>>) target(%dma_start3A_70 : memref<4x64xi32, #tpu.memory_space<vmem>>) target_semaphore(%arg19 : memref<!tpu.dma_semaphore, #tpu.memory_space<semaphore_mem>>)
      %dma_wait3A = arith.constant 0 : i32
      %dma_wait3A_73 = arith.constant 0 : i32
      %dma_wait3A_74 = arith.constant 0 : i32
      %dma_wait3A_75 = tpu.memref_slice %arg6[%dma_wait3A, %dma_wait3A_73, %dma_wait3A_74] : memref<2x4x64xi32, #tpu.memory_space<vmem>> -> memref<1x4x64xi32, #tpu.memory_space<vmem>>
      %dma_wait3A_76 = tpu.memref_squeeze %dma_wait3A_75 : memref<1x4x64xi32, #tpu.memory_space<vmem>> -> memref<4x64xi32, #tpu.memory_space<vmem>>
      %dma_wait3A_77 = arith.constant 0 : i32
      %dma_wait3A_78 = tpu.memref_slice %arg3[%mul3A_47, %dma_wait3A_77] : memref<5120x64xi32, #tpu.memory_space<hbm>> -> memref<4x64xi32, #tpu.memory_space<hbm>>
      %dma_wait3A_79 = arith.constant 0 : i32
      %dma_wait3A_80 = arith.constant 0 : i32
      %dma_wait3A_81 = tpu.memref_slice %arg6[%dma_wait3A, %dma_wait3A_79, %dma_wait3A_80] : memref<2x4x64xi32, #tpu.memory_space<vmem>> -> memref<1x4x64xi32, #tpu.memory_space<vmem>>
      %dma_wait3A_82 = tpu.memref_squeeze %dma_wait3A_81 : memref<1x4x64xi32, #tpu.memory_space<vmem>> -> memref<4x64xi32, #tpu.memory_space<vmem>>
      %dma_wait3A_83 = arith.constant 0 : i32
      %dma_wait3A_84 = tpu.memref_slice %arg3[%mul3A_47, %dma_wait3A_83] : memref<5120x64xi32, #tpu.memory_space<hbm>> -> memref<4x64xi32, #tpu.memory_space<hbm>>
      tpu.wait_dma2 semaphore(%arg19 : memref<!tpu.dma_semaphore, #tpu.memory_space<semaphore_mem>>) src(%dma_wait3A_84 : memref<4x64xi32, #tpu.memory_space<hbm>>) dst(%dma_wait3A_82 : memref<4x64xi32, #tpu.memory_space<vmem>>)
      %dma_wait3A_85 = arith.constant 0 : i32
      %dma_wait3A_86 = arith.constant 0 : i32
      %dma_wait3A_87 = arith.constant 0 : i32
      %dma_wait3A_88 = tpu.memref_slice %arg7[%dma_wait3A_85, %dma_wait3A_86, %dma_wait3A_87] : memref<2x4x64xi32, #tpu.memory_space<vmem>> -> memref<1x4x64xi32, #tpu.memory_space<vmem>>
      %dma_wait3A_89 = tpu.memref_squeeze %dma_wait3A_88 : memref<1x4x64xi32, #tpu.memory_space<vmem>> -> memref<4x64xi32, #tpu.memory_space<vmem>>
      %dma_wait3A_90 = arith.constant 0 : i32
      %dma_wait3A_91 = tpu.memref_slice %arg4[%mul3A_47, %dma_wait3A_90] : memref<5120x64xi32, #tpu.memory_space<hbm>> -> memref<4x64xi32, #tpu.memory_space<hbm>>
      %dma_wait3A_92 = arith.constant 0 : i32
      %dma_wait3A_93 = arith.constant 0 : i32
      %dma_wait3A_94 = tpu.memref_slice %arg7[%dma_wait3A_85, %dma_wait3A_92, %dma_wait3A_93] : memref<2x4x64xi32, #tpu.memory_space<vmem>> -> memref<1x4x64xi32, #tpu.memory_space<vmem>>
      %dma_wait3A_95 = tpu.memref_squeeze %dma_wait3A_94 : memref<1x4x64xi32, #tpu.memory_space<vmem>> -> memref<4x64xi32, #tpu.memory_space<vmem>>
      %dma_wait3A_96 = arith.constant 0 : i32
      %dma_wait3A_97 = tpu.memref_slice %arg4[%mul3A_47, %dma_wait3A_96] : memref<5120x64xi32, #tpu.memory_space<hbm>> -> memref<4x64xi32, #tpu.memory_space<hbm>>
      tpu.wait_dma2 semaphore(%arg19 : memref<!tpu.dma_semaphore, #tpu.memory_space<semaphore_mem>>) src(%dma_wait3A_97 : memref<4x64xi32, #tpu.memory_space<hbm>>) dst(%dma_wait3A_95 : memref<4x64xi32, #tpu.memory_space<vmem>>)
      %dma_start3A_98 = arith.constant 0 : i32
      %dma_start3A_99 = arith.constant 0 : i32
      %dma_start3A_100 = arith.constant 0 : i32
      %dma_start3A_101 = arith.constant 0 : i32
      %dma_start3A_102 = arith.constant 0 : i32
      %dma_start3A_103 = tpu.memref_slice %arg8[%dma_start3A_100, %dma_start3A_101, %dma_start3A_102] : memref<4x64x128xf32, #tpu.memory_space<vmem>> -> memref<1x64x128xf32, #tpu.memory_space<vmem>>
      %dma_start3A_104 = tpu.memref_squeeze %dma_start3A_103 : memref<1x64x128xf32, #tpu.memory_space<vmem>> -> memref<64x128xf32, #tpu.memory_space<vmem>>
      %dma_start3A_105 = arith.constant 0 : i32
      %dma_start3A_106 = tpu.memref_slice %arg6[%dma_start3A_98, %dma_start3A_99, %dma_start3A_105] : memref<2x4x64xi32, #tpu.memory_space<vmem>> -> memref<1x1x64xi32, #tpu.memory_space<vmem>>
      %dma_start3A_107 = tpu.memref_squeeze %dma_start3A_106 : memref<1x1x64xi32, #tpu.memory_space<vmem>> -> memref<64xi32, #tpu.memory_space<vmem>>
      %dma_start3A_108 = arith.constant 0 : i32
      %dma_start3A_109 = arith.constant 0 : i32
      %dma_start3A_110 = tpu.memref_slice %arg2[%dma_start3A_108, %dma_start3A_109] : memref<10000x128xf32, #tpu.memory_space<hbm>> -> memref<10000x128xf32, #tpu.memory_space<hbm>>
      tpu.enqueue_indirect_dma source(%dma_start3A_110 : memref<10000x128xf32, #tpu.memory_space<hbm>>) target(%dma_start3A_104 : memref<64x128xf32, #tpu.memory_space<vmem>>) offsets(%dma_start3A_107 : memref<64xi32, #tpu.memory_space<vmem>>) semaphore(%arg11 : memref<!tpu.dma_semaphore, #tpu.memory_space<semaphore_mem>>)
      %dma_start3A_111 = arith.constant 0 : i32
      %dma_start3A_112 = arith.constant 1 : i32
      %dma_start3A_113 = arith.constant 1 : i32
      %dma_start3A_114 = arith.constant 0 : i32
      %dma_start3A_115 = arith.constant 0 : i32
      %dma_start3A_116 = tpu.memref_slice %arg8[%dma_start3A_113, %dma_start3A_114, %dma_start3A_115] : memref<4x64x128xf32, #tpu.memory_space<vmem>> -> memref<1x64x128xf32, #tpu.memory_space<vmem>>
      %dma_start3A_117 = tpu.memref_squeeze %dma_start3A_116 : memref<1x64x128xf32, #tpu.memory_space<vmem>> -> memref<64x128xf32, #tpu.memory_space<vmem>>
      %dma_start3A_118 = arith.constant 0 : i32
      %dma_start3A_119 = tpu.memref_slice %arg6[%dma_start3A_111, %dma_start3A_112, %dma_start3A_118] : memref<2x4x64xi32, #tpu.memory_space<vmem>> -> memref<1x1x64xi32, #tpu.memory_space<vmem>>
      %dma_start3A_120 = tpu.memref_squeeze %dma_start3A_119 : memref<1x1x64xi32, #tpu.memory_space<vmem>> -> memref<64xi32, #tpu.memory_space<vmem>>
      %dma_start3A_121 = arith.constant 0 : i32
      %dma_start3A_122 = arith.constant 0 : i32
      %dma_start3A_123 = tpu.memref_slice %arg2[%dma_start3A_121, %dma_start3A_122] : memref<10000x128xf32, #tpu.memory_space<hbm>> -> memref<10000x128xf32, #tpu.memory_space<hbm>>
      tpu.enqueue_indirect_dma source(%dma_start3A_123 : memref<10000x128xf32, #tpu.memory_space<hbm>>) target(%dma_start3A_117 : memref<64x128xf32, #tpu.memory_space<vmem>>) offsets(%dma_start3A_120 : memref<64xi32, #tpu.memory_space<vmem>>) semaphore(%arg12 : memref<!tpu.dma_semaphore, #tpu.memory_space<semaphore_mem>>)
      %dma_start3A_124 = arith.constant 0 : i32
      %dma_start3A_125 = arith.constant 2 : i32
      %dma_start3A_126 = arith.constant 2 : i32
      %dma_start3A_127 = arith.constant 0 : i32
      %dma_start3A_128 = arith.constant 0 : i32
      %dma_start3A_129 = tpu.memref_slice %arg8[%dma_start3A_126, %dma_start3A_127, %dma_start3A_128] : memref<4x64x128xf32, #tpu.memory_space<vmem>> -> memref<1x64x128xf32, #tpu.memory_space<vmem>>
      %dma_start3A_130 = tpu.memref_squeeze %dma_start3A_129 : memref<1x64x128xf32, #tpu.memory_space<vmem>> -> memref<64x128xf32, #tpu.memory_space<vmem>>
      %dma_start3A_131 = arith.constant 0 : i32
      %dma_start3A_132 = tpu.memref_slice %arg6[%dma_start3A_124, %dma_start3A_125, %dma_start3A_131] : memref<2x4x64xi32, #tpu.memory_space<vmem>> -> memref<1x1x64xi32, #tpu.memory_space<vmem>>
      %dma_start3A_133 = tpu.memref_squeeze %dma_start3A_132 : memref<1x1x64xi32, #tpu.memory_space<vmem>> -> memref<64xi32, #tpu.memory_space<vmem>>
      %dma_start3A_134 = arith.constant 0 : i32
      %dma_start3A_135 = arith.constant 0 : i32
      %dma_start3A_136 = tpu.memref_slice %arg2[%dma_start3A_134, %dma_start3A_135] : memref<10000x128xf32, #tpu.memory_space<hbm>> -> memref<10000x128xf32, #tpu.memory_space<hbm>>
      tpu.enqueue_indirect_dma source(%dma_start3A_136 : memref<10000x128xf32, #tpu.memory_space<hbm>>) target(%dma_start3A_130 : memref<64x128xf32, #tpu.memory_space<vmem>>) offsets(%dma_start3A_133 : memref<64xi32, #tpu.memory_space<vmem>>) semaphore(%arg13 : memref<!tpu.dma_semaphore, #tpu.memory_space<semaphore_mem>>)
      %dma_start3A_137 = arith.constant 0 : i32
      %dma_start3A_138 = arith.constant 3 : i32
      %dma_start3A_139 = arith.constant 3 : i32
      %dma_start3A_140 = arith.constant 0 : i32
      %dma_start3A_141 = arith.constant 0 : i32
      %dma_start3A_142 = tpu.memref_slice %arg8[%dma_start3A_139, %dma_start3A_140, %dma_start3A_141] : memref<4x64x128xf32, #tpu.memory_space<vmem>> -> memref<1x64x128xf32, #tpu.memory_space<vmem>>
      %dma_start3A_143 = tpu.memref_squeeze %dma_start3A_142 : memref<1x64x128xf32, #tpu.memory_space<vmem>> -> memref<64x128xf32, #tpu.memory_space<vmem>>
      %dma_start3A_144 = arith.constant 0 : i32
      %dma_start3A_145 = tpu.memref_slice %arg6[%dma_start3A_137, %dma_start3A_138, %dma_start3A_144] : memref<2x4x64xi32, #tpu.memory_space<vmem>> -> memref<1x1x64xi32, #tpu.memory_space<vmem>>
      %dma_start3A_146 = tpu.memref_squeeze %dma_start3A_145 : memref<1x1x64xi32, #tpu.memory_space<vmem>> -> memref<64xi32, #tpu.memory_space<vmem>>
      %dma_start3A_147 = arith.constant 0 : i32
      %dma_start3A_148 = arith.constant 0 : i32
      %dma_start3A_149 = tpu.memref_slice %arg2[%dma_start3A_147, %dma_start3A_148] : memref<10000x128xf32, #tpu.memory_space<hbm>> -> memref<10000x128xf32, #tpu.memory_space<hbm>>
      tpu.enqueue_indirect_dma source(%dma_start3A_149 : memref<10000x128xf32, #tpu.memory_space<hbm>>) target(%dma_start3A_143 : memref<64x128xf32, #tpu.memory_space<vmem>>) offsets(%dma_start3A_146 : memref<64xi32, #tpu.memory_space<vmem>>) semaphore(%arg14 : memref<!tpu.dma_semaphore, #tpu.memory_space<semaphore_mem>>)
      %add3A_150 = arith.constant 4 : i32
      %add3A_151 = arith.addi %mul3A_47, %add3A_150 : i32
      %dma_start3A_152 = arith.constant 1 : i32
      %dma_start3A_153 = arith.constant 0 : i32
      %dma_start3A_154 = arith.constant 0 : i32
      %dma_start3A_155 = tpu.memref_slice %arg6[%dma_start3A_152, %dma_start3A_153, %dma_start3A_154] : memref<2x4x64xi32, #tpu.memory_space<vmem>> -> memref<1x4x64xi32, #tpu.memory_space<vmem>>
      %dma_start3A_156 = tpu.memref_squeeze %dma_start3A_155 : memref<1x4x64xi32, #tpu.memory_space<vmem>> -> memref<4x64xi32, #tpu.memory_space<vmem>>
      %dma_start3A_157 = arith.constant 0 : i32
      %dma_start3A_158 = tpu.memref_slice %arg3[%add3A_151, %dma_start3A_157] : memref<5120x64xi32, #tpu.memory_space<hbm>> -> memref<4x64xi32, #tpu.memory_space<hbm>>
      %dma_start3A_159 = arith.constant 0 : i32
      %dma_start3A_160 = arith.constant 0 : i32
      %dma_start3A_161 = tpu.memref_slice %arg6[%dma_start3A_152, %dma_start3A_159, %dma_start3A_160] : memref<2x4x64xi32, #tpu.memory_space<vmem>> -> memref<1x4x64xi32, #tpu.memory_space<vmem>>
      %dma_start3A_162 = tpu.memref_squeeze %dma_start3A_161 : memref<1x4x64xi32, #tpu.memory_space<vmem>> -> memref<4x64xi32, #tpu.memory_space<vmem>>
      %dma_start3A_163 = arith.constant 0 : i32
      %dma_start3A_164 = tpu.memref_slice %arg3[%add3A_151, %dma_start3A_163] : memref<5120x64xi32, #tpu.memory_space<hbm>> -> memref<4x64xi32, #tpu.memory_space<hbm>>
      tpu.enqueue_dma source(%dma_start3A_164 : memref<4x64xi32, #tpu.memory_space<hbm>>) target(%dma_start3A_162 : memref<4x64xi32, #tpu.memory_space<vmem>>) target_semaphore(%arg19 : memref<!tpu.dma_semaphore, #tpu.memory_space<semaphore_mem>>)
      %dma_start3A_165 = arith.constant 1 : i32
      %dma_start3A_166 = arith.constant 0 : i32
      %dma_start3A_167 = arith.constant 0 : i32
      %dma_start3A_168 = tpu.memref_slice %arg7[%dma_start3A_165, %dma_start3A_166, %dma_start3A_167] : memref<2x4x64xi32, #tpu.memory_space<vmem>> -> memref<1x4x64xi32, #tpu.memory_space<vmem>>
      %dma_start3A_169 = tpu.memref_squeeze %dma_start3A_168 : memref<1x4x64xi32, #tpu.memory_space<vmem>> -> memref<4x64xi32, #tpu.memory_space<vmem>>
      %dma_start3A_170 = arith.constant 0 : i32
      %dma_start3A_171 = tpu.memref_slice %arg4[%add3A_151, %dma_start3A_170] : memref<5120x64xi32, #tpu.memory_space<hbm>> -> memref<4x64xi32, #tpu.memory_space<hbm>>
      %dma_start3A_172 = arith.constant 0 : i32
      %dma_start3A_173 = arith.constant 0 : i32
      %dma_start3A_174 = tpu.memref_slice %arg7[%dma_start3A_165, %dma_start3A_172, %dma_start3A_173] : memref<2x4x64xi32, #tpu.memory_space<vmem>> -> memref<1x4x64xi32, #tpu.memory_space<vmem>>
      %dma_start3A_175 = tpu.memref_squeeze %dma_start3A_174 : memref<1x4x64xi32, #tpu.memory_space<vmem>> -> memref<4x64xi32, #tpu.memory_space<vmem>>
      %dma_start3A_176 = arith.constant 0 : i32
      %dma_start3A_177 = tpu.memref_slice %arg4[%add3A_151, %dma_start3A_176] : memref<5120x64xi32, #tpu.memory_space<hbm>> -> memref<4x64xi32, #tpu.memory_space<hbm>>
      tpu.enqueue_dma source(%dma_start3A_177 : memref<4x64xi32, #tpu.memory_space<hbm>>) target(%dma_start3A_175 : memref<4x64xi32, #tpu.memory_space<vmem>>) target_semaphore(%arg19 : memref<!tpu.dma_semaphore, #tpu.memory_space<semaphore_mem>>)
      %scan3A_178 = arith.constant 0 : i32
      %scan3A_179 = arith.constant 74 : i32
      %scan3A_180 = arith.addi %scan3A_178, %scan3A_179 : i32
      %scan3A_181 = arith.constant 1 : i32
      scf.for %scan3A_183 = %scan3A_178 to %scan3A_180 step %scan3A_181  : i32 {
        %rem3A = arith.constant 2 : i32
        %rem3A_184 = arith.remsi %scan3A_183, %rem3A : i32
        %add3A_185 = arith.constant 1 : i32
        %add3A_186 = arith.addi %scan3A_183, %add3A_185 : i32
        %rem3A_187 = arith.constant 2 : i32
        %rem3A_188 = arith.remsi %add3A_186, %rem3A_187 : i32
        %dma_wait3A_189 = arith.constant 0 : i32
        %dma_wait3A_190 = arith.constant 0 : i32
        %dma_wait3A_191 = arith.constant 0 : i32
        %dma_wait3A_192 = arith.constant 0 : i32
        %dma_wait3A_193 = tpu.memref_slice %arg8[%dma_wait3A_190, %dma_wait3A_191, %dma_wait3A_192] : memref<4x64x128xf32, #tpu.memory_space<vmem>> -> memref<1x64x128xf32, #tpu.memory_space<vmem>>
        %dma_wait3A_194 = tpu.memref_squeeze %dma_wait3A_193 : memref<1x64x128xf32, #tpu.memory_space<vmem>> -> memref<64x128xf32, #tpu.memory_space<vmem>>
        %dma_wait3A_195 = arith.constant 0 : i32
        %dma_wait3A_196 = tpu.memref_slice %arg6[%rem3A_184, %dma_wait3A_189, %dma_wait3A_195] : memref<2x4x64xi32, #tpu.memory_space<vmem>> -> memref<1x1x64xi32, #tpu.memory_space<vmem>>
        %dma_wait3A_197 = tpu.memref_squeeze %dma_wait3A_196 : memref<1x1x64xi32, #tpu.memory_space<vmem>> -> memref<64xi32, #tpu.memory_space<vmem>>
        %dma_wait3A_198 = arith.constant 0 : i32
        %dma_wait3A_199 = arith.constant 0 : i32
        %dma_wait3A_200 = tpu.memref_slice %arg2[%dma_wait3A_198, %dma_wait3A_199] : memref<10000x128xf32, #tpu.memory_space<hbm>> -> memref<10000x128xf32, #tpu.memory_space<hbm>>
        tpu.wait_indirect_dma semaphore(%arg11 : memref<!tpu.dma_semaphore, #tpu.memory_space<semaphore_mem>>) src(%dma_wait3A_200 : memref<10000x128xf32, #tpu.memory_space<hbm>>) dst(%dma_wait3A_194 : memref<64x128xf32, #tpu.memory_space<vmem>>)
        %dma_start3A_201 = arith.constant 0 : i32
        %dma_start3A_202 = arith.constant 0 : i32
        %dma_start3A_203 = arith.constant 0 : i32
        %dma_start3A_204 = arith.constant 0 : i32
        %dma_start3A_205 = tpu.memref_slice %arg8[%dma_start3A_201, %dma_start3A_203, %dma_start3A_204] : memref<4x64x128xf32, #tpu.memory_space<vmem>> -> memref<1x64x128xf32, #tpu.memory_space<vmem>>
        %dma_start3A_206 = tpu.memref_squeeze %dma_start3A_205 : memref<1x64x128xf32, #tpu.memory_space<vmem>> -> memref<64x128xf32, #tpu.memory_space<vmem>>
        %dma_start3A_207 = arith.constant 0 : i32
        %dma_start3A_208 = tpu.memref_slice %arg7[%rem3A_184, %dma_start3A_202, %dma_start3A_207] : memref<2x4x64xi32, #tpu.memory_space<vmem>> -> memref<1x1x64xi32, #tpu.memory_space<vmem>>
        %dma_start3A_209 = tpu.memref_squeeze %dma_start3A_208 : memref<1x1x64xi32, #tpu.memory_space<vmem>> -> memref<64xi32, #tpu.memory_space<vmem>>
        %dma_start3A_210 = arith.constant 0 : i32
        %dma_start3A_211 = arith.constant 0 : i32
        %dma_start3A_212 = tpu.memref_slice %arg10[%dma_start3A_210, %dma_start3A_211] : memref<10112x128xf32, #tpu.memory_space<vmem_shared>> -> memref<10112x128xf32, #tpu.memory_space<vmem_shared>>
        tpu.enqueue_indirect_dma source(%dma_start3A_206 : memref<64x128xf32, #tpu.memory_space<vmem>>) target(%dma_start3A_212 : memref<10112x128xf32, #tpu.memory_space<vmem_shared>>) offsets(%dma_start3A_209 : memref<64xi32, #tpu.memory_space<vmem>>) semaphore(%arg15 : memref<!tpu.dma_semaphore, #tpu.memory_space<semaphore_mem>>) {add = true}
        %dma_wait3A_213 = arith.constant 1 : i32
        %dma_wait3A_214 = arith.constant 1 : i32
        %dma_wait3A_215 = arith.constant 0 : i32
        %dma_wait3A_216 = arith.constant 0 : i32
        %dma_wait3A_217 = tpu.memref_slice %arg8[%dma_wait3A_214, %dma_wait3A_215, %dma_wait3A_216] : memref<4x64x128xf32, #tpu.memory_space<vmem>> -> memref<1x64x128xf32, #tpu.memory_space<vmem>>
        %dma_wait3A_218 = tpu.memref_squeeze %dma_wait3A_217 : memref<1x64x128xf32, #tpu.memory_space<vmem>> -> memref<64x128xf32, #tpu.memory_space<vmem>>
        %dma_wait3A_219 = arith.constant 0 : i32
        %dma_wait3A_220 = tpu.memref_slice %arg6[%rem3A_184, %dma_wait3A_213, %dma_wait3A_219] : memref<2x4x64xi32, #tpu.memory_space<vmem>> -> memref<1x1x64xi32, #tpu.memory_space<vmem>>
        %dma_wait3A_221 = tpu.memref_squeeze %dma_wait3A_220 : memref<1x1x64xi32, #tpu.memory_space<vmem>> -> memref<64xi32, #tpu.memory_space<vmem>>
        %dma_wait3A_222 = arith.constant 0 : i32
        %dma_wait3A_223 = arith.constant 0 : i32
        %dma_wait3A_224 = tpu.memref_slice %arg2[%dma_wait3A_222, %dma_wait3A_223] : memref<10000x128xf32, #tpu.memory_space<hbm>> -> memref<10000x128xf32, #tpu.memory_space<hbm>>
        tpu.wait_indirect_dma semaphore(%arg12 : memref<!tpu.dma_semaphore, #tpu.memory_space<semaphore_mem>>) src(%dma_wait3A_224 : memref<10000x128xf32, #tpu.memory_space<hbm>>) dst(%dma_wait3A_218 : memref<64x128xf32, #tpu.memory_space<vmem>>)
        %dma_start3A_225 = arith.constant 1 : i32
        %dma_start3A_226 = arith.constant 1 : i32
        %dma_start3A_227 = arith.constant 0 : i32
        %dma_start3A_228 = arith.constant 0 : i32
        %dma_start3A_229 = tpu.memref_slice %arg8[%dma_start3A_225, %dma_start3A_227, %dma_start3A_228] : memref<4x64x128xf32, #tpu.memory_space<vmem>> -> memref<1x64x128xf32, #tpu.memory_space<vmem>>
        %dma_start3A_230 = tpu.memref_squeeze %dma_start3A_229 : memref<1x64x128xf32, #tpu.memory_space<vmem>> -> memref<64x128xf32, #tpu.memory_space<vmem>>
        %dma_start3A_231 = arith.constant 0 : i32
        %dma_start3A_232 = tpu.memref_slice %arg7[%rem3A_184, %dma_start3A_226, %dma_start3A_231] : memref<2x4x64xi32, #tpu.memory_space<vmem>> -> memref<1x1x64xi32, #tpu.memory_space<vmem>>
        %dma_start3A_233 = tpu.memref_squeeze %dma_start3A_232 : memref<1x1x64xi32, #tpu.memory_space<vmem>> -> memref<64xi32, #tpu.memory_space<vmem>>
        %dma_start3A_234 = arith.constant 0 : i32
        %dma_start3A_235 = arith.constant 0 : i32
        %dma_start3A_236 = tpu.memref_slice %arg10[%dma_start3A_234, %dma_start3A_235] : memref<10112x128xf32, #tpu.memory_space<vmem_shared>> -> memref<10112x128xf32, #tpu.memory_space<vmem_shared>>
        tpu.enqueue_indirect_dma source(%dma_start3A_230 : memref<64x128xf32, #tpu.memory_space<vmem>>) target(%dma_start3A_236 : memref<10112x128xf32, #tpu.memory_space<vmem_shared>>) offsets(%dma_start3A_233 : memref<64xi32, #tpu.memory_space<vmem>>) semaphore(%arg16 : memref<!tpu.dma_semaphore, #tpu.memory_space<semaphore_mem>>) {add = true}
        %dma_wait3A_237 = arith.constant 2 : i32
        %dma_wait3A_238 = arith.constant 2 : i32
        %dma_wait3A_239 = arith.constant 0 : i32
        %dma_wait3A_240 = arith.constant 0 : i32
        %dma_wait3A_241 = tpu.memref_slice %arg8[%dma_wait3A_238, %dma_wait3A_239, %dma_wait3A_240] : memref<4x64x128xf32, #tpu.memory_space<vmem>> -> memref<1x64x128xf32, #tpu.memory_space<vmem>>
        %dma_wait3A_242 = tpu.memref_squeeze %dma_wait3A_241 : memref<1x64x128xf32, #tpu.memory_space<vmem>> -> memref<64x128xf32, #tpu.memory_space<vmem>>
        %dma_wait3A_243 = arith.constant 0 : i32
        %dma_wait3A_244 = tpu.memref_slice %arg6[%rem3A_184, %dma_wait3A_237, %dma_wait3A_243] : memref<2x4x64xi32, #tpu.memory_space<vmem>> -> memref<1x1x64xi32, #tpu.memory_space<vmem>>
        %dma_wait3A_245 = tpu.memref_squeeze %dma_wait3A_244 : memref<1x1x64xi32, #tpu.memory_space<vmem>> -> memref<64xi32, #tpu.memory_space<vmem>>
        %dma_wait3A_246 = arith.constant 0 : i32
        %dma_wait3A_247 = arith.constant 0 : i32
        %dma_wait3A_248 = tpu.memref_slice %arg2[%dma_wait3A_246, %dma_wait3A_247] : memref<10000x128xf32, #tpu.memory_space<hbm>> -> memref<10000x128xf32, #tpu.memory_space<hbm>>
        tpu.wait_indirect_dma semaphore(%arg13 : memref<!tpu.dma_semaphore, #tpu.memory_space<semaphore_mem>>) src(%dma_wait3A_248 : memref<10000x128xf32, #tpu.memory_space<hbm>>) dst(%dma_wait3A_242 : memref<64x128xf32, #tpu.memory_space<vmem>>)
        %dma_start3A_249 = arith.constant 2 : i32
        %dma_start3A_250 = arith.constant 2 : i32
        %dma_start3A_251 = arith.constant 0 : i32
        %dma_start3A_252 = arith.constant 0 : i32
        %dma_start3A_253 = tpu.memref_slice %arg8[%dma_start3A_249, %dma_start3A_251, %dma_start3A_252] : memref<4x64x128xf32, #tpu.memory_space<vmem>> -> memref<1x64x128xf32, #tpu.memory_space<vmem>>
        %dma_start3A_254 = tpu.memref_squeeze %dma_start3A_253 : memref<1x64x128xf32, #tpu.memory_space<vmem>> -> memref<64x128xf32, #tpu.memory_space<vmem>>
        %dma_start3A_255 = arith.constant 0 : i32
        %dma_start3A_256 = tpu.memref_slice %arg7[%rem3A_184, %dma_start3A_250, %dma_start3A_255] : memref<2x4x64xi32, #tpu.memory_space<vmem>> -> memref<1x1x64xi32, #tpu.memory_space<vmem>>
        %dma_start3A_257 = tpu.memref_squeeze %dma_start3A_256 : memref<1x1x64xi32, #tpu.memory_space<vmem>> -> memref<64xi32, #tpu.memory_space<vmem>>
        %dma_start3A_258 = arith.constant 0 : i32
        %dma_start3A_259 = arith.constant 0 : i32
        %dma_start3A_260 = tpu.memref_slice %arg10[%dma_start3A_258, %dma_start3A_259] : memref<10112x128xf32, #tpu.memory_space<vmem_shared>> -> memref<10112x128xf32, #tpu.memory_space<vmem_shared>>
        tpu.enqueue_indirect_dma source(%dma_start3A_254 : memref<64x128xf32, #tpu.memory_space<vmem>>) target(%dma_start3A_260 : memref<10112x128xf32, #tpu.memory_space<vmem_shared>>) offsets(%dma_start3A_257 : memref<64xi32, #tpu.memory_space<vmem>>) semaphore(%arg17 : memref<!tpu.dma_semaphore, #tpu.memory_space<semaphore_mem>>) {add = true}
        %dma_wait3A_261 = arith.constant 3 : i32
        %dma_wait3A_262 = arith.constant 3 : i32
        %dma_wait3A_263 = arith.constant 0 : i32
        %dma_wait3A_264 = arith.constant 0 : i32
        %dma_wait3A_265 = tpu.memref_slice %arg8[%dma_wait3A_262, %dma_wait3A_263, %dma_wait3A_264] : memref<4x64x128xf32, #tpu.memory_space<vmem>> -> memref<1x64x128xf32, #tpu.memory_space<vmem>>
        %dma_wait3A_266 = tpu.memref_squeeze %dma_wait3A_265 : memref<1x64x128xf32, #tpu.memory_space<vmem>> -> memref<64x128xf32, #tpu.memory_space<vmem>>
        %dma_wait3A_267 = arith.constant 0 : i32
        %dma_wait3A_268 = tpu.memref_slice %arg6[%rem3A_184, %dma_wait3A_261, %dma_wait3A_267] : memref<2x4x64xi32, #tpu.memory_space<vmem>> -> memref<1x1x64xi32, #tpu.memory_space<vmem>>
        %dma_wait3A_269 = tpu.memref_squeeze %dma_wait3A_268 : memref<1x1x64xi32, #tpu.memory_space<vmem>> -> memref<64xi32, #tpu.memory_space<vmem>>
        %dma_wait3A_270 = arith.constant 0 : i32
        %dma_wait3A_271 = arith.constant 0 : i32
        %dma_wait3A_272 = tpu.memref_slice %arg2[%dma_wait3A_270, %dma_wait3A_271] : memref<10000x128xf32, #tpu.memory_space<hbm>> -> memref<10000x128xf32, #tpu.memory_space<hbm>>
        tpu.wait_indirect_dma semaphore(%arg14 : memref<!tpu.dma_semaphore, #tpu.memory_space<semaphore_mem>>) src(%dma_wait3A_272 : memref<10000x128xf32, #tpu.memory_space<hbm>>) dst(%dma_wait3A_266 : memref<64x128xf32, #tpu.memory_space<vmem>>)
        %dma_start3A_273 = arith.constant 3 : i32
        %dma_start3A_274 = arith.constant 3 : i32
        %dma_start3A_275 = arith.constant 0 : i32
        %dma_start3A_276 = arith.constant 0 : i32
        %dma_start3A_277 = tpu.memref_slice %arg8[%dma_start3A_273, %dma_start3A_275, %dma_start3A_276] : memref<4x64x128xf32, #tpu.memory_space<vmem>> -> memref<1x64x128xf32, #tpu.memory_space<vmem>>
        %dma_start3A_278 = tpu.memref_squeeze %dma_start3A_277 : memref<1x64x128xf32, #tpu.memory_space<vmem>> -> memref<64x128xf32, #tpu.memory_space<vmem>>
        %dma_start3A_279 = arith.constant 0 : i32
        %dma_start3A_280 = tpu.memref_slice %arg7[%rem3A_184, %dma_start3A_274, %dma_start3A_279] : memref<2x4x64xi32, #tpu.memory_space<vmem>> -> memref<1x1x64xi32, #tpu.memory_space<vmem>>
        %dma_start3A_281 = tpu.memref_squeeze %dma_start3A_280 : memref<1x1x64xi32, #tpu.memory_space<vmem>> -> memref<64xi32, #tpu.memory_space<vmem>>
        %dma_start3A_282 = arith.constant 0 : i32
        %dma_start3A_283 = arith.constant 0 : i32
        %dma_start3A_284 = tpu.memref_slice %arg10[%dma_start3A_282, %dma_start3A_283] : memref<10112x128xf32, #tpu.memory_space<vmem_shared>> -> memref<10112x128xf32, #tpu.memory_space<vmem_shared>>
        tpu.enqueue_indirect_dma source(%dma_start3A_278 : memref<64x128xf32, #tpu.memory_space<vmem>>) target(%dma_start3A_284 : memref<10112x128xf32, #tpu.memory_space<vmem_shared>>) offsets(%dma_start3A_281 : memref<64xi32, #tpu.memory_space<vmem>>) semaphore(%arg18 : memref<!tpu.dma_semaphore, #tpu.memory_space<semaphore_mem>>) {add = true}
        %add3A_285 = arith.constant 1 : i32
        %add3A_286 = arith.addi %scan3A_183, %add3A_285 : i32
        %lt3A = arith.constant 74 : i32
        %lt3A_287 = arith.cmpi slt, %add3A_286, %lt3A : i32
        %convert_element_type3A_288 = arith.extui %lt3A_287 : i1 to i32
        %cond3A_289 = arith.constant 0 : i32
        %cond3A_290 = arith.cmpi ne, %convert_element_type3A_288, %cond3A_289 : i32
        scf.if %cond3A_290 {
          %add3A_374 = arith.constant 1 : i32
          %add3A_375 = arith.addi %scan3A_183, %add3A_374 : i32
          %mul3A_376 = arith.constant 4 : i32
          %mul3A_377 = arith.muli %add3A_375, %mul3A_376 : i32
          %add3A_378 = arith.addi %mul3A_47, %mul3A_377 : i32
          %dma_wait3A_379 = arith.constant 0 : i32
          %dma_wait3A_380 = arith.constant 0 : i32
          %dma_wait3A_381 = tpu.memref_slice %arg6[%rem3A_188, %dma_wait3A_379, %dma_wait3A_380] : memref<2x4x64xi32, #tpu.memory_space<vmem>> -> memref<1x4x64xi32, #tpu.memory_space<vmem>>
          %dma_wait3A_382 = tpu.memref_squeeze %dma_wait3A_381 : memref<1x4x64xi32, #tpu.memory_space<vmem>> -> memref<4x64xi32, #tpu.memory_space<vmem>>
          %dma_wait3A_383 = arith.constant 0 : i32
          %dma_wait3A_384 = tpu.memref_slice %arg3[%add3A_378, %dma_wait3A_383] : memref<5120x64xi32, #tpu.memory_space<hbm>> -> memref<4x64xi32, #tpu.memory_space<hbm>>
          %dma_wait3A_385 = arith.constant 0 : i32
          %dma_wait3A_386 = arith.constant 0 : i32
          %dma_wait3A_387 = tpu.memref_slice %arg6[%rem3A_188, %dma_wait3A_385, %dma_wait3A_386] : memref<2x4x64xi32, #tpu.memory_space<vmem>> -> memref<1x4x64xi32, #tpu.memory_space<vmem>>
          %dma_wait3A_388 = tpu.memref_squeeze %dma_wait3A_387 : memref<1x4x64xi32, #tpu.memory_space<vmem>> -> memref<4x64xi32, #tpu.memory_space<vmem>>
          %dma_wait3A_389 = arith.constant 0 : i32
          %dma_wait3A_390 = tpu.memref_slice %arg3[%add3A_378, %dma_wait3A_389] : memref<5120x64xi32, #tpu.memory_space<hbm>> -> memref<4x64xi32, #tpu.memory_space<hbm>>
          tpu.wait_dma2 semaphore(%arg19 : memref<!tpu.dma_semaphore, #tpu.memory_space<semaphore_mem>>) src(%dma_wait3A_390 : memref<4x64xi32, #tpu.memory_space<hbm>>) dst(%dma_wait3A_388 : memref<4x64xi32, #tpu.memory_space<vmem>>)
          %dma_wait3A_391 = arith.constant 0 : i32
          %dma_wait3A_392 = arith.constant 0 : i32
          %dma_wait3A_393 = tpu.memref_slice %arg7[%rem3A_188, %dma_wait3A_391, %dma_wait3A_392] : memref<2x4x64xi32, #tpu.memory_space<vmem>> -> memref<1x4x64xi32, #tpu.memory_space<vmem>>
          %dma_wait3A_394 = tpu.memref_squeeze %dma_wait3A_393 : memref<1x4x64xi32, #tpu.memory_space<vmem>> -> memref<4x64xi32, #tpu.memory_space<vmem>>
          %dma_wait3A_395 = arith.constant 0 : i32
          %dma_wait3A_396 = tpu.memref_slice %arg4[%add3A_378, %dma_wait3A_395] : memref<5120x64xi32, #tpu.memory_space<hbm>> -> memref<4x64xi32, #tpu.memory_space<hbm>>
          %dma_wait3A_397 = arith.constant 0 : i32
          %dma_wait3A_398 = arith.constant 0 : i32
          %dma_wait3A_399 = tpu.memref_slice %arg7[%rem3A_188, %dma_wait3A_397, %dma_wait3A_398] : memref<2x4x64xi32, #tpu.memory_space<vmem>> -> memref<1x4x64xi32, #tpu.memory_space<vmem>>
          %dma_wait3A_400 = tpu.memref_squeeze %dma_wait3A_399 : memref<1x4x64xi32, #tpu.memory_space<vmem>> -> memref<4x64xi32, #tpu.memory_space<vmem>>
          %dma_wait3A_401 = arith.constant 0 : i32
          %dma_wait3A_402 = tpu.memref_slice %arg4[%add3A_378, %dma_wait3A_401] : memref<5120x64xi32, #tpu.memory_space<hbm>> -> memref<4x64xi32, #tpu.memory_space<hbm>>
          tpu.wait_dma2 semaphore(%arg19 : memref<!tpu.dma_semaphore, #tpu.memory_space<semaphore_mem>>) src(%dma_wait3A_402 : memref<4x64xi32, #tpu.memory_space<hbm>>) dst(%dma_wait3A_400 : memref<4x64xi32, #tpu.memory_space<vmem>>)
        } else {
        }
        %dma_wait3A_291 = arith.constant 0 : i32
        %dma_wait3A_292 = arith.constant 0 : i32
        %dma_wait3A_293 = arith.constant 0 : i32
        %dma_wait3A_294 = arith.constant 0 : i32
        %dma_wait3A_295 = tpu.memref_slice %arg8[%dma_wait3A_291, %dma_wait3A_293, %dma_wait3A_294] : memref<4x64x128xf32, #tpu.memory_space<vmem>> -> memref<1x64x128xf32, #tpu.memory_space<vmem>>
        %dma_wait3A_296 = tpu.memref_squeeze %dma_wait3A_295 : memref<1x64x128xf32, #tpu.memory_space<vmem>> -> memref<64x128xf32, #tpu.memory_space<vmem>>
        %dma_wait3A_297 = arith.constant 0 : i32
        %dma_wait3A_298 = tpu.memref_slice %arg7[%rem3A_184, %dma_wait3A_292, %dma_wait3A_297] : memref<2x4x64xi32, #tpu.memory_space<vmem>> -> memref<1x1x64xi32, #tpu.memory_space<vmem>>
        %dma_wait3A_299 = tpu.memref_squeeze %dma_wait3A_298 : memref<1x1x64xi32, #tpu.memory_space<vmem>> -> memref<64xi32, #tpu.memory_space<vmem>>
        %dma_wait3A_300 = arith.constant 0 : i32
        %dma_wait3A_301 = arith.constant 0 : i32
        %dma_wait3A_302 = tpu.memref_slice %arg10[%dma_wait3A_300, %dma_wait3A_301] : memref<10112x128xf32, #tpu.memory_space<vmem_shared>> -> memref<10112x128xf32, #tpu.memory_space<vmem_shared>>
        tpu.wait_indirect_dma semaphore(%arg15 : memref<!tpu.dma_semaphore, #tpu.memory_space<semaphore_mem>>) src(%dma_wait3A_296 : memref<64x128xf32, #tpu.memory_space<vmem>>) dst(%dma_wait3A_302 : memref<10112x128xf32, #tpu.memory_space<vmem_shared>>)
        %add3A_303 = arith.constant 1 : i32
        %add3A_304 = arith.addi %scan3A_183, %add3A_303 : i32
        %lt3A_305 = arith.constant 74 : i32
        %lt3A_306 = arith.cmpi slt, %add3A_304, %lt3A_305 : i32
        %convert_element_type3A_307 = arith.extui %lt3A_306 : i1 to i32
        %cond3A_308 = arith.constant 0 : i32
        %cond3A_309 = arith.cmpi ne, %convert_element_type3A_307, %cond3A_308 : i32
        scf.if %cond3A_309 {
          %dma_start3A_374 = arith.constant 0 : i32
          %dma_start3A_375 = arith.constant 0 : i32
          %dma_start3A_376 = arith.constant 0 : i32
          %dma_start3A_377 = arith.constant 0 : i32
          %dma_start3A_378 = tpu.memref_slice %arg8[%dma_start3A_375, %dma_start3A_376, %dma_start3A_377] : memref<4x64x128xf32, #tpu.memory_space<vmem>> -> memref<1x64x128xf32, #tpu.memory_space<vmem>>
          %dma_start3A_379 = tpu.memref_squeeze %dma_start3A_378 : memref<1x64x128xf32, #tpu.memory_space<vmem>> -> memref<64x128xf32, #tpu.memory_space<vmem>>
          %dma_start3A_380 = arith.constant 0 : i32
          %dma_start3A_381 = tpu.memref_slice %arg6[%rem3A_188, %dma_start3A_374, %dma_start3A_380] : memref<2x4x64xi32, #tpu.memory_space<vmem>> -> memref<1x1x64xi32, #tpu.memory_space<vmem>>
          %dma_start3A_382 = tpu.memref_squeeze %dma_start3A_381 : memref<1x1x64xi32, #tpu.memory_space<vmem>> -> memref<64xi32, #tpu.memory_space<vmem>>
          %dma_start3A_383 = arith.constant 0 : i32
          %dma_start3A_384 = arith.constant 0 : i32
          %dma_start3A_385 = tpu.memref_slice %arg2[%dma_start3A_383, %dma_start3A_384] : memref<10000x128xf32, #tpu.memory_space<hbm>> -> memref<10000x128xf32, #tpu.memory_space<hbm>>
          tpu.enqueue_indirect_dma source(%dma_start3A_385 : memref<10000x128xf32, #tpu.memory_space<hbm>>) target(%dma_start3A_379 : memref<64x128xf32, #tpu.memory_space<vmem>>) offsets(%dma_start3A_382 : memref<64xi32, #tpu.memory_space<vmem>>) semaphore(%arg11 : memref<!tpu.dma_semaphore, #tpu.memory_space<semaphore_mem>>)
        } else {
        }
        %dma_wait3A_310 = arith.constant 1 : i32
        %dma_wait3A_311 = arith.constant 1 : i32
        %dma_wait3A_312 = arith.constant 0 : i32
        %dma_wait3A_313 = arith.constant 0 : i32
        %dma_wait3A_314 = tpu.memref_slice %arg8[%dma_wait3A_310, %dma_wait3A_312, %dma_wait3A_313] : memref<4x64x128xf32, #tpu.memory_space<vmem>> -> memref<1x64x128xf32, #tpu.memory_space<vmem>>
        %dma_wait3A_315 = tpu.memref_squeeze %dma_wait3A_314 : memref<1x64x128xf32, #tpu.memory_space<vmem>> -> memref<64x128xf32, #tpu.memory_space<vmem>>
        %dma_wait3A_316 = arith.constant 0 : i32
        %dma_wait3A_317 = tpu.memref_slice %arg7[%rem3A_184, %dma_wait3A_311, %dma_wait3A_316] : memref<2x4x64xi32, #tpu.memory_space<vmem>> -> memref<1x1x64xi32, #tpu.memory_space<vmem>>
        %dma_wait3A_318 = tpu.memref_squeeze %dma_wait3A_317 : memref<1x1x64xi32, #tpu.memory_space<vmem>> -> memref<64xi32, #tpu.memory_space<vmem>>
        %dma_wait3A_319 = arith.constant 0 : i32
        %dma_wait3A_320 = arith.constant 0 : i32
        %dma_wait3A_321 = tpu.memref_slice %arg10[%dma_wait3A_319, %dma_wait3A_320] : memref<10112x128xf32, #tpu.memory_space<vmem_shared>> -> memref<10112x128xf32, #tpu.memory_space<vmem_shared>>
        tpu.wait_indirect_dma semaphore(%arg16 : memref<!tpu.dma_semaphore, #tpu.memory_space<semaphore_mem>>) src(%dma_wait3A_315 : memref<64x128xf32, #tpu.memory_space<vmem>>) dst(%dma_wait3A_321 : memref<10112x128xf32, #tpu.memory_space<vmem_shared>>)
        %add3A_322 = arith.constant 1 : i32
        %add3A_323 = arith.addi %scan3A_183, %add3A_322 : i32
        %lt3A_324 = arith.constant 74 : i32
        %lt3A_325 = arith.cmpi slt, %add3A_323, %lt3A_324 : i32
        %convert_element_type3A_326 = arith.extui %lt3A_325 : i1 to i32
        %cond3A_327 = arith.constant 0 : i32
        %cond3A_328 = arith.cmpi ne, %convert_element_type3A_326, %cond3A_327 : i32
        scf.if %cond3A_328 {
          %dma_start3A_374 = arith.constant 1 : i32
          %dma_start3A_375 = arith.constant 1 : i32
          %dma_start3A_376 = arith.constant 0 : i32
          %dma_start3A_377 = arith.constant 0 : i32
          %dma_start3A_378 = tpu.memref_slice %arg8[%dma_start3A_375, %dma_start3A_376, %dma_start3A_377] : memref<4x64x128xf32, #tpu.memory_space<vmem>> -> memref<1x64x128xf32, #tpu.memory_space<vmem>>
          %dma_start3A_379 = tpu.memref_squeeze %dma_start3A_378 : memref<1x64x128xf32, #tpu.memory_space<vmem>> -> memref<64x128xf32, #tpu.memory_space<vmem>>
          %dma_start3A_380 = arith.constant 0 : i32
          %dma_start3A_381 = tpu.memref_slice %arg6[%rem3A_188, %dma_start3A_374, %dma_start3A_380] : memref<2x4x64xi32, #tpu.memory_space<vmem>> -> memref<1x1x64xi32, #tpu.memory_space<vmem>>
          %dma_start3A_382 = tpu.memref_squeeze %dma_start3A_381 : memref<1x1x64xi32, #tpu.memory_space<vmem>> -> memref<64xi32, #tpu.memory_space<vmem>>
          %dma_start3A_383 = arith.constant 0 : i32
          %dma_start3A_384 = arith.constant 0 : i32
          %dma_start3A_385 = tpu.memref_slice %arg2[%dma_start3A_383, %dma_start3A_384] : memref<10000x128xf32, #tpu.memory_space<hbm>> -> memref<10000x128xf32, #tpu.memory_space<hbm>>
          tpu.enqueue_indirect_dma source(%dma_start3A_385 : memref<10000x128xf32, #tpu.memory_space<hbm>>) target(%dma_start3A_379 : memref<64x128xf32, #tpu.memory_space<vmem>>) offsets(%dma_start3A_382 : memref<64xi32, #tpu.memory_space<vmem>>) semaphore(%arg12 : memref<!tpu.dma_semaphore, #tpu.memory_space<semaphore_mem>>)
        } else {
        }
        %dma_wait3A_329 = arith.constant 2 : i32
        %dma_wait3A_330 = arith.constant 2 : i32
        %dma_wait3A_331 = arith.constant 0 : i32
        %dma_wait3A_332 = arith.constant 0 : i32
        %dma_wait3A_333 = tpu.memref_slice %arg8[%dma_wait3A_329, %dma_wait3A_331, %dma_wait3A_332] : memref<4x64x128xf32, #tpu.memory_space<vmem>> -> memref<1x64x128xf32, #tpu.memory_space<vmem>>
        %dma_wait3A_334 = tpu.memref_squeeze %dma_wait3A_333 : memref<1x64x128xf32, #tpu.memory_space<vmem>> -> memref<64x128xf32, #tpu.memory_space<vmem>>
        %dma_wait3A_335 = arith.constant 0 : i32
        %dma_wait3A_336 = tpu.memref_slice %arg7[%rem3A_184, %dma_wait3A_330, %dma_wait3A_335] : memref<2x4x64xi32, #tpu.memory_space<vmem>> -> memref<1x1x64xi32, #tpu.memory_space<vmem>>
        %dma_wait3A_337 = tpu.memref_squeeze %dma_wait3A_336 : memref<1x1x64xi32, #tpu.memory_space<vmem>> -> memref<64xi32, #tpu.memory_space<vmem>>
        %dma_wait3A_338 = arith.constant 0 : i32
        %dma_wait3A_339 = arith.constant 0 : i32
        %dma_wait3A_340 = tpu.memref_slice %arg10[%dma_wait3A_338, %dma_wait3A_339] : memref<10112x128xf32, #tpu.memory_space<vmem_shared>> -> memref<10112x128xf32, #tpu.memory_space<vmem_shared>>
        tpu.wait_indirect_dma semaphore(%arg17 : memref<!tpu.dma_semaphore, #tpu.memory_space<semaphore_mem>>) src(%dma_wait3A_334 : memref<64x128xf32, #tpu.memory_space<vmem>>) dst(%dma_wait3A_340 : memref<10112x128xf32, #tpu.memory_space<vmem_shared>>)
        %add3A_341 = arith.constant 1 : i32
        %add3A_342 = arith.addi %scan3A_183, %add3A_341 : i32
        %lt3A_343 = arith.constant 74 : i32
        %lt3A_344 = arith.cmpi slt, %add3A_342, %lt3A_343 : i32
        %convert_element_type3A_345 = arith.extui %lt3A_344 : i1 to i32
        %cond3A_346 = arith.constant 0 : i32
        %cond3A_347 = arith.cmpi ne, %convert_element_type3A_345, %cond3A_346 : i32
        scf.if %cond3A_347 {
          %dma_start3A_374 = arith.constant 2 : i32
          %dma_start3A_375 = arith.constant 2 : i32
          %dma_start3A_376 = arith.constant 0 : i32
          %dma_start3A_377 = arith.constant 0 : i32
          %dma_start3A_378 = tpu.memref_slice %arg8[%dma_start3A_375, %dma_start3A_376, %dma_start3A_377] : memref<4x64x128xf32, #tpu.memory_space<vmem>> -> memref<1x64x128xf32, #tpu.memory_space<vmem>>
          %dma_start3A_379 = tpu.memref_squeeze %dma_start3A_378 : memref<1x64x128xf32, #tpu.memory_space<vmem>> -> memref<64x128xf32, #tpu.memory_space<vmem>>
          %dma_start3A_380 = arith.constant 0 : i32
          %dma_start3A_381 = tpu.memref_slice %arg6[%rem3A_188, %dma_start3A_374, %dma_start3A_380] : memref<2x4x64xi32, #tpu.memory_space<vmem>> -> memref<1x1x64xi32, #tpu.memory_space<vmem>>
          %dma_start3A_382 = tpu.memref_squeeze %dma_start3A_381 : memref<1x1x64xi32, #tpu.memory_space<vmem>> -> memref<64xi32, #tpu.memory_space<vmem>>
          %dma_start3A_383 = arith.constant 0 : i32
          %dma_start3A_384 = arith.constant 0 : i32
          %dma_start3A_385 = tpu.memref_slice %arg2[%dma_start3A_383, %dma_start3A_384] : memref<10000x128xf32, #tpu.memory_space<hbm>> -> memref<10000x128xf32, #tpu.memory_space<hbm>>
          tpu.enqueue_indirect_dma source(%dma_start3A_385 : memref<10000x128xf32, #tpu.memory_space<hbm>>) target(%dma_start3A_379 : memref<64x128xf32, #tpu.memory_space<vmem>>) offsets(%dma_start3A_382 : memref<64xi32, #tpu.memory_space<vmem>>) semaphore(%arg13 : memref<!tpu.dma_semaphore, #tpu.memory_space<semaphore_mem>>)
        } else {
        }
        %dma_wait3A_348 = arith.constant 3 : i32
        %dma_wait3A_349 = arith.constant 3 : i32
        %dma_wait3A_350 = arith.constant 0 : i32
        %dma_wait3A_351 = arith.constant 0 : i32
        %dma_wait3A_352 = tpu.memref_slice %arg8[%dma_wait3A_348, %dma_wait3A_350, %dma_wait3A_351] : memref<4x64x128xf32, #tpu.memory_space<vmem>> -> memref<1x64x128xf32, #tpu.memory_space<vmem>>
        %dma_wait3A_353 = tpu.memref_squeeze %dma_wait3A_352 : memref<1x64x128xf32, #tpu.memory_space<vmem>> -> memref<64x128xf32, #tpu.memory_space<vmem>>
        %dma_wait3A_354 = arith.constant 0 : i32
        %dma_wait3A_355 = tpu.memref_slice %arg7[%rem3A_184, %dma_wait3A_349, %dma_wait3A_354] : memref<2x4x64xi32, #tpu.memory_space<vmem>> -> memref<1x1x64xi32, #tpu.memory_space<vmem>>
        %dma_wait3A_356 = tpu.memref_squeeze %dma_wait3A_355 : memref<1x1x64xi32, #tpu.memory_space<vmem>> -> memref<64xi32, #tpu.memory_space<vmem>>
        %dma_wait3A_357 = arith.constant 0 : i32
        %dma_wait3A_358 = arith.constant 0 : i32
        %dma_wait3A_359 = tpu.memref_slice %arg10[%dma_wait3A_357, %dma_wait3A_358] : memref<10112x128xf32, #tpu.memory_space<vmem_shared>> -> memref<10112x128xf32, #tpu.memory_space<vmem_shared>>
        tpu.wait_indirect_dma semaphore(%arg18 : memref<!tpu.dma_semaphore, #tpu.memory_space<semaphore_mem>>) src(%dma_wait3A_353 : memref<64x128xf32, #tpu.memory_space<vmem>>) dst(%dma_wait3A_359 : memref<10112x128xf32, #tpu.memory_space<vmem_shared>>)
        %add3A_360 = arith.constant 1 : i32
        %add3A_361 = arith.addi %scan3A_183, %add3A_360 : i32
        %lt3A_362 = arith.constant 74 : i32
        %lt3A_363 = arith.cmpi slt, %add3A_361, %lt3A_362 : i32
        %convert_element_type3A_364 = arith.extui %lt3A_363 : i1 to i32
        %cond3A_365 = arith.constant 0 : i32
        %cond3A_366 = arith.cmpi ne, %convert_element_type3A_364, %cond3A_365 : i32
        scf.if %cond3A_366 {
          %dma_start3A_374 = arith.constant 3 : i32
          %dma_start3A_375 = arith.constant 3 : i32
          %dma_start3A_376 = arith.constant 0 : i32
          %dma_start3A_377 = arith.constant 0 : i32
          %dma_start3A_378 = tpu.memref_slice %arg8[%dma_start3A_375, %dma_start3A_376, %dma_start3A_377] : memref<4x64x128xf32, #tpu.memory_space<vmem>> -> memref<1x64x128xf32, #tpu.memory_space<vmem>>
          %dma_start3A_379 = tpu.memref_squeeze %dma_start3A_378 : memref<1x64x128xf32, #tpu.memory_space<vmem>> -> memref<64x128xf32, #tpu.memory_space<vmem>>
          %dma_start3A_380 = arith.constant 0 : i32
          %dma_start3A_381 = tpu.memref_slice %arg6[%rem3A_188, %dma_start3A_374, %dma_start3A_380] : memref<2x4x64xi32, #tpu.memory_space<vmem>> -> memref<1x1x64xi32, #tpu.memory_space<vmem>>
          %dma_start3A_382 = tpu.memref_squeeze %dma_start3A_381 : memref<1x1x64xi32, #tpu.memory_space<vmem>> -> memref<64xi32, #tpu.memory_space<vmem>>
          %dma_start3A_383 = arith.constant 0 : i32
          %dma_start3A_384 = arith.constant 0 : i32
          %dma_start3A_385 = tpu.memref_slice %arg2[%dma_start3A_383, %dma_start3A_384] : memref<10000x128xf32, #tpu.memory_space<hbm>> -> memref<10000x128xf32, #tpu.memory_space<hbm>>
          tpu.enqueue_indirect_dma source(%dma_start3A_385 : memref<10000x128xf32, #tpu.memory_space<hbm>>) target(%dma_start3A_379 : memref<64x128xf32, #tpu.memory_space<vmem>>) offsets(%dma_start3A_382 : memref<64xi32, #tpu.memory_space<vmem>>) semaphore(%arg14 : memref<!tpu.dma_semaphore, #tpu.memory_space<semaphore_mem>>)
        } else {
        }
        %add3A_367 = arith.constant 2 : i32
        %add3A_368 = arith.addi %scan3A_183, %add3A_367 : i32
        %lt3A_369 = arith.constant 74 : i32
        %lt3A_370 = arith.cmpi slt, %add3A_368, %lt3A_369 : i32
        %convert_element_type3A_371 = arith.extui %lt3A_370 : i1 to i32
        %cond3A_372 = arith.constant 0 : i32
        %cond3A_373 = arith.cmpi ne, %convert_element_type3A_371, %cond3A_372 : i32
        scf.if %cond3A_373 {
          %add3A_374 = arith.constant 2 : i32
          %add3A_375 = arith.addi %scan3A_183, %add3A_374 : i32
          %mul3A_376 = arith.constant 4 : i32
          %mul3A_377 = arith.muli %add3A_375, %mul3A_376 : i32
          %add3A_378 = arith.addi %mul3A_47, %mul3A_377 : i32
          %dma_start3A_379 = arith.constant 0 : i32
          %dma_start3A_380 = arith.constant 0 : i32
          %dma_start3A_381 = tpu.memref_slice %arg6[%rem3A_184, %dma_start3A_379, %dma_start3A_380] : memref<2x4x64xi32, #tpu.memory_space<vmem>> -> memref<1x4x64xi32, #tpu.memory_space<vmem>>
          %dma_start3A_382 = tpu.memref_squeeze %dma_start3A_381 : memref<1x4x64xi32, #tpu.memory_space<vmem>> -> memref<4x64xi32, #tpu.memory_space<vmem>>
          %dma_start3A_383 = arith.constant 0 : i32
          %dma_start3A_384 = tpu.memref_slice %arg3[%add3A_378, %dma_start3A_383] : memref<5120x64xi32, #tpu.memory_space<hbm>> -> memref<4x64xi32, #tpu.memory_space<hbm>>
          %dma_start3A_385 = arith.constant 0 : i32
          %dma_start3A_386 = arith.constant 0 : i32
          %dma_start3A_387 = tpu.memref_slice %arg6[%rem3A_184, %dma_start3A_385, %dma_start3A_386] : memref<2x4x64xi32, #tpu.memory_space<vmem>> -> memref<1x4x64xi32, #tpu.memory_space<vmem>>
          %dma_start3A_388 = tpu.memref_squeeze %dma_start3A_387 : memref<1x4x64xi32, #tpu.memory_space<vmem>> -> memref<4x64xi32, #tpu.memory_space<vmem>>
          %dma_start3A_389 = arith.constant 0 : i32
          %dma_start3A_390 = tpu.memref_slice %arg3[%add3A_378, %dma_start3A_389] : memref<5120x64xi32, #tpu.memory_space<hbm>> -> memref<4x64xi32, #tpu.memory_space<hbm>>
          tpu.enqueue_dma source(%dma_start3A_390 : memref<4x64xi32, #tpu.memory_space<hbm>>) target(%dma_start3A_388 : memref<4x64xi32, #tpu.memory_space<vmem>>) target_semaphore(%arg19 : memref<!tpu.dma_semaphore, #tpu.memory_space<semaphore_mem>>)
          %dma_start3A_391 = arith.constant 0 : i32
          %dma_start3A_392 = arith.constant 0 : i32
          %dma_start3A_393 = tpu.memref_slice %arg7[%rem3A_184, %dma_start3A_391, %dma_start3A_392] : memref<2x4x64xi32, #tpu.memory_space<vmem>> -> memref<1x4x64xi32, #tpu.memory_space<vmem>>
          %dma_start3A_394 = tpu.memref_squeeze %dma_start3A_393 : memref<1x4x64xi32, #tpu.memory_space<vmem>> -> memref<4x64xi32, #tpu.memory_space<vmem>>
          %dma_start3A_395 = arith.constant 0 : i32
          %dma_start3A_396 = tpu.memref_slice %arg4[%add3A_378, %dma_start3A_395] : memref<5120x64xi32, #tpu.memory_space<hbm>> -> memref<4x64xi32, #tpu.memory_space<hbm>>
          %dma_start3A_397 = arith.constant 0 : i32
          %dma_start3A_398 = arith.constant 0 : i32
          %dma_start3A_399 = tpu.memref_slice %arg7[%rem3A_184, %dma_start3A_397, %dma_start3A_398] : memref<2x4x64xi32, #tpu.memory_space<vmem>> -> memref<1x4x64xi32, #tpu.memory_space<vmem>>
          %dma_start3A_400 = tpu.memref_squeeze %dma_start3A_399 : memref<1x4x64xi32, #tpu.memory_space<vmem>> -> memref<4x64xi32, #tpu.memory_space<vmem>>
          %dma_start3A_401 = arith.constant 0 : i32
          %dma_start3A_402 = tpu.memref_slice %arg4[%add3A_378, %dma_start3A_401] : memref<5120x64xi32, #tpu.memory_space<hbm>> -> memref<4x64xi32, #tpu.memory_space<hbm>>
          tpu.enqueue_dma source(%dma_start3A_402 : memref<4x64xi32, #tpu.memory_space<hbm>>) target(%dma_start3A_400 : memref<4x64xi32, #tpu.memory_space<vmem>>) target_semaphore(%arg19 : memref<!tpu.dma_semaphore, #tpu.memory_space<semaphore_mem>>)
        } else {
        }
      }
      %scan3A_182 = arith.constant 74 : i32
    } else {
    }
    %eq3A_36 = arith.constant 1 : i32
    %eq3A_37 = arith.cmpi eq, %arg0, %eq3A_36 : i32
    %convert_element_type3A_38 = arith.extui %eq3A_37 : i1 to i32
    %cond3A_39 = arith.constant 0 : i32
    %cond3A_40 = arith.cmpi ne, %convert_element_type3A_38, %cond3A_39 : i32
    scf.if %cond3A_40 {
      %mul3A_46 = arith.constant 24 : i32
      %mul3A_47 = arith.muli %arg1, %mul3A_46 : i32
      %add3A_48 = arith.constant 4736 : i32
      %add3A_49 = arith.addi %add3A_48, %mul3A_47 : i32
      %dma_start3A = arith.constant 0 : i32
      %dma_start3A_50 = arith.constant 0 : i32
      %dma_start3A_51 = arith.constant 0 : i32
      %dma_start3A_52 = tpu.memref_slice %arg6[%dma_start3A, %dma_start3A_50, %dma_start3A_51] : memref<2x4x64xi32, #tpu.memory_space<vmem>> -> memref<1x4x64xi32, #tpu.memory_space<vmem>>
      %dma_start3A_53 = tpu.memref_squeeze %dma_start3A_52 : memref<1x4x64xi32, #tpu.memory_space<vmem>> -> memref<4x64xi32, #tpu.memory_space<vmem>>
      %dma_start3A_54 = arith.constant 0 : i32
      %dma_start3A_55 = tpu.memref_slice %arg3[%add3A_49, %dma_start3A_54] : memref<5120x64xi32, #tpu.memory_space<hbm>> -> memref<4x64xi32, #tpu.memory_space<hbm>>
      %dma_start3A_56 = arith.constant 0 : i32
      %dma_start3A_57 = arith.constant 0 : i32
      %dma_start3A_58 = tpu.memref_slice %arg6[%dma_start3A, %dma_start3A_56, %dma_start3A_57] : memref<2x4x64xi32, #tpu.memory_space<vmem>> -> memref<1x4x64xi32, #tpu.memory_space<vmem>>
      %dma_start3A_59 = tpu.memref_squeeze %dma_start3A_58 : memref<1x4x64xi32, #tpu.memory_space<vmem>> -> memref<4x64xi32, #tpu.memory_space<vmem>>
      %dma_start3A_60 = arith.constant 0 : i32
      %dma_start3A_61 = tpu.memref_slice %arg3[%add3A_49, %dma_start3A_60] : memref<5120x64xi32, #tpu.memory_space<hbm>> -> memref<4x64xi32, #tpu.memory_space<hbm>>
      tpu.enqueue_dma source(%dma_start3A_61 : memref<4x64xi32, #tpu.memory_space<hbm>>) target(%dma_start3A_59 : memref<4x64xi32, #tpu.memory_space<vmem>>) target_semaphore(%arg19 : memref<!tpu.dma_semaphore, #tpu.memory_space<semaphore_mem>>)
      %dma_start3A_62 = arith.constant 0 : i32
      %dma_start3A_63 = arith.constant 0 : i32
      %dma_start3A_64 = arith.constant 0 : i32
      %dma_start3A_65 = tpu.memref_slice %arg7[%dma_start3A_62, %dma_start3A_63, %dma_start3A_64] : memref<2x4x64xi32, #tpu.memory_space<vmem>> -> memref<1x4x64xi32, #tpu.memory_space<vmem>>
      %dma_start3A_66 = tpu.memref_squeeze %dma_start3A_65 : memref<1x4x64xi32, #tpu.memory_space<vmem>> -> memref<4x64xi32, #tpu.memory_space<vmem>>
      %dma_start3A_67 = arith.constant 0 : i32
      %dma_start3A_68 = tpu.memref_slice %arg4[%add3A_49, %dma_start3A_67] : memref<5120x64xi32, #tpu.memory_space<hbm>> -> memref<4x64xi32, #tpu.memory_space<hbm>>
      %dma_start3A_69 = arith.constant 0 : i32
      %dma_start3A_70 = arith.constant 0 : i32
      %dma_start3A_71 = tpu.memref_slice %arg7[%dma_start3A_62, %dma_start3A_69, %dma_start3A_70] : memref<2x4x64xi32, #tpu.memory_space<vmem>> -> memref<1x4x64xi32, #tpu.memory_space<vmem>>
      %dma_start3A_72 = tpu.memref_squeeze %dma_start3A_71 : memref<1x4x64xi32, #tpu.memory_space<vmem>> -> memref<4x64xi32, #tpu.memory_space<vmem>>
      %dma_start3A_73 = arith.constant 0 : i32
      %dma_start3A_74 = tpu.memref_slice %arg4[%add3A_49, %dma_start3A_73] : memref<5120x64xi32, #tpu.memory_space<hbm>> -> memref<4x64xi32, #tpu.memory_space<hbm>>
      tpu.enqueue_dma source(%dma_start3A_74 : memref<4x64xi32, #tpu.memory_space<hbm>>) target(%dma_start3A_72 : memref<4x64xi32, #tpu.memory_space<vmem>>) target_semaphore(%arg19 : memref<!tpu.dma_semaphore, #tpu.memory_space<semaphore_mem>>)
      %dma_wait3A = arith.constant 0 : i32
      %dma_wait3A_75 = arith.constant 0 : i32
      %dma_wait3A_76 = arith.constant 0 : i32
      %dma_wait3A_77 = tpu.memref_slice %arg6[%dma_wait3A, %dma_wait3A_75, %dma_wait3A_76] : memref<2x4x64xi32, #tpu.memory_space<vmem>> -> memref<1x4x64xi32, #tpu.memory_space<vmem>>
      %dma_wait3A_78 = tpu.memref_squeeze %dma_wait3A_77 : memref<1x4x64xi32, #tpu.memory_space<vmem>> -> memref<4x64xi32, #tpu.memory_space<vmem>>
      %dma_wait3A_79 = arith.constant 0 : i32
      %dma_wait3A_80 = tpu.memref_slice %arg3[%add3A_49, %dma_wait3A_79] : memref<5120x64xi32, #tpu.memory_space<hbm>> -> memref<4x64xi32, #tpu.memory_space<hbm>>
      %dma_wait3A_81 = arith.constant 0 : i32
      %dma_wait3A_82 = arith.constant 0 : i32
      %dma_wait3A_83 = tpu.memref_slice %arg6[%dma_wait3A, %dma_wait3A_81, %dma_wait3A_82] : memref<2x4x64xi32, #tpu.memory_space<vmem>> -> memref<1x4x64xi32, #tpu.memory_space<vmem>>
      %dma_wait3A_84 = tpu.memref_squeeze %dma_wait3A_83 : memref<1x4x64xi32, #tpu.memory_space<vmem>> -> memref<4x64xi32, #tpu.memory_space<vmem>>
      %dma_wait3A_85 = arith.constant 0 : i32
      %dma_wait3A_86 = tpu.memref_slice %arg3[%add3A_49, %dma_wait3A_85] : memref<5120x64xi32, #tpu.memory_space<hbm>> -> memref<4x64xi32, #tpu.memory_space<hbm>>
      tpu.wait_dma2 semaphore(%arg19 : memref<!tpu.dma_semaphore, #tpu.memory_space<semaphore_mem>>) src(%dma_wait3A_86 : memref<4x64xi32, #tpu.memory_space<hbm>>) dst(%dma_wait3A_84 : memref<4x64xi32, #tpu.memory_space<vmem>>)
      %dma_wait3A_87 = arith.constant 0 : i32
      %dma_wait3A_88 = arith.constant 0 : i32
      %dma_wait3A_89 = arith.constant 0 : i32
      %dma_wait3A_90 = tpu.memref_slice %arg7[%dma_wait3A_87, %dma_wait3A_88, %dma_wait3A_89] : memref<2x4x64xi32, #tpu.memory_space<vmem>> -> memref<1x4x64xi32, #tpu.memory_space<vmem>>
      %dma_wait3A_91 = tpu.memref_squeeze %dma_wait3A_90 : memref<1x4x64xi32, #tpu.memory_space<vmem>> -> memref<4x64xi32, #tpu.memory_space<vmem>>
      %dma_wait3A_92 = arith.constant 0 : i32
      %dma_wait3A_93 = tpu.memref_slice %arg4[%add3A_49, %dma_wait3A_92] : memref<5120x64xi32, #tpu.memory_space<hbm>> -> memref<4x64xi32, #tpu.memory_space<hbm>>
      %dma_wait3A_94 = arith.constant 0 : i32
      %dma_wait3A_95 = arith.constant 0 : i32
      %dma_wait3A_96 = tpu.memref_slice %arg7[%dma_wait3A_87, %dma_wait3A_94, %dma_wait3A_95] : memref<2x4x64xi32, #tpu.memory_space<vmem>> -> memref<1x4x64xi32, #tpu.memory_space<vmem>>
      %dma_wait3A_97 = tpu.memref_squeeze %dma_wait3A_96 : memref<1x4x64xi32, #tpu.memory_space<vmem>> -> memref<4x64xi32, #tpu.memory_space<vmem>>
      %dma_wait3A_98 = arith.constant 0 : i32
      %dma_wait3A_99 = tpu.memref_slice %arg4[%add3A_49, %dma_wait3A_98] : memref<5120x64xi32, #tpu.memory_space<hbm>> -> memref<4x64xi32, #tpu.memory_space<hbm>>
      tpu.wait_dma2 semaphore(%arg19 : memref<!tpu.dma_semaphore, #tpu.memory_space<semaphore_mem>>) src(%dma_wait3A_99 : memref<4x64xi32, #tpu.memory_space<hbm>>) dst(%dma_wait3A_97 : memref<4x64xi32, #tpu.memory_space<vmem>>)
      %dma_start3A_100 = arith.constant 0 : i32
      %dma_start3A_101 = arith.constant 0 : i32
      %dma_start3A_102 = arith.constant 0 : i32
      %dma_start3A_103 = arith.constant 0 : i32
      %dma_start3A_104 = arith.constant 0 : i32
      %dma_start3A_105 = tpu.memref_slice %arg8[%dma_start3A_102, %dma_start3A_103, %dma_start3A_104] : memref<4x64x128xf32, #tpu.memory_space<vmem>> -> memref<1x64x128xf32, #tpu.memory_space<vmem>>
      %dma_start3A_106 = tpu.memref_squeeze %dma_start3A_105 : memref<1x64x128xf32, #tpu.memory_space<vmem>> -> memref<64x128xf32, #tpu.memory_space<vmem>>
      %dma_start3A_107 = arith.constant 0 : i32
      %dma_start3A_108 = tpu.memref_slice %arg6[%dma_start3A_100, %dma_start3A_101, %dma_start3A_107] : memref<2x4x64xi32, #tpu.memory_space<vmem>> -> memref<1x1x64xi32, #tpu.memory_space<vmem>>
      %dma_start3A_109 = tpu.memref_squeeze %dma_start3A_108 : memref<1x1x64xi32, #tpu.memory_space<vmem>> -> memref<64xi32, #tpu.memory_space<vmem>>
      %dma_start3A_110 = arith.constant 0 : i32
      %dma_start3A_111 = arith.constant 0 : i32
      %dma_start3A_112 = tpu.memref_slice %arg2[%dma_start3A_110, %dma_start3A_111] : memref<10000x128xf32, #tpu.memory_space<hbm>> -> memref<10000x128xf32, #tpu.memory_space<hbm>>
      tpu.enqueue_indirect_dma source(%dma_start3A_112 : memref<10000x128xf32, #tpu.memory_space<hbm>>) target(%dma_start3A_106 : memref<64x128xf32, #tpu.memory_space<vmem>>) offsets(%dma_start3A_109 : memref<64xi32, #tpu.memory_space<vmem>>) semaphore(%arg11 : memref<!tpu.dma_semaphore, #tpu.memory_space<semaphore_mem>>)
      %dma_start3A_113 = arith.constant 0 : i32
      %dma_start3A_114 = arith.constant 1 : i32
      %dma_start3A_115 = arith.constant 1 : i32
      %dma_start3A_116 = arith.constant 0 : i32
      %dma_start3A_117 = arith.constant 0 : i32
      %dma_start3A_118 = tpu.memref_slice %arg8[%dma_start3A_115, %dma_start3A_116, %dma_start3A_117] : memref<4x64x128xf32, #tpu.memory_space<vmem>> -> memref<1x64x128xf32, #tpu.memory_space<vmem>>
      %dma_start3A_119 = tpu.memref_squeeze %dma_start3A_118 : memref<1x64x128xf32, #tpu.memory_space<vmem>> -> memref<64x128xf32, #tpu.memory_space<vmem>>
      %dma_start3A_120 = arith.constant 0 : i32
      %dma_start3A_121 = tpu.memref_slice %arg6[%dma_start3A_113, %dma_start3A_114, %dma_start3A_120] : memref<2x4x64xi32, #tpu.memory_space<vmem>> -> memref<1x1x64xi32, #tpu.memory_space<vmem>>
      %dma_start3A_122 = tpu.memref_squeeze %dma_start3A_121 : memref<1x1x64xi32, #tpu.memory_space<vmem>> -> memref<64xi32, #tpu.memory_space<vmem>>
      %dma_start3A_123 = arith.constant 0 : i32
      %dma_start3A_124 = arith.constant 0 : i32
      %dma_start3A_125 = tpu.memref_slice %arg2[%dma_start3A_123, %dma_start3A_124] : memref<10000x128xf32, #tpu.memory_space<hbm>> -> memref<10000x128xf32, #tpu.memory_space<hbm>>
      tpu.enqueue_indirect_dma source(%dma_start3A_125 : memref<10000x128xf32, #tpu.memory_space<hbm>>) target(%dma_start3A_119 : memref<64x128xf32, #tpu.memory_space<vmem>>) offsets(%dma_start3A_122 : memref<64xi32, #tpu.memory_space<vmem>>) semaphore(%arg12 : memref<!tpu.dma_semaphore, #tpu.memory_space<semaphore_mem>>)
      %dma_start3A_126 = arith.constant 0 : i32
      %dma_start3A_127 = arith.constant 2 : i32
      %dma_start3A_128 = arith.constant 2 : i32
      %dma_start3A_129 = arith.constant 0 : i32
      %dma_start3A_130 = arith.constant 0 : i32
      %dma_start3A_131 = tpu.memref_slice %arg8[%dma_start3A_128, %dma_start3A_129, %dma_start3A_130] : memref<4x64x128xf32, #tpu.memory_space<vmem>> -> memref<1x64x128xf32, #tpu.memory_space<vmem>>
      %dma_start3A_132 = tpu.memref_squeeze %dma_start3A_131 : memref<1x64x128xf32, #tpu.memory_space<vmem>> -> memref<64x128xf32, #tpu.memory_space<vmem>>
      %dma_start3A_133 = arith.constant 0 : i32
      %dma_start3A_134 = tpu.memref_slice %arg6[%dma_start3A_126, %dma_start3A_127, %dma_start3A_133] : memref<2x4x64xi32, #tpu.memory_space<vmem>> -> memref<1x1x64xi32, #tpu.memory_space<vmem>>
      %dma_start3A_135 = tpu.memref_squeeze %dma_start3A_134 : memref<1x1x64xi32, #tpu.memory_space<vmem>> -> memref<64xi32, #tpu.memory_space<vmem>>
      %dma_start3A_136 = arith.constant 0 : i32
      %dma_start3A_137 = arith.constant 0 : i32
      %dma_start3A_138 = tpu.memref_slice %arg2[%dma_start3A_136, %dma_start3A_137] : memref<10000x128xf32, #tpu.memory_space<hbm>> -> memref<10000x128xf32, #tpu.memory_space<hbm>>
      tpu.enqueue_indirect_dma source(%dma_start3A_138 : memref<10000x128xf32, #tpu.memory_space<hbm>>) target(%dma_start3A_132 : memref<64x128xf32, #tpu.memory_space<vmem>>) offsets(%dma_start3A_135 : memref<64xi32, #tpu.memory_space<vmem>>) semaphore(%arg13 : memref<!tpu.dma_semaphore, #tpu.memory_space<semaphore_mem>>)
      %dma_start3A_139 = arith.constant 0 : i32
      %dma_start3A_140 = arith.constant 3 : i32
      %dma_start3A_141 = arith.constant 3 : i32
      %dma_start3A_142 = arith.constant 0 : i32
      %dma_start3A_143 = arith.constant 0 : i32
      %dma_start3A_144 = tpu.memref_slice %arg8[%dma_start3A_141, %dma_start3A_142, %dma_start3A_143] : memref<4x64x128xf32, #tpu.memory_space<vmem>> -> memref<1x64x128xf32, #tpu.memory_space<vmem>>
      %dma_start3A_145 = tpu.memref_squeeze %dma_start3A_144 : memref<1x64x128xf32, #tpu.memory_space<vmem>> -> memref<64x128xf32, #tpu.memory_space<vmem>>
      %dma_start3A_146 = arith.constant 0 : i32
      %dma_start3A_147 = tpu.memref_slice %arg6[%dma_start3A_139, %dma_start3A_140, %dma_start3A_146] : memref<2x4x64xi32, #tpu.memory_space<vmem>> -> memref<1x1x64xi32, #tpu.memory_space<vmem>>
      %dma_start3A_148 = tpu.memref_squeeze %dma_start3A_147 : memref<1x1x64xi32, #tpu.memory_space<vmem>> -> memref<64xi32, #tpu.memory_space<vmem>>
      %dma_start3A_149 = arith.constant 0 : i32
      %dma_start3A_150 = arith.constant 0 : i32
      %dma_start3A_151 = tpu.memref_slice %arg2[%dma_start3A_149, %dma_start3A_150] : memref<10000x128xf32, #tpu.memory_space<hbm>> -> memref<10000x128xf32, #tpu.memory_space<hbm>>
      tpu.enqueue_indirect_dma source(%dma_start3A_151 : memref<10000x128xf32, #tpu.memory_space<hbm>>) target(%dma_start3A_145 : memref<64x128xf32, #tpu.memory_space<vmem>>) offsets(%dma_start3A_148 : memref<64xi32, #tpu.memory_space<vmem>>) semaphore(%arg14 : memref<!tpu.dma_semaphore, #tpu.memory_space<semaphore_mem>>)
      %add3A_152 = arith.constant 4 : i32
      %add3A_153 = arith.addi %add3A_49, %add3A_152 : i32
      %dma_start3A_154 = arith.constant 1 : i32
      %dma_start3A_155 = arith.constant 0 : i32
      %dma_start3A_156 = arith.constant 0 : i32
      %dma_start3A_157 = tpu.memref_slice %arg6[%dma_start3A_154, %dma_start3A_155, %dma_start3A_156] : memref<2x4x64xi32, #tpu.memory_space<vmem>> -> memref<1x4x64xi32, #tpu.memory_space<vmem>>
      %dma_start3A_158 = tpu.memref_squeeze %dma_start3A_157 : memref<1x4x64xi32, #tpu.memory_space<vmem>> -> memref<4x64xi32, #tpu.memory_space<vmem>>
      %dma_start3A_159 = arith.constant 0 : i32
      %dma_start3A_160 = tpu.memref_slice %arg3[%add3A_153, %dma_start3A_159] : memref<5120x64xi32, #tpu.memory_space<hbm>> -> memref<4x64xi32, #tpu.memory_space<hbm>>
      %dma_start3A_161 = arith.constant 0 : i32
      %dma_start3A_162 = arith.constant 0 : i32
      %dma_start3A_163 = tpu.memref_slice %arg6[%dma_start3A_154, %dma_start3A_161, %dma_start3A_162] : memref<2x4x64xi32, #tpu.memory_space<vmem>> -> memref<1x4x64xi32, #tpu.memory_space<vmem>>
      %dma_start3A_164 = tpu.memref_squeeze %dma_start3A_163 : memref<1x4x64xi32, #tpu.memory_space<vmem>> -> memref<4x64xi32, #tpu.memory_space<vmem>>
      %dma_start3A_165 = arith.constant 0 : i32
      %dma_start3A_166 = tpu.memref_slice %arg3[%add3A_153, %dma_start3A_165] : memref<5120x64xi32, #tpu.memory_space<hbm>> -> memref<4x64xi32, #tpu.memory_space<hbm>>
      tpu.enqueue_dma source(%dma_start3A_166 : memref<4x64xi32, #tpu.memory_space<hbm>>) target(%dma_start3A_164 : memref<4x64xi32, #tpu.memory_space<vmem>>) target_semaphore(%arg19 : memref<!tpu.dma_semaphore, #tpu.memory_space<semaphore_mem>>)
      %dma_start3A_167 = arith.constant 1 : i32
      %dma_start3A_168 = arith.constant 0 : i32
      %dma_start3A_169 = arith.constant 0 : i32
      %dma_start3A_170 = tpu.memref_slice %arg7[%dma_start3A_167, %dma_start3A_168, %dma_start3A_169] : memref<2x4x64xi32, #tpu.memory_space<vmem>> -> memref<1x4x64xi32, #tpu.memory_space<vmem>>
      %dma_start3A_171 = tpu.memref_squeeze %dma_start3A_170 : memref<1x4x64xi32, #tpu.memory_space<vmem>> -> memref<4x64xi32, #tpu.memory_space<vmem>>
      %dma_start3A_172 = arith.constant 0 : i32
      %dma_start3A_173 = tpu.memref_slice %arg4[%add3A_153, %dma_start3A_172] : memref<5120x64xi32, #tpu.memory_space<hbm>> -> memref<4x64xi32, #tpu.memory_space<hbm>>
      %dma_start3A_174 = arith.constant 0 : i32
      %dma_start3A_175 = arith.constant 0 : i32
      %dma_start3A_176 = tpu.memref_slice %arg7[%dma_start3A_167, %dma_start3A_174, %dma_start3A_175] : memref<2x4x64xi32, #tpu.memory_space<vmem>> -> memref<1x4x64xi32, #tpu.memory_space<vmem>>
      %dma_start3A_177 = tpu.memref_squeeze %dma_start3A_176 : memref<1x4x64xi32, #tpu.memory_space<vmem>> -> memref<4x64xi32, #tpu.memory_space<vmem>>
      %dma_start3A_178 = arith.constant 0 : i32
      %dma_start3A_179 = tpu.memref_slice %arg4[%add3A_153, %dma_start3A_178] : memref<5120x64xi32, #tpu.memory_space<hbm>> -> memref<4x64xi32, #tpu.memory_space<hbm>>
      tpu.enqueue_dma source(%dma_start3A_179 : memref<4x64xi32, #tpu.memory_space<hbm>>) target(%dma_start3A_177 : memref<4x64xi32, #tpu.memory_space<vmem>>) target_semaphore(%arg19 : memref<!tpu.dma_semaphore, #tpu.memory_space<semaphore_mem>>)
      %scan3A_180 = arith.constant 0 : i32
      %scan3A_181 = arith.constant 6 : i32
      %scan3A_182 = arith.addi %scan3A_180, %scan3A_181 : i32
      %scan3A_183 = arith.constant 1 : i32
      scf.for %scan3A_185 = %scan3A_180 to %scan3A_182 step %scan3A_183  : i32 {
        %rem3A = arith.constant 2 : i32
        %rem3A_186 = arith.remsi %scan3A_185, %rem3A : i32
        %add3A_187 = arith.constant 1 : i32
        %add3A_188 = arith.addi %scan3A_185, %add3A_187 : i32
        %rem3A_189 = arith.constant 2 : i32
        %rem3A_190 = arith.remsi %add3A_188, %rem3A_189 : i32
        %dma_wait3A_191 = arith.constant 0 : i32
        %dma_wait3A_192 = arith.constant 0 : i32
        %dma_wait3A_193 = arith.constant 0 : i32
        %dma_wait3A_194 = arith.constant 0 : i32
        %dma_wait3A_195 = tpu.memref_slice %arg8[%dma_wait3A_192, %dma_wait3A_193, %dma_wait3A_194] : memref<4x64x128xf32, #tpu.memory_space<vmem>> -> memref<1x64x128xf32, #tpu.memory_space<vmem>>
        %dma_wait3A_196 = tpu.memref_squeeze %dma_wait3A_195 : memref<1x64x128xf32, #tpu.memory_space<vmem>> -> memref<64x128xf32, #tpu.memory_space<vmem>>
        %dma_wait3A_197 = arith.constant 0 : i32
        %dma_wait3A_198 = tpu.memref_slice %arg6[%rem3A_186, %dma_wait3A_191, %dma_wait3A_197] : memref<2x4x64xi32, #tpu.memory_space<vmem>> -> memref<1x1x64xi32, #tpu.memory_space<vmem>>
        %dma_wait3A_199 = tpu.memref_squeeze %dma_wait3A_198 : memref<1x1x64xi32, #tpu.memory_space<vmem>> -> memref<64xi32, #tpu.memory_space<vmem>>
        %dma_wait3A_200 = arith.constant 0 : i32
        %dma_wait3A_201 = arith.constant 0 : i32
        %dma_wait3A_202 = tpu.memref_slice %arg2[%dma_wait3A_200, %dma_wait3A_201] : memref<10000x128xf32, #tpu.memory_space<hbm>> -> memref<10000x128xf32, #tpu.memory_space<hbm>>
        tpu.wait_indirect_dma semaphore(%arg11 : memref<!tpu.dma_semaphore, #tpu.memory_space<semaphore_mem>>) src(%dma_wait3A_202 : memref<10000x128xf32, #tpu.memory_space<hbm>>) dst(%dma_wait3A_196 : memref<64x128xf32, #tpu.memory_space<vmem>>)
        %dma_start3A_203 = arith.constant 0 : i32
        %dma_start3A_204 = arith.constant 0 : i32
        %dma_start3A_205 = arith.constant 0 : i32
        %dma_start3A_206 = arith.constant 0 : i32
        %dma_start3A_207 = tpu.memref_slice %arg8[%dma_start3A_203, %dma_start3A_205, %dma_start3A_206] : memref<4x64x128xf32, #tpu.memory_space<vmem>> -> memref<1x64x128xf32, #tpu.memory_space<vmem>>
        %dma_start3A_208 = tpu.memref_squeeze %dma_start3A_207 : memref<1x64x128xf32, #tpu.memory_space<vmem>> -> memref<64x128xf32, #tpu.memory_space<vmem>>
        %dma_start3A_209 = arith.constant 0 : i32
        %dma_start3A_210 = tpu.memref_slice %arg7[%rem3A_186, %dma_start3A_204, %dma_start3A_209] : memref<2x4x64xi32, #tpu.memory_space<vmem>> -> memref<1x1x64xi32, #tpu.memory_space<vmem>>
        %dma_start3A_211 = tpu.memref_squeeze %dma_start3A_210 : memref<1x1x64xi32, #tpu.memory_space<vmem>> -> memref<64xi32, #tpu.memory_space<vmem>>
        %dma_start3A_212 = arith.constant 0 : i32
        %dma_start3A_213 = arith.constant 0 : i32
        %dma_start3A_214 = tpu.memref_slice %arg10[%dma_start3A_212, %dma_start3A_213] : memref<10112x128xf32, #tpu.memory_space<vmem_shared>> -> memref<10112x128xf32, #tpu.memory_space<vmem_shared>>
        tpu.enqueue_indirect_dma source(%dma_start3A_208 : memref<64x128xf32, #tpu.memory_space<vmem>>) target(%dma_start3A_214 : memref<10112x128xf32, #tpu.memory_space<vmem_shared>>) offsets(%dma_start3A_211 : memref<64xi32, #tpu.memory_space<vmem>>) semaphore(%arg15 : memref<!tpu.dma_semaphore, #tpu.memory_space<semaphore_mem>>) {add = true}
        %dma_wait3A_215 = arith.constant 1 : i32
        %dma_wait3A_216 = arith.constant 1 : i32
        %dma_wait3A_217 = arith.constant 0 : i32
        %dma_wait3A_218 = arith.constant 0 : i32
        %dma_wait3A_219 = tpu.memref_slice %arg8[%dma_wait3A_216, %dma_wait3A_217, %dma_wait3A_218] : memref<4x64x128xf32, #tpu.memory_space<vmem>> -> memref<1x64x128xf32, #tpu.memory_space<vmem>>
        %dma_wait3A_220 = tpu.memref_squeeze %dma_wait3A_219 : memref<1x64x128xf32, #tpu.memory_space<vmem>> -> memref<64x128xf32, #tpu.memory_space<vmem>>
        %dma_wait3A_221 = arith.constant 0 : i32
        %dma_wait3A_222 = tpu.memref_slice %arg6[%rem3A_186, %dma_wait3A_215, %dma_wait3A_221] : memref<2x4x64xi32, #tpu.memory_space<vmem>> -> memref<1x1x64xi32, #tpu.memory_space<vmem>>
        %dma_wait3A_223 = tpu.memref_squeeze %dma_wait3A_222 : memref<1x1x64xi32, #tpu.memory_space<vmem>> -> memref<64xi32, #tpu.memory_space<vmem>>
        %dma_wait3A_224 = arith.constant 0 : i32
        %dma_wait3A_225 = arith.constant 0 : i32
        %dma_wait3A_226 = tpu.memref_slice %arg2[%dma_wait3A_224, %dma_wait3A_225] : memref<10000x128xf32, #tpu.memory_space<hbm>> -> memref<10000x128xf32, #tpu.memory_space<hbm>>
        tpu.wait_indirect_dma semaphore(%arg12 : memref<!tpu.dma_semaphore, #tpu.memory_space<semaphore_mem>>) src(%dma_wait3A_226 : memref<10000x128xf32, #tpu.memory_space<hbm>>) dst(%dma_wait3A_220 : memref<64x128xf32, #tpu.memory_space<vmem>>)
        %dma_start3A_227 = arith.constant 1 : i32
        %dma_start3A_228 = arith.constant 1 : i32
        %dma_start3A_229 = arith.constant 0 : i32
        %dma_start3A_230 = arith.constant 0 : i32
        %dma_start3A_231 = tpu.memref_slice %arg8[%dma_start3A_227, %dma_start3A_229, %dma_start3A_230] : memref<4x64x128xf32, #tpu.memory_space<vmem>> -> memref<1x64x128xf32, #tpu.memory_space<vmem>>
        %dma_start3A_232 = tpu.memref_squeeze %dma_start3A_231 : memref<1x64x128xf32, #tpu.memory_space<vmem>> -> memref<64x128xf32, #tpu.memory_space<vmem>>
        %dma_start3A_233 = arith.constant 0 : i32
        %dma_start3A_234 = tpu.memref_slice %arg7[%rem3A_186, %dma_start3A_228, %dma_start3A_233] : memref<2x4x64xi32, #tpu.memory_space<vmem>> -> memref<1x1x64xi32, #tpu.memory_space<vmem>>
        %dma_start3A_235 = tpu.memref_squeeze %dma_start3A_234 : memref<1x1x64xi32, #tpu.memory_space<vmem>> -> memref<64xi32, #tpu.memory_space<vmem>>
        %dma_start3A_236 = arith.constant 0 : i32
        %dma_start3A_237 = arith.constant 0 : i32
        %dma_start3A_238 = tpu.memref_slice %arg10[%dma_start3A_236, %dma_start3A_237] : memref<10112x128xf32, #tpu.memory_space<vmem_shared>> -> memref<10112x128xf32, #tpu.memory_space<vmem_shared>>
        tpu.enqueue_indirect_dma source(%dma_start3A_232 : memref<64x128xf32, #tpu.memory_space<vmem>>) target(%dma_start3A_238 : memref<10112x128xf32, #tpu.memory_space<vmem_shared>>) offsets(%dma_start3A_235 : memref<64xi32, #tpu.memory_space<vmem>>) semaphore(%arg16 : memref<!tpu.dma_semaphore, #tpu.memory_space<semaphore_mem>>) {add = true}
        %dma_wait3A_239 = arith.constant 2 : i32
        %dma_wait3A_240 = arith.constant 2 : i32
        %dma_wait3A_241 = arith.constant 0 : i32
        %dma_wait3A_242 = arith.constant 0 : i32
        %dma_wait3A_243 = tpu.memref_slice %arg8[%dma_wait3A_240, %dma_wait3A_241, %dma_wait3A_242] : memref<4x64x128xf32, #tpu.memory_space<vmem>> -> memref<1x64x128xf32, #tpu.memory_space<vmem>>
        %dma_wait3A_244 = tpu.memref_squeeze %dma_wait3A_243 : memref<1x64x128xf32, #tpu.memory_space<vmem>> -> memref<64x128xf32, #tpu.memory_space<vmem>>
        %dma_wait3A_245 = arith.constant 0 : i32
        %dma_wait3A_246 = tpu.memref_slice %arg6[%rem3A_186, %dma_wait3A_239, %dma_wait3A_245] : memref<2x4x64xi32, #tpu.memory_space<vmem>> -> memref<1x1x64xi32, #tpu.memory_space<vmem>>
        %dma_wait3A_247 = tpu.memref_squeeze %dma_wait3A_246 : memref<1x1x64xi32, #tpu.memory_space<vmem>> -> memref<64xi32, #tpu.memory_space<vmem>>
        %dma_wait3A_248 = arith.constant 0 : i32
        %dma_wait3A_249 = arith.constant 0 : i32
        %dma_wait3A_250 = tpu.memref_slice %arg2[%dma_wait3A_248, %dma_wait3A_249] : memref<10000x128xf32, #tpu.memory_space<hbm>> -> memref<10000x128xf32, #tpu.memory_space<hbm>>
        tpu.wait_indirect_dma semaphore(%arg13 : memref<!tpu.dma_semaphore, #tpu.memory_space<semaphore_mem>>) src(%dma_wait3A_250 : memref<10000x128xf32, #tpu.memory_space<hbm>>) dst(%dma_wait3A_244 : memref<64x128xf32, #tpu.memory_space<vmem>>)
        %dma_start3A_251 = arith.constant 2 : i32
        %dma_start3A_252 = arith.constant 2 : i32
        %dma_start3A_253 = arith.constant 0 : i32
        %dma_start3A_254 = arith.constant 0 : i32
        %dma_start3A_255 = tpu.memref_slice %arg8[%dma_start3A_251, %dma_start3A_253, %dma_start3A_254] : memref<4x64x128xf32, #tpu.memory_space<vmem>> -> memref<1x64x128xf32, #tpu.memory_space<vmem>>
        %dma_start3A_256 = tpu.memref_squeeze %dma_start3A_255 : memref<1x64x128xf32, #tpu.memory_space<vmem>> -> memref<64x128xf32, #tpu.memory_space<vmem>>
        %dma_start3A_257 = arith.constant 0 : i32
        %dma_start3A_258 = tpu.memref_slice %arg7[%rem3A_186, %dma_start3A_252, %dma_start3A_257] : memref<2x4x64xi32, #tpu.memory_space<vmem>> -> memref<1x1x64xi32, #tpu.memory_space<vmem>>
        %dma_start3A_259 = tpu.memref_squeeze %dma_start3A_258 : memref<1x1x64xi32, #tpu.memory_space<vmem>> -> memref<64xi32, #tpu.memory_space<vmem>>
        %dma_start3A_260 = arith.constant 0 : i32
        %dma_start3A_261 = arith.constant 0 : i32
        %dma_start3A_262 = tpu.memref_slice %arg10[%dma_start3A_260, %dma_start3A_261] : memref<10112x128xf32, #tpu.memory_space<vmem_shared>> -> memref<10112x128xf32, #tpu.memory_space<vmem_shared>>
        tpu.enqueue_indirect_dma source(%dma_start3A_256 : memref<64x128xf32, #tpu.memory_space<vmem>>) target(%dma_start3A_262 : memref<10112x128xf32, #tpu.memory_space<vmem_shared>>) offsets(%dma_start3A_259 : memref<64xi32, #tpu.memory_space<vmem>>) semaphore(%arg17 : memref<!tpu.dma_semaphore, #tpu.memory_space<semaphore_mem>>) {add = true}
        %dma_wait3A_263 = arith.constant 3 : i32
        %dma_wait3A_264 = arith.constant 3 : i32
        %dma_wait3A_265 = arith.constant 0 : i32
        %dma_wait3A_266 = arith.constant 0 : i32
        %dma_wait3A_267 = tpu.memref_slice %arg8[%dma_wait3A_264, %dma_wait3A_265, %dma_wait3A_266] : memref<4x64x128xf32, #tpu.memory_space<vmem>> -> memref<1x64x128xf32, #tpu.memory_space<vmem>>
        %dma_wait3A_268 = tpu.memref_squeeze %dma_wait3A_267 : memref<1x64x128xf32, #tpu.memory_space<vmem>> -> memref<64x128xf32, #tpu.memory_space<vmem>>
        %dma_wait3A_269 = arith.constant 0 : i32
        %dma_wait3A_270 = tpu.memref_slice %arg6[%rem3A_186, %dma_wait3A_263, %dma_wait3A_269] : memref<2x4x64xi32, #tpu.memory_space<vmem>> -> memref<1x1x64xi32, #tpu.memory_space<vmem>>
        %dma_wait3A_271 = tpu.memref_squeeze %dma_wait3A_270 : memref<1x1x64xi32, #tpu.memory_space<vmem>> -> memref<64xi32, #tpu.memory_space<vmem>>
        %dma_wait3A_272 = arith.constant 0 : i32
        %dma_wait3A_273 = arith.constant 0 : i32
        %dma_wait3A_274 = tpu.memref_slice %arg2[%dma_wait3A_272, %dma_wait3A_273] : memref<10000x128xf32, #tpu.memory_space<hbm>> -> memref<10000x128xf32, #tpu.memory_space<hbm>>
        tpu.wait_indirect_dma semaphore(%arg14 : memref<!tpu.dma_semaphore, #tpu.memory_space<semaphore_mem>>) src(%dma_wait3A_274 : memref<10000x128xf32, #tpu.memory_space<hbm>>) dst(%dma_wait3A_268 : memref<64x128xf32, #tpu.memory_space<vmem>>)
        %dma_start3A_275 = arith.constant 3 : i32
        %dma_start3A_276 = arith.constant 3 : i32
        %dma_start3A_277 = arith.constant 0 : i32
        %dma_start3A_278 = arith.constant 0 : i32
        %dma_start3A_279 = tpu.memref_slice %arg8[%dma_start3A_275, %dma_start3A_277, %dma_start3A_278] : memref<4x64x128xf32, #tpu.memory_space<vmem>> -> memref<1x64x128xf32, #tpu.memory_space<vmem>>
        %dma_start3A_280 = tpu.memref_squeeze %dma_start3A_279 : memref<1x64x128xf32, #tpu.memory_space<vmem>> -> memref<64x128xf32, #tpu.memory_space<vmem>>
        %dma_start3A_281 = arith.constant 0 : i32
        %dma_start3A_282 = tpu.memref_slice %arg7[%rem3A_186, %dma_start3A_276, %dma_start3A_281] : memref<2x4x64xi32, #tpu.memory_space<vmem>> -> memref<1x1x64xi32, #tpu.memory_space<vmem>>
        %dma_start3A_283 = tpu.memref_squeeze %dma_start3A_282 : memref<1x1x64xi32, #tpu.memory_space<vmem>> -> memref<64xi32, #tpu.memory_space<vmem>>
        %dma_start3A_284 = arith.constant 0 : i32
        %dma_start3A_285 = arith.constant 0 : i32
        %dma_start3A_286 = tpu.memref_slice %arg10[%dma_start3A_284, %dma_start3A_285] : memref<10112x128xf32, #tpu.memory_space<vmem_shared>> -> memref<10112x128xf32, #tpu.memory_space<vmem_shared>>
        tpu.enqueue_indirect_dma source(%dma_start3A_280 : memref<64x128xf32, #tpu.memory_space<vmem>>) target(%dma_start3A_286 : memref<10112x128xf32, #tpu.memory_space<vmem_shared>>) offsets(%dma_start3A_283 : memref<64xi32, #tpu.memory_space<vmem>>) semaphore(%arg18 : memref<!tpu.dma_semaphore, #tpu.memory_space<semaphore_mem>>) {add = true}
        %add3A_287 = arith.constant 1 : i32
        %add3A_288 = arith.addi %scan3A_185, %add3A_287 : i32
        %lt3A = arith.constant 6 : i32
        %lt3A_289 = arith.cmpi slt, %add3A_288, %lt3A : i32
        %convert_element_type3A_290 = arith.extui %lt3A_289 : i1 to i32
        %cond3A_291 = arith.constant 0 : i32
        %cond3A_292 = arith.cmpi ne, %convert_element_type3A_290, %cond3A_291 : i32
        scf.if %cond3A_292 {
          %add3A_376 = arith.constant 1 : i32
          %add3A_377 = arith.addi %scan3A_185, %add3A_376 : i32
          %mul3A_378 = arith.constant 4 : i32
          %mul3A_379 = arith.muli %add3A_377, %mul3A_378 : i32
          %add3A_380 = arith.addi %add3A_49, %mul3A_379 : i32
          %dma_wait3A_381 = arith.constant 0 : i32
          %dma_wait3A_382 = arith.constant 0 : i32
          %dma_wait3A_383 = tpu.memref_slice %arg6[%rem3A_190, %dma_wait3A_381, %dma_wait3A_382] : memref<2x4x64xi32, #tpu.memory_space<vmem>> -> memref<1x4x64xi32, #tpu.memory_space<vmem>>
          %dma_wait3A_384 = tpu.memref_squeeze %dma_wait3A_383 : memref<1x4x64xi32, #tpu.memory_space<vmem>> -> memref<4x64xi32, #tpu.memory_space<vmem>>
          %dma_wait3A_385 = arith.constant 0 : i32
          %dma_wait3A_386 = tpu.memref_slice %arg3[%add3A_380, %dma_wait3A_385] : memref<5120x64xi32, #tpu.memory_space<hbm>> -> memref<4x64xi32, #tpu.memory_space<hbm>>
          %dma_wait3A_387 = arith.constant 0 : i32
          %dma_wait3A_388 = arith.constant 0 : i32
          %dma_wait3A_389 = tpu.memref_slice %arg6[%rem3A_190, %dma_wait3A_387, %dma_wait3A_388] : memref<2x4x64xi32, #tpu.memory_space<vmem>> -> memref<1x4x64xi32, #tpu.memory_space<vmem>>
          %dma_wait3A_390 = tpu.memref_squeeze %dma_wait3A_389 : memref<1x4x64xi32, #tpu.memory_space<vmem>> -> memref<4x64xi32, #tpu.memory_space<vmem>>
          %dma_wait3A_391 = arith.constant 0 : i32
          %dma_wait3A_392 = tpu.memref_slice %arg3[%add3A_380, %dma_wait3A_391] : memref<5120x64xi32, #tpu.memory_space<hbm>> -> memref<4x64xi32, #tpu.memory_space<hbm>>
          tpu.wait_dma2 semaphore(%arg19 : memref<!tpu.dma_semaphore, #tpu.memory_space<semaphore_mem>>) src(%dma_wait3A_392 : memref<4x64xi32, #tpu.memory_space<hbm>>) dst(%dma_wait3A_390 : memref<4x64xi32, #tpu.memory_space<vmem>>)
          %dma_wait3A_393 = arith.constant 0 : i32
          %dma_wait3A_394 = arith.constant 0 : i32
          %dma_wait3A_395 = tpu.memref_slice %arg7[%rem3A_190, %dma_wait3A_393, %dma_wait3A_394] : memref<2x4x64xi32, #tpu.memory_space<vmem>> -> memref<1x4x64xi32, #tpu.memory_space<vmem>>
          %dma_wait3A_396 = tpu.memref_squeeze %dma_wait3A_395 : memref<1x4x64xi32, #tpu.memory_space<vmem>> -> memref<4x64xi32, #tpu.memory_space<vmem>>
          %dma_wait3A_397 = arith.constant 0 : i32
          %dma_wait3A_398 = tpu.memref_slice %arg4[%add3A_380, %dma_wait3A_397] : memref<5120x64xi32, #tpu.memory_space<hbm>> -> memref<4x64xi32, #tpu.memory_space<hbm>>
          %dma_wait3A_399 = arith.constant 0 : i32
          %dma_wait3A_400 = arith.constant 0 : i32
          %dma_wait3A_401 = tpu.memref_slice %arg7[%rem3A_190, %dma_wait3A_399, %dma_wait3A_400] : memref<2x4x64xi32, #tpu.memory_space<vmem>> -> memref<1x4x64xi32, #tpu.memory_space<vmem>>
          %dma_wait3A_402 = tpu.memref_squeeze %dma_wait3A_401 : memref<1x4x64xi32, #tpu.memory_space<vmem>> -> memref<4x64xi32, #tpu.memory_space<vmem>>
          %dma_wait3A_403 = arith.constant 0 : i32
          %dma_wait3A_404 = tpu.memref_slice %arg4[%add3A_380, %dma_wait3A_403] : memref<5120x64xi32, #tpu.memory_space<hbm>> -> memref<4x64xi32, #tpu.memory_space<hbm>>
          tpu.wait_dma2 semaphore(%arg19 : memref<!tpu.dma_semaphore, #tpu.memory_space<semaphore_mem>>) src(%dma_wait3A_404 : memref<4x64xi32, #tpu.memory_space<hbm>>) dst(%dma_wait3A_402 : memref<4x64xi32, #tpu.memory_space<vmem>>)
        } else {
        }
        %dma_wait3A_293 = arith.constant 0 : i32
        %dma_wait3A_294 = arith.constant 0 : i32
        %dma_wait3A_295 = arith.constant 0 : i32
        %dma_wait3A_296 = arith.constant 0 : i32
        %dma_wait3A_297 = tpu.memref_slice %arg8[%dma_wait3A_293, %dma_wait3A_295, %dma_wait3A_296] : memref<4x64x128xf32, #tpu.memory_space<vmem>> -> memref<1x64x128xf32, #tpu.memory_space<vmem>>
        %dma_wait3A_298 = tpu.memref_squeeze %dma_wait3A_297 : memref<1x64x128xf32, #tpu.memory_space<vmem>> -> memref<64x128xf32, #tpu.memory_space<vmem>>
        %dma_wait3A_299 = arith.constant 0 : i32
        %dma_wait3A_300 = tpu.memref_slice %arg7[%rem3A_186, %dma_wait3A_294, %dma_wait3A_299] : memref<2x4x64xi32, #tpu.memory_space<vmem>> -> memref<1x1x64xi32, #tpu.memory_space<vmem>>
        %dma_wait3A_301 = tpu.memref_squeeze %dma_wait3A_300 : memref<1x1x64xi32, #tpu.memory_space<vmem>> -> memref<64xi32, #tpu.memory_space<vmem>>
        %dma_wait3A_302 = arith.constant 0 : i32
        %dma_wait3A_303 = arith.constant 0 : i32
        %dma_wait3A_304 = tpu.memref_slice %arg10[%dma_wait3A_302, %dma_wait3A_303] : memref<10112x128xf32, #tpu.memory_space<vmem_shared>> -> memref<10112x128xf32, #tpu.memory_space<vmem_shared>>
        tpu.wait_indirect_dma semaphore(%arg15 : memref<!tpu.dma_semaphore, #tpu.memory_space<semaphore_mem>>) src(%dma_wait3A_298 : memref<64x128xf32, #tpu.memory_space<vmem>>) dst(%dma_wait3A_304 : memref<10112x128xf32, #tpu.memory_space<vmem_shared>>)
        %add3A_305 = arith.constant 1 : i32
        %add3A_306 = arith.addi %scan3A_185, %add3A_305 : i32
        %lt3A_307 = arith.constant 6 : i32
        %lt3A_308 = arith.cmpi slt, %add3A_306, %lt3A_307 : i32
        %convert_element_type3A_309 = arith.extui %lt3A_308 : i1 to i32
        %cond3A_310 = arith.constant 0 : i32
        %cond3A_311 = arith.cmpi ne, %convert_element_type3A_309, %cond3A_310 : i32
        scf.if %cond3A_311 {
          %dma_start3A_376 = arith.constant 0 : i32
          %dma_start3A_377 = arith.constant 0 : i32
          %dma_start3A_378 = arith.constant 0 : i32
          %dma_start3A_379 = arith.constant 0 : i32
          %dma_start3A_380 = tpu.memref_slice %arg8[%dma_start3A_377, %dma_start3A_378, %dma_start3A_379] : memref<4x64x128xf32, #tpu.memory_space<vmem>> -> memref<1x64x128xf32, #tpu.memory_space<vmem>>
          %dma_start3A_381 = tpu.memref_squeeze %dma_start3A_380 : memref<1x64x128xf32, #tpu.memory_space<vmem>> -> memref<64x128xf32, #tpu.memory_space<vmem>>
          %dma_start3A_382 = arith.constant 0 : i32
          %dma_start3A_383 = tpu.memref_slice %arg6[%rem3A_190, %dma_start3A_376, %dma_start3A_382] : memref<2x4x64xi32, #tpu.memory_space<vmem>> -> memref<1x1x64xi32, #tpu.memory_space<vmem>>
          %dma_start3A_384 = tpu.memref_squeeze %dma_start3A_383 : memref<1x1x64xi32, #tpu.memory_space<vmem>> -> memref<64xi32, #tpu.memory_space<vmem>>
          %dma_start3A_385 = arith.constant 0 : i32
          %dma_start3A_386 = arith.constant 0 : i32
          %dma_start3A_387 = tpu.memref_slice %arg2[%dma_start3A_385, %dma_start3A_386] : memref<10000x128xf32, #tpu.memory_space<hbm>> -> memref<10000x128xf32, #tpu.memory_space<hbm>>
          tpu.enqueue_indirect_dma source(%dma_start3A_387 : memref<10000x128xf32, #tpu.memory_space<hbm>>) target(%dma_start3A_381 : memref<64x128xf32, #tpu.memory_space<vmem>>) offsets(%dma_start3A_384 : memref<64xi32, #tpu.memory_space<vmem>>) semaphore(%arg11 : memref<!tpu.dma_semaphore, #tpu.memory_space<semaphore_mem>>)
        } else {
        }
        %dma_wait3A_312 = arith.constant 1 : i32
        %dma_wait3A_313 = arith.constant 1 : i32
        %dma_wait3A_314 = arith.constant 0 : i32
        %dma_wait3A_315 = arith.constant 0 : i32
        %dma_wait3A_316 = tpu.memref_slice %arg8[%dma_wait3A_312, %dma_wait3A_314, %dma_wait3A_315] : memref<4x64x128xf32, #tpu.memory_space<vmem>> -> memref<1x64x128xf32, #tpu.memory_space<vmem>>
        %dma_wait3A_317 = tpu.memref_squeeze %dma_wait3A_316 : memref<1x64x128xf32, #tpu.memory_space<vmem>> -> memref<64x128xf32, #tpu.memory_space<vmem>>
        %dma_wait3A_318 = arith.constant 0 : i32
        %dma_wait3A_319 = tpu.memref_slice %arg7[%rem3A_186, %dma_wait3A_313, %dma_wait3A_318] : memref<2x4x64xi32, #tpu.memory_space<vmem>> -> memref<1x1x64xi32, #tpu.memory_space<vmem>>
        %dma_wait3A_320 = tpu.memref_squeeze %dma_wait3A_319 : memref<1x1x64xi32, #tpu.memory_space<vmem>> -> memref<64xi32, #tpu.memory_space<vmem>>
        %dma_wait3A_321 = arith.constant 0 : i32
        %dma_wait3A_322 = arith.constant 0 : i32
        %dma_wait3A_323 = tpu.memref_slice %arg10[%dma_wait3A_321, %dma_wait3A_322] : memref<10112x128xf32, #tpu.memory_space<vmem_shared>> -> memref<10112x128xf32, #tpu.memory_space<vmem_shared>>
        tpu.wait_indirect_dma semaphore(%arg16 : memref<!tpu.dma_semaphore, #tpu.memory_space<semaphore_mem>>) src(%dma_wait3A_317 : memref<64x128xf32, #tpu.memory_space<vmem>>) dst(%dma_wait3A_323 : memref<10112x128xf32, #tpu.memory_space<vmem_shared>>)
        %add3A_324 = arith.constant 1 : i32
        %add3A_325 = arith.addi %scan3A_185, %add3A_324 : i32
        %lt3A_326 = arith.constant 6 : i32
        %lt3A_327 = arith.cmpi slt, %add3A_325, %lt3A_326 : i32
        %convert_element_type3A_328 = arith.extui %lt3A_327 : i1 to i32
        %cond3A_329 = arith.constant 0 : i32
        %cond3A_330 = arith.cmpi ne, %convert_element_type3A_328, %cond3A_329 : i32
        scf.if %cond3A_330 {
          %dma_start3A_376 = arith.constant 1 : i32
          %dma_start3A_377 = arith.constant 1 : i32
          %dma_start3A_378 = arith.constant 0 : i32
          %dma_start3A_379 = arith.constant 0 : i32
          %dma_start3A_380 = tpu.memref_slice %arg8[%dma_start3A_377, %dma_start3A_378, %dma_start3A_379] : memref<4x64x128xf32, #tpu.memory_space<vmem>> -> memref<1x64x128xf32, #tpu.memory_space<vmem>>
          %dma_start3A_381 = tpu.memref_squeeze %dma_start3A_380 : memref<1x64x128xf32, #tpu.memory_space<vmem>> -> memref<64x128xf32, #tpu.memory_space<vmem>>
          %dma_start3A_382 = arith.constant 0 : i32
          %dma_start3A_383 = tpu.memref_slice %arg6[%rem3A_190, %dma_start3A_376, %dma_start3A_382] : memref<2x4x64xi32, #tpu.memory_space<vmem>> -> memref<1x1x64xi32, #tpu.memory_space<vmem>>
          %dma_start3A_384 = tpu.memref_squeeze %dma_start3A_383 : memref<1x1x64xi32, #tpu.memory_space<vmem>> -> memref<64xi32, #tpu.memory_space<vmem>>
          %dma_start3A_385 = arith.constant 0 : i32
          %dma_start3A_386 = arith.constant 0 : i32
          %dma_start3A_387 = tpu.memref_slice %arg2[%dma_start3A_385, %dma_start3A_386] : memref<10000x128xf32, #tpu.memory_space<hbm>> -> memref<10000x128xf32, #tpu.memory_space<hbm>>
          tpu.enqueue_indirect_dma source(%dma_start3A_387 : memref<10000x128xf32, #tpu.memory_space<hbm>>) target(%dma_start3A_381 : memref<64x128xf32, #tpu.memory_space<vmem>>) offsets(%dma_start3A_384 : memref<64xi32, #tpu.memory_space<vmem>>) semaphore(%arg12 : memref<!tpu.dma_semaphore, #tpu.memory_space<semaphore_mem>>)
        } else {
        }
        %dma_wait3A_331 = arith.constant 2 : i32
        %dma_wait3A_332 = arith.constant 2 : i32
        %dma_wait3A_333 = arith.constant 0 : i32
        %dma_wait3A_334 = arith.constant 0 : i32
        %dma_wait3A_335 = tpu.memref_slice %arg8[%dma_wait3A_331, %dma_wait3A_333, %dma_wait3A_334] : memref<4x64x128xf32, #tpu.memory_space<vmem>> -> memref<1x64x128xf32, #tpu.memory_space<vmem>>
        %dma_wait3A_336 = tpu.memref_squeeze %dma_wait3A_335 : memref<1x64x128xf32, #tpu.memory_space<vmem>> -> memref<64x128xf32, #tpu.memory_space<vmem>>
        %dma_wait3A_337 = arith.constant 0 : i32
        %dma_wait3A_338 = tpu.memref_slice %arg7[%rem3A_186, %dma_wait3A_332, %dma_wait3A_337] : memref<2x4x64xi32, #tpu.memory_space<vmem>> -> memref<1x1x64xi32, #tpu.memory_space<vmem>>
        %dma_wait3A_339 = tpu.memref_squeeze %dma_wait3A_338 : memref<1x1x64xi32, #tpu.memory_space<vmem>> -> memref<64xi32, #tpu.memory_space<vmem>>
        %dma_wait3A_340 = arith.constant 0 : i32
        %dma_wait3A_341 = arith.constant 0 : i32
        %dma_wait3A_342 = tpu.memref_slice %arg10[%dma_wait3A_340, %dma_wait3A_341] : memref<10112x128xf32, #tpu.memory_space<vmem_shared>> -> memref<10112x128xf32, #tpu.memory_space<vmem_shared>>
        tpu.wait_indirect_dma semaphore(%arg17 : memref<!tpu.dma_semaphore, #tpu.memory_space<semaphore_mem>>) src(%dma_wait3A_336 : memref<64x128xf32, #tpu.memory_space<vmem>>) dst(%dma_wait3A_342 : memref<10112x128xf32, #tpu.memory_space<vmem_shared>>)
        %add3A_343 = arith.constant 1 : i32
        %add3A_344 = arith.addi %scan3A_185, %add3A_343 : i32
        %lt3A_345 = arith.constant 6 : i32
        %lt3A_346 = arith.cmpi slt, %add3A_344, %lt3A_345 : i32
        %convert_element_type3A_347 = arith.extui %lt3A_346 : i1 to i32
        %cond3A_348 = arith.constant 0 : i32
        %cond3A_349 = arith.cmpi ne, %convert_element_type3A_347, %cond3A_348 : i32
        scf.if %cond3A_349 {
          %dma_start3A_376 = arith.constant 2 : i32
          %dma_start3A_377 = arith.constant 2 : i32
          %dma_start3A_378 = arith.constant 0 : i32
          %dma_start3A_379 = arith.constant 0 : i32
          %dma_start3A_380 = tpu.memref_slice %arg8[%dma_start3A_377, %dma_start3A_378, %dma_start3A_379] : memref<4x64x128xf32, #tpu.memory_space<vmem>> -> memref<1x64x128xf32, #tpu.memory_space<vmem>>
          %dma_start3A_381 = tpu.memref_squeeze %dma_start3A_380 : memref<1x64x128xf32, #tpu.memory_space<vmem>> -> memref<64x128xf32, #tpu.memory_space<vmem>>
          %dma_start3A_382 = arith.constant 0 : i32
          %dma_start3A_383 = tpu.memref_slice %arg6[%rem3A_190, %dma_start3A_376, %dma_start3A_382] : memref<2x4x64xi32, #tpu.memory_space<vmem>> -> memref<1x1x64xi32, #tpu.memory_space<vmem>>
          %dma_start3A_384 = tpu.memref_squeeze %dma_start3A_383 : memref<1x1x64xi32, #tpu.memory_space<vmem>> -> memref<64xi32, #tpu.memory_space<vmem>>
          %dma_start3A_385 = arith.constant 0 : i32
          %dma_start3A_386 = arith.constant 0 : i32
          %dma_start3A_387 = tpu.memref_slice %arg2[%dma_start3A_385, %dma_start3A_386] : memref<10000x128xf32, #tpu.memory_space<hbm>> -> memref<10000x128xf32, #tpu.memory_space<hbm>>
          tpu.enqueue_indirect_dma source(%dma_start3A_387 : memref<10000x128xf32, #tpu.memory_space<hbm>>) target(%dma_start3A_381 : memref<64x128xf32, #tpu.memory_space<vmem>>) offsets(%dma_start3A_384 : memref<64xi32, #tpu.memory_space<vmem>>) semaphore(%arg13 : memref<!tpu.dma_semaphore, #tpu.memory_space<semaphore_mem>>)
        } else {
        }
        %dma_wait3A_350 = arith.constant 3 : i32
        %dma_wait3A_351 = arith.constant 3 : i32
        %dma_wait3A_352 = arith.constant 0 : i32
        %dma_wait3A_353 = arith.constant 0 : i32
        %dma_wait3A_354 = tpu.memref_slice %arg8[%dma_wait3A_350, %dma_wait3A_352, %dma_wait3A_353] : memref<4x64x128xf32, #tpu.memory_space<vmem>> -> memref<1x64x128xf32, #tpu.memory_space<vmem>>
        %dma_wait3A_355 = tpu.memref_squeeze %dma_wait3A_354 : memref<1x64x128xf32, #tpu.memory_space<vmem>> -> memref<64x128xf32, #tpu.memory_space<vmem>>
        %dma_wait3A_356 = arith.constant 0 : i32
        %dma_wait3A_357 = tpu.memref_slice %arg7[%rem3A_186, %dma_wait3A_351, %dma_wait3A_356] : memref<2x4x64xi32, #tpu.memory_space<vmem>> -> memref<1x1x64xi32, #tpu.memory_space<vmem>>
        %dma_wait3A_358 = tpu.memref_squeeze %dma_wait3A_357 : memref<1x1x64xi32, #tpu.memory_space<vmem>> -> memref<64xi32, #tpu.memory_space<vmem>>
        %dma_wait3A_359 = arith.constant 0 : i32
        %dma_wait3A_360 = arith.constant 0 : i32
        %dma_wait3A_361 = tpu.memref_slice %arg10[%dma_wait3A_359, %dma_wait3A_360] : memref<10112x128xf32, #tpu.memory_space<vmem_shared>> -> memref<10112x128xf32, #tpu.memory_space<vmem_shared>>
        tpu.wait_indirect_dma semaphore(%arg18 : memref<!tpu.dma_semaphore, #tpu.memory_space<semaphore_mem>>) src(%dma_wait3A_355 : memref<64x128xf32, #tpu.memory_space<vmem>>) dst(%dma_wait3A_361 : memref<10112x128xf32, #tpu.memory_space<vmem_shared>>)
        %add3A_362 = arith.constant 1 : i32
        %add3A_363 = arith.addi %scan3A_185, %add3A_362 : i32
        %lt3A_364 = arith.constant 6 : i32
        %lt3A_365 = arith.cmpi slt, %add3A_363, %lt3A_364 : i32
        %convert_element_type3A_366 = arith.extui %lt3A_365 : i1 to i32
        %cond3A_367 = arith.constant 0 : i32
        %cond3A_368 = arith.cmpi ne, %convert_element_type3A_366, %cond3A_367 : i32
        scf.if %cond3A_368 {
          %dma_start3A_376 = arith.constant 3 : i32
          %dma_start3A_377 = arith.constant 3 : i32
          %dma_start3A_378 = arith.constant 0 : i32
          %dma_start3A_379 = arith.constant 0 : i32
          %dma_start3A_380 = tpu.memref_slice %arg8[%dma_start3A_377, %dma_start3A_378, %dma_start3A_379] : memref<4x64x128xf32, #tpu.memory_space<vmem>> -> memref<1x64x128xf32, #tpu.memory_space<vmem>>
          %dma_start3A_381 = tpu.memref_squeeze %dma_start3A_380 : memref<1x64x128xf32, #tpu.memory_space<vmem>> -> memref<64x128xf32, #tpu.memory_space<vmem>>
          %dma_start3A_382 = arith.constant 0 : i32
          %dma_start3A_383 = tpu.memref_slice %arg6[%rem3A_190, %dma_start3A_376, %dma_start3A_382] : memref<2x4x64xi32, #tpu.memory_space<vmem>> -> memref<1x1x64xi32, #tpu.memory_space<vmem>>
          %dma_start3A_384 = tpu.memref_squeeze %dma_start3A_383 : memref<1x1x64xi32, #tpu.memory_space<vmem>> -> memref<64xi32, #tpu.memory_space<vmem>>
          %dma_start3A_385 = arith.constant 0 : i32
          %dma_start3A_386 = arith.constant 0 : i32
          %dma_start3A_387 = tpu.memref_slice %arg2[%dma_start3A_385, %dma_start3A_386] : memref<10000x128xf32, #tpu.memory_space<hbm>> -> memref<10000x128xf32, #tpu.memory_space<hbm>>
          tpu.enqueue_indirect_dma source(%dma_start3A_387 : memref<10000x128xf32, #tpu.memory_space<hbm>>) target(%dma_start3A_381 : memref<64x128xf32, #tpu.memory_space<vmem>>) offsets(%dma_start3A_384 : memref<64xi32, #tpu.memory_space<vmem>>) semaphore(%arg14 : memref<!tpu.dma_semaphore, #tpu.memory_space<semaphore_mem>>)
        } else {
        }
        %add3A_369 = arith.constant 2 : i32
        %add3A_370 = arith.addi %scan3A_185, %add3A_369 : i32
        %lt3A_371 = arith.constant 6 : i32
        %lt3A_372 = arith.cmpi slt, %add3A_370, %lt3A_371 : i32
        %convert_element_type3A_373 = arith.extui %lt3A_372 : i1 to i32
        %cond3A_374 = arith.constant 0 : i32
        %cond3A_375 = arith.cmpi ne, %convert_element_type3A_373, %cond3A_374 : i32
        scf.if %cond3A_375 {
          %add3A_376 = arith.constant 2 : i32
          %add3A_377 = arith.addi %scan3A_185, %add3A_376 : i32
          %mul3A_378 = arith.constant 4 : i32
          %mul3A_379 = arith.muli %add3A_377, %mul3A_378 : i32
          %add3A_380 = arith.addi %add3A_49, %mul3A_379 : i32
          %dma_start3A_381 = arith.constant 0 : i32
          %dma_start3A_382 = arith.constant 0 : i32
          %dma_start3A_383 = tpu.memref_slice %arg6[%rem3A_186, %dma_start3A_381, %dma_start3A_382] : memref<2x4x64xi32, #tpu.memory_space<vmem>> -> memref<1x4x64xi32, #tpu.memory_space<vmem>>
          %dma_start3A_384 = tpu.memref_squeeze %dma_start3A_383 : memref<1x4x64xi32, #tpu.memory_space<vmem>> -> memref<4x64xi32, #tpu.memory_space<vmem>>
          %dma_start3A_385 = arith.constant 0 : i32
          %dma_start3A_386 = tpu.memref_slice %arg3[%add3A_380, %dma_start3A_385] : memref<5120x64xi32, #tpu.memory_space<hbm>> -> memref<4x64xi32, #tpu.memory_space<hbm>>
          %dma_start3A_387 = arith.constant 0 : i32
          %dma_start3A_388 = arith.constant 0 : i32
          %dma_start3A_389 = tpu.memref_slice %arg6[%rem3A_186, %dma_start3A_387, %dma_start3A_388] : memref<2x4x64xi32, #tpu.memory_space<vmem>> -> memref<1x4x64xi32, #tpu.memory_space<vmem>>
          %dma_start3A_390 = tpu.memref_squeeze %dma_start3A_389 : memref<1x4x64xi32, #tpu.memory_space<vmem>> -> memref<4x64xi32, #tpu.memory_space<vmem>>
          %dma_start3A_391 = arith.constant 0 : i32
          %dma_start3A_392 = tpu.memref_slice %arg3[%add3A_380, %dma_start3A_391] : memref<5120x64xi32, #tpu.memory_space<hbm>> -> memref<4x64xi32, #tpu.memory_space<hbm>>
          tpu.enqueue_dma source(%dma_start3A_392 : memref<4x64xi32, #tpu.memory_space<hbm>>) target(%dma_start3A_390 : memref<4x64xi32, #tpu.memory_space<vmem>>) target_semaphore(%arg19 : memref<!tpu.dma_semaphore, #tpu.memory_space<semaphore_mem>>)
          %dma_start3A_393 = arith.constant 0 : i32
          %dma_start3A_394 = arith.constant 0 : i32
          %dma_start3A_395 = tpu.memref_slice %arg7[%rem3A_186, %dma_start3A_393, %dma_start3A_394] : memref<2x4x64xi32, #tpu.memory_space<vmem>> -> memref<1x4x64xi32, #tpu.memory_space<vmem>>
          %dma_start3A_396 = tpu.memref_squeeze %dma_start3A_395 : memref<1x4x64xi32, #tpu.memory_space<vmem>> -> memref<4x64xi32, #tpu.memory_space<vmem>>
          %dma_start3A_397 = arith.constant 0 : i32
          %dma_start3A_398 = tpu.memref_slice %arg4[%add3A_380, %dma_start3A_397] : memref<5120x64xi32, #tpu.memory_space<hbm>> -> memref<4x64xi32, #tpu.memory_space<hbm>>
          %dma_start3A_399 = arith.constant 0 : i32
          %dma_start3A_400 = arith.constant 0 : i32
          %dma_start3A_401 = tpu.memref_slice %arg7[%rem3A_186, %dma_start3A_399, %dma_start3A_400] : memref<2x4x64xi32, #tpu.memory_space<vmem>> -> memref<1x4x64xi32, #tpu.memory_space<vmem>>
          %dma_start3A_402 = tpu.memref_squeeze %dma_start3A_401 : memref<1x4x64xi32, #tpu.memory_space<vmem>> -> memref<4x64xi32, #tpu.memory_space<vmem>>
          %dma_start3A_403 = arith.constant 0 : i32
          %dma_start3A_404 = tpu.memref_slice %arg4[%add3A_380, %dma_start3A_403] : memref<5120x64xi32, #tpu.memory_space<hbm>> -> memref<4x64xi32, #tpu.memory_space<hbm>>
          tpu.enqueue_dma source(%dma_start3A_404 : memref<4x64xi32, #tpu.memory_space<hbm>>) target(%dma_start3A_402 : memref<4x64xi32, #tpu.memory_space<vmem>>) target_semaphore(%arg19 : memref<!tpu.dma_semaphore, #tpu.memory_space<semaphore_mem>>)
        } else {
        }
      }
      %scan3A_184 = arith.constant 6 : i32
    } else {
    }
    %barrier3A_41 = arith.constant 0 : index
    tpu.barrier barrier_id(%barrier3A_41)
    %mul3A_42 = arith.constant 632 : i32
    %mul3A_43 = arith.muli %arg1, %mul3A_42 : i32
    %mul3A_44 = arith.constant 632 : i32
    %mul3A_45 = arith.muli %arg1, %mul3A_44 : i32
    "tpu.region"() ({
      %run_scoped3A = tpu.sem_alloc : memref<!tpu.dma_semaphore, #tpu.memory_space<semaphore_mem>>
      %dma_start3A = arith.constant 0 : i32
      %dma_start3A_46 = tpu.memref_slice %arg5[%arg0, %mul3A_45, %dma_start3A] : memref<2x10112x128xf32, #tpu.memory_space<hbm>> -> memref<1x632x128xf32, #tpu.memory_space<hbm>>
      %dma_start3A_47 = tpu.memref_squeeze %dma_start3A_46 : memref<1x632x128xf32, #tpu.memory_space<hbm>> -> memref<632x128xf32, #tpu.memory_space<hbm>>
      %dma_start3A_48 = arith.constant 0 : i32
      %dma_start3A_49 = tpu.memref_slice %arg10[%mul3A_43, %dma_start3A_48] : memref<10112x128xf32, #tpu.memory_space<vmem_shared>> -> memref<632x128xf32, #tpu.memory_space<vmem_shared>>
      tpu.enqueue_dma source(%dma_start3A_49 : memref<632x128xf32, #tpu.memory_space<vmem_shared>>) target(%dma_start3A_47 : memref<632x128xf32, #tpu.memory_space<hbm>>) target_semaphore(%run_scoped3A : memref<!tpu.dma_semaphore, #tpu.memory_space<semaphore_mem>>)
      %dma_wait3A = arith.constant 0 : i32
      %dma_wait3A_50 = tpu.memref_slice %arg5[%arg0, %mul3A_45, %dma_wait3A] : memref<2x10112x128xf32, #tpu.memory_space<hbm>> -> memref<1x632x128xf32, #tpu.memory_space<hbm>>
      %dma_wait3A_51 = tpu.memref_squeeze %dma_wait3A_50 : memref<1x632x128xf32, #tpu.memory_space<hbm>> -> memref<632x128xf32, #tpu.memory_space<hbm>>
      %dma_wait3A_52 = arith.constant 0 : i32
      %dma_wait3A_53 = tpu.memref_slice %arg10[%mul3A_43, %dma_wait3A_52] : memref<10112x128xf32, #tpu.memory_space<vmem_shared>> -> memref<632x128xf32, #tpu.memory_space<vmem_shared>>
      tpu.wait_dma2 semaphore(%run_scoped3A : memref<!tpu.dma_semaphore, #tpu.memory_space<semaphore_mem>>) src(%dma_wait3A_53 : memref<632x128xf32, #tpu.memory_space<vmem_shared>>) dst(%dma_wait3A_51 : memref<632x128xf32, #tpu.memory_space<hbm>>)
      tpu.yield
    }) : () -> ()
    return
  }
}

#map = affine_map<(d0, d1) -> (0, 0)>
#map1 = affine_map<(d0, d1) -> (0, 0, 0)>
module attributes {stable_mosaic.version = 14 : i64} {
  func.func @_sc_agg_body(%arg0: i32, %arg1: i32, %arg2: memref<10000x128xf32, #tpu.memory_space<hbm>>, %arg3: memref<5120x64xi32, #tpu.memory_space<hbm>>, %arg4: memref<5120x64xi32, #tpu.memory_space<hbm>>, %arg5: memref<2x10112x128xf32, #tpu.memory_space<hbm>>, %arg6: memref<2x4x64xi32, #tpu.memory_space<vmem>>, %arg7: memref<2x4x64xi32, #tpu.memory_space<vmem>>, %arg8: memref<4x64x128xf32, #tpu.memory_space<vmem>>, %arg9: memref<79x128xf32, #tpu.memory_space<vmem>>, %arg10: memref<10112x128xf32, #tpu.memory_space<vmem_shared>>, %arg11: memref<!tpu.dma_semaphore, #tpu.memory_space<semaphore_mem>>, %arg12: memref<!tpu.dma_semaphore, #tpu.memory_space<semaphore_mem>>, %arg13: memref<!tpu.dma_semaphore, #tpu.memory_space<semaphore_mem>>, %arg14: memref<!tpu.dma_semaphore, #tpu.memory_space<semaphore_mem>>, %arg15: memref<!tpu.dma_semaphore, #tpu.memory_space<semaphore_mem>>, %arg16: memref<!tpu.dma_semaphore, #tpu.memory_space<semaphore_mem>>, %arg17: memref<!tpu.dma_semaphore, #tpu.memory_space<semaphore_mem>>, %arg18: memref<!tpu.dma_semaphore, #tpu.memory_space<semaphore_mem>>, %arg19: memref<!tpu.dma_semaphore, #tpu.memory_space<semaphore_mem>>) attributes {dimension_semantics = [#tpu.dimension_semantics<core_parallel>, #tpu.dimension_semantics<subcore_parallel>], iteration_bounds = array<i64: 2, 16>, scalar_prefetch = 0 : i64, scratch_operands = 14 : i64, tpu.core_type = #tpu.core_type<sc_vector_subcore>, window_params = [{transform_indices = #map}, {transform_indices = #map}, {transform_indices = #map}, {transform_indices = #map1}]} {
    %scan3A = arith.constant 0 : i32
    %scan3A_0 = arith.constant 79 : i32
    %scan3A_1 = arith.addi %scan3A, %scan3A_0 : i32
    %scan3A_2 = arith.constant 1 : i32
    scf.for %scan3A_46 = %scan3A to %scan3A_1 step %scan3A_2  : i32 {
      %broadcast_in_dim3A = arith.constant 0.000000e+00 : f32
      %broadcast_in_dim3A_47 = vector.broadcast %broadcast_in_dim3A : f32 to vector<16xf32>
      %swap3A = arith.index_cast %scan3A_46 : i32 to index
      %swap3A_48 = arith.constant 0 : index
      %swap3A_49 = tpu.vector_load %arg9[%swap3A, %swap3A_48] {strides = array<i32>} : memref<79x128xf32, #tpu.memory_space<vmem>>, vector<1x16xf32>,
      %swap3A_50 = vector.shape_cast %swap3A_49 : vector<1x16xf32> to vector<16xf32>
      %swap3A_51 = vector.shape_cast %broadcast_in_dim3A_47 : vector<16xf32> to vector<1x16xf32>
      tpu.vector_store %arg9[%swap3A, %swap3A_48], %swap3A_51 {strides = array<i32>} : memref<79x128xf32, #tpu.memory_space<vmem>>, vector<1x16xf32>,
      %broadcast_in_dim3A_52 = arith.constant 0.000000e+00 : f32
      %broadcast_in_dim3A_53 = vector.broadcast %broadcast_in_dim3A_52 : f32 to vector<16xf32>
      %swap3A_54 = arith.index_cast %scan3A_46 : i32 to index
      %swap3A_55 = arith.constant 16 : index
      %swap3A_56 = tpu.vector_load %arg9[%swap3A_54, %swap3A_55] {strides = array<i32>} : memref<79x128xf32, #tpu.memory_space<vmem>>, vector<1x16xf32>,
      %swap3A_57 = vector.shape_cast %swap3A_56 : vector<1x16xf32> to vector<16xf32>
      %swap3A_58 = vector.shape_cast %broadcast_in_dim3A_53 : vector<16xf32> to vector<1x16xf32>
      tpu.vector_store %arg9[%swap3A_54, %swap3A_55], %swap3A_58 {strides = array<i32>} : memref<79x128xf32, #tpu.memory_space<vmem>>, vector<1x16xf32>,
      %broadcast_in_dim3A_59 = arith.constant 0.000000e+00 : f32
      %broadcast_in_dim3A_60 = vector.broadcast %broadcast_in_dim3A_59 : f32 to vector<16xf32>
      %swap3A_61 = arith.index_cast %scan3A_46 : i32 to index
      %swap3A_62 = arith.constant 32 : index
      %swap3A_63 = tpu.vector_load %arg9[%swap3A_61, %swap3A_62] {strides = array<i32>} : memref<79x128xf32, #tpu.memory_space<vmem>>, vector<1x16xf32>,
      %swap3A_64 = vector.shape_cast %swap3A_63 : vector<1x16xf32> to vector<16xf32>
      %swap3A_65 = vector.shape_cast %broadcast_in_dim3A_60 : vector<16xf32> to vector<1x16xf32>
      tpu.vector_store %arg9[%swap3A_61, %swap3A_62], %swap3A_65 {strides = array<i32>} : memref<79x128xf32, #tpu.memory_space<vmem>>, vector<1x16xf32>,
      %broadcast_in_dim3A_66 = arith.constant 0.000000e+00 : f32
      %broadcast_in_dim3A_67 = vector.broadcast %broadcast_in_dim3A_66 : f32 to vector<16xf32>
      %swap3A_68 = arith.index_cast %scan3A_46 : i32 to index
      %swap3A_69 = arith.constant 48 : index
      %swap3A_70 = tpu.vector_load %arg9[%swap3A_68, %swap3A_69] {strides = array<i32>} : memref<79x128xf32, #tpu.memory_space<vmem>>, vector<1x16xf32>,
      %swap3A_71 = vector.shape_cast %swap3A_70 : vector<1x16xf32> to vector<16xf32>
      %swap3A_72 = vector.shape_cast %broadcast_in_dim3A_67 : vector<16xf32> to vector<1x16xf32>
      tpu.vector_store %arg9[%swap3A_68, %swap3A_69], %swap3A_72 {strides = array<i32>} : memref<79x128xf32, #tpu.memory_space<vmem>>, vector<1x16xf32>,
      %broadcast_in_dim3A_73 = arith.constant 0.000000e+00 : f32
      %broadcast_in_dim3A_74 = vector.broadcast %broadcast_in_dim3A_73 : f32 to vector<16xf32>
      %swap3A_75 = arith.index_cast %scan3A_46 : i32 to index
      %swap3A_76 = arith.constant 64 : index
      %swap3A_77 = tpu.vector_load %arg9[%swap3A_75, %swap3A_76] {strides = array<i32>} : memref<79x128xf32, #tpu.memory_space<vmem>>, vector<1x16xf32>,
      %swap3A_78 = vector.shape_cast %swap3A_77 : vector<1x16xf32> to vector<16xf32>
      %swap3A_79 = vector.shape_cast %broadcast_in_dim3A_74 : vector<16xf32> to vector<1x16xf32>
      tpu.vector_store %arg9[%swap3A_75, %swap3A_76], %swap3A_79 {strides = array<i32>} : memref<79x128xf32, #tpu.memory_space<vmem>>, vector<1x16xf32>,
      %broadcast_in_dim3A_80 = arith.constant 0.000000e+00 : f32
      %broadcast_in_dim3A_81 = vector.broadcast %broadcast_in_dim3A_80 : f32 to vector<16xf32>
      %swap3A_82 = arith.index_cast %scan3A_46 : i32 to index
      %swap3A_83 = arith.constant 80 : index
      %swap3A_84 = tpu.vector_load %arg9[%swap3A_82, %swap3A_83] {strides = array<i32>} : memref<79x128xf32, #tpu.memory_space<vmem>>, vector<1x16xf32>,
      %swap3A_85 = vector.shape_cast %swap3A_84 : vector<1x16xf32> to vector<16xf32>
      %swap3A_86 = vector.shape_cast %broadcast_in_dim3A_81 : vector<16xf32> to vector<1x16xf32>
      tpu.vector_store %arg9[%swap3A_82, %swap3A_83], %swap3A_86 {strides = array<i32>} : memref<79x128xf32, #tpu.memory_space<vmem>>, vector<1x16xf32>,
      %broadcast_in_dim3A_87 = arith.constant 0.000000e+00 : f32
      %broadcast_in_dim3A_88 = vector.broadcast %broadcast_in_dim3A_87 : f32 to vector<16xf32>
      %swap3A_89 = arith.index_cast %scan3A_46 : i32 to index
      %swap3A_90 = arith.constant 96 : index
      %swap3A_91 = tpu.vector_load %arg9[%swap3A_89, %swap3A_90] {strides = array<i32>} : memref<79x128xf32, #tpu.memory_space<vmem>>, vector<1x16xf32>,
      %swap3A_92 = vector.shape_cast %swap3A_91 : vector<1x16xf32> to vector<16xf32>
      %swap3A_93 = vector.shape_cast %broadcast_in_dim3A_88 : vector<16xf32> to vector<1x16xf32>
      tpu.vector_store %arg9[%swap3A_89, %swap3A_90], %swap3A_93 {strides = array<i32>} : memref<79x128xf32, #tpu.memory_space<vmem>>, vector<1x16xf32>,
      %broadcast_in_dim3A_94 = arith.constant 0.000000e+00 : f32
      %broadcast_in_dim3A_95 = vector.broadcast %broadcast_in_dim3A_94 : f32 to vector<16xf32>
      %swap3A_96 = arith.index_cast %scan3A_46 : i32 to index
      %swap3A_97 = arith.constant 112 : index
      %swap3A_98 = tpu.vector_load %arg9[%swap3A_96, %swap3A_97] {strides = array<i32>} : memref<79x128xf32, #tpu.memory_space<vmem>>, vector<1x16xf32>,
      %swap3A_99 = vector.shape_cast %swap3A_98 : vector<1x16xf32> to vector<16xf32>
      %swap3A_100 = vector.shape_cast %broadcast_in_dim3A_95 : vector<16xf32> to vector<1x16xf32>
      tpu.vector_store %arg9[%swap3A_96, %swap3A_97], %swap3A_100 {strides = array<i32>} : memref<79x128xf32, #tpu.memory_space<vmem>>, vector<1x16xf32>,
    }
    %scan3A_3 = arith.constant 79 : i32
    %mul3A = arith.constant 632 : i32
    %mul3A_4 = arith.muli %arg1, %mul3A : i32
    %add3A = arith.constant 0 : i32
    %add3A_5 = arith.addi %mul3A_4, %add3A : i32
    "tpu.region"() ({
      %run_scoped3A = tpu.sem_alloc : memref<!tpu.dma_semaphore, #tpu.memory_space<semaphore_mem>>
      %dma_start3A = arith.constant 0 : i32
      %dma_start3A_46 = tpu.memref_slice %arg10[%add3A_5, %dma_start3A] : memref<10112x128xf32, #tpu.memory_space<vmem_shared>> -> memref<79x128xf32, #tpu.memory_space<vmem_shared>>
      %dma_start3A_47 = arith.constant 0 : i32
      %dma_start3A_48 = tpu.memref_slice %arg10[%add3A_5, %dma_start3A_47] : memref<10112x128xf32, #tpu.memory_space<vmem_shared>> -> memref<79x128xf32, #tpu.memory_space<vmem_shared>>
      tpu.enqueue_dma source(%arg9 : memref<79x128xf32, #tpu.memory_space<vmem>>) target(%dma_start3A_48 : memref<79x128xf32, #tpu.memory_space<vmem_shared>>) target_semaphore(%run_scoped3A : memref<!tpu.dma_semaphore, #tpu.memory_space<semaphore_mem>>)
      %dma_wait3A = arith.constant 0 : i32
      %dma_wait3A_49 = tpu.memref_slice %arg10[%add3A_5, %dma_wait3A] : memref<10112x128xf32, #tpu.memory_space<vmem_shared>> -> memref<79x128xf32, #tpu.memory_space<vmem_shared>>
      %dma_wait3A_50 = arith.constant 0 : i32
      %dma_wait3A_51 = tpu.memref_slice %arg10[%add3A_5, %dma_wait3A_50] : memref<10112x128xf32, #tpu.memory_space<vmem_shared>> -> memref<79x128xf32, #tpu.memory_space<vmem_shared>>
      tpu.wait_dma2 semaphore(%run_scoped3A : memref<!tpu.dma_semaphore, #tpu.memory_space<semaphore_mem>>) src(%arg9 : memref<79x128xf32, #tpu.memory_space<vmem>>) dst(%dma_wait3A_51 : memref<79x128xf32, #tpu.memory_space<vmem_shared>>)
      tpu.yield
    }) : () -> ()
    %mul3A_6 = arith.constant 632 : i32
    %mul3A_7 = arith.muli %arg1, %mul3A_6 : i32
    %add3A_8 = arith.constant 79 : i32
    %add3A_9 = arith.addi %mul3A_7, %add3A_8 : i32
    "tpu.region"() ({
      %run_scoped3A = tpu.sem_alloc : memref<!tpu.dma_semaphore, #tpu.memory_space<semaphore_mem>>
      %dma_start3A = arith.constant 0 : i32
      %dma_start3A_46 = tpu.memref_slice %arg10[%add3A_9, %dma_start3A] : memref<10112x128xf32, #tpu.memory_space<vmem_shared>> -> memref<79x128xf32, #tpu.memory_space<vmem_shared>>
      %dma_start3A_47 = arith.constant 0 : i32
      %dma_start3A_48 = tpu.memref_slice %arg10[%add3A_9, %dma_start3A_47] : memref<10112x128xf32, #tpu.memory_space<vmem_shared>> -> memref<79x128xf32, #tpu.memory_space<vmem_shared>>
      tpu.enqueue_dma source(%arg9 : memref<79x128xf32, #tpu.memory_space<vmem>>) target(%dma_start3A_48 : memref<79x128xf32, #tpu.memory_space<vmem_shared>>) target_semaphore(%run_scoped3A : memref<!tpu.dma_semaphore, #tpu.memory_space<semaphore_mem>>)
      %dma_wait3A = arith.constant 0 : i32
      %dma_wait3A_49 = tpu.memref_slice %arg10[%add3A_9, %dma_wait3A] : memref<10112x128xf32, #tpu.memory_space<vmem_shared>> -> memref<79x128xf32, #tpu.memory_space<vmem_shared>>
      %dma_wait3A_50 = arith.constant 0 : i32
      %dma_wait3A_51 = tpu.memref_slice %arg10[%add3A_9, %dma_wait3A_50] : memref<10112x128xf32, #tpu.memory_space<vmem_shared>> -> memref<79x128xf32, #tpu.memory_space<vmem_shared>>
      tpu.wait_dma2 semaphore(%run_scoped3A : memref<!tpu.dma_semaphore, #tpu.memory_space<semaphore_mem>>) src(%arg9 : memref<79x128xf32, #tpu.memory_space<vmem>>) dst(%dma_wait3A_51 : memref<79x128xf32, #tpu.memory_space<vmem_shared>>)
      tpu.yield
    }) : () -> ()
    %mul3A_10 = arith.constant 632 : i32
    %mul3A_11 = arith.muli %arg1, %mul3A_10 : i32
    %add3A_12 = arith.constant 158 : i32
    %add3A_13 = arith.addi %mul3A_11, %add3A_12 : i32
    "tpu.region"() ({
      %run_scoped3A = tpu.sem_alloc : memref<!tpu.dma_semaphore, #tpu.memory_space<semaphore_mem>>
      %dma_start3A = arith.constant 0 : i32
      %dma_start3A_46 = tpu.memref_slice %arg10[%add3A_13, %dma_start3A] : memref<10112x128xf32, #tpu.memory_space<vmem_shared>> -> memref<79x128xf32, #tpu.memory_space<vmem_shared>>
      %dma_start3A_47 = arith.constant 0 : i32
      %dma_start3A_48 = tpu.memref_slice %arg10[%add3A_13, %dma_start3A_47] : memref<10112x128xf32, #tpu.memory_space<vmem_shared>> -> memref<79x128xf32, #tpu.memory_space<vmem_shared>>
      tpu.enqueue_dma source(%arg9 : memref<79x128xf32, #tpu.memory_space<vmem>>) target(%dma_start3A_48 : memref<79x128xf32, #tpu.memory_space<vmem_shared>>) target_semaphore(%run_scoped3A : memref<!tpu.dma_semaphore, #tpu.memory_space<semaphore_mem>>)
      %dma_wait3A = arith.constant 0 : i32
      %dma_wait3A_49 = tpu.memref_slice %arg10[%add3A_13, %dma_wait3A] : memref<10112x128xf32, #tpu.memory_space<vmem_shared>> -> memref<79x128xf32, #tpu.memory_space<vmem_shared>>
      %dma_wait3A_50 = arith.constant 0 : i32
      %dma_wait3A_51 = tpu.memref_slice %arg10[%add3A_13, %dma_wait3A_50] : memref<10112x128xf32, #tpu.memory_space<vmem_shared>> -> memref<79x128xf32, #tpu.memory_space<vmem_shared>>
      tpu.wait_dma2 semaphore(%run_scoped3A : memref<!tpu.dma_semaphore, #tpu.memory_space<semaphore_mem>>) src(%arg9 : memref<79x128xf32, #tpu.memory_space<vmem>>) dst(%dma_wait3A_51 : memref<79x128xf32, #tpu.memory_space<vmem_shared>>)
      tpu.yield
    }) : () -> ()
    %mul3A_14 = arith.constant 632 : i32
    %mul3A_15 = arith.muli %arg1, %mul3A_14 : i32
    %add3A_16 = arith.constant 237 : i32
    %add3A_17 = arith.addi %mul3A_15, %add3A_16 : i32
    "tpu.region"() ({
      %run_scoped3A = tpu.sem_alloc : memref<!tpu.dma_semaphore, #tpu.memory_space<semaphore_mem>>
      %dma_start3A = arith.constant 0 : i32
      %dma_start3A_46 = tpu.memref_slice %arg10[%add3A_17, %dma_start3A] : memref<10112x128xf32, #tpu.memory_space<vmem_shared>> -> memref<79x128xf32, #tpu.memory_space<vmem_shared>>
      %dma_start3A_47 = arith.constant 0 : i32
      %dma_start3A_48 = tpu.memref_slice %arg10[%add3A_17, %dma_start3A_47] : memref<10112x128xf32, #tpu.memory_space<vmem_shared>> -> memref<79x128xf32, #tpu.memory_space<vmem_shared>>
      tpu.enqueue_dma source(%arg9 : memref<79x128xf32, #tpu.memory_space<vmem>>) target(%dma_start3A_48 : memref<79x128xf32, #tpu.memory_space<vmem_shared>>) target_semaphore(%run_scoped3A : memref<!tpu.dma_semaphore, #tpu.memory_space<semaphore_mem>>)
      %dma_wait3A = arith.constant 0 : i32
      %dma_wait3A_49 = tpu.memref_slice %arg10[%add3A_17, %dma_wait3A] : memref<10112x128xf32, #tpu.memory_space<vmem_shared>> -> memref<79x128xf32, #tpu.memory_space<vmem_shared>>
      %dma_wait3A_50 = arith.constant 0 : i32
      %dma_wait3A_51 = tpu.memref_slice %arg10[%add3A_17, %dma_wait3A_50] : memref<10112x128xf32, #tpu.memory_space<vmem_shared>> -> memref<79x128xf32, #tpu.memory_space<vmem_shared>>
      tpu.wait_dma2 semaphore(%run_scoped3A : memref<!tpu.dma_semaphore, #tpu.memory_space<semaphore_mem>>) src(%arg9 : memref<79x128xf32, #tpu.memory_space<vmem>>) dst(%dma_wait3A_51 : memref<79x128xf32, #tpu.memory_space<vmem_shared>>)
      tpu.yield
    }) : () -> ()
    %mul3A_18 = arith.constant 632 : i32
    %mul3A_19 = arith.muli %arg1, %mul3A_18 : i32
    %add3A_20 = arith.constant 316 : i32
    %add3A_21 = arith.addi %mul3A_19, %add3A_20 : i32
    "tpu.region"() ({
      %run_scoped3A = tpu.sem_alloc : memref<!tpu.dma_semaphore, #tpu.memory_space<semaphore_mem>>
      %dma_start3A = arith.constant 0 : i32
      %dma_start3A_46 = tpu.memref_slice %arg10[%add3A_21, %dma_start3A] : memref<10112x128xf32, #tpu.memory_space<vmem_shared>> -> memref<79x128xf32, #tpu.memory_space<vmem_shared>>
      %dma_start3A_47 = arith.constant 0 : i32
      %dma_start3A_48 = tpu.memref_slice %arg10[%add3A_21, %dma_start3A_47] : memref<10112x128xf32, #tpu.memory_space<vmem_shared>> -> memref<79x128xf32, #tpu.memory_space<vmem_shared>>
      tpu.enqueue_dma source(%arg9 : memref<79x128xf32, #tpu.memory_space<vmem>>) target(%dma_start3A_48 : memref<79x128xf32, #tpu.memory_space<vmem_shared>>) target_semaphore(%run_scoped3A : memref<!tpu.dma_semaphore, #tpu.memory_space<semaphore_mem>>)
      %dma_wait3A = arith.constant 0 : i32
      %dma_wait3A_49 = tpu.memref_slice %arg10[%add3A_21, %dma_wait3A] : memref<10112x128xf32, #tpu.memory_space<vmem_shared>> -> memref<79x128xf32, #tpu.memory_space<vmem_shared>>
      %dma_wait3A_50 = arith.constant 0 : i32
      %dma_wait3A_51 = tpu.memref_slice %arg10[%add3A_21, %dma_wait3A_50] : memref<10112x128xf32, #tpu.memory_space<vmem_shared>> -> memref<79x128xf32, #tpu.memory_space<vmem_shared>>
      tpu.wait_dma2 semaphore(%run_scoped3A : memref<!tpu.dma_semaphore, #tpu.memory_space<semaphore_mem>>) src(%arg9 : memref<79x128xf32, #tpu.memory_space<vmem>>) dst(%dma_wait3A_51 : memref<79x128xf32, #tpu.memory_space<vmem_shared>>)
      tpu.yield
    }) : () -> ()
    %mul3A_22 = arith.constant 632 : i32
    %mul3A_23 = arith.muli %arg1, %mul3A_22 : i32
    %add3A_24 = arith.constant 395 : i32
    %add3A_25 = arith.addi %mul3A_23, %add3A_24 : i32
    "tpu.region"() ({
      %run_scoped3A = tpu.sem_alloc : memref<!tpu.dma_semaphore, #tpu.memory_space<semaphore_mem>>
      %dma_start3A = arith.constant 0 : i32
      %dma_start3A_46 = tpu.memref_slice %arg10[%add3A_25, %dma_start3A] : memref<10112x128xf32, #tpu.memory_space<vmem_shared>> -> memref<79x128xf32, #tpu.memory_space<vmem_shared>>
      %dma_start3A_47 = arith.constant 0 : i32
      %dma_start3A_48 = tpu.memref_slice %arg10[%add3A_25, %dma_start3A_47] : memref<10112x128xf32, #tpu.memory_space<vmem_shared>> -> memref<79x128xf32, #tpu.memory_space<vmem_shared>>
      tpu.enqueue_dma source(%arg9 : memref<79x128xf32, #tpu.memory_space<vmem>>) target(%dma_start3A_48 : memref<79x128xf32, #tpu.memory_space<vmem_shared>>) target_semaphore(%run_scoped3A : memref<!tpu.dma_semaphore, #tpu.memory_space<semaphore_mem>>)
      %dma_wait3A = arith.constant 0 : i32
      %dma_wait3A_49 = tpu.memref_slice %arg10[%add3A_25, %dma_wait3A] : memref<10112x128xf32, #tpu.memory_space<vmem_shared>> -> memref<79x128xf32, #tpu.memory_space<vmem_shared>>
      %dma_wait3A_50 = arith.constant 0 : i32
      %dma_wait3A_51 = tpu.memref_slice %arg10[%add3A_25, %dma_wait3A_50] : memref<10112x128xf32, #tpu.memory_space<vmem_shared>> -> memref<79x128xf32, #tpu.memory_space<vmem_shared>>
      tpu.wait_dma2 semaphore(%run_scoped3A : memref<!tpu.dma_semaphore, #tpu.memory_space<semaphore_mem>>) src(%arg9 : memref<79x128xf32, #tpu.memory_space<vmem>>) dst(%dma_wait3A_51 : memref<79x128xf32, #tpu.memory_space<vmem_shared>>)
      tpu.yield
    }) : () -> ()
    %mul3A_26 = arith.constant 632 : i32
    %mul3A_27 = arith.muli %arg1, %mul3A_26 : i32
    %add3A_28 = arith.constant 474 : i32
    %add3A_29 = arith.addi %mul3A_27, %add3A_28 : i32
    "tpu.region"() ({
      %run_scoped3A = tpu.sem_alloc : memref<!tpu.dma_semaphore, #tpu.memory_space<semaphore_mem>>
      %dma_start3A = arith.constant 0 : i32
      %dma_start3A_46 = tpu.memref_slice %arg10[%add3A_29, %dma_start3A] : memref<10112x128xf32, #tpu.memory_space<vmem_shared>> -> memref<79x128xf32, #tpu.memory_space<vmem_shared>>
      %dma_start3A_47 = arith.constant 0 : i32
      %dma_start3A_48 = tpu.memref_slice %arg10[%add3A_29, %dma_start3A_47] : memref<10112x128xf32, #tpu.memory_space<vmem_shared>> -> memref<79x128xf32, #tpu.memory_space<vmem_shared>>
      tpu.enqueue_dma source(%arg9 : memref<79x128xf32, #tpu.memory_space<vmem>>) target(%dma_start3A_48 : memref<79x128xf32, #tpu.memory_space<vmem_shared>>) target_semaphore(%run_scoped3A : memref<!tpu.dma_semaphore, #tpu.memory_space<semaphore_mem>>)
      %dma_wait3A = arith.constant 0 : i32
      %dma_wait3A_49 = tpu.memref_slice %arg10[%add3A_29, %dma_wait3A] : memref<10112x128xf32, #tpu.memory_space<vmem_shared>> -> memref<79x128xf32, #tpu.memory_space<vmem_shared>>
      %dma_wait3A_50 = arith.constant 0 : i32
      %dma_wait3A_51 = tpu.memref_slice %arg10[%add3A_29, %dma_wait3A_50] : memref<10112x128xf32, #tpu.memory_space<vmem_shared>> -> memref<79x128xf32, #tpu.memory_space<vmem_shared>>
      tpu.wait_dma2 semaphore(%run_scoped3A : memref<!tpu.dma_semaphore, #tpu.memory_space<semaphore_mem>>) src(%arg9 : memref<79x128xf32, #tpu.memory_space<vmem>>) dst(%dma_wait3A_51 : memref<79x128xf32, #tpu.memory_space<vmem_shared>>)
      tpu.yield
    }) : () -> ()
    %mul3A_30 = arith.constant 632 : i32
    %mul3A_31 = arith.muli %arg1, %mul3A_30 : i32
    %add3A_32 = arith.constant 553 : i32
    %add3A_33 = arith.addi %mul3A_31, %add3A_32 : i32
    "tpu.region"() ({
      %run_scoped3A = tpu.sem_alloc : memref<!tpu.dma_semaphore, #tpu.memory_space<semaphore_mem>>
      %dma_start3A = arith.constant 0 : i32
      %dma_start3A_46 = tpu.memref_slice %arg10[%add3A_33, %dma_start3A] : memref<10112x128xf32, #tpu.memory_space<vmem_shared>> -> memref<79x128xf32, #tpu.memory_space<vmem_shared>>
      %dma_start3A_47 = arith.constant 0 : i32
      %dma_start3A_48 = tpu.memref_slice %arg10[%add3A_33, %dma_start3A_47] : memref<10112x128xf32, #tpu.memory_space<vmem_shared>> -> memref<79x128xf32, #tpu.memory_space<vmem_shared>>
      tpu.enqueue_dma source(%arg9 : memref<79x128xf32, #tpu.memory_space<vmem>>) target(%dma_start3A_48 : memref<79x128xf32, #tpu.memory_space<vmem_shared>>) target_semaphore(%run_scoped3A : memref<!tpu.dma_semaphore, #tpu.memory_space<semaphore_mem>>)
      %dma_wait3A = arith.constant 0 : i32
      %dma_wait3A_49 = tpu.memref_slice %arg10[%add3A_33, %dma_wait3A] : memref<10112x128xf32, #tpu.memory_space<vmem_shared>> -> memref<79x128xf32, #tpu.memory_space<vmem_shared>>
      %dma_wait3A_50 = arith.constant 0 : i32
      %dma_wait3A_51 = tpu.memref_slice %arg10[%add3A_33, %dma_wait3A_50] : memref<10112x128xf32, #tpu.memory_space<vmem_shared>> -> memref<79x128xf32, #tpu.memory_space<vmem_shared>>
      tpu.wait_dma2 semaphore(%run_scoped3A : memref<!tpu.dma_semaphore, #tpu.memory_space<semaphore_mem>>) src(%arg9 : memref<79x128xf32, #tpu.memory_space<vmem>>) dst(%dma_wait3A_51 : memref<79x128xf32, #tpu.memory_space<vmem_shared>>)
      tpu.yield
    }) : () -> ()
    %barrier3A = arith.constant 0 : index
    tpu.barrier barrier_id(%barrier3A)
    %eq3A = arith.constant 0 : i32
    %eq3A_34 = arith.cmpi eq, %arg0, %eq3A : i32
    %convert_element_type3A = arith.extui %eq3A_34 : i1 to i32
    %cond3A = arith.constant 0 : i32
    %cond3A_35 = arith.cmpi ne, %convert_element_type3A, %cond3A : i32
    scf.if %cond3A_35 {
      %mul3A_46 = arith.constant 296 : i32
      %mul3A_47 = arith.muli %arg1, %mul3A_46 : i32
      %dma_start3A = arith.constant 0 : i32
      %dma_start3A_48 = arith.constant 0 : i32
      %dma_start3A_49 = arith.constant 0 : i32
      %dma_start3A_50 = tpu.memref_slice %arg6[%dma_start3A, %dma_start3A_48, %dma_start3A_49] : memref<2x4x64xi32, #tpu.memory_space<vmem>> -> memref<1x4x64xi32, #tpu.memory_space<vmem>>
      %dma_start3A_51 = tpu.memref_squeeze %dma_start3A_50 : memref<1x4x64xi32, #tpu.memory_space<vmem>> -> memref<4x64xi32, #tpu.memory_space<vmem>>
      %dma_start3A_52 = arith.constant 0 : i32
      %dma_start3A_53 = tpu.memref_slice %arg3[%mul3A_47, %dma_start3A_52] : memref<5120x64xi32, #tpu.memory_space<hbm>> -> memref<4x64xi32, #tpu.memory_space<hbm>>
      %dma_start3A_54 = arith.constant 0 : i32
      %dma_start3A_55 = arith.constant 0 : i32
      %dma_start3A_56 = tpu.memref_slice %arg6[%dma_start3A, %dma_start3A_54, %dma_start3A_55] : memref<2x4x64xi32, #tpu.memory_space<vmem>> -> memref<1x4x64xi32, #tpu.memory_space<vmem>>
      %dma_start3A_57 = tpu.memref_squeeze %dma_start3A_56 : memref<1x4x64xi32, #tpu.memory_space<vmem>> -> memref<4x64xi32, #tpu.memory_space<vmem>>
      %dma_start3A_58 = arith.constant 0 : i32
      %dma_start3A_59 = tpu.memref_slice %arg3[%mul3A_47, %dma_start3A_58] : memref<5120x64xi32, #tpu.memory_space<hbm>> -> memref<4x64xi32, #tpu.memory_space<hbm>>
      tpu.enqueue_dma source(%dma_start3A_59 : memref<4x64xi32, #tpu.memory_space<hbm>>) target(%dma_start3A_57 : memref<4x64xi32, #tpu.memory_space<vmem>>) target_semaphore(%arg19 : memref<!tpu.dma_semaphore, #tpu.memory_space<semaphore_mem>>)
      %dma_start3A_60 = arith.constant 0 : i32
      %dma_start3A_61 = arith.constant 0 : i32
      %dma_start3A_62 = arith.constant 0 : i32
      %dma_start3A_63 = tpu.memref_slice %arg7[%dma_start3A_60, %dma_start3A_61, %dma_start3A_62] : memref<2x4x64xi32, #tpu.memory_space<vmem>> -> memref<1x4x64xi32, #tpu.memory_space<vmem>>
      %dma_start3A_64 = tpu.memref_squeeze %dma_start3A_63 : memref<1x4x64xi32, #tpu.memory_space<vmem>> -> memref<4x64xi32, #tpu.memory_space<vmem>>
      %dma_start3A_65 = arith.constant 0 : i32
      %dma_start3A_66 = tpu.memref_slice %arg4[%mul3A_47, %dma_start3A_65] : memref<5120x64xi32, #tpu.memory_space<hbm>> -> memref<4x64xi32, #tpu.memory_space<hbm>>
      %dma_start3A_67 = arith.constant 0 : i32
      %dma_start3A_68 = arith.constant 0 : i32
      %dma_start3A_69 = tpu.memref_slice %arg7[%dma_start3A_60, %dma_start3A_67, %dma_start3A_68] : memref<2x4x64xi32, #tpu.memory_space<vmem>> -> memref<1x4x64xi32, #tpu.memory_space<vmem>>
      %dma_start3A_70 = tpu.memref_squeeze %dma_start3A_69 : memref<1x4x64xi32, #tpu.memory_space<vmem>> -> memref<4x64xi32, #tpu.memory_space<vmem>>
      %dma_start3A_71 = arith.constant 0 : i32
      %dma_start3A_72 = tpu.memref_slice %arg4[%mul3A_47, %dma_start3A_71] : memref<5120x64xi32, #tpu.memory_space<hbm>> -> memref<4x64xi32, #tpu.memory_space<hbm>>
      tpu.enqueue_dma source(%dma_start3A_72 : memref<4x64xi32, #tpu.memory_space<hbm>>) target(%dma_start3A_70 : memref<4x64xi32, #tpu.memory_space<vmem>>) target_semaphore(%arg19 : memref<!tpu.dma_semaphore, #tpu.memory_space<semaphore_mem>>)
      %dma_wait3A = arith.constant 0 : i32
      %dma_wait3A_73 = arith.constant 0 : i32
      %dma_wait3A_74 = arith.constant 0 : i32
      %dma_wait3A_75 = tpu.memref_slice %arg6[%dma_wait3A, %dma_wait3A_73, %dma_wait3A_74] : memref<2x4x64xi32, #tpu.memory_space<vmem>> -> memref<1x4x64xi32, #tpu.memory_space<vmem>>
      %dma_wait3A_76 = tpu.memref_squeeze %dma_wait3A_75 : memref<1x4x64xi32, #tpu.memory_space<vmem>> -> memref<4x64xi32, #tpu.memory_space<vmem>>
      %dma_wait3A_77 = arith.constant 0 : i32
      %dma_wait3A_78 = tpu.memref_slice %arg3[%mul3A_47, %dma_wait3A_77] : memref<5120x64xi32, #tpu.memory_space<hbm>> -> memref<4x64xi32, #tpu.memory_space<hbm>>
      %dma_wait3A_79 = arith.constant 0 : i32
      %dma_wait3A_80 = arith.constant 0 : i32
      %dma_wait3A_81 = tpu.memref_slice %arg6[%dma_wait3A, %dma_wait3A_79, %dma_wait3A_80] : memref<2x4x64xi32, #tpu.memory_space<vmem>> -> memref<1x4x64xi32, #tpu.memory_space<vmem>>
      %dma_wait3A_82 = tpu.memref_squeeze %dma_wait3A_81 : memref<1x4x64xi32, #tpu.memory_space<vmem>> -> memref<4x64xi32, #tpu.memory_space<vmem>>
      %dma_wait3A_83 = arith.constant 0 : i32
      %dma_wait3A_84 = tpu.memref_slice %arg3[%mul3A_47, %dma_wait3A_83] : memref<5120x64xi32, #tpu.memory_space<hbm>> -> memref<4x64xi32, #tpu.memory_space<hbm>>
      tpu.wait_dma2 semaphore(%arg19 : memref<!tpu.dma_semaphore, #tpu.memory_space<semaphore_mem>>) src(%dma_wait3A_84 : memref<4x64xi32, #tpu.memory_space<hbm>>) dst(%dma_wait3A_82 : memref<4x64xi32, #tpu.memory_space<vmem>>)
      %dma_wait3A_85 = arith.constant 0 : i32
      %dma_wait3A_86 = arith.constant 0 : i32
      %dma_wait3A_87 = arith.constant 0 : i32
      %dma_wait3A_88 = tpu.memref_slice %arg7[%dma_wait3A_85, %dma_wait3A_86, %dma_wait3A_87] : memref<2x4x64xi32, #tpu.memory_space<vmem>> -> memref<1x4x64xi32, #tpu.memory_space<vmem>>
      %dma_wait3A_89 = tpu.memref_squeeze %dma_wait3A_88 : memref<1x4x64xi32, #tpu.memory_space<vmem>> -> memref<4x64xi32, #tpu.memory_space<vmem>>
      %dma_wait3A_90 = arith.constant 0 : i32
      %dma_wait3A_91 = tpu.memref_slice %arg4[%mul3A_47, %dma_wait3A_90] : memref<5120x64xi32, #tpu.memory_space<hbm>> -> memref<4x64xi32, #tpu.memory_space<hbm>>
      %dma_wait3A_92 = arith.constant 0 : i32
      %dma_wait3A_93 = arith.constant 0 : i32
      %dma_wait3A_94 = tpu.memref_slice %arg7[%dma_wait3A_85, %dma_wait3A_92, %dma_wait3A_93] : memref<2x4x64xi32, #tpu.memory_space<vmem>> -> memref<1x4x64xi32, #tpu.memory_space<vmem>>
      %dma_wait3A_95 = tpu.memref_squeeze %dma_wait3A_94 : memref<1x4x64xi32, #tpu.memory_space<vmem>> -> memref<4x64xi32, #tpu.memory_space<vmem>>
      %dma_wait3A_96 = arith.constant 0 : i32
      %dma_wait3A_97 = tpu.memref_slice %arg4[%mul3A_47, %dma_wait3A_96] : memref<5120x64xi32, #tpu.memory_space<hbm>> -> memref<4x64xi32, #tpu.memory_space<hbm>>
      tpu.wait_dma2 semaphore(%arg19 : memref<!tpu.dma_semaphore, #tpu.memory_space<semaphore_mem>>) src(%dma_wait3A_97 : memref<4x64xi32, #tpu.memory_space<hbm>>) dst(%dma_wait3A_95 : memref<4x64xi32, #tpu.memory_space<vmem>>)
      %dma_start3A_98 = arith.constant 0 : i32
      %dma_start3A_99 = arith.constant 0 : i32
      %dma_start3A_100 = arith.constant 0 : i32
      %dma_start3A_101 = arith.constant 0 : i32
      %dma_start3A_102 = arith.constant 0 : i32
      %dma_start3A_103 = tpu.memref_slice %arg8[%dma_start3A_100, %dma_start3A_101, %dma_start3A_102] : memref<4x64x128xf32, #tpu.memory_space<vmem>> -> memref<1x64x128xf32, #tpu.memory_space<vmem>>
      %dma_start3A_104 = tpu.memref_squeeze %dma_start3A_103 : memref<1x64x128xf32, #tpu.memory_space<vmem>> -> memref<64x128xf32, #tpu.memory_space<vmem>>
      %dma_start3A_105 = arith.constant 0 : i32
      %dma_start3A_106 = tpu.memref_slice %arg6[%dma_start3A_98, %dma_start3A_99, %dma_start3A_105] : memref<2x4x64xi32, #tpu.memory_space<vmem>> -> memref<1x1x64xi32, #tpu.memory_space<vmem>>
      %dma_start3A_107 = tpu.memref_squeeze %dma_start3A_106 : memref<1x1x64xi32, #tpu.memory_space<vmem>> -> memref<64xi32, #tpu.memory_space<vmem>>
      %dma_start3A_108 = arith.constant 0 : i32
      %dma_start3A_109 = arith.constant 0 : i32
      %dma_start3A_110 = tpu.memref_slice %arg2[%dma_start3A_108, %dma_start3A_109] : memref<10000x128xf32, #tpu.memory_space<hbm>> -> memref<10000x128xf32, #tpu.memory_space<hbm>>
      tpu.enqueue_indirect_dma source(%dma_start3A_110 : memref<10000x128xf32, #tpu.memory_space<hbm>>) target(%dma_start3A_104 : memref<64x128xf32, #tpu.memory_space<vmem>>) offsets(%dma_start3A_107 : memref<64xi32, #tpu.memory_space<vmem>>) semaphore(%arg11 : memref<!tpu.dma_semaphore, #tpu.memory_space<semaphore_mem>>)
      %dma_start3A_111 = arith.constant 0 : i32
      %dma_start3A_112 = arith.constant 1 : i32
      %dma_start3A_113 = arith.constant 1 : i32
      %dma_start3A_114 = arith.constant 0 : i32
      %dma_start3A_115 = arith.constant 0 : i32
      %dma_start3A_116 = tpu.memref_slice %arg8[%dma_start3A_113, %dma_start3A_114, %dma_start3A_115] : memref<4x64x128xf32, #tpu.memory_space<vmem>> -> memref<1x64x128xf32, #tpu.memory_space<vmem>>
      %dma_start3A_117 = tpu.memref_squeeze %dma_start3A_116 : memref<1x64x128xf32, #tpu.memory_space<vmem>> -> memref<64x128xf32, #tpu.memory_space<vmem>>
      %dma_start3A_118 = arith.constant 0 : i32
      %dma_start3A_119 = tpu.memref_slice %arg6[%dma_start3A_111, %dma_start3A_112, %dma_start3A_118] : memref<2x4x64xi32, #tpu.memory_space<vmem>> -> memref<1x1x64xi32, #tpu.memory_space<vmem>>
      %dma_start3A_120 = tpu.memref_squeeze %dma_start3A_119 : memref<1x1x64xi32, #tpu.memory_space<vmem>> -> memref<64xi32, #tpu.memory_space<vmem>>
      %dma_start3A_121 = arith.constant 0 : i32
      %dma_start3A_122 = arith.constant 0 : i32
      %dma_start3A_123 = tpu.memref_slice %arg2[%dma_start3A_121, %dma_start3A_122] : memref<10000x128xf32, #tpu.memory_space<hbm>> -> memref<10000x128xf32, #tpu.memory_space<hbm>>
      tpu.enqueue_indirect_dma source(%dma_start3A_123 : memref<10000x128xf32, #tpu.memory_space<hbm>>) target(%dma_start3A_117 : memref<64x128xf32, #tpu.memory_space<vmem>>) offsets(%dma_start3A_120 : memref<64xi32, #tpu.memory_space<vmem>>) semaphore(%arg12 : memref<!tpu.dma_semaphore, #tpu.memory_space<semaphore_mem>>)
      %dma_start3A_124 = arith.constant 0 : i32
      %dma_start3A_125 = arith.constant 2 : i32
      %dma_start3A_126 = arith.constant 2 : i32
      %dma_start3A_127 = arith.constant 0 : i32
      %dma_start3A_128 = arith.constant 0 : i32
      %dma_start3A_129 = tpu.memref_slice %arg8[%dma_start3A_126, %dma_start3A_127, %dma_start3A_128] : memref<4x64x128xf32, #tpu.memory_space<vmem>> -> memref<1x64x128xf32, #tpu.memory_space<vmem>>
      %dma_start3A_130 = tpu.memref_squeeze %dma_start3A_129 : memref<1x64x128xf32, #tpu.memory_space<vmem>> -> memref<64x128xf32, #tpu.memory_space<vmem>>
      %dma_start3A_131 = arith.constant 0 : i32
      %dma_start3A_132 = tpu.memref_slice %arg6[%dma_start3A_124, %dma_start3A_125, %dma_start3A_131] : memref<2x4x64xi32, #tpu.memory_space<vmem>> -> memref<1x1x64xi32, #tpu.memory_space<vmem>>
      %dma_start3A_133 = tpu.memref_squeeze %dma_start3A_132 : memref<1x1x64xi32, #tpu.memory_space<vmem>> -> memref<64xi32, #tpu.memory_space<vmem>>
      %dma_start3A_134 = arith.constant 0 : i32
      %dma_start3A_135 = arith.constant 0 : i32
      %dma_start3A_136 = tpu.memref_slice %arg2[%dma_start3A_134, %dma_start3A_135] : memref<10000x128xf32, #tpu.memory_space<hbm>> -> memref<10000x128xf32, #tpu.memory_space<hbm>>
      tpu.enqueue_indirect_dma source(%dma_start3A_136 : memref<10000x128xf32, #tpu.memory_space<hbm>>) target(%dma_start3A_130 : memref<64x128xf32, #tpu.memory_space<vmem>>) offsets(%dma_start3A_133 : memref<64xi32, #tpu.memory_space<vmem>>) semaphore(%arg13 : memref<!tpu.dma_semaphore, #tpu.memory_space<semaphore_mem>>)
      %dma_start3A_137 = arith.constant 0 : i32
      %dma_start3A_138 = arith.constant 3 : i32
      %dma_start3A_139 = arith.constant 3 : i32
      %dma_start3A_140 = arith.constant 0 : i32
      %dma_start3A_141 = arith.constant 0 : i32
      %dma_start3A_142 = tpu.memref_slice %arg8[%dma_start3A_139, %dma_start3A_140, %dma_start3A_141] : memref<4x64x128xf32, #tpu.memory_space<vmem>> -> memref<1x64x128xf32, #tpu.memory_space<vmem>>
      %dma_start3A_143 = tpu.memref_squeeze %dma_start3A_142 : memref<1x64x128xf32, #tpu.memory_space<vmem>> -> memref<64x128xf32, #tpu.memory_space<vmem>>
      %dma_start3A_144 = arith.constant 0 : i32
      %dma_start3A_145 = tpu.memref_slice %arg6[%dma_start3A_137, %dma_start3A_138, %dma_start3A_144] : memref<2x4x64xi32, #tpu.memory_space<vmem>> -> memref<1x1x64xi32, #tpu.memory_space<vmem>>
      %dma_start3A_146 = tpu.memref_squeeze %dma_start3A_145 : memref<1x1x64xi32, #tpu.memory_space<vmem>> -> memref<64xi32, #tpu.memory_space<vmem>>
      %dma_start3A_147 = arith.constant 0 : i32
      %dma_start3A_148 = arith.constant 0 : i32
      %dma_start3A_149 = tpu.memref_slice %arg2[%dma_start3A_147, %dma_start3A_148] : memref<10000x128xf32, #tpu.memory_space<hbm>> -> memref<10000x128xf32, #tpu.memory_space<hbm>>
      tpu.enqueue_indirect_dma source(%dma_start3A_149 : memref<10000x128xf32, #tpu.memory_space<hbm>>) target(%dma_start3A_143 : memref<64x128xf32, #tpu.memory_space<vmem>>) offsets(%dma_start3A_146 : memref<64xi32, #tpu.memory_space<vmem>>) semaphore(%arg14 : memref<!tpu.dma_semaphore, #tpu.memory_space<semaphore_mem>>)
      %add3A_150 = arith.constant 4 : i32
      %add3A_151 = arith.addi %mul3A_47, %add3A_150 : i32
      %dma_start3A_152 = arith.constant 1 : i32
      %dma_start3A_153 = arith.constant 0 : i32
      %dma_start3A_154 = arith.constant 0 : i32
      %dma_start3A_155 = tpu.memref_slice %arg6[%dma_start3A_152, %dma_start3A_153, %dma_start3A_154] : memref<2x4x64xi32, #tpu.memory_space<vmem>> -> memref<1x4x64xi32, #tpu.memory_space<vmem>>
      %dma_start3A_156 = tpu.memref_squeeze %dma_start3A_155 : memref<1x4x64xi32, #tpu.memory_space<vmem>> -> memref<4x64xi32, #tpu.memory_space<vmem>>
      %dma_start3A_157 = arith.constant 0 : i32
      %dma_start3A_158 = tpu.memref_slice %arg3[%add3A_151, %dma_start3A_157] : memref<5120x64xi32, #tpu.memory_space<hbm>> -> memref<4x64xi32, #tpu.memory_space<hbm>>
      %dma_start3A_159 = arith.constant 0 : i32
      %dma_start3A_160 = arith.constant 0 : i32
      %dma_start3A_161 = tpu.memref_slice %arg6[%dma_start3A_152, %dma_start3A_159, %dma_start3A_160] : memref<2x4x64xi32, #tpu.memory_space<vmem>> -> memref<1x4x64xi32, #tpu.memory_space<vmem>>
      %dma_start3A_162 = tpu.memref_squeeze %dma_start3A_161 : memref<1x4x64xi32, #tpu.memory_space<vmem>> -> memref<4x64xi32, #tpu.memory_space<vmem>>
      %dma_start3A_163 = arith.constant 0 : i32
      %dma_start3A_164 = tpu.memref_slice %arg3[%add3A_151, %dma_start3A_163] : memref<5120x64xi32, #tpu.memory_space<hbm>> -> memref<4x64xi32, #tpu.memory_space<hbm>>
      tpu.enqueue_dma source(%dma_start3A_164 : memref<4x64xi32, #tpu.memory_space<hbm>>) target(%dma_start3A_162 : memref<4x64xi32, #tpu.memory_space<vmem>>) target_semaphore(%arg19 : memref<!tpu.dma_semaphore, #tpu.memory_space<semaphore_mem>>)
      %dma_start3A_165 = arith.constant 1 : i32
      %dma_start3A_166 = arith.constant 0 : i32
      %dma_start3A_167 = arith.constant 0 : i32
      %dma_start3A_168 = tpu.memref_slice %arg7[%dma_start3A_165, %dma_start3A_166, %dma_start3A_167] : memref<2x4x64xi32, #tpu.memory_space<vmem>> -> memref<1x4x64xi32, #tpu.memory_space<vmem>>
      %dma_start3A_169 = tpu.memref_squeeze %dma_start3A_168 : memref<1x4x64xi32, #tpu.memory_space<vmem>> -> memref<4x64xi32, #tpu.memory_space<vmem>>
      %dma_start3A_170 = arith.constant 0 : i32
      %dma_start3A_171 = tpu.memref_slice %arg4[%add3A_151, %dma_start3A_170] : memref<5120x64xi32, #tpu.memory_space<hbm>> -> memref<4x64xi32, #tpu.memory_space<hbm>>
      %dma_start3A_172 = arith.constant 0 : i32
      %dma_start3A_173 = arith.constant 0 : i32
      %dma_start3A_174 = tpu.memref_slice %arg7[%dma_start3A_165, %dma_start3A_172, %dma_start3A_173] : memref<2x4x64xi32, #tpu.memory_space<vmem>> -> memref<1x4x64xi32, #tpu.memory_space<vmem>>
      %dma_start3A_175 = tpu.memref_squeeze %dma_start3A_174 : memref<1x4x64xi32, #tpu.memory_space<vmem>> -> memref<4x64xi32, #tpu.memory_space<vmem>>
      %dma_start3A_176 = arith.constant 0 : i32
      %dma_start3A_177 = tpu.memref_slice %arg4[%add3A_151, %dma_start3A_176] : memref<5120x64xi32, #tpu.memory_space<hbm>> -> memref<4x64xi32, #tpu.memory_space<hbm>>
      tpu.enqueue_dma source(%dma_start3A_177 : memref<4x64xi32, #tpu.memory_space<hbm>>) target(%dma_start3A_175 : memref<4x64xi32, #tpu.memory_space<vmem>>) target_semaphore(%arg19 : memref<!tpu.dma_semaphore, #tpu.memory_space<semaphore_mem>>)
      %scan3A_178 = arith.constant 0 : i32
      %scan3A_179 = arith.constant 74 : i32
      %scan3A_180 = arith.addi %scan3A_178, %scan3A_179 : i32
      %scan3A_181 = arith.constant 1 : i32
      scf.for %scan3A_183 = %scan3A_178 to %scan3A_180 step %scan3A_181  : i32 {
        %rem3A = arith.constant 2 : i32
        %rem3A_184 = arith.remsi %scan3A_183, %rem3A : i32
        %add3A_185 = arith.constant 1 : i32
        %add3A_186 = arith.addi %scan3A_183, %add3A_185 : i32
        %rem3A_187 = arith.constant 2 : i32
        %rem3A_188 = arith.remsi %add3A_186, %rem3A_187 : i32
        %dma_wait3A_189 = arith.constant 0 : i32
        %dma_wait3A_190 = arith.constant 0 : i32
        %dma_wait3A_191 = arith.constant 0 : i32
        %dma_wait3A_192 = arith.constant 0 : i32
        %dma_wait3A_193 = tpu.memref_slice %arg8[%dma_wait3A_190, %dma_wait3A_191, %dma_wait3A_192] : memref<4x64x128xf32, #tpu.memory_space<vmem>> -> memref<1x64x128xf32, #tpu.memory_space<vmem>>
        %dma_wait3A_194 = tpu.memref_squeeze %dma_wait3A_193 : memref<1x64x128xf32, #tpu.memory_space<vmem>> -> memref<64x128xf32, #tpu.memory_space<vmem>>
        %dma_wait3A_195 = arith.constant 0 : i32
        %dma_wait3A_196 = tpu.memref_slice %arg6[%rem3A_184, %dma_wait3A_189, %dma_wait3A_195] : memref<2x4x64xi32, #tpu.memory_space<vmem>> -> memref<1x1x64xi32, #tpu.memory_space<vmem>>
        %dma_wait3A_197 = tpu.memref_squeeze %dma_wait3A_196 : memref<1x1x64xi32, #tpu.memory_space<vmem>> -> memref<64xi32, #tpu.memory_space<vmem>>
        %dma_wait3A_198 = arith.constant 0 : i32
        %dma_wait3A_199 = arith.constant 0 : i32
        %dma_wait3A_200 = tpu.memref_slice %arg2[%dma_wait3A_198, %dma_wait3A_199] : memref<10000x128xf32, #tpu.memory_space<hbm>> -> memref<10000x128xf32, #tpu.memory_space<hbm>>
        tpu.wait_indirect_dma semaphore(%arg11 : memref<!tpu.dma_semaphore, #tpu.memory_space<semaphore_mem>>) src(%dma_wait3A_200 : memref<10000x128xf32, #tpu.memory_space<hbm>>) dst(%dma_wait3A_194 : memref<64x128xf32, #tpu.memory_space<vmem>>)
        %dma_start3A_201 = arith.constant 0 : i32
        %dma_start3A_202 = arith.constant 0 : i32
        %dma_start3A_203 = arith.constant 0 : i32
        %dma_start3A_204 = arith.constant 0 : i32
        %dma_start3A_205 = tpu.memref_slice %arg8[%dma_start3A_201, %dma_start3A_203, %dma_start3A_204] : memref<4x64x128xf32, #tpu.memory_space<vmem>> -> memref<1x64x128xf32, #tpu.memory_space<vmem>>
        %dma_start3A_206 = tpu.memref_squeeze %dma_start3A_205 : memref<1x64x128xf32, #tpu.memory_space<vmem>> -> memref<64x128xf32, #tpu.memory_space<vmem>>
        %dma_start3A_207 = arith.constant 0 : i32
        %dma_start3A_208 = tpu.memref_slice %arg7[%rem3A_184, %dma_start3A_202, %dma_start3A_207] : memref<2x4x64xi32, #tpu.memory_space<vmem>> -> memref<1x1x64xi32, #tpu.memory_space<vmem>>
        %dma_start3A_209 = tpu.memref_squeeze %dma_start3A_208 : memref<1x1x64xi32, #tpu.memory_space<vmem>> -> memref<64xi32, #tpu.memory_space<vmem>>
        %dma_start3A_210 = arith.constant 0 : i32
        %dma_start3A_211 = arith.constant 0 : i32
        %dma_start3A_212 = tpu.memref_slice %arg10[%dma_start3A_210, %dma_start3A_211] : memref<10112x128xf32, #tpu.memory_space<vmem_shared>> -> memref<10112x128xf32, #tpu.memory_space<vmem_shared>>
        tpu.enqueue_indirect_dma source(%dma_start3A_206 : memref<64x128xf32, #tpu.memory_space<vmem>>) target(%dma_start3A_212 : memref<10112x128xf32, #tpu.memory_space<vmem_shared>>) offsets(%dma_start3A_209 : memref<64xi32, #tpu.memory_space<vmem>>) semaphore(%arg15 : memref<!tpu.dma_semaphore, #tpu.memory_space<semaphore_mem>>) {add = true}
        %dma_wait3A_213 = arith.constant 1 : i32
        %dma_wait3A_214 = arith.constant 1 : i32
        %dma_wait3A_215 = arith.constant 0 : i32
        %dma_wait3A_216 = arith.constant 0 : i32
        %dma_wait3A_217 = tpu.memref_slice %arg8[%dma_wait3A_214, %dma_wait3A_215, %dma_wait3A_216] : memref<4x64x128xf32, #tpu.memory_space<vmem>> -> memref<1x64x128xf32, #tpu.memory_space<vmem>>
        %dma_wait3A_218 = tpu.memref_squeeze %dma_wait3A_217 : memref<1x64x128xf32, #tpu.memory_space<vmem>> -> memref<64x128xf32, #tpu.memory_space<vmem>>
        %dma_wait3A_219 = arith.constant 0 : i32
        %dma_wait3A_220 = tpu.memref_slice %arg6[%rem3A_184, %dma_wait3A_213, %dma_wait3A_219] : memref<2x4x64xi32, #tpu.memory_space<vmem>> -> memref<1x1x64xi32, #tpu.memory_space<vmem>>
        %dma_wait3A_221 = tpu.memref_squeeze %dma_wait3A_220 : memref<1x1x64xi32, #tpu.memory_space<vmem>> -> memref<64xi32, #tpu.memory_space<vmem>>
        %dma_wait3A_222 = arith.constant 0 : i32
        %dma_wait3A_223 = arith.constant 0 : i32
        %dma_wait3A_224 = tpu.memref_slice %arg2[%dma_wait3A_222, %dma_wait3A_223] : memref<10000x128xf32, #tpu.memory_space<hbm>> -> memref<10000x128xf32, #tpu.memory_space<hbm>>
        tpu.wait_indirect_dma semaphore(%arg12 : memref<!tpu.dma_semaphore, #tpu.memory_space<semaphore_mem>>) src(%dma_wait3A_224 : memref<10000x128xf32, #tpu.memory_space<hbm>>) dst(%dma_wait3A_218 : memref<64x128xf32, #tpu.memory_space<vmem>>)
        %dma_start3A_225 = arith.constant 1 : i32
        %dma_start3A_226 = arith.constant 1 : i32
        %dma_start3A_227 = arith.constant 0 : i32
        %dma_start3A_228 = arith.constant 0 : i32
        %dma_start3A_229 = tpu.memref_slice %arg8[%dma_start3A_225, %dma_start3A_227, %dma_start3A_228] : memref<4x64x128xf32, #tpu.memory_space<vmem>> -> memref<1x64x128xf32, #tpu.memory_space<vmem>>
        %dma_start3A_230 = tpu.memref_squeeze %dma_start3A_229 : memref<1x64x128xf32, #tpu.memory_space<vmem>> -> memref<64x128xf32, #tpu.memory_space<vmem>>
        %dma_start3A_231 = arith.constant 0 : i32
        %dma_start3A_232 = tpu.memref_slice %arg7[%rem3A_184, %dma_start3A_226, %dma_start3A_231] : memref<2x4x64xi32, #tpu.memory_space<vmem>> -> memref<1x1x64xi32, #tpu.memory_space<vmem>>
        %dma_start3A_233 = tpu.memref_squeeze %dma_start3A_232 : memref<1x1x64xi32, #tpu.memory_space<vmem>> -> memref<64xi32, #tpu.memory_space<vmem>>
        %dma_start3A_234 = arith.constant 0 : i32
        %dma_start3A_235 = arith.constant 0 : i32
        %dma_start3A_236 = tpu.memref_slice %arg10[%dma_start3A_234, %dma_start3A_235] : memref<10112x128xf32, #tpu.memory_space<vmem_shared>> -> memref<10112x128xf32, #tpu.memory_space<vmem_shared>>
        tpu.enqueue_indirect_dma source(%dma_start3A_230 : memref<64x128xf32, #tpu.memory_space<vmem>>) target(%dma_start3A_236 : memref<10112x128xf32, #tpu.memory_space<vmem_shared>>) offsets(%dma_start3A_233 : memref<64xi32, #tpu.memory_space<vmem>>) semaphore(%arg16 : memref<!tpu.dma_semaphore, #tpu.memory_space<semaphore_mem>>) {add = true}
        %dma_wait3A_237 = arith.constant 2 : i32
        %dma_wait3A_238 = arith.constant 2 : i32
        %dma_wait3A_239 = arith.constant 0 : i32
        %dma_wait3A_240 = arith.constant 0 : i32
        %dma_wait3A_241 = tpu.memref_slice %arg8[%dma_wait3A_238, %dma_wait3A_239, %dma_wait3A_240] : memref<4x64x128xf32, #tpu.memory_space<vmem>> -> memref<1x64x128xf32, #tpu.memory_space<vmem>>
        %dma_wait3A_242 = tpu.memref_squeeze %dma_wait3A_241 : memref<1x64x128xf32, #tpu.memory_space<vmem>> -> memref<64x128xf32, #tpu.memory_space<vmem>>
        %dma_wait3A_243 = arith.constant 0 : i32
        %dma_wait3A_244 = tpu.memref_slice %arg6[%rem3A_184, %dma_wait3A_237, %dma_wait3A_243] : memref<2x4x64xi32, #tpu.memory_space<vmem>> -> memref<1x1x64xi32, #tpu.memory_space<vmem>>
        %dma_wait3A_245 = tpu.memref_squeeze %dma_wait3A_244 : memref<1x1x64xi32, #tpu.memory_space<vmem>> -> memref<64xi32, #tpu.memory_space<vmem>>
        %dma_wait3A_246 = arith.constant 0 : i32
        %dma_wait3A_247 = arith.constant 0 : i32
        %dma_wait3A_248 = tpu.memref_slice %arg2[%dma_wait3A_246, %dma_wait3A_247] : memref<10000x128xf32, #tpu.memory_space<hbm>> -> memref<10000x128xf32, #tpu.memory_space<hbm>>
        tpu.wait_indirect_dma semaphore(%arg13 : memref<!tpu.dma_semaphore, #tpu.memory_space<semaphore_mem>>) src(%dma_wait3A_248 : memref<10000x128xf32, #tpu.memory_space<hbm>>) dst(%dma_wait3A_242 : memref<64x128xf32, #tpu.memory_space<vmem>>)
        %dma_start3A_249 = arith.constant 2 : i32
        %dma_start3A_250 = arith.constant 2 : i32
        %dma_start3A_251 = arith.constant 0 : i32
        %dma_start3A_252 = arith.constant 0 : i32
        %dma_start3A_253 = tpu.memref_slice %arg8[%dma_start3A_249, %dma_start3A_251, %dma_start3A_252] : memref<4x64x128xf32, #tpu.memory_space<vmem>> -> memref<1x64x128xf32, #tpu.memory_space<vmem>>
        %dma_start3A_254 = tpu.memref_squeeze %dma_start3A_253 : memref<1x64x128xf32, #tpu.memory_space<vmem>> -> memref<64x128xf32, #tpu.memory_space<vmem>>
        %dma_start3A_255 = arith.constant 0 : i32
        %dma_start3A_256 = tpu.memref_slice %arg7[%rem3A_184, %dma_start3A_250, %dma_start3A_255] : memref<2x4x64xi32, #tpu.memory_space<vmem>> -> memref<1x1x64xi32, #tpu.memory_space<vmem>>
        %dma_start3A_257 = tpu.memref_squeeze %dma_start3A_256 : memref<1x1x64xi32, #tpu.memory_space<vmem>> -> memref<64xi32, #tpu.memory_space<vmem>>
        %dma_start3A_258 = arith.constant 0 : i32
        %dma_start3A_259 = arith.constant 0 : i32
        %dma_start3A_260 = tpu.memref_slice %arg10[%dma_start3A_258, %dma_start3A_259] : memref<10112x128xf32, #tpu.memory_space<vmem_shared>> -> memref<10112x128xf32, #tpu.memory_space<vmem_shared>>
        tpu.enqueue_indirect_dma source(%dma_start3A_254 : memref<64x128xf32, #tpu.memory_space<vmem>>) target(%dma_start3A_260 : memref<10112x128xf32, #tpu.memory_space<vmem_shared>>) offsets(%dma_start3A_257 : memref<64xi32, #tpu.memory_space<vmem>>) semaphore(%arg17 : memref<!tpu.dma_semaphore, #tpu.memory_space<semaphore_mem>>) {add = true}
        %dma_wait3A_261 = arith.constant 3 : i32
        %dma_wait3A_262 = arith.constant 3 : i32
        %dma_wait3A_263 = arith.constant 0 : i32
        %dma_wait3A_264 = arith.constant 0 : i32
        %dma_wait3A_265 = tpu.memref_slice %arg8[%dma_wait3A_262, %dma_wait3A_263, %dma_wait3A_264] : memref<4x64x128xf32, #tpu.memory_space<vmem>> -> memref<1x64x128xf32, #tpu.memory_space<vmem>>
        %dma_wait3A_266 = tpu.memref_squeeze %dma_wait3A_265 : memref<1x64x128xf32, #tpu.memory_space<vmem>> -> memref<64x128xf32, #tpu.memory_space<vmem>>
        %dma_wait3A_267 = arith.constant 0 : i32
        %dma_wait3A_268 = tpu.memref_slice %arg6[%rem3A_184, %dma_wait3A_261, %dma_wait3A_267] : memref<2x4x64xi32, #tpu.memory_space<vmem>> -> memref<1x1x64xi32, #tpu.memory_space<vmem>>
        %dma_wait3A_269 = tpu.memref_squeeze %dma_wait3A_268 : memref<1x1x64xi32, #tpu.memory_space<vmem>> -> memref<64xi32, #tpu.memory_space<vmem>>
        %dma_wait3A_270 = arith.constant 0 : i32
        %dma_wait3A_271 = arith.constant 0 : i32
        %dma_wait3A_272 = tpu.memref_slice %arg2[%dma_wait3A_270, %dma_wait3A_271] : memref<10000x128xf32, #tpu.memory_space<hbm>> -> memref<10000x128xf32, #tpu.memory_space<hbm>>
        tpu.wait_indirect_dma semaphore(%arg14 : memref<!tpu.dma_semaphore, #tpu.memory_space<semaphore_mem>>) src(%dma_wait3A_272 : memref<10000x128xf32, #tpu.memory_space<hbm>>) dst(%dma_wait3A_266 : memref<64x128xf32, #tpu.memory_space<vmem>>)
        %dma_start3A_273 = arith.constant 3 : i32
        %dma_start3A_274 = arith.constant 3 : i32
        %dma_start3A_275 = arith.constant 0 : i32
        %dma_start3A_276 = arith.constant 0 : i32
        %dma_start3A_277 = tpu.memref_slice %arg8[%dma_start3A_273, %dma_start3A_275, %dma_start3A_276] : memref<4x64x128xf32, #tpu.memory_space<vmem>> -> memref<1x64x128xf32, #tpu.memory_space<vmem>>
        %dma_start3A_278 = tpu.memref_squeeze %dma_start3A_277 : memref<1x64x128xf32, #tpu.memory_space<vmem>> -> memref<64x128xf32, #tpu.memory_space<vmem>>
        %dma_start3A_279 = arith.constant 0 : i32
        %dma_start3A_280 = tpu.memref_slice %arg7[%rem3A_184, %dma_start3A_274, %dma_start3A_279] : memref<2x4x64xi32, #tpu.memory_space<vmem>> -> memref<1x1x64xi32, #tpu.memory_space<vmem>>
        %dma_start3A_281 = tpu.memref_squeeze %dma_start3A_280 : memref<1x1x64xi32, #tpu.memory_space<vmem>> -> memref<64xi32, #tpu.memory_space<vmem>>
        %dma_start3A_282 = arith.constant 0 : i32
        %dma_start3A_283 = arith.constant 0 : i32
        %dma_start3A_284 = tpu.memref_slice %arg10[%dma_start3A_282, %dma_start3A_283] : memref<10112x128xf32, #tpu.memory_space<vmem_shared>> -> memref<10112x128xf32, #tpu.memory_space<vmem_shared>>
        tpu.enqueue_indirect_dma source(%dma_start3A_278 : memref<64x128xf32, #tpu.memory_space<vmem>>) target(%dma_start3A_284 : memref<10112x128xf32, #tpu.memory_space<vmem_shared>>) offsets(%dma_start3A_281 : memref<64xi32, #tpu.memory_space<vmem>>) semaphore(%arg18 : memref<!tpu.dma_semaphore, #tpu.memory_space<semaphore_mem>>) {add = true}
        %add3A_285 = arith.constant 1 : i32
        %add3A_286 = arith.addi %scan3A_183, %add3A_285 : i32
        %lt3A = arith.constant 74 : i32
        %lt3A_287 = arith.cmpi slt, %add3A_286, %lt3A : i32
        %convert_element_type3A_288 = arith.extui %lt3A_287 : i1 to i32
        %cond3A_289 = arith.constant 0 : i32
        %cond3A_290 = arith.cmpi ne, %convert_element_type3A_288, %cond3A_289 : i32
        scf.if %cond3A_290 {
          %add3A_374 = arith.constant 1 : i32
          %add3A_375 = arith.addi %scan3A_183, %add3A_374 : i32
          %mul3A_376 = arith.constant 4 : i32
          %mul3A_377 = arith.muli %add3A_375, %mul3A_376 : i32
          %add3A_378 = arith.addi %mul3A_47, %mul3A_377 : i32
          %dma_wait3A_379 = arith.constant 0 : i32
          %dma_wait3A_380 = arith.constant 0 : i32
          %dma_wait3A_381 = tpu.memref_slice %arg6[%rem3A_188, %dma_wait3A_379, %dma_wait3A_380] : memref<2x4x64xi32, #tpu.memory_space<vmem>> -> memref<1x4x64xi32, #tpu.memory_space<vmem>>
          %dma_wait3A_382 = tpu.memref_squeeze %dma_wait3A_381 : memref<1x4x64xi32, #tpu.memory_space<vmem>> -> memref<4x64xi32, #tpu.memory_space<vmem>>
          %dma_wait3A_383 = arith.constant 0 : i32
          %dma_wait3A_384 = tpu.memref_slice %arg3[%add3A_378, %dma_wait3A_383] : memref<5120x64xi32, #tpu.memory_space<hbm>> -> memref<4x64xi32, #tpu.memory_space<hbm>>
          %dma_wait3A_385 = arith.constant 0 : i32
          %dma_wait3A_386 = arith.constant 0 : i32
          %dma_wait3A_387 = tpu.memref_slice %arg6[%rem3A_188, %dma_wait3A_385, %dma_wait3A_386] : memref<2x4x64xi32, #tpu.memory_space<vmem>> -> memref<1x4x64xi32, #tpu.memory_space<vmem>>
          %dma_wait3A_388 = tpu.memref_squeeze %dma_wait3A_387 : memref<1x4x64xi32, #tpu.memory_space<vmem>> -> memref<4x64xi32, #tpu.memory_space<vmem>>
          %dma_wait3A_389 = arith.constant 0 : i32
          %dma_wait3A_390 = tpu.memref_slice %arg3[%add3A_378, %dma_wait3A_389] : memref<5120x64xi32, #tpu.memory_space<hbm>> -> memref<4x64xi32, #tpu.memory_space<hbm>>
          tpu.wait_dma2 semaphore(%arg19 : memref<!tpu.dma_semaphore, #tpu.memory_space<semaphore_mem>>) src(%dma_wait3A_390 : memref<4x64xi32, #tpu.memory_space<hbm>>) dst(%dma_wait3A_388 : memref<4x64xi32, #tpu.memory_space<vmem>>)
          %dma_wait3A_391 = arith.constant 0 : i32
          %dma_wait3A_392 = arith.constant 0 : i32
          %dma_wait3A_393 = tpu.memref_slice %arg7[%rem3A_188, %dma_wait3A_391, %dma_wait3A_392] : memref<2x4x64xi32, #tpu.memory_space<vmem>> -> memref<1x4x64xi32, #tpu.memory_space<vmem>>
          %dma_wait3A_394 = tpu.memref_squeeze %dma_wait3A_393 : memref<1x4x64xi32, #tpu.memory_space<vmem>> -> memref<4x64xi32, #tpu.memory_space<vmem>>
          %dma_wait3A_395 = arith.constant 0 : i32
          %dma_wait3A_396 = tpu.memref_slice %arg4[%add3A_378, %dma_wait3A_395] : memref<5120x64xi32, #tpu.memory_space<hbm>> -> memref<4x64xi32, #tpu.memory_space<hbm>>
          %dma_wait3A_397 = arith.constant 0 : i32
          %dma_wait3A_398 = arith.constant 0 : i32
          %dma_wait3A_399 = tpu.memref_slice %arg7[%rem3A_188, %dma_wait3A_397, %dma_wait3A_398] : memref<2x4x64xi32, #tpu.memory_space<vmem>> -> memref<1x4x64xi32, #tpu.memory_space<vmem>>
          %dma_wait3A_400 = tpu.memref_squeeze %dma_wait3A_399 : memref<1x4x64xi32, #tpu.memory_space<vmem>> -> memref<4x64xi32, #tpu.memory_space<vmem>>
          %dma_wait3A_401 = arith.constant 0 : i32
          %dma_wait3A_402 = tpu.memref_slice %arg4[%add3A_378, %dma_wait3A_401] : memref<5120x64xi32, #tpu.memory_space<hbm>> -> memref<4x64xi32, #tpu.memory_space<hbm>>
          tpu.wait_dma2 semaphore(%arg19 : memref<!tpu.dma_semaphore, #tpu.memory_space<semaphore_mem>>) src(%dma_wait3A_402 : memref<4x64xi32, #tpu.memory_space<hbm>>) dst(%dma_wait3A_400 : memref<4x64xi32, #tpu.memory_space<vmem>>)
        } else {
        }
        %dma_wait3A_291 = arith.constant 0 : i32
        %dma_wait3A_292 = arith.constant 0 : i32
        %dma_wait3A_293 = arith.constant 0 : i32
        %dma_wait3A_294 = arith.constant 0 : i32
        %dma_wait3A_295 = tpu.memref_slice %arg8[%dma_wait3A_291, %dma_wait3A_293, %dma_wait3A_294] : memref<4x64x128xf32, #tpu.memory_space<vmem>> -> memref<1x64x128xf32, #tpu.memory_space<vmem>>
        %dma_wait3A_296 = tpu.memref_squeeze %dma_wait3A_295 : memref<1x64x128xf32, #tpu.memory_space<vmem>> -> memref<64x128xf32, #tpu.memory_space<vmem>>
        %dma_wait3A_297 = arith.constant 0 : i32
        %dma_wait3A_298 = tpu.memref_slice %arg7[%rem3A_184, %dma_wait3A_292, %dma_wait3A_297] : memref<2x4x64xi32, #tpu.memory_space<vmem>> -> memref<1x1x64xi32, #tpu.memory_space<vmem>>
        %dma_wait3A_299 = tpu.memref_squeeze %dma_wait3A_298 : memref<1x1x64xi32, #tpu.memory_space<vmem>> -> memref<64xi32, #tpu.memory_space<vmem>>
        %dma_wait3A_300 = arith.constant 0 : i32
        %dma_wait3A_301 = arith.constant 0 : i32
        %dma_wait3A_302 = tpu.memref_slice %arg10[%dma_wait3A_300, %dma_wait3A_301] : memref<10112x128xf32, #tpu.memory_space<vmem_shared>> -> memref<10112x128xf32, #tpu.memory_space<vmem_shared>>
        tpu.wait_indirect_dma semaphore(%arg15 : memref<!tpu.dma_semaphore, #tpu.memory_space<semaphore_mem>>) src(%dma_wait3A_296 : memref<64x128xf32, #tpu.memory_space<vmem>>) dst(%dma_wait3A_302 : memref<10112x128xf32, #tpu.memory_space<vmem_shared>>)
        %add3A_303 = arith.constant 1 : i32
        %add3A_304 = arith.addi %scan3A_183, %add3A_303 : i32
        %lt3A_305 = arith.constant 74 : i32
        %lt3A_306 = arith.cmpi slt, %add3A_304, %lt3A_305 : i32
        %convert_element_type3A_307 = arith.extui %lt3A_306 : i1 to i32
        %cond3A_308 = arith.constant 0 : i32
        %cond3A_309 = arith.cmpi ne, %convert_element_type3A_307, %cond3A_308 : i32
        scf.if %cond3A_309 {
          %dma_start3A_374 = arith.constant 0 : i32
          %dma_start3A_375 = arith.constant 0 : i32
          %dma_start3A_376 = arith.constant 0 : i32
          %dma_start3A_377 = arith.constant 0 : i32
          %dma_start3A_378 = tpu.memref_slice %arg8[%dma_start3A_375, %dma_start3A_376, %dma_start3A_377] : memref<4x64x128xf32, #tpu.memory_space<vmem>> -> memref<1x64x128xf32, #tpu.memory_space<vmem>>
          %dma_start3A_379 = tpu.memref_squeeze %dma_start3A_378 : memref<1x64x128xf32, #tpu.memory_space<vmem>> -> memref<64x128xf32, #tpu.memory_space<vmem>>
          %dma_start3A_380 = arith.constant 0 : i32
          %dma_start3A_381 = tpu.memref_slice %arg6[%rem3A_188, %dma_start3A_374, %dma_start3A_380] : memref<2x4x64xi32, #tpu.memory_space<vmem>> -> memref<1x1x64xi32, #tpu.memory_space<vmem>>
          %dma_start3A_382 = tpu.memref_squeeze %dma_start3A_381 : memref<1x1x64xi32, #tpu.memory_space<vmem>> -> memref<64xi32, #tpu.memory_space<vmem>>
          %dma_start3A_383 = arith.constant 0 : i32
          %dma_start3A_384 = arith.constant 0 : i32
          %dma_start3A_385 = tpu.memref_slice %arg2[%dma_start3A_383, %dma_start3A_384] : memref<10000x128xf32, #tpu.memory_space<hbm>> -> memref<10000x128xf32, #tpu.memory_space<hbm>>
          tpu.enqueue_indirect_dma source(%dma_start3A_385 : memref<10000x128xf32, #tpu.memory_space<hbm>>) target(%dma_start3A_379 : memref<64x128xf32, #tpu.memory_space<vmem>>) offsets(%dma_start3A_382 : memref<64xi32, #tpu.memory_space<vmem>>) semaphore(%arg11 : memref<!tpu.dma_semaphore, #tpu.memory_space<semaphore_mem>>)
        } else {
        }
        %dma_wait3A_310 = arith.constant 1 : i32
        %dma_wait3A_311 = arith.constant 1 : i32
        %dma_wait3A_312 = arith.constant 0 : i32
        %dma_wait3A_313 = arith.constant 0 : i32
        %dma_wait3A_314 = tpu.memref_slice %arg8[%dma_wait3A_310, %dma_wait3A_312, %dma_wait3A_313] : memref<4x64x128xf32, #tpu.memory_space<vmem>> -> memref<1x64x128xf32, #tpu.memory_space<vmem>>
        %dma_wait3A_315 = tpu.memref_squeeze %dma_wait3A_314 : memref<1x64x128xf32, #tpu.memory_space<vmem>> -> memref<64x128xf32, #tpu.memory_space<vmem>>
        %dma_wait3A_316 = arith.constant 0 : i32
        %dma_wait3A_317 = tpu.memref_slice %arg7[%rem3A_184, %dma_wait3A_311, %dma_wait3A_316] : memref<2x4x64xi32, #tpu.memory_space<vmem>> -> memref<1x1x64xi32, #tpu.memory_space<vmem>>
        %dma_wait3A_318 = tpu.memref_squeeze %dma_wait3A_317 : memref<1x1x64xi32, #tpu.memory_space<vmem>> -> memref<64xi32, #tpu.memory_space<vmem>>
        %dma_wait3A_319 = arith.constant 0 : i32
        %dma_wait3A_320 = arith.constant 0 : i32
        %dma_wait3A_321 = tpu.memref_slice %arg10[%dma_wait3A_319, %dma_wait3A_320] : memref<10112x128xf32, #tpu.memory_space<vmem_shared>> -> memref<10112x128xf32, #tpu.memory_space<vmem_shared>>
        tpu.wait_indirect_dma semaphore(%arg16 : memref<!tpu.dma_semaphore, #tpu.memory_space<semaphore_mem>>) src(%dma_wait3A_315 : memref<64x128xf32, #tpu.memory_space<vmem>>) dst(%dma_wait3A_321 : memref<10112x128xf32, #tpu.memory_space<vmem_shared>>)
        %add3A_322 = arith.constant 1 : i32
        %add3A_323 = arith.addi %scan3A_183, %add3A_322 : i32
        %lt3A_324 = arith.constant 74 : i32
        %lt3A_325 = arith.cmpi slt, %add3A_323, %lt3A_324 : i32
        %convert_element_type3A_326 = arith.extui %lt3A_325 : i1 to i32
        %cond3A_327 = arith.constant 0 : i32
        %cond3A_328 = arith.cmpi ne, %convert_element_type3A_326, %cond3A_327 : i32
        scf.if %cond3A_328 {
          %dma_start3A_374 = arith.constant 1 : i32
          %dma_start3A_375 = arith.constant 1 : i32
          %dma_start3A_376 = arith.constant 0 : i32
          %dma_start3A_377 = arith.constant 0 : i32
          %dma_start3A_378 = tpu.memref_slice %arg8[%dma_start3A_375, %dma_start3A_376, %dma_start3A_377] : memref<4x64x128xf32, #tpu.memory_space<vmem>> -> memref<1x64x128xf32, #tpu.memory_space<vmem>>
          %dma_start3A_379 = tpu.memref_squeeze %dma_start3A_378 : memref<1x64x128xf32, #tpu.memory_space<vmem>> -> memref<64x128xf32, #tpu.memory_space<vmem>>
          %dma_start3A_380 = arith.constant 0 : i32
          %dma_start3A_381 = tpu.memref_slice %arg6[%rem3A_188, %dma_start3A_374, %dma_start3A_380] : memref<2x4x64xi32, #tpu.memory_space<vmem>> -> memref<1x1x64xi32, #tpu.memory_space<vmem>>
          %dma_start3A_382 = tpu.memref_squeeze %dma_start3A_381 : memref<1x1x64xi32, #tpu.memory_space<vmem>> -> memref<64xi32, #tpu.memory_space<vmem>>
          %dma_start3A_383 = arith.constant 0 : i32
          %dma_start3A_384 = arith.constant 0 : i32
          %dma_start3A_385 = tpu.memref_slice %arg2[%dma_start3A_383, %dma_start3A_384] : memref<10000x128xf32, #tpu.memory_space<hbm>> -> memref<10000x128xf32, #tpu.memory_space<hbm>>
          tpu.enqueue_indirect_dma source(%dma_start3A_385 : memref<10000x128xf32, #tpu.memory_space<hbm>>) target(%dma_start3A_379 : memref<64x128xf32, #tpu.memory_space<vmem>>) offsets(%dma_start3A_382 : memref<64xi32, #tpu.memory_space<vmem>>) semaphore(%arg12 : memref<!tpu.dma_semaphore, #tpu.memory_space<semaphore_mem>>)
        } else {
        }
        %dma_wait3A_329 = arith.constant 2 : i32
        %dma_wait3A_330 = arith.constant 2 : i32
        %dma_wait3A_331 = arith.constant 0 : i32
        %dma_wait3A_332 = arith.constant 0 : i32
        %dma_wait3A_333 = tpu.memref_slice %arg8[%dma_wait3A_329, %dma_wait3A_331, %dma_wait3A_332] : memref<4x64x128xf32, #tpu.memory_space<vmem>> -> memref<1x64x128xf32, #tpu.memory_space<vmem>>
        %dma_wait3A_334 = tpu.memref_squeeze %dma_wait3A_333 : memref<1x64x128xf32, #tpu.memory_space<vmem>> -> memref<64x128xf32, #tpu.memory_space<vmem>>
        %dma_wait3A_335 = arith.constant 0 : i32
        %dma_wait3A_336 = tpu.memref_slice %arg7[%rem3A_184, %dma_wait3A_330, %dma_wait3A_335] : memref<2x4x64xi32, #tpu.memory_space<vmem>> -> memref<1x1x64xi32, #tpu.memory_space<vmem>>
        %dma_wait3A_337 = tpu.memref_squeeze %dma_wait3A_336 : memref<1x1x64xi32, #tpu.memory_space<vmem>> -> memref<64xi32, #tpu.memory_space<vmem>>
        %dma_wait3A_338 = arith.constant 0 : i32
        %dma_wait3A_339 = arith.constant 0 : i32
        %dma_wait3A_340 = tpu.memref_slice %arg10[%dma_wait3A_338, %dma_wait3A_339] : memref<10112x128xf32, #tpu.memory_space<vmem_shared>> -> memref<10112x128xf32, #tpu.memory_space<vmem_shared>>
        tpu.wait_indirect_dma semaphore(%arg17 : memref<!tpu.dma_semaphore, #tpu.memory_space<semaphore_mem>>) src(%dma_wait3A_334 : memref<64x128xf32, #tpu.memory_space<vmem>>) dst(%dma_wait3A_340 : memref<10112x128xf32, #tpu.memory_space<vmem_shared>>)
        %add3A_341 = arith.constant 1 : i32
        %add3A_342 = arith.addi %scan3A_183, %add3A_341 : i32
        %lt3A_343 = arith.constant 74 : i32
        %lt3A_344 = arith.cmpi slt, %add3A_342, %lt3A_343 : i32
        %convert_element_type3A_345 = arith.extui %lt3A_344 : i1 to i32
        %cond3A_346 = arith.constant 0 : i32
        %cond3A_347 = arith.cmpi ne, %convert_element_type3A_345, %cond3A_346 : i32
        scf.if %cond3A_347 {
          %dma_start3A_374 = arith.constant 2 : i32
          %dma_start3A_375 = arith.constant 2 : i32
          %dma_start3A_376 = arith.constant 0 : i32
          %dma_start3A_377 = arith.constant 0 : i32
          %dma_start3A_378 = tpu.memref_slice %arg8[%dma_start3A_375, %dma_start3A_376, %dma_start3A_377] : memref<4x64x128xf32, #tpu.memory_space<vmem>> -> memref<1x64x128xf32, #tpu.memory_space<vmem>>
          %dma_start3A_379 = tpu.memref_squeeze %dma_start3A_378 : memref<1x64x128xf32, #tpu.memory_space<vmem>> -> memref<64x128xf32, #tpu.memory_space<vmem>>
          %dma_start3A_380 = arith.constant 0 : i32
          %dma_start3A_381 = tpu.memref_slice %arg6[%rem3A_188, %dma_start3A_374, %dma_start3A_380] : memref<2x4x64xi32, #tpu.memory_space<vmem>> -> memref<1x1x64xi32, #tpu.memory_space<vmem>>
          %dma_start3A_382 = tpu.memref_squeeze %dma_start3A_381 : memref<1x1x64xi32, #tpu.memory_space<vmem>> -> memref<64xi32, #tpu.memory_space<vmem>>
          %dma_start3A_383 = arith.constant 0 : i32
          %dma_start3A_384 = arith.constant 0 : i32
          %dma_start3A_385 = tpu.memref_slice %arg2[%dma_start3A_383, %dma_start3A_384] : memref<10000x128xf32, #tpu.memory_space<hbm>> -> memref<10000x128xf32, #tpu.memory_space<hbm>>
          tpu.enqueue_indirect_dma source(%dma_start3A_385 : memref<10000x128xf32, #tpu.memory_space<hbm>>) target(%dma_start3A_379 : memref<64x128xf32, #tpu.memory_space<vmem>>) offsets(%dma_start3A_382 : memref<64xi32, #tpu.memory_space<vmem>>) semaphore(%arg13 : memref<!tpu.dma_semaphore, #tpu.memory_space<semaphore_mem>>)
        } else {
        }
        %dma_wait3A_348 = arith.constant 3 : i32
        %dma_wait3A_349 = arith.constant 3 : i32
        %dma_wait3A_350 = arith.constant 0 : i32
        %dma_wait3A_351 = arith.constant 0 : i32
        %dma_wait3A_352 = tpu.memref_slice %arg8[%dma_wait3A_348, %dma_wait3A_350, %dma_wait3A_351] : memref<4x64x128xf32, #tpu.memory_space<vmem>> -> memref<1x64x128xf32, #tpu.memory_space<vmem>>
        %dma_wait3A_353 = tpu.memref_squeeze %dma_wait3A_352 : memref<1x64x128xf32, #tpu.memory_space<vmem>> -> memref<64x128xf32, #tpu.memory_space<vmem>>
        %dma_wait3A_354 = arith.constant 0 : i32
        %dma_wait3A_355 = tpu.memref_slice %arg7[%rem3A_184, %dma_wait3A_349, %dma_wait3A_354] : memref<2x4x64xi32, #tpu.memory_space<vmem>> -> memref<1x1x64xi32, #tpu.memory_space<vmem>>
        %dma_wait3A_356 = tpu.memref_squeeze %dma_wait3A_355 : memref<1x1x64xi32, #tpu.memory_space<vmem>> -> memref<64xi32, #tpu.memory_space<vmem>>
        %dma_wait3A_357 = arith.constant 0 : i32
        %dma_wait3A_358 = arith.constant 0 : i32
        %dma_wait3A_359 = tpu.memref_slice %arg10[%dma_wait3A_357, %dma_wait3A_358] : memref<10112x128xf32, #tpu.memory_space<vmem_shared>> -> memref<10112x128xf32, #tpu.memory_space<vmem_shared>>
        tpu.wait_indirect_dma semaphore(%arg18 : memref<!tpu.dma_semaphore, #tpu.memory_space<semaphore_mem>>) src(%dma_wait3A_353 : memref<64x128xf32, #tpu.memory_space<vmem>>) dst(%dma_wait3A_359 : memref<10112x128xf32, #tpu.memory_space<vmem_shared>>)
        %add3A_360 = arith.constant 1 : i32
        %add3A_361 = arith.addi %scan3A_183, %add3A_360 : i32
        %lt3A_362 = arith.constant 74 : i32
        %lt3A_363 = arith.cmpi slt, %add3A_361, %lt3A_362 : i32
        %convert_element_type3A_364 = arith.extui %lt3A_363 : i1 to i32
        %cond3A_365 = arith.constant 0 : i32
        %cond3A_366 = arith.cmpi ne, %convert_element_type3A_364, %cond3A_365 : i32
        scf.if %cond3A_366 {
          %dma_start3A_374 = arith.constant 3 : i32
          %dma_start3A_375 = arith.constant 3 : i32
          %dma_start3A_376 = arith.constant 0 : i32
          %dma_start3A_377 = arith.constant 0 : i32
          %dma_start3A_378 = tpu.memref_slice %arg8[%dma_start3A_375, %dma_start3A_376, %dma_start3A_377] : memref<4x64x128xf32, #tpu.memory_space<vmem>> -> memref<1x64x128xf32, #tpu.memory_space<vmem>>
          %dma_start3A_379 = tpu.memref_squeeze %dma_start3A_378 : memref<1x64x128xf32, #tpu.memory_space<vmem>> -> memref<64x128xf32, #tpu.memory_space<vmem>>
          %dma_start3A_380 = arith.constant 0 : i32
          %dma_start3A_381 = tpu.memref_slice %arg6[%rem3A_188, %dma_start3A_374, %dma_start3A_380] : memref<2x4x64xi32, #tpu.memory_space<vmem>> -> memref<1x1x64xi32, #tpu.memory_space<vmem>>
          %dma_start3A_382 = tpu.memref_squeeze %dma_start3A_381 : memref<1x1x64xi32, #tpu.memory_space<vmem>> -> memref<64xi32, #tpu.memory_space<vmem>>
          %dma_start3A_383 = arith.constant 0 : i32
          %dma_start3A_384 = arith.constant 0 : i32
          %dma_start3A_385 = tpu.memref_slice %arg2[%dma_start3A_383, %dma_start3A_384] : memref<10000x128xf32, #tpu.memory_space<hbm>> -> memref<10000x128xf32, #tpu.memory_space<hbm>>
          tpu.enqueue_indirect_dma source(%dma_start3A_385 : memref<10000x128xf32, #tpu.memory_space<hbm>>) target(%dma_start3A_379 : memref<64x128xf32, #tpu.memory_space<vmem>>) offsets(%dma_start3A_382 : memref<64xi32, #tpu.memory_space<vmem>>) semaphore(%arg14 : memref<!tpu.dma_semaphore, #tpu.memory_space<semaphore_mem>>)
        } else {
        }
        %add3A_367 = arith.constant 2 : i32
        %add3A_368 = arith.addi %scan3A_183, %add3A_367 : i32
        %lt3A_369 = arith.constant 74 : i32
        %lt3A_370 = arith.cmpi slt, %add3A_368, %lt3A_369 : i32
        %convert_element_type3A_371 = arith.extui %lt3A_370 : i1 to i32
        %cond3A_372 = arith.constant 0 : i32
        %cond3A_373 = arith.cmpi ne, %convert_element_type3A_371, %cond3A_372 : i32
        scf.if %cond3A_373 {
          %add3A_374 = arith.constant 2 : i32
          %add3A_375 = arith.addi %scan3A_183, %add3A_374 : i32
          %mul3A_376 = arith.constant 4 : i32
          %mul3A_377 = arith.muli %add3A_375, %mul3A_376 : i32
          %add3A_378 = arith.addi %mul3A_47, %mul3A_377 : i32
          %dma_start3A_379 = arith.constant 0 : i32
          %dma_start3A_380 = arith.constant 0 : i32
          %dma_start3A_381 = tpu.memref_slice %arg6[%rem3A_184, %dma_start3A_379, %dma_start3A_380] : memref<2x4x64xi32, #tpu.memory_space<vmem>> -> memref<1x4x64xi32, #tpu.memory_space<vmem>>
          %dma_start3A_382 = tpu.memref_squeeze %dma_start3A_381 : memref<1x4x64xi32, #tpu.memory_space<vmem>> -> memref<4x64xi32, #tpu.memory_space<vmem>>
          %dma_start3A_383 = arith.constant 0 : i32
          %dma_start3A_384 = tpu.memref_slice %arg3[%add3A_378, %dma_start3A_383] : memref<5120x64xi32, #tpu.memory_space<hbm>> -> memref<4x64xi32, #tpu.memory_space<hbm>>
          %dma_start3A_385 = arith.constant 0 : i32
          %dma_start3A_386 = arith.constant 0 : i32
          %dma_start3A_387 = tpu.memref_slice %arg6[%rem3A_184, %dma_start3A_385, %dma_start3A_386] : memref<2x4x64xi32, #tpu.memory_space<vmem>> -> memref<1x4x64xi32, #tpu.memory_space<vmem>>
          %dma_start3A_388 = tpu.memref_squeeze %dma_start3A_387 : memref<1x4x64xi32, #tpu.memory_space<vmem>> -> memref<4x64xi32, #tpu.memory_space<vmem>>
          %dma_start3A_389 = arith.constant 0 : i32
          %dma_start3A_390 = tpu.memref_slice %arg3[%add3A_378, %dma_start3A_389] : memref<5120x64xi32, #tpu.memory_space<hbm>> -> memref<4x64xi32, #tpu.memory_space<hbm>>
          tpu.enqueue_dma source(%dma_start3A_390 : memref<4x64xi32, #tpu.memory_space<hbm>>) target(%dma_start3A_388 : memref<4x64xi32, #tpu.memory_space<vmem>>) target_semaphore(%arg19 : memref<!tpu.dma_semaphore, #tpu.memory_space<semaphore_mem>>)
          %dma_start3A_391 = arith.constant 0 : i32
          %dma_start3A_392 = arith.constant 0 : i32
          %dma_start3A_393 = tpu.memref_slice %arg7[%rem3A_184, %dma_start3A_391, %dma_start3A_392] : memref<2x4x64xi32, #tpu.memory_space<vmem>> -> memref<1x4x64xi32, #tpu.memory_space<vmem>>
          %dma_start3A_394 = tpu.memref_squeeze %dma_start3A_393 : memref<1x4x64xi32, #tpu.memory_space<vmem>> -> memref<4x64xi32, #tpu.memory_space<vmem>>
          %dma_start3A_395 = arith.constant 0 : i32
          %dma_start3A_396 = tpu.memref_slice %arg4[%add3A_378, %dma_start3A_395] : memref<5120x64xi32, #tpu.memory_space<hbm>> -> memref<4x64xi32, #tpu.memory_space<hbm>>
          %dma_start3A_397 = arith.constant 0 : i32
          %dma_start3A_398 = arith.constant 0 : i32
          %dma_start3A_399 = tpu.memref_slice %arg7[%rem3A_184, %dma_start3A_397, %dma_start3A_398] : memref<2x4x64xi32, #tpu.memory_space<vmem>> -> memref<1x4x64xi32, #tpu.memory_space<vmem>>
          %dma_start3A_400 = tpu.memref_squeeze %dma_start3A_399 : memref<1x4x64xi32, #tpu.memory_space<vmem>> -> memref<4x64xi32, #tpu.memory_space<vmem>>
          %dma_start3A_401 = arith.constant 0 : i32
          %dma_start3A_402 = tpu.memref_slice %arg4[%add3A_378, %dma_start3A_401] : memref<5120x64xi32, #tpu.memory_space<hbm>> -> memref<4x64xi32, #tpu.memory_space<hbm>>
          tpu.enqueue_dma source(%dma_start3A_402 : memref<4x64xi32, #tpu.memory_space<hbm>>) target(%dma_start3A_400 : memref<4x64xi32, #tpu.memory_space<vmem>>) target_semaphore(%arg19 : memref<!tpu.dma_semaphore, #tpu.memory_space<semaphore_mem>>)
        } else {
        }
      }
      %scan3A_182 = arith.constant 74 : i32
    } else {
    }
    %eq3A_36 = arith.constant 1 : i32
    %eq3A_37 = arith.cmpi eq, %arg0, %eq3A_36 : i32
    %convert_element_type3A_38 = arith.extui %eq3A_37 : i1 to i32
    %cond3A_39 = arith.constant 0 : i32
    %cond3A_40 = arith.cmpi ne, %convert_element_type3A_38, %cond3A_39 : i32
    scf.if %cond3A_40 {
      %mul3A_46 = arith.constant 24 : i32
      %mul3A_47 = arith.muli %arg1, %mul3A_46 : i32
      %add3A_48 = arith.constant 4736 : i32
      %add3A_49 = arith.addi %add3A_48, %mul3A_47 : i32
      %dma_start3A = arith.constant 0 : i32
      %dma_start3A_50 = arith.constant 0 : i32
      %dma_start3A_51 = arith.constant 0 : i32
      %dma_start3A_52 = tpu.memref_slice %arg6[%dma_start3A, %dma_start3A_50, %dma_start3A_51] : memref<2x4x64xi32, #tpu.memory_space<vmem>> -> memref<1x4x64xi32, #tpu.memory_space<vmem>>
      %dma_start3A_53 = tpu.memref_squeeze %dma_start3A_52 : memref<1x4x64xi32, #tpu.memory_space<vmem>> -> memref<4x64xi32, #tpu.memory_space<vmem>>
      %dma_start3A_54 = arith.constant 0 : i32
      %dma_start3A_55 = tpu.memref_slice %arg3[%add3A_49, %dma_start3A_54] : memref<5120x64xi32, #tpu.memory_space<hbm>> -> memref<4x64xi32, #tpu.memory_space<hbm>>
      %dma_start3A_56 = arith.constant 0 : i32
      %dma_start3A_57 = arith.constant 0 : i32
      %dma_start3A_58 = tpu.memref_slice %arg6[%dma_start3A, %dma_start3A_56, %dma_start3A_57] : memref<2x4x64xi32, #tpu.memory_space<vmem>> -> memref<1x4x64xi32, #tpu.memory_space<vmem>>
      %dma_start3A_59 = tpu.memref_squeeze %dma_start3A_58 : memref<1x4x64xi32, #tpu.memory_space<vmem>> -> memref<4x64xi32, #tpu.memory_space<vmem>>
      %dma_start3A_60 = arith.constant 0 : i32
      %dma_start3A_61 = tpu.memref_slice %arg3[%add3A_49, %dma_start3A_60] : memref<5120x64xi32, #tpu.memory_space<hbm>> -> memref<4x64xi32, #tpu.memory_space<hbm>>
      tpu.enqueue_dma source(%dma_start3A_61 : memref<4x64xi32, #tpu.memory_space<hbm>>) target(%dma_start3A_59 : memref<4x64xi32, #tpu.memory_space<vmem>>) target_semaphore(%arg19 : memref<!tpu.dma_semaphore, #tpu.memory_space<semaphore_mem>>)
      %dma_start3A_62 = arith.constant 0 : i32
      %dma_start3A_63 = arith.constant 0 : i32
      %dma_start3A_64 = arith.constant 0 : i32
      %dma_start3A_65 = tpu.memref_slice %arg7[%dma_start3A_62, %dma_start3A_63, %dma_start3A_64] : memref<2x4x64xi32, #tpu.memory_space<vmem>> -> memref<1x4x64xi32, #tpu.memory_space<vmem>>
      %dma_start3A_66 = tpu.memref_squeeze %dma_start3A_65 : memref<1x4x64xi32, #tpu.memory_space<vmem>> -> memref<4x64xi32, #tpu.memory_space<vmem>>
      %dma_start3A_67 = arith.constant 0 : i32
      %dma_start3A_68 = tpu.memref_slice %arg4[%add3A_49, %dma_start3A_67] : memref<5120x64xi32, #tpu.memory_space<hbm>> -> memref<4x64xi32, #tpu.memory_space<hbm>>
      %dma_start3A_69 = arith.constant 0 : i32
      %dma_start3A_70 = arith.constant 0 : i32
      %dma_start3A_71 = tpu.memref_slice %arg7[%dma_start3A_62, %dma_start3A_69, %dma_start3A_70] : memref<2x4x64xi32, #tpu.memory_space<vmem>> -> memref<1x4x64xi32, #tpu.memory_space<vmem>>
      %dma_start3A_72 = tpu.memref_squeeze %dma_start3A_71 : memref<1x4x64xi32, #tpu.memory_space<vmem>> -> memref<4x64xi32, #tpu.memory_space<vmem>>
      %dma_start3A_73 = arith.constant 0 : i32
      %dma_start3A_74 = tpu.memref_slice %arg4[%add3A_49, %dma_start3A_73] : memref<5120x64xi32, #tpu.memory_space<hbm>> -> memref<4x64xi32, #tpu.memory_space<hbm>>
      tpu.enqueue_dma source(%dma_start3A_74 : memref<4x64xi32, #tpu.memory_space<hbm>>) target(%dma_start3A_72 : memref<4x64xi32, #tpu.memory_space<vmem>>) target_semaphore(%arg19 : memref<!tpu.dma_semaphore, #tpu.memory_space<semaphore_mem>>)
      %dma_wait3A = arith.constant 0 : i32
      %dma_wait3A_75 = arith.constant 0 : i32
      %dma_wait3A_76 = arith.constant 0 : i32
      %dma_wait3A_77 = tpu.memref_slice %arg6[%dma_wait3A, %dma_wait3A_75, %dma_wait3A_76] : memref<2x4x64xi32, #tpu.memory_space<vmem>> -> memref<1x4x64xi32, #tpu.memory_space<vmem>>
      %dma_wait3A_78 = tpu.memref_squeeze %dma_wait3A_77 : memref<1x4x64xi32, #tpu.memory_space<vmem>> -> memref<4x64xi32, #tpu.memory_space<vmem>>
      %dma_wait3A_79 = arith.constant 0 : i32
      %dma_wait3A_80 = tpu.memref_slice %arg3[%add3A_49, %dma_wait3A_79] : memref<5120x64xi32, #tpu.memory_space<hbm>> -> memref<4x64xi32, #tpu.memory_space<hbm>>
      %dma_wait3A_81 = arith.constant 0 : i32
      %dma_wait3A_82 = arith.constant 0 : i32
      %dma_wait3A_83 = tpu.memref_slice %arg6[%dma_wait3A, %dma_wait3A_81, %dma_wait3A_82] : memref<2x4x64xi32, #tpu.memory_space<vmem>> -> memref<1x4x64xi32, #tpu.memory_space<vmem>>
      %dma_wait3A_84 = tpu.memref_squeeze %dma_wait3A_83 : memref<1x4x64xi32, #tpu.memory_space<vmem>> -> memref<4x64xi32, #tpu.memory_space<vmem>>
      %dma_wait3A_85 = arith.constant 0 : i32
      %dma_wait3A_86 = tpu.memref_slice %arg3[%add3A_49, %dma_wait3A_85] : memref<5120x64xi32, #tpu.memory_space<hbm>> -> memref<4x64xi32, #tpu.memory_space<hbm>>
      tpu.wait_dma2 semaphore(%arg19 : memref<!tpu.dma_semaphore, #tpu.memory_space<semaphore_mem>>) src(%dma_wait3A_86 : memref<4x64xi32, #tpu.memory_space<hbm>>) dst(%dma_wait3A_84 : memref<4x64xi32, #tpu.memory_space<vmem>>)
      %dma_wait3A_87 = arith.constant 0 : i32
      %dma_wait3A_88 = arith.constant 0 : i32
      %dma_wait3A_89 = arith.constant 0 : i32
      %dma_wait3A_90 = tpu.memref_slice %arg7[%dma_wait3A_87, %dma_wait3A_88, %dma_wait3A_89] : memref<2x4x64xi32, #tpu.memory_space<vmem>> -> memref<1x4x64xi32, #tpu.memory_space<vmem>>
      %dma_wait3A_91 = tpu.memref_squeeze %dma_wait3A_90 : memref<1x4x64xi32, #tpu.memory_space<vmem>> -> memref<4x64xi32, #tpu.memory_space<vmem>>
      %dma_wait3A_92 = arith.constant 0 : i32
      %dma_wait3A_93 = tpu.memref_slice %arg4[%add3A_49, %dma_wait3A_92] : memref<5120x64xi32, #tpu.memory_space<hbm>> -> memref<4x64xi32, #tpu.memory_space<hbm>>
      %dma_wait3A_94 = arith.constant 0 : i32
      %dma_wait3A_95 = arith.constant 0 : i32
      %dma_wait3A_96 = tpu.memref_slice %arg7[%dma_wait3A_87, %dma_wait3A_94, %dma_wait3A_95] : memref<2x4x64xi32, #tpu.memory_space<vmem>> -> memref<1x4x64xi32, #tpu.memory_space<vmem>>
      %dma_wait3A_97 = tpu.memref_squeeze %dma_wait3A_96 : memref<1x4x64xi32, #tpu.memory_space<vmem>> -> memref<4x64xi32, #tpu.memory_space<vmem>>
      %dma_wait3A_98 = arith.constant 0 : i32
      %dma_wait3A_99 = tpu.memref_slice %arg4[%add3A_49, %dma_wait3A_98] : memref<5120x64xi32, #tpu.memory_space<hbm>> -> memref<4x64xi32, #tpu.memory_space<hbm>>
      tpu.wait_dma2 semaphore(%arg19 : memref<!tpu.dma_semaphore, #tpu.memory_space<semaphore_mem>>) src(%dma_wait3A_99 : memref<4x64xi32, #tpu.memory_space<hbm>>) dst(%dma_wait3A_97 : memref<4x64xi32, #tpu.memory_space<vmem>>)
      %dma_start3A_100 = arith.constant 0 : i32
      %dma_start3A_101 = arith.constant 0 : i32
      %dma_start3A_102 = arith.constant 0 : i32
      %dma_start3A_103 = arith.constant 0 : i32
      %dma_start3A_104 = arith.constant 0 : i32
      %dma_start3A_105 = tpu.memref_slice %arg8[%dma_start3A_102, %dma_start3A_103, %dma_start3A_104] : memref<4x64x128xf32, #tpu.memory_space<vmem>> -> memref<1x64x128xf32, #tpu.memory_space<vmem>>
      %dma_start3A_106 = tpu.memref_squeeze %dma_start3A_105 : memref<1x64x128xf32, #tpu.memory_space<vmem>> -> memref<64x128xf32, #tpu.memory_space<vmem>>
      %dma_start3A_107 = arith.constant 0 : i32
      %dma_start3A_108 = tpu.memref_slice %arg6[%dma_start3A_100, %dma_start3A_101, %dma_start3A_107] : memref<2x4x64xi32, #tpu.memory_space<vmem>> -> memref<1x1x64xi32, #tpu.memory_space<vmem>>
      %dma_start3A_109 = tpu.memref_squeeze %dma_start3A_108 : memref<1x1x64xi32, #tpu.memory_space<vmem>> -> memref<64xi32, #tpu.memory_space<vmem>>
      %dma_start3A_110 = arith.constant 0 : i32
      %dma_start3A_111 = arith.constant 0 : i32
      %dma_start3A_112 = tpu.memref_slice %arg2[%dma_start3A_110, %dma_start3A_111] : memref<10000x128xf32, #tpu.memory_space<hbm>> -> memref<10000x128xf32, #tpu.memory_space<hbm>>
      tpu.enqueue_indirect_dma source(%dma_start3A_112 : memref<10000x128xf32, #tpu.memory_space<hbm>>) target(%dma_start3A_106 : memref<64x128xf32, #tpu.memory_space<vmem>>) offsets(%dma_start3A_109 : memref<64xi32, #tpu.memory_space<vmem>>) semaphore(%arg11 : memref<!tpu.dma_semaphore, #tpu.memory_space<semaphore_mem>>)
      %dma_start3A_113 = arith.constant 0 : i32
      %dma_start3A_114 = arith.constant 1 : i32
      %dma_start3A_115 = arith.constant 1 : i32
      %dma_start3A_116 = arith.constant 0 : i32
      %dma_start3A_117 = arith.constant 0 : i32
      %dma_start3A_118 = tpu.memref_slice %arg8[%dma_start3A_115, %dma_start3A_116, %dma_start3A_117] : memref<4x64x128xf32, #tpu.memory_space<vmem>> -> memref<1x64x128xf32, #tpu.memory_space<vmem>>
      %dma_start3A_119 = tpu.memref_squeeze %dma_start3A_118 : memref<1x64x128xf32, #tpu.memory_space<vmem>> -> memref<64x128xf32, #tpu.memory_space<vmem>>
      %dma_start3A_120 = arith.constant 0 : i32
      %dma_start3A_121 = tpu.memref_slice %arg6[%dma_start3A_113, %dma_start3A_114, %dma_start3A_120] : memref<2x4x64xi32, #tpu.memory_space<vmem>> -> memref<1x1x64xi32, #tpu.memory_space<vmem>>
      %dma_start3A_122 = tpu.memref_squeeze %dma_start3A_121 : memref<1x1x64xi32, #tpu.memory_space<vmem>> -> memref<64xi32, #tpu.memory_space<vmem>>
      %dma_start3A_123 = arith.constant 0 : i32
      %dma_start3A_124 = arith.constant 0 : i32
      %dma_start3A_125 = tpu.memref_slice %arg2[%dma_start3A_123, %dma_start3A_124] : memref<10000x128xf32, #tpu.memory_space<hbm>> -> memref<10000x128xf32, #tpu.memory_space<hbm>>
      tpu.enqueue_indirect_dma source(%dma_start3A_125 : memref<10000x128xf32, #tpu.memory_space<hbm>>) target(%dma_start3A_119 : memref<64x128xf32, #tpu.memory_space<vmem>>) offsets(%dma_start3A_122 : memref<64xi32, #tpu.memory_space<vmem>>) semaphore(%arg12 : memref<!tpu.dma_semaphore, #tpu.memory_space<semaphore_mem>>)
      %dma_start3A_126 = arith.constant 0 : i32
      %dma_start3A_127 = arith.constant 2 : i32
      %dma_start3A_128 = arith.constant 2 : i32
      %dma_start3A_129 = arith.constant 0 : i32
      %dma_start3A_130 = arith.constant 0 : i32
      %dma_start3A_131 = tpu.memref_slice %arg8[%dma_start3A_128, %dma_start3A_129, %dma_start3A_130] : memref<4x64x128xf32, #tpu.memory_space<vmem>> -> memref<1x64x128xf32, #tpu.memory_space<vmem>>
      %dma_start3A_132 = tpu.memref_squeeze %dma_start3A_131 : memref<1x64x128xf32, #tpu.memory_space<vmem>> -> memref<64x128xf32, #tpu.memory_space<vmem>>
      %dma_start3A_133 = arith.constant 0 : i32
      %dma_start3A_134 = tpu.memref_slice %arg6[%dma_start3A_126, %dma_start3A_127, %dma_start3A_133] : memref<2x4x64xi32, #tpu.memory_space<vmem>> -> memref<1x1x64xi32, #tpu.memory_space<vmem>>
      %dma_start3A_135 = tpu.memref_squeeze %dma_start3A_134 : memref<1x1x64xi32, #tpu.memory_space<vmem>> -> memref<64xi32, #tpu.memory_space<vmem>>
      %dma_start3A_136 = arith.constant 0 : i32
      %dma_start3A_137 = arith.constant 0 : i32
      %dma_start3A_138 = tpu.memref_slice %arg2[%dma_start3A_136, %dma_start3A_137] : memref<10000x128xf32, #tpu.memory_space<hbm>> -> memref<10000x128xf32, #tpu.memory_space<hbm>>
      tpu.enqueue_indirect_dma source(%dma_start3A_138 : memref<10000x128xf32, #tpu.memory_space<hbm>>) target(%dma_start3A_132 : memref<64x128xf32, #tpu.memory_space<vmem>>) offsets(%dma_start3A_135 : memref<64xi32, #tpu.memory_space<vmem>>) semaphore(%arg13 : memref<!tpu.dma_semaphore, #tpu.memory_space<semaphore_mem>>)
      %dma_start3A_139 = arith.constant 0 : i32
      %dma_start3A_140 = arith.constant 3 : i32
      %dma_start3A_141 = arith.constant 3 : i32
      %dma_start3A_142 = arith.constant 0 : i32
      %dma_start3A_143 = arith.constant 0 : i32
      %dma_start3A_144 = tpu.memref_slice %arg8[%dma_start3A_141, %dma_start3A_142, %dma_start3A_143] : memref<4x64x128xf32, #tpu.memory_space<vmem>> -> memref<1x64x128xf32, #tpu.memory_space<vmem>>
      %dma_start3A_145 = tpu.memref_squeeze %dma_start3A_144 : memref<1x64x128xf32, #tpu.memory_space<vmem>> -> memref<64x128xf32, #tpu.memory_space<vmem>>
      %dma_start3A_146 = arith.constant 0 : i32
      %dma_start3A_147 = tpu.memref_slice %arg6[%dma_start3A_139, %dma_start3A_140, %dma_start3A_146] : memref<2x4x64xi32, #tpu.memory_space<vmem>> -> memref<1x1x64xi32, #tpu.memory_space<vmem>>
      %dma_start3A_148 = tpu.memref_squeeze %dma_start3A_147 : memref<1x1x64xi32, #tpu.memory_space<vmem>> -> memref<64xi32, #tpu.memory_space<vmem>>
      %dma_start3A_149 = arith.constant 0 : i32
      %dma_start3A_150 = arith.constant 0 : i32
      %dma_start3A_151 = tpu.memref_slice %arg2[%dma_start3A_149, %dma_start3A_150] : memref<10000x128xf32, #tpu.memory_space<hbm>> -> memref<10000x128xf32, #tpu.memory_space<hbm>>
      tpu.enqueue_indirect_dma source(%dma_start3A_151 : memref<10000x128xf32, #tpu.memory_space<hbm>>) target(%dma_start3A_145 : memref<64x128xf32, #tpu.memory_space<vmem>>) offsets(%dma_start3A_148 : memref<64xi32, #tpu.memory_space<vmem>>) semaphore(%arg14 : memref<!tpu.dma_semaphore, #tpu.memory_space<semaphore_mem>>)
      %add3A_152 = arith.constant 4 : i32
      %add3A_153 = arith.addi %add3A_49, %add3A_152 : i32
      %dma_start3A_154 = arith.constant 1 : i32
      %dma_start3A_155 = arith.constant 0 : i32
      %dma_start3A_156 = arith.constant 0 : i32
      %dma_start3A_157 = tpu.memref_slice %arg6[%dma_start3A_154, %dma_start3A_155, %dma_start3A_156] : memref<2x4x64xi32, #tpu.memory_space<vmem>> -> memref<1x4x64xi32, #tpu.memory_space<vmem>>
      %dma_start3A_158 = tpu.memref_squeeze %dma_start3A_157 : memref<1x4x64xi32, #tpu.memory_space<vmem>> -> memref<4x64xi32, #tpu.memory_space<vmem>>
      %dma_start3A_159 = arith.constant 0 : i32
      %dma_start3A_160 = tpu.memref_slice %arg3[%add3A_153, %dma_start3A_159] : memref<5120x64xi32, #tpu.memory_space<hbm>> -> memref<4x64xi32, #tpu.memory_space<hbm>>
      %dma_start3A_161 = arith.constant 0 : i32
      %dma_start3A_162 = arith.constant 0 : i32
      %dma_start3A_163 = tpu.memref_slice %arg6[%dma_start3A_154, %dma_start3A_161, %dma_start3A_162] : memref<2x4x64xi32, #tpu.memory_space<vmem>> -> memref<1x4x64xi32, #tpu.memory_space<vmem>>
      %dma_start3A_164 = tpu.memref_squeeze %dma_start3A_163 : memref<1x4x64xi32, #tpu.memory_space<vmem>> -> memref<4x64xi32, #tpu.memory_space<vmem>>
      %dma_start3A_165 = arith.constant 0 : i32
      %dma_start3A_166 = tpu.memref_slice %arg3[%add3A_153, %dma_start3A_165] : memref<5120x64xi32, #tpu.memory_space<hbm>> -> memref<4x64xi32, #tpu.memory_space<hbm>>
      tpu.enqueue_dma source(%dma_start3A_166 : memref<4x64xi32, #tpu.memory_space<hbm>>) target(%dma_start3A_164 : memref<4x64xi32, #tpu.memory_space<vmem>>) target_semaphore(%arg19 : memref<!tpu.dma_semaphore, #tpu.memory_space<semaphore_mem>>)
      %dma_start3A_167 = arith.constant 1 : i32
      %dma_start3A_168 = arith.constant 0 : i32
      %dma_start3A_169 = arith.constant 0 : i32
      %dma_start3A_170 = tpu.memref_slice %arg7[%dma_start3A_167, %dma_start3A_168, %dma_start3A_169] : memref<2x4x64xi32, #tpu.memory_space<vmem>> -> memref<1x4x64xi32, #tpu.memory_space<vmem>>
      %dma_start3A_171 = tpu.memref_squeeze %dma_start3A_170 : memref<1x4x64xi32, #tpu.memory_space<vmem>> -> memref<4x64xi32, #tpu.memory_space<vmem>>
      %dma_start3A_172 = arith.constant 0 : i32
      %dma_start3A_173 = tpu.memref_slice %arg4[%add3A_153, %dma_start3A_172] : memref<5120x64xi32, #tpu.memory_space<hbm>> -> memref<4x64xi32, #tpu.memory_space<hbm>>
      %dma_start3A_174 = arith.constant 0 : i32
      %dma_start3A_175 = arith.constant 0 : i32
      %dma_start3A_176 = tpu.memref_slice %arg7[%dma_start3A_167, %dma_start3A_174, %dma_start3A_175] : memref<2x4x64xi32, #tpu.memory_space<vmem>> -> memref<1x4x64xi32, #tpu.memory_space<vmem>>
      %dma_start3A_177 = tpu.memref_squeeze %dma_start3A_176 : memref<1x4x64xi32, #tpu.memory_space<vmem>> -> memref<4x64xi32, #tpu.memory_space<vmem>>
      %dma_start3A_178 = arith.constant 0 : i32
      %dma_start3A_179 = tpu.memref_slice %arg4[%add3A_153, %dma_start3A_178] : memref<5120x64xi32, #tpu.memory_space<hbm>> -> memref<4x64xi32, #tpu.memory_space<hbm>>
      tpu.enqueue_dma source(%dma_start3A_179 : memref<4x64xi32, #tpu.memory_space<hbm>>) target(%dma_start3A_177 : memref<4x64xi32, #tpu.memory_space<vmem>>) target_semaphore(%arg19 : memref<!tpu.dma_semaphore, #tpu.memory_space<semaphore_mem>>)
      %scan3A_180 = arith.constant 0 : i32
      %scan3A_181 = arith.constant 6 : i32
      %scan3A_182 = arith.addi %scan3A_180, %scan3A_181 : i32
      %scan3A_183 = arith.constant 1 : i32
      scf.for %scan3A_185 = %scan3A_180 to %scan3A_182 step %scan3A_183  : i32 {
        %rem3A = arith.constant 2 : i32
        %rem3A_186 = arith.remsi %scan3A_185, %rem3A : i32
        %add3A_187 = arith.constant 1 : i32
        %add3A_188 = arith.addi %scan3A_185, %add3A_187 : i32
        %rem3A_189 = arith.constant 2 : i32
        %rem3A_190 = arith.remsi %add3A_188, %rem3A_189 : i32
        %dma_wait3A_191 = arith.constant 0 : i32
        %dma_wait3A_192 = arith.constant 0 : i32
        %dma_wait3A_193 = arith.constant 0 : i32
        %dma_wait3A_194 = arith.constant 0 : i32
        %dma_wait3A_195 = tpu.memref_slice %arg8[%dma_wait3A_192, %dma_wait3A_193, %dma_wait3A_194] : memref<4x64x128xf32, #tpu.memory_space<vmem>> -> memref<1x64x128xf32, #tpu.memory_space<vmem>>
        %dma_wait3A_196 = tpu.memref_squeeze %dma_wait3A_195 : memref<1x64x128xf32, #tpu.memory_space<vmem>> -> memref<64x128xf32, #tpu.memory_space<vmem>>
        %dma_wait3A_197 = arith.constant 0 : i32
        %dma_wait3A_198 = tpu.memref_slice %arg6[%rem3A_186, %dma_wait3A_191, %dma_wait3A_197] : memref<2x4x64xi32, #tpu.memory_space<vmem>> -> memref<1x1x64xi32, #tpu.memory_space<vmem>>
        %dma_wait3A_199 = tpu.memref_squeeze %dma_wait3A_198 : memref<1x1x64xi32, #tpu.memory_space<vmem>> -> memref<64xi32, #tpu.memory_space<vmem>>
        %dma_wait3A_200 = arith.constant 0 : i32
        %dma_wait3A_201 = arith.constant 0 : i32
        %dma_wait3A_202 = tpu.memref_slice %arg2[%dma_wait3A_200, %dma_wait3A_201] : memref<10000x128xf32, #tpu.memory_space<hbm>> -> memref<10000x128xf32, #tpu.memory_space<hbm>>
        tpu.wait_indirect_dma semaphore(%arg11 : memref<!tpu.dma_semaphore, #tpu.memory_space<semaphore_mem>>) src(%dma_wait3A_202 : memref<10000x128xf32, #tpu.memory_space<hbm>>) dst(%dma_wait3A_196 : memref<64x128xf32, #tpu.memory_space<vmem>>)
        %dma_start3A_203 = arith.constant 0 : i32
        %dma_start3A_204 = arith.constant 0 : i32
        %dma_start3A_205 = arith.constant 0 : i32
        %dma_start3A_206 = arith.constant 0 : i32
        %dma_start3A_207 = tpu.memref_slice %arg8[%dma_start3A_203, %dma_start3A_205, %dma_start3A_206] : memref<4x64x128xf32, #tpu.memory_space<vmem>> -> memref<1x64x128xf32, #tpu.memory_space<vmem>>
        %dma_start3A_208 = tpu.memref_squeeze %dma_start3A_207 : memref<1x64x128xf32, #tpu.memory_space<vmem>> -> memref<64x128xf32, #tpu.memory_space<vmem>>
        %dma_start3A_209 = arith.constant 0 : i32
        %dma_start3A_210 = tpu.memref_slice %arg7[%rem3A_186, %dma_start3A_204, %dma_start3A_209] : memref<2x4x64xi32, #tpu.memory_space<vmem>> -> memref<1x1x64xi32, #tpu.memory_space<vmem>>
        %dma_start3A_211 = tpu.memref_squeeze %dma_start3A_210 : memref<1x1x64xi32, #tpu.memory_space<vmem>> -> memref<64xi32, #tpu.memory_space<vmem>>
        %dma_start3A_212 = arith.constant 0 : i32
        %dma_start3A_213 = arith.constant 0 : i32
        %dma_start3A_214 = tpu.memref_slice %arg10[%dma_start3A_212, %dma_start3A_213] : memref<10112x128xf32, #tpu.memory_space<vmem_shared>> -> memref<10112x128xf32, #tpu.memory_space<vmem_shared>>
        tpu.enqueue_indirect_dma source(%dma_start3A_208 : memref<64x128xf32, #tpu.memory_space<vmem>>) target(%dma_start3A_214 : memref<10112x128xf32, #tpu.memory_space<vmem_shared>>) offsets(%dma_start3A_211 : memref<64xi32, #tpu.memory_space<vmem>>) semaphore(%arg15 : memref<!tpu.dma_semaphore, #tpu.memory_space<semaphore_mem>>) {add = true}
        %dma_wait3A_215 = arith.constant 1 : i32
        %dma_wait3A_216 = arith.constant 1 : i32
        %dma_wait3A_217 = arith.constant 0 : i32
        %dma_wait3A_218 = arith.constant 0 : i32
        %dma_wait3A_219 = tpu.memref_slice %arg8[%dma_wait3A_216, %dma_wait3A_217, %dma_wait3A_218] : memref<4x64x128xf32, #tpu.memory_space<vmem>> -> memref<1x64x128xf32, #tpu.memory_space<vmem>>
        %dma_wait3A_220 = tpu.memref_squeeze %dma_wait3A_219 : memref<1x64x128xf32, #tpu.memory_space<vmem>> -> memref<64x128xf32, #tpu.memory_space<vmem>>
        %dma_wait3A_221 = arith.constant 0 : i32
        %dma_wait3A_222 = tpu.memref_slice %arg6[%rem3A_186, %dma_wait3A_215, %dma_wait3A_221] : memref<2x4x64xi32, #tpu.memory_space<vmem>> -> memref<1x1x64xi32, #tpu.memory_space<vmem>>
        %dma_wait3A_223 = tpu.memref_squeeze %dma_wait3A_222 : memref<1x1x64xi32, #tpu.memory_space<vmem>> -> memref<64xi32, #tpu.memory_space<vmem>>
        %dma_wait3A_224 = arith.constant 0 : i32
        %dma_wait3A_225 = arith.constant 0 : i32
        %dma_wait3A_226 = tpu.memref_slice %arg2[%dma_wait3A_224, %dma_wait3A_225] : memref<10000x128xf32, #tpu.memory_space<hbm>> -> memref<10000x128xf32, #tpu.memory_space<hbm>>
        tpu.wait_indirect_dma semaphore(%arg12 : memref<!tpu.dma_semaphore, #tpu.memory_space<semaphore_mem>>) src(%dma_wait3A_226 : memref<10000x128xf32, #tpu.memory_space<hbm>>) dst(%dma_wait3A_220 : memref<64x128xf32, #tpu.memory_space<vmem>>)
        %dma_start3A_227 = arith.constant 1 : i32
        %dma_start3A_228 = arith.constant 1 : i32
        %dma_start3A_229 = arith.constant 0 : i32
        %dma_start3A_230 = arith.constant 0 : i32
        %dma_start3A_231 = tpu.memref_slice %arg8[%dma_start3A_227, %dma_start3A_229, %dma_start3A_230] : memref<4x64x128xf32, #tpu.memory_space<vmem>> -> memref<1x64x128xf32, #tpu.memory_space<vmem>>
        %dma_start3A_232 = tpu.memref_squeeze %dma_start3A_231 : memref<1x64x128xf32, #tpu.memory_space<vmem>> -> memref<64x128xf32, #tpu.memory_space<vmem>>
        %dma_start3A_233 = arith.constant 0 : i32
        %dma_start3A_234 = tpu.memref_slice %arg7[%rem3A_186, %dma_start3A_228, %dma_start3A_233] : memref<2x4x64xi32, #tpu.memory_space<vmem>> -> memref<1x1x64xi32, #tpu.memory_space<vmem>>
        %dma_start3A_235 = tpu.memref_squeeze %dma_start3A_234 : memref<1x1x64xi32, #tpu.memory_space<vmem>> -> memref<64xi32, #tpu.memory_space<vmem>>
        %dma_start3A_236 = arith.constant 0 : i32
        %dma_start3A_237 = arith.constant 0 : i32
        %dma_start3A_238 = tpu.memref_slice %arg10[%dma_start3A_236, %dma_start3A_237] : memref<10112x128xf32, #tpu.memory_space<vmem_shared>> -> memref<10112x128xf32, #tpu.memory_space<vmem_shared>>
        tpu.enqueue_indirect_dma source(%dma_start3A_232 : memref<64x128xf32, #tpu.memory_space<vmem>>) target(%dma_start3A_238 : memref<10112x128xf32, #tpu.memory_space<vmem_shared>>) offsets(%dma_start3A_235 : memref<64xi32, #tpu.memory_space<vmem>>) semaphore(%arg16 : memref<!tpu.dma_semaphore, #tpu.memory_space<semaphore_mem>>) {add = true}
        %dma_wait3A_239 = arith.constant 2 : i32
        %dma_wait3A_240 = arith.constant 2 : i32
        %dma_wait3A_241 = arith.constant 0 : i32
        %dma_wait3A_242 = arith.constant 0 : i32
        %dma_wait3A_243 = tpu.memref_slice %arg8[%dma_wait3A_240, %dma_wait3A_241, %dma_wait3A_242] : memref<4x64x128xf32, #tpu.memory_space<vmem>> -> memref<1x64x128xf32, #tpu.memory_space<vmem>>
        %dma_wait3A_244 = tpu.memref_squeeze %dma_wait3A_243 : memref<1x64x128xf32, #tpu.memory_space<vmem>> -> memref<64x128xf32, #tpu.memory_space<vmem>>
        %dma_wait3A_245 = arith.constant 0 : i32
        %dma_wait3A_246 = tpu.memref_slice %arg6[%rem3A_186, %dma_wait3A_239, %dma_wait3A_245] : memref<2x4x64xi32, #tpu.memory_space<vmem>> -> memref<1x1x64xi32, #tpu.memory_space<vmem>>
        %dma_wait3A_247 = tpu.memref_squeeze %dma_wait3A_246 : memref<1x1x64xi32, #tpu.memory_space<vmem>> -> memref<64xi32, #tpu.memory_space<vmem>>
        %dma_wait3A_248 = arith.constant 0 : i32
        %dma_wait3A_249 = arith.constant 0 : i32
        %dma_wait3A_250 = tpu.memref_slice %arg2[%dma_wait3A_248, %dma_wait3A_249] : memref<10000x128xf32, #tpu.memory_space<hbm>> -> memref<10000x128xf32, #tpu.memory_space<hbm>>
        tpu.wait_indirect_dma semaphore(%arg13 : memref<!tpu.dma_semaphore, #tpu.memory_space<semaphore_mem>>) src(%dma_wait3A_250 : memref<10000x128xf32, #tpu.memory_space<hbm>>) dst(%dma_wait3A_244 : memref<64x128xf32, #tpu.memory_space<vmem>>)
        %dma_start3A_251 = arith.constant 2 : i32
        %dma_start3A_252 = arith.constant 2 : i32
        %dma_start3A_253 = arith.constant 0 : i32
        %dma_start3A_254 = arith.constant 0 : i32
        %dma_start3A_255 = tpu.memref_slice %arg8[%dma_start3A_251, %dma_start3A_253, %dma_start3A_254] : memref<4x64x128xf32, #tpu.memory_space<vmem>> -> memref<1x64x128xf32, #tpu.memory_space<vmem>>
        %dma_start3A_256 = tpu.memref_squeeze %dma_start3A_255 : memref<1x64x128xf32, #tpu.memory_space<vmem>> -> memref<64x128xf32, #tpu.memory_space<vmem>>
        %dma_start3A_257 = arith.constant 0 : i32
        %dma_start3A_258 = tpu.memref_slice %arg7[%rem3A_186, %dma_start3A_252, %dma_start3A_257] : memref<2x4x64xi32, #tpu.memory_space<vmem>> -> memref<1x1x64xi32, #tpu.memory_space<vmem>>
        %dma_start3A_259 = tpu.memref_squeeze %dma_start3A_258 : memref<1x1x64xi32, #tpu.memory_space<vmem>> -> memref<64xi32, #tpu.memory_space<vmem>>
        %dma_start3A_260 = arith.constant 0 : i32
        %dma_start3A_261 = arith.constant 0 : i32
        %dma_start3A_262 = tpu.memref_slice %arg10[%dma_start3A_260, %dma_start3A_261] : memref<10112x128xf32, #tpu.memory_space<vmem_shared>> -> memref<10112x128xf32, #tpu.memory_space<vmem_shared>>
        tpu.enqueue_indirect_dma source(%dma_start3A_256 : memref<64x128xf32, #tpu.memory_space<vmem>>) target(%dma_start3A_262 : memref<10112x128xf32, #tpu.memory_space<vmem_shared>>) offsets(%dma_start3A_259 : memref<64xi32, #tpu.memory_space<vmem>>) semaphore(%arg17 : memref<!tpu.dma_semaphore, #tpu.memory_space<semaphore_mem>>) {add = true}
        %dma_wait3A_263 = arith.constant 3 : i32
        %dma_wait3A_264 = arith.constant 3 : i32
        %dma_wait3A_265 = arith.constant 0 : i32
        %dma_wait3A_266 = arith.constant 0 : i32
        %dma_wait3A_267 = tpu.memref_slice %arg8[%dma_wait3A_264, %dma_wait3A_265, %dma_wait3A_266] : memref<4x64x128xf32, #tpu.memory_space<vmem>> -> memref<1x64x128xf32, #tpu.memory_space<vmem>>
        %dma_wait3A_268 = tpu.memref_squeeze %dma_wait3A_267 : memref<1x64x128xf32, #tpu.memory_space<vmem>> -> memref<64x128xf32, #tpu.memory_space<vmem>>
        %dma_wait3A_269 = arith.constant 0 : i32
        %dma_wait3A_270 = tpu.memref_slice %arg6[%rem3A_186, %dma_wait3A_263, %dma_wait3A_269] : memref<2x4x64xi32, #tpu.memory_space<vmem>> -> memref<1x1x64xi32, #tpu.memory_space<vmem>>
        %dma_wait3A_271 = tpu.memref_squeeze %dma_wait3A_270 : memref<1x1x64xi32, #tpu.memory_space<vmem>> -> memref<64xi32, #tpu.memory_space<vmem>>
        %dma_wait3A_272 = arith.constant 0 : i32
        %dma_wait3A_273 = arith.constant 0 : i32
        %dma_wait3A_274 = tpu.memref_slice %arg2[%dma_wait3A_272, %dma_wait3A_273] : memref<10000x128xf32, #tpu.memory_space<hbm>> -> memref<10000x128xf32, #tpu.memory_space<hbm>>
        tpu.wait_indirect_dma semaphore(%arg14 : memref<!tpu.dma_semaphore, #tpu.memory_space<semaphore_mem>>) src(%dma_wait3A_274 : memref<10000x128xf32, #tpu.memory_space<hbm>>) dst(%dma_wait3A_268 : memref<64x128xf32, #tpu.memory_space<vmem>>)
        %dma_start3A_275 = arith.constant 3 : i32
        %dma_start3A_276 = arith.constant 3 : i32
        %dma_start3A_277 = arith.constant 0 : i32
        %dma_start3A_278 = arith.constant 0 : i32
        %dma_start3A_279 = tpu.memref_slice %arg8[%dma_start3A_275, %dma_start3A_277, %dma_start3A_278] : memref<4x64x128xf32, #tpu.memory_space<vmem>> -> memref<1x64x128xf32, #tpu.memory_space<vmem>>
        %dma_start3A_280 = tpu.memref_squeeze %dma_start3A_279 : memref<1x64x128xf32, #tpu.memory_space<vmem>> -> memref<64x128xf32, #tpu.memory_space<vmem>>
        %dma_start3A_281 = arith.constant 0 : i32
        %dma_start3A_282 = tpu.memref_slice %arg7[%rem3A_186, %dma_start3A_276, %dma_start3A_281] : memref<2x4x64xi32, #tpu.memory_space<vmem>> -> memref<1x1x64xi32, #tpu.memory_space<vmem>>
        %dma_start3A_283 = tpu.memref_squeeze %dma_start3A_282 : memref<1x1x64xi32, #tpu.memory_space<vmem>> -> memref<64xi32, #tpu.memory_space<vmem>>
        %dma_start3A_284 = arith.constant 0 : i32
        %dma_start3A_285 = arith.constant 0 : i32
        %dma_start3A_286 = tpu.memref_slice %arg10[%dma_start3A_284, %dma_start3A_285] : memref<10112x128xf32, #tpu.memory_space<vmem_shared>> -> memref<10112x128xf32, #tpu.memory_space<vmem_shared>>
        tpu.enqueue_indirect_dma source(%dma_start3A_280 : memref<64x128xf32, #tpu.memory_space<vmem>>) target(%dma_start3A_286 : memref<10112x128xf32, #tpu.memory_space<vmem_shared>>) offsets(%dma_start3A_283 : memref<64xi32, #tpu.memory_space<vmem>>) semaphore(%arg18 : memref<!tpu.dma_semaphore, #tpu.memory_space<semaphore_mem>>) {add = true}
        %add3A_287 = arith.constant 1 : i32
        %add3A_288 = arith.addi %scan3A_185, %add3A_287 : i32
        %lt3A = arith.constant 6 : i32
        %lt3A_289 = arith.cmpi slt, %add3A_288, %lt3A : i32
        %convert_element_type3A_290 = arith.extui %lt3A_289 : i1 to i32
        %cond3A_291 = arith.constant 0 : i32
        %cond3A_292 = arith.cmpi ne, %convert_element_type3A_290, %cond3A_291 : i32
        scf.if %cond3A_292 {
          %add3A_376 = arith.constant 1 : i32
          %add3A_377 = arith.addi %scan3A_185, %add3A_376 : i32
          %mul3A_378 = arith.constant 4 : i32
          %mul3A_379 = arith.muli %add3A_377, %mul3A_378 : i32
          %add3A_380 = arith.addi %add3A_49, %mul3A_379 : i32
          %dma_wait3A_381 = arith.constant 0 : i32
          %dma_wait3A_382 = arith.constant 0 : i32
          %dma_wait3A_383 = tpu.memref_slice %arg6[%rem3A_190, %dma_wait3A_381, %dma_wait3A_382] : memref<2x4x64xi32, #tpu.memory_space<vmem>> -> memref<1x4x64xi32, #tpu.memory_space<vmem>>
          %dma_wait3A_384 = tpu.memref_squeeze %dma_wait3A_383 : memref<1x4x64xi32, #tpu.memory_space<vmem>> -> memref<4x64xi32, #tpu.memory_space<vmem>>
          %dma_wait3A_385 = arith.constant 0 : i32
          %dma_wait3A_386 = tpu.memref_slice %arg3[%add3A_380, %dma_wait3A_385] : memref<5120x64xi32, #tpu.memory_space<hbm>> -> memref<4x64xi32, #tpu.memory_space<hbm>>
          %dma_wait3A_387 = arith.constant 0 : i32
          %dma_wait3A_388 = arith.constant 0 : i32
          %dma_wait3A_389 = tpu.memref_slice %arg6[%rem3A_190, %dma_wait3A_387, %dma_wait3A_388] : memref<2x4x64xi32, #tpu.memory_space<vmem>> -> memref<1x4x64xi32, #tpu.memory_space<vmem>>
          %dma_wait3A_390 = tpu.memref_squeeze %dma_wait3A_389 : memref<1x4x64xi32, #tpu.memory_space<vmem>> -> memref<4x64xi32, #tpu.memory_space<vmem>>
          %dma_wait3A_391 = arith.constant 0 : i32
          %dma_wait3A_392 = tpu.memref_slice %arg3[%add3A_380, %dma_wait3A_391] : memref<5120x64xi32, #tpu.memory_space<hbm>> -> memref<4x64xi32, #tpu.memory_space<hbm>>
          tpu.wait_dma2 semaphore(%arg19 : memref<!tpu.dma_semaphore, #tpu.memory_space<semaphore_mem>>) src(%dma_wait3A_392 : memref<4x64xi32, #tpu.memory_space<hbm>>) dst(%dma_wait3A_390 : memref<4x64xi32, #tpu.memory_space<vmem>>)
          %dma_wait3A_393 = arith.constant 0 : i32
          %dma_wait3A_394 = arith.constant 0 : i32
          %dma_wait3A_395 = tpu.memref_slice %arg7[%rem3A_190, %dma_wait3A_393, %dma_wait3A_394] : memref<2x4x64xi32, #tpu.memory_space<vmem>> -> memref<1x4x64xi32, #tpu.memory_space<vmem>>
          %dma_wait3A_396 = tpu.memref_squeeze %dma_wait3A_395 : memref<1x4x64xi32, #tpu.memory_space<vmem>> -> memref<4x64xi32, #tpu.memory_space<vmem>>
          %dma_wait3A_397 = arith.constant 0 : i32
          %dma_wait3A_398 = tpu.memref_slice %arg4[%add3A_380, %dma_wait3A_397] : memref<5120x64xi32, #tpu.memory_space<hbm>> -> memref<4x64xi32, #tpu.memory_space<hbm>>
          %dma_wait3A_399 = arith.constant 0 : i32
          %dma_wait3A_400 = arith.constant 0 : i32
          %dma_wait3A_401 = tpu.memref_slice %arg7[%rem3A_190, %dma_wait3A_399, %dma_wait3A_400] : memref<2x4x64xi32, #tpu.memory_space<vmem>> -> memref<1x4x64xi32, #tpu.memory_space<vmem>>
          %dma_wait3A_402 = tpu.memref_squeeze %dma_wait3A_401 : memref<1x4x64xi32, #tpu.memory_space<vmem>> -> memref<4x64xi32, #tpu.memory_space<vmem>>
          %dma_wait3A_403 = arith.constant 0 : i32
          %dma_wait3A_404 = tpu.memref_slice %arg4[%add3A_380, %dma_wait3A_403] : memref<5120x64xi32, #tpu.memory_space<hbm>> -> memref<4x64xi32, #tpu.memory_space<hbm>>
          tpu.wait_dma2 semaphore(%arg19 : memref<!tpu.dma_semaphore, #tpu.memory_space<semaphore_mem>>) src(%dma_wait3A_404 : memref<4x64xi32, #tpu.memory_space<hbm>>) dst(%dma_wait3A_402 : memref<4x64xi32, #tpu.memory_space<vmem>>)
        } else {
        }
        %dma_wait3A_293 = arith.constant 0 : i32
        %dma_wait3A_294 = arith.constant 0 : i32
        %dma_wait3A_295 = arith.constant 0 : i32
        %dma_wait3A_296 = arith.constant 0 : i32
        %dma_wait3A_297 = tpu.memref_slice %arg8[%dma_wait3A_293, %dma_wait3A_295, %dma_wait3A_296] : memref<4x64x128xf32, #tpu.memory_space<vmem>> -> memref<1x64x128xf32, #tpu.memory_space<vmem>>
        %dma_wait3A_298 = tpu.memref_squeeze %dma_wait3A_297 : memref<1x64x128xf32, #tpu.memory_space<vmem>> -> memref<64x128xf32, #tpu.memory_space<vmem>>
        %dma_wait3A_299 = arith.constant 0 : i32
        %dma_wait3A_300 = tpu.memref_slice %arg7[%rem3A_186, %dma_wait3A_294, %dma_wait3A_299] : memref<2x4x64xi32, #tpu.memory_space<vmem>> -> memref<1x1x64xi32, #tpu.memory_space<vmem>>
        %dma_wait3A_301 = tpu.memref_squeeze %dma_wait3A_300 : memref<1x1x64xi32, #tpu.memory_space<vmem>> -> memref<64xi32, #tpu.memory_space<vmem>>
        %dma_wait3A_302 = arith.constant 0 : i32
        %dma_wait3A_303 = arith.constant 0 : i32
        %dma_wait3A_304 = tpu.memref_slice %arg10[%dma_wait3A_302, %dma_wait3A_303] : memref<10112x128xf32, #tpu.memory_space<vmem_shared>> -> memref<10112x128xf32, #tpu.memory_space<vmem_shared>>
        tpu.wait_indirect_dma semaphore(%arg15 : memref<!tpu.dma_semaphore, #tpu.memory_space<semaphore_mem>>) src(%dma_wait3A_298 : memref<64x128xf32, #tpu.memory_space<vmem>>) dst(%dma_wait3A_304 : memref<10112x128xf32, #tpu.memory_space<vmem_shared>>)
        %add3A_305 = arith.constant 1 : i32
        %add3A_306 = arith.addi %scan3A_185, %add3A_305 : i32
        %lt3A_307 = arith.constant 6 : i32
        %lt3A_308 = arith.cmpi slt, %add3A_306, %lt3A_307 : i32
        %convert_element_type3A_309 = arith.extui %lt3A_308 : i1 to i32
        %cond3A_310 = arith.constant 0 : i32
        %cond3A_311 = arith.cmpi ne, %convert_element_type3A_309, %cond3A_310 : i32
        scf.if %cond3A_311 {
          %dma_start3A_376 = arith.constant 0 : i32
          %dma_start3A_377 = arith.constant 0 : i32
          %dma_start3A_378 = arith.constant 0 : i32
          %dma_start3A_379 = arith.constant 0 : i32
          %dma_start3A_380 = tpu.memref_slice %arg8[%dma_start3A_377, %dma_start3A_378, %dma_start3A_379] : memref<4x64x128xf32, #tpu.memory_space<vmem>> -> memref<1x64x128xf32, #tpu.memory_space<vmem>>
          %dma_start3A_381 = tpu.memref_squeeze %dma_start3A_380 : memref<1x64x128xf32, #tpu.memory_space<vmem>> -> memref<64x128xf32, #tpu.memory_space<vmem>>
          %dma_start3A_382 = arith.constant 0 : i32
          %dma_start3A_383 = tpu.memref_slice %arg6[%rem3A_190, %dma_start3A_376, %dma_start3A_382] : memref<2x4x64xi32, #tpu.memory_space<vmem>> -> memref<1x1x64xi32, #tpu.memory_space<vmem>>
          %dma_start3A_384 = tpu.memref_squeeze %dma_start3A_383 : memref<1x1x64xi32, #tpu.memory_space<vmem>> -> memref<64xi32, #tpu.memory_space<vmem>>
          %dma_start3A_385 = arith.constant 0 : i32
          %dma_start3A_386 = arith.constant 0 : i32
          %dma_start3A_387 = tpu.memref_slice %arg2[%dma_start3A_385, %dma_start3A_386] : memref<10000x128xf32, #tpu.memory_space<hbm>> -> memref<10000x128xf32, #tpu.memory_space<hbm>>
          tpu.enqueue_indirect_dma source(%dma_start3A_387 : memref<10000x128xf32, #tpu.memory_space<hbm>>) target(%dma_start3A_381 : memref<64x128xf32, #tpu.memory_space<vmem>>) offsets(%dma_start3A_384 : memref<64xi32, #tpu.memory_space<vmem>>) semaphore(%arg11 : memref<!tpu.dma_semaphore, #tpu.memory_space<semaphore_mem>>)
        } else {
        }
        %dma_wait3A_312 = arith.constant 1 : i32
        %dma_wait3A_313 = arith.constant 1 : i32
        %dma_wait3A_314 = arith.constant 0 : i32
        %dma_wait3A_315 = arith.constant 0 : i32
        %dma_wait3A_316 = tpu.memref_slice %arg8[%dma_wait3A_312, %dma_wait3A_314, %dma_wait3A_315] : memref<4x64x128xf32, #tpu.memory_space<vmem>> -> memref<1x64x128xf32, #tpu.memory_space<vmem>>
        %dma_wait3A_317 = tpu.memref_squeeze %dma_wait3A_316 : memref<1x64x128xf32, #tpu.memory_space<vmem>> -> memref<64x128xf32, #tpu.memory_space<vmem>>
        %dma_wait3A_318 = arith.constant 0 : i32
        %dma_wait3A_319 = tpu.memref_slice %arg7[%rem3A_186, %dma_wait3A_313, %dma_wait3A_318] : memref<2x4x64xi32, #tpu.memory_space<vmem>> -> memref<1x1x64xi32, #tpu.memory_space<vmem>>
        %dma_wait3A_320 = tpu.memref_squeeze %dma_wait3A_319 : memref<1x1x64xi32, #tpu.memory_space<vmem>> -> memref<64xi32, #tpu.memory_space<vmem>>
        %dma_wait3A_321 = arith.constant 0 : i32
        %dma_wait3A_322 = arith.constant 0 : i32
        %dma_wait3A_323 = tpu.memref_slice %arg10[%dma_wait3A_321, %dma_wait3A_322] : memref<10112x128xf32, #tpu.memory_space<vmem_shared>> -> memref<10112x128xf32, #tpu.memory_space<vmem_shared>>
        tpu.wait_indirect_dma semaphore(%arg16 : memref<!tpu.dma_semaphore, #tpu.memory_space<semaphore_mem>>) src(%dma_wait3A_317 : memref<64x128xf32, #tpu.memory_space<vmem>>) dst(%dma_wait3A_323 : memref<10112x128xf32, #tpu.memory_space<vmem_shared>>)
        %add3A_324 = arith.constant 1 : i32
        %add3A_325 = arith.addi %scan3A_185, %add3A_324 : i32
        %lt3A_326 = arith.constant 6 : i32
        %lt3A_327 = arith.cmpi slt, %add3A_325, %lt3A_326 : i32
        %convert_element_type3A_328 = arith.extui %lt3A_327 : i1 to i32
        %cond3A_329 = arith.constant 0 : i32
        %cond3A_330 = arith.cmpi ne, %convert_element_type3A_328, %cond3A_329 : i32
        scf.if %cond3A_330 {
          %dma_start3A_376 = arith.constant 1 : i32
          %dma_start3A_377 = arith.constant 1 : i32
          %dma_start3A_378 = arith.constant 0 : i32
          %dma_start3A_379 = arith.constant 0 : i32
          %dma_start3A_380 = tpu.memref_slice %arg8[%dma_start3A_377, %dma_start3A_378, %dma_start3A_379] : memref<4x64x128xf32, #tpu.memory_space<vmem>> -> memref<1x64x128xf32, #tpu.memory_space<vmem>>
          %dma_start3A_381 = tpu.memref_squeeze %dma_start3A_380 : memref<1x64x128xf32, #tpu.memory_space<vmem>> -> memref<64x128xf32, #tpu.memory_space<vmem>>
          %dma_start3A_382 = arith.constant 0 : i32
          %dma_start3A_383 = tpu.memref_slice %arg6[%rem3A_190, %dma_start3A_376, %dma_start3A_382] : memref<2x4x64xi32, #tpu.memory_space<vmem>> -> memref<1x1x64xi32, #tpu.memory_space<vmem>>
          %dma_start3A_384 = tpu.memref_squeeze %dma_start3A_383 : memref<1x1x64xi32, #tpu.memory_space<vmem>> -> memref<64xi32, #tpu.memory_space<vmem>>
          %dma_start3A_385 = arith.constant 0 : i32
          %dma_start3A_386 = arith.constant 0 : i32
          %dma_start3A_387 = tpu.memref_slice %arg2[%dma_start3A_385, %dma_start3A_386] : memref<10000x128xf32, #tpu.memory_space<hbm>> -> memref<10000x128xf32, #tpu.memory_space<hbm>>
          tpu.enqueue_indirect_dma source(%dma_start3A_387 : memref<10000x128xf32, #tpu.memory_space<hbm>>) target(%dma_start3A_381 : memref<64x128xf32, #tpu.memory_space<vmem>>) offsets(%dma_start3A_384 : memref<64xi32, #tpu.memory_space<vmem>>) semaphore(%arg12 : memref<!tpu.dma_semaphore, #tpu.memory_space<semaphore_mem>>)
        } else {
        }
        %dma_wait3A_331 = arith.constant 2 : i32
        %dma_wait3A_332 = arith.constant 2 : i32
        %dma_wait3A_333 = arith.constant 0 : i32
        %dma_wait3A_334 = arith.constant 0 : i32
        %dma_wait3A_335 = tpu.memref_slice %arg8[%dma_wait3A_331, %dma_wait3A_333, %dma_wait3A_334] : memref<4x64x128xf32, #tpu.memory_space<vmem>> -> memref<1x64x128xf32, #tpu.memory_space<vmem>>
        %dma_wait3A_336 = tpu.memref_squeeze %dma_wait3A_335 : memref<1x64x128xf32, #tpu.memory_space<vmem>> -> memref<64x128xf32, #tpu.memory_space<vmem>>
        %dma_wait3A_337 = arith.constant 0 : i32
        %dma_wait3A_338 = tpu.memref_slice %arg7[%rem3A_186, %dma_wait3A_332, %dma_wait3A_337] : memref<2x4x64xi32, #tpu.memory_space<vmem>> -> memref<1x1x64xi32, #tpu.memory_space<vmem>>
        %dma_wait3A_339 = tpu.memref_squeeze %dma_wait3A_338 : memref<1x1x64xi32, #tpu.memory_space<vmem>> -> memref<64xi32, #tpu.memory_space<vmem>>
        %dma_wait3A_340 = arith.constant 0 : i32
        %dma_wait3A_341 = arith.constant 0 : i32
        %dma_wait3A_342 = tpu.memref_slice %arg10[%dma_wait3A_340, %dma_wait3A_341] : memref<10112x128xf32, #tpu.memory_space<vmem_shared>> -> memref<10112x128xf32, #tpu.memory_space<vmem_shared>>
        tpu.wait_indirect_dma semaphore(%arg17 : memref<!tpu.dma_semaphore, #tpu.memory_space<semaphore_mem>>) src(%dma_wait3A_336 : memref<64x128xf32, #tpu.memory_space<vmem>>) dst(%dma_wait3A_342 : memref<10112x128xf32, #tpu.memory_space<vmem_shared>>)
        %add3A_343 = arith.constant 1 : i32
        %add3A_344 = arith.addi %scan3A_185, %add3A_343 : i32
        %lt3A_345 = arith.constant 6 : i32
        %lt3A_346 = arith.cmpi slt, %add3A_344, %lt3A_345 : i32
        %convert_element_type3A_347 = arith.extui %lt3A_346 : i1 to i32
        %cond3A_348 = arith.constant 0 : i32
        %cond3A_349 = arith.cmpi ne, %convert_element_type3A_347, %cond3A_348 : i32
        scf.if %cond3A_349 {
          %dma_start3A_376 = arith.constant 2 : i32
          %dma_start3A_377 = arith.constant 2 : i32
          %dma_start3A_378 = arith.constant 0 : i32
          %dma_start3A_379 = arith.constant 0 : i32
          %dma_start3A_380 = tpu.memref_slice %arg8[%dma_start3A_377, %dma_start3A_378, %dma_start3A_379] : memref<4x64x128xf32, #tpu.memory_space<vmem>> -> memref<1x64x128xf32, #tpu.memory_space<vmem>>
          %dma_start3A_381 = tpu.memref_squeeze %dma_start3A_380 : memref<1x64x128xf32, #tpu.memory_space<vmem>> -> memref<64x128xf32, #tpu.memory_space<vmem>>
          %dma_start3A_382 = arith.constant 0 : i32
          %dma_start3A_383 = tpu.memref_slice %arg6[%rem3A_190, %dma_start3A_376, %dma_start3A_382] : memref<2x4x64xi32, #tpu.memory_space<vmem>> -> memref<1x1x64xi32, #tpu.memory_space<vmem>>
          %dma_start3A_384 = tpu.memref_squeeze %dma_start3A_383 : memref<1x1x64xi32, #tpu.memory_space<vmem>> -> memref<64xi32, #tpu.memory_space<vmem>>
          %dma_start3A_385 = arith.constant 0 : i32
          %dma_start3A_386 = arith.constant 0 : i32
          %dma_start3A_387 = tpu.memref_slice %arg2[%dma_start3A_385, %dma_start3A_386] : memref<10000x128xf32, #tpu.memory_space<hbm>> -> memref<10000x128xf32, #tpu.memory_space<hbm>>
          tpu.enqueue_indirect_dma source(%dma_start3A_387 : memref<10000x128xf32, #tpu.memory_space<hbm>>) target(%dma_start3A_381 : memref<64x128xf32, #tpu.memory_space<vmem>>) offsets(%dma_start3A_384 : memref<64xi32, #tpu.memory_space<vmem>>) semaphore(%arg13 : memref<!tpu.dma_semaphore, #tpu.memory_space<semaphore_mem>>)
        } else {
        }
        %dma_wait3A_350 = arith.constant 3 : i32
        %dma_wait3A_351 = arith.constant 3 : i32
        %dma_wait3A_352 = arith.constant 0 : i32
        %dma_wait3A_353 = arith.constant 0 : i32
        %dma_wait3A_354 = tpu.memref_slice %arg8[%dma_wait3A_350, %dma_wait3A_352, %dma_wait3A_353] : memref<4x64x128xf32, #tpu.memory_space<vmem>> -> memref<1x64x128xf32, #tpu.memory_space<vmem>>
        %dma_wait3A_355 = tpu.memref_squeeze %dma_wait3A_354 : memref<1x64x128xf32, #tpu.memory_space<vmem>> -> memref<64x128xf32, #tpu.memory_space<vmem>>
        %dma_wait3A_356 = arith.constant 0 : i32
        %dma_wait3A_357 = tpu.memref_slice %arg7[%rem3A_186, %dma_wait3A_351, %dma_wait3A_356] : memref<2x4x64xi32, #tpu.memory_space<vmem>> -> memref<1x1x64xi32, #tpu.memory_space<vmem>>
        %dma_wait3A_358 = tpu.memref_squeeze %dma_wait3A_357 : memref<1x1x64xi32, #tpu.memory_space<vmem>> -> memref<64xi32, #tpu.memory_space<vmem>>
        %dma_wait3A_359 = arith.constant 0 : i32
        %dma_wait3A_360 = arith.constant 0 : i32
        %dma_wait3A_361 = tpu.memref_slice %arg10[%dma_wait3A_359, %dma_wait3A_360] : memref<10112x128xf32, #tpu.memory_space<vmem_shared>> -> memref<10112x128xf32, #tpu.memory_space<vmem_shared>>
        tpu.wait_indirect_dma semaphore(%arg18 : memref<!tpu.dma_semaphore, #tpu.memory_space<semaphore_mem>>) src(%dma_wait3A_355 : memref<64x128xf32, #tpu.memory_space<vmem>>) dst(%dma_wait3A_361 : memref<10112x128xf32, #tpu.memory_space<vmem_shared>>)
        %add3A_362 = arith.constant 1 : i32
        %add3A_363 = arith.addi %scan3A_185, %add3A_362 : i32
        %lt3A_364 = arith.constant 6 : i32
        %lt3A_365 = arith.cmpi slt, %add3A_363, %lt3A_364 : i32
        %convert_element_type3A_366 = arith.extui %lt3A_365 : i1 to i32
        %cond3A_367 = arith.constant 0 : i32
        %cond3A_368 = arith.cmpi ne, %convert_element_type3A_366, %cond3A_367 : i32
        scf.if %cond3A_368 {
          %dma_start3A_376 = arith.constant 3 : i32
          %dma_start3A_377 = arith.constant 3 : i32
          %dma_start3A_378 = arith.constant 0 : i32
          %dma_start3A_379 = arith.constant 0 : i32
          %dma_start3A_380 = tpu.memref_slice %arg8[%dma_start3A_377, %dma_start3A_378, %dma_start3A_379] : memref<4x64x128xf32, #tpu.memory_space<vmem>> -> memref<1x64x128xf32, #tpu.memory_space<vmem>>
          %dma_start3A_381 = tpu.memref_squeeze %dma_start3A_380 : memref<1x64x128xf32, #tpu.memory_space<vmem>> -> memref<64x128xf32, #tpu.memory_space<vmem>>
          %dma_start3A_382 = arith.constant 0 : i32
          %dma_start3A_383 = tpu.memref_slice %arg6[%rem3A_190, %dma_start3A_376, %dma_start3A_382] : memref<2x4x64xi32, #tpu.memory_space<vmem>> -> memref<1x1x64xi32, #tpu.memory_space<vmem>>
          %dma_start3A_384 = tpu.memref_squeeze %dma_start3A_383 : memref<1x1x64xi32, #tpu.memory_space<vmem>> -> memref<64xi32, #tpu.memory_space<vmem>>
          %dma_start3A_385 = arith.constant 0 : i32
          %dma_start3A_386 = arith.constant 0 : i32
          %dma_start3A_387 = tpu.memref_slice %arg2[%dma_start3A_385, %dma_start3A_386] : memref<10000x128xf32, #tpu.memory_space<hbm>> -> memref<10000x128xf32, #tpu.memory_space<hbm>>
          tpu.enqueue_indirect_dma source(%dma_start3A_387 : memref<10000x128xf32, #tpu.memory_space<hbm>>) target(%dma_start3A_381 : memref<64x128xf32, #tpu.memory_space<vmem>>) offsets(%dma_start3A_384 : memref<64xi32, #tpu.memory_space<vmem>>) semaphore(%arg14 : memref<!tpu.dma_semaphore, #tpu.memory_space<semaphore_mem>>)
        } else {
        }
        %add3A_369 = arith.constant 2 : i32
        %add3A_370 = arith.addi %scan3A_185, %add3A_369 : i32
        %lt3A_371 = arith.constant 6 : i32
        %lt3A_372 = arith.cmpi slt, %add3A_370, %lt3A_371 : i32
        %convert_element_type3A_373 = arith.extui %lt3A_372 : i1 to i32
        %cond3A_374 = arith.constant 0 : i32
        %cond3A_375 = arith.cmpi ne, %convert_element_type3A_373, %cond3A_374 : i32
        scf.if %cond3A_375 {
          %add3A_376 = arith.constant 2 : i32
          %add3A_377 = arith.addi %scan3A_185, %add3A_376 : i32
          %mul3A_378 = arith.constant 4 : i32
          %mul3A_379 = arith.muli %add3A_377, %mul3A_378 : i32
          %add3A_380 = arith.addi %add3A_49, %mul3A_379 : i32
          %dma_start3A_381 = arith.constant 0 : i32
          %dma_start3A_382 = arith.constant 0 : i32
          %dma_start3A_383 = tpu.memref_slice %arg6[%rem3A_186, %dma_start3A_381, %dma_start3A_382] : memref<2x4x64xi32, #tpu.memory_space<vmem>> -> memref<1x4x64xi32, #tpu.memory_space<vmem>>
          %dma_start3A_384 = tpu.memref_squeeze %dma_start3A_383 : memref<1x4x64xi32, #tpu.memory_space<vmem>> -> memref<4x64xi32, #tpu.memory_space<vmem>>
          %dma_start3A_385 = arith.constant 0 : i32
          %dma_start3A_386 = tpu.memref_slice %arg3[%add3A_380, %dma_start3A_385] : memref<5120x64xi32, #tpu.memory_space<hbm>> -> memref<4x64xi32, #tpu.memory_space<hbm>>
          %dma_start3A_387 = arith.constant 0 : i32
          %dma_start3A_388 = arith.constant 0 : i32
          %dma_start3A_389 = tpu.memref_slice %arg6[%rem3A_186, %dma_start3A_387, %dma_start3A_388] : memref<2x4x64xi32, #tpu.memory_space<vmem>> -> memref<1x4x64xi32, #tpu.memory_space<vmem>>
          %dma_start3A_390 = tpu.memref_squeeze %dma_start3A_389 : memref<1x4x64xi32, #tpu.memory_space<vmem>> -> memref<4x64xi32, #tpu.memory_space<vmem>>
          %dma_start3A_391 = arith.constant 0 : i32
          %dma_start3A_392 = tpu.memref_slice %arg3[%add3A_380, %dma_start3A_391] : memref<5120x64xi32, #tpu.memory_space<hbm>> -> memref<4x64xi32, #tpu.memory_space<hbm>>
          tpu.enqueue_dma source(%dma_start3A_392 : memref<4x64xi32, #tpu.memory_space<hbm>>) target(%dma_start3A_390 : memref<4x64xi32, #tpu.memory_space<vmem>>) target_semaphore(%arg19 : memref<!tpu.dma_semaphore, #tpu.memory_space<semaphore_mem>>)
          %dma_start3A_393 = arith.constant 0 : i32
          %dma_start3A_394 = arith.constant 0 : i32
          %dma_start3A_395 = tpu.memref_slice %arg7[%rem3A_186, %dma_start3A_393, %dma_start3A_394] : memref<2x4x64xi32, #tpu.memory_space<vmem>> -> memref<1x4x64xi32, #tpu.memory_space<vmem>>
          %dma_start3A_396 = tpu.memref_squeeze %dma_start3A_395 : memref<1x4x64xi32, #tpu.memory_space<vmem>> -> memref<4x64xi32, #tpu.memory_space<vmem>>
          %dma_start3A_397 = arith.constant 0 : i32
          %dma_start3A_398 = tpu.memref_slice %arg4[%add3A_380, %dma_start3A_397] : memref<5120x64xi32, #tpu.memory_space<hbm>> -> memref<4x64xi32, #tpu.memory_space<hbm>>
          %dma_start3A_399 = arith.constant 0 : i32
          %dma_start3A_400 = arith.constant 0 : i32
          %dma_start3A_401 = tpu.memref_slice %arg7[%rem3A_186, %dma_start3A_399, %dma_start3A_400] : memref<2x4x64xi32, #tpu.memory_space<vmem>> -> memref<1x4x64xi32, #tpu.memory_space<vmem>>
          %dma_start3A_402 = tpu.memref_squeeze %dma_start3A_401 : memref<1x4x64xi32, #tpu.memory_space<vmem>> -> memref<4x64xi32, #tpu.memory_space<vmem>>
          %dma_start3A_403 = arith.constant 0 : i32
          %dma_start3A_404 = tpu.memref_slice %arg4[%add3A_380, %dma_start3A_403] : memref<5120x64xi32, #tpu.memory_space<hbm>> -> memref<4x64xi32, #tpu.memory_space<hbm>>
          tpu.enqueue_dma source(%dma_start3A_404 : memref<4x64xi32, #tpu.memory_space<hbm>>) target(%dma_start3A_402 : memref<4x64xi32, #tpu.memory_space<vmem>>) target_semaphore(%arg19 : memref<!tpu.dma_semaphore, #tpu.memory_space<semaphore_mem>>)
        } else {
        }
      }
      %scan3A_184 = arith.constant 6 : i32
    } else {
    }
    %barrier3A_41 = arith.constant 0 : index
    tpu.barrier barrier_id(%barrier3A_41)
    %mul3A_42 = arith.constant 632 : i32
    %mul3A_43 = arith.muli %arg1, %mul3A_42 : i32
    %mul3A_44 = arith.constant 632 : i32
    %mul3A_45 = arith.muli %arg1, %mul3A_44 : i32
    "tpu.region"() ({
      %run_scoped3A = tpu.sem_alloc : memref<!tpu.dma_semaphore, #tpu.memory_space<semaphore_mem>>
      %dma_start3A = arith.constant 0 : i32
      %dma_start3A_46 = tpu.memref_slice %arg5[%arg0, %mul3A_45, %dma_start3A] : memref<2x10112x128xf32, #tpu.memory_space<hbm>> -> memref<1x632x128xf32, #tpu.memory_space<hbm>>
      %dma_start3A_47 = tpu.memref_squeeze %dma_start3A_46 : memref<1x632x128xf32, #tpu.memory_space<hbm>> -> memref<632x128xf32, #tpu.memory_space<hbm>>
      %dma_start3A_48 = arith.constant 0 : i32
      %dma_start3A_49 = tpu.memref_slice %arg10[%mul3A_43, %dma_start3A_48] : memref<10112x128xf32, #tpu.memory_space<vmem_shared>> -> memref<632x128xf32, #tpu.memory_space<vmem_shared>>
      tpu.enqueue_dma source(%dma_start3A_49 : memref<632x128xf32, #tpu.memory_space<vmem_shared>>) target(%dma_start3A_47 : memref<632x128xf32, #tpu.memory_space<hbm>>) target_semaphore(%run_scoped3A : memref<!tpu.dma_semaphore, #tpu.memory_space<semaphore_mem>>)
      %dma_wait3A = arith.constant 0 : i32
      %dma_wait3A_50 = tpu.memref_slice %arg5[%arg0, %mul3A_45, %dma_wait3A] : memref<2x10112x128xf32, #tpu.memory_space<hbm>> -> memref<1x632x128xf32, #tpu.memory_space<hbm>>
      %dma_wait3A_51 = tpu.memref_squeeze %dma_wait3A_50 : memref<1x632x128xf32, #tpu.memory_space<hbm>> -> memref<632x128xf32, #tpu.memory_space<hbm>>
      %dma_wait3A_52 = arith.constant 0 : i32
      %dma_wait3A_53 = tpu.memref_slice %arg10[%mul3A_43, %dma_wait3A_52] : memref<10112x128xf32, #tpu.memory_space<vmem_shared>> -> memref<632x128xf32, #tpu.memory_space<vmem_shared>>
      tpu.wait_dma2 semaphore(%run_scoped3A : memref<!tpu.dma_semaphore, #tpu.memory_space<semaphore_mem>>) src(%dma_wait3A_53 : memref<632x128xf32, #tpu.memory_space<vmem_shared>>) dst(%dma_wait3A_51 : memref<632x128xf32, #tpu.memory_space<hbm>>)
      tpu.yield
    }) : () -> ()
    return
  }
}

module attributes {stable_mosaic.version = 14 : i64} {
  func.func @_mm_body(%arg0: i32, %arg1: memref<1000x128xf32, #tpu.memory_space<vmem>>, %arg2: memref<128x128xf32, #tpu.memory_space<vmem>>, %arg3: memref<1000x128xf32, #tpu.memory_space<vmem>>) attributes {dimension_semantics = [#tpu.dimension_semantics<arbitrary>], iteration_bounds = array<i64: 10>, scalar_prefetch = 0 : i64, scratch_operands = 0 : i64, tpu.core_type = #tpu.core_type<tc>, window_params = [{transform_indices = @transform_0, window_bounds = array<i64: 1000, 128>}, {pipeline_mode = #tpu.pipeline_mode<synchronous>, transform_indices = @transform_1, window_bounds = array<i64: 128, 128>}, {transform_indices = @transform_2, window_bounds = array<i64: 1000, 128>}]} {
    %get3A = arith.constant 0 : index
    %get3A_0 = arith.constant 0 : index
    %get3A_1 = vector.load %arg1[%get3A, %get3A_0] : memref<1000x128xf32, #tpu.memory_space<vmem>>, vector<1000x128xf32>
    %get3A_2 = arith.constant 0 : index
    %get3A_3 = arith.constant 0 : index
    %get3A_4 = vector.load %arg2[%get3A_2, %get3A_3] : memref<128x128xf32, #tpu.memory_space<vmem>>, vector<128x128xf32>
    %dot_general3A = arith.constant dense<0.000000e+00> : vector<1000x128xf32>
    %dot_general3A_5 = tpu.matmul %get3A_1, %get3A_4, %dot_general3A {dimension_numbers = #tpu.dot_dimension_numbers<[1], [0], [0], [1], [0, 0, 1, 1], [], []>, transpose_lhs_hint = false} : vector<1000x128xf32>, vector<128x128xf32>, vector<1000x128xf32> -> vector<1000x128xf32>
    %swap3A = arith.constant 0 : index
    %swap3A_6 = arith.constant 0 : index
    %swap3A_7 = vector.load %arg3[%swap3A, %swap3A_6] : memref<1000x128xf32, #tpu.memory_space<vmem>>, vector<1000x128xf32>
    tpu.vector_store %arg3[%swap3A, %swap3A_6], %dot_general3A_5 {strides = array<i32>} : memref<1000x128xf32, #tpu.memory_space<vmem>>, vector<1000x128xf32>,
    return
  }
  func.func @transform_0(%arg0: i32) -> (i32, i32) {
    %c0_i32 = arith.constant 0 : i32
    %c0_i32_0 = arith.constant 0 : i32
    return %arg0, %c0_i32 : i32, i32
  }
  func.func @transform_1(%arg0: i32) -> (i32, i32) {
    %c0_i32 = arith.constant 0 : i32
    %c0_i32_0 = arith.constant 0 : i32
    %c0_i32_1 = arith.constant 0 : i32
    return %c0_i32, %c0_i32_0 : i32, i32
  }
  func.func @transform_2(%arg0: i32) -> (i32, i32) {
    %c0_i32 = arith.constant 0 : i32
    %c0_i32_0 = arith.constant 0 : i32
    return %arg0, %c0_i32 : i32, i32
  }
}

module attributes {stable_mosaic.version = 14 : i64} {
  func.func @_cmb_mm_body(%arg0: i32, %arg1: memref<2x1000x128xf32, #tpu.memory_space<vmem>>, %arg2: memref<1x128xf32, #tpu.memory_space<vmem>>, %arg3: memref<128x128xf32, #tpu.memory_space<vmem>>, %arg4: memref<1000x128xf32, #tpu.memory_space<vmem>>) attributes {dimension_semantics = [#tpu.dimension_semantics<arbitrary>], iteration_bounds = array<i64: 10>, scalar_prefetch = 0 : i64, scratch_operands = 0 : i64, tpu.core_type = #tpu.core_type<tc>, window_params = [{transform_indices = @transform_0, window_bounds = array<i64: 2, 1000, 128>}, {pipeline_mode = #tpu.pipeline_mode<synchronous>, transform_indices = @transform_1, window_bounds = array<i64: 1, 128>}, {pipeline_mode = #tpu.pipeline_mode<synchronous>, transform_indices = @transform_2, window_bounds = array<i64: 128, 128>}, {transform_indices = @transform_3, window_bounds = array<i64: 1000, 128>}]} {
    %get3A = arith.constant 0 : index
    %get3A_0 = arith.constant 0 : index
    %get3A_1 = arith.constant 0 : index
    %get3A_2 = vector.load %arg1[%get3A, %get3A_0, %get3A_1] : memref<2x1000x128xf32, #tpu.memory_space<vmem>>, vector<1x1000x128xf32>
    %get3A_3 = vector.shape_cast %get3A_2 : vector<1x1000x128xf32> to vector<1000x128xf32>
    %get3A_4 = arith.constant 1 : index
    %get3A_5 = arith.constant 0 : index
    %get3A_6 = arith.constant 0 : index
    %get3A_7 = vector.load %arg1[%get3A_4, %get3A_5, %get3A_6] : memref<2x1000x128xf32, #tpu.memory_space<vmem>>, vector<1x1000x128xf32>
    %get3A_8 = vector.shape_cast %get3A_7 : vector<1x1000x128xf32> to vector<1000x128xf32>
    %add3A = arith.addf %get3A_3, %get3A_8 : vector<1000x128xf32>
    %get3A_9 = arith.constant 0 : index
    %get3A_10 = arith.constant 0 : index
    %get3A_11 = vector.load %arg2[%get3A_9, %get3A_10] : memref<1x128xf32, #tpu.memory_space<vmem>>, vector<1x128xf32>
    %add3A_12 = vector.broadcast %get3A_11 : vector<1x128xf32> to vector<1000x128xf32>
    %add3A_13 = arith.addf %add3A, %add3A_12 : vector<1000x128xf32>
    %max3A = arith.constant 0.000000e+00 : f32
    %max3A_14 = vector.broadcast %max3A : f32 to vector<1000x128xf32>
    %max3A_15 = arith.maximumf %add3A_13, %max3A_14 : vector<1000x128xf32>
    %get3A_16 = arith.constant 0 : index
    %get3A_17 = arith.constant 0 : index
    %get3A_18 = vector.load %arg3[%get3A_16, %get3A_17] : memref<128x128xf32, #tpu.memory_space<vmem>>, vector<128x128xf32>
    %dot_general3A = arith.constant dense<0.000000e+00> : vector<1000x128xf32>
    %dot_general3A_19 = tpu.matmul %max3A_15, %get3A_18, %dot_general3A {dimension_numbers = #tpu.dot_dimension_numbers<[1], [0], [0], [1], [0, 0, 1, 1], [], []>, transpose_lhs_hint = false} : vector<1000x128xf32>, vector<128x128xf32>, vector<1000x128xf32> -> vector<1000x128xf32>
    %swap3A = arith.constant 0 : index
    %swap3A_20 = arith.constant 0 : index
    %swap3A_21 = vector.load %arg4[%swap3A, %swap3A_20] : memref<1000x128xf32, #tpu.memory_space<vmem>>, vector<1000x128xf32>
    tpu.vector_store %arg4[%swap3A, %swap3A_20], %dot_general3A_19 {strides = array<i32>} : memref<1000x128xf32, #tpu.memory_space<vmem>>, vector<1000x128xf32>,
    return
  }
  func.func @transform_0(%arg0: i32) -> (i32, i32, i32) {
    %c0_i32 = arith.constant 0 : i32
    %c0_i32_0 = arith.constant 0 : i32
    %c0_i32_1 = arith.constant 0 : i32
    return %c0_i32, %arg0, %c0_i32_0 : i32, i32, i32
  }
  func.func @transform_1(%arg0: i32) -> (i32, i32) {
    %c0_i32 = arith.constant 0 : i32
    %c0_i32_0 = arith.constant 0 : i32
    %c0_i32_1 = arith.constant 0 : i32
    return %c0_i32, %c0_i32_0 : i32, i32
  }
  func.func @transform_2(%arg0: i32) -> (i32, i32) {
    %c0_i32 = arith.constant 0 : i32
    %c0_i32_0 = arith.constant 0 : i32
    %c0_i32_1 = arith.constant 0 : i32
    return %c0_i32, %c0_i32_0 : i32, i32
  }
  func.func @transform_3(%arg0: i32) -> (i32, i32) {
    %c0_i32 = arith.constant 0 : i32
    %c0_i32_0 = arith.constant 0 : i32
    return %arg0, %c0_i32 : i32, i32
  }
}

module attributes {stable_mosaic.version = 14 : i64} {
  func.func @_cmb_body(%arg0: i32, %arg1: memref<2x1000x128xf32, #tpu.memory_space<vmem>>, %arg2: memref<1x128xf32, #tpu.memory_space<vmem>>, %arg3: memref<1000x128xf32, #tpu.memory_space<vmem>>) attributes {dimension_semantics = [#tpu.dimension_semantics<arbitrary>], iteration_bounds = array<i64: 10>, scalar_prefetch = 0 : i64, scratch_operands = 0 : i64, tpu.core_type = #tpu.core_type<tc>, window_params = [{transform_indices = @transform_0, window_bounds = array<i64: 2, 1000, 128>}, {pipeline_mode = #tpu.pipeline_mode<synchronous>, transform_indices = @transform_1, window_bounds = array<i64: 1, 128>}, {transform_indices = @transform_2, window_bounds = array<i64: 1000, 128>}]} {
    %get3A = arith.constant 0 : index
    %get3A_0 = arith.constant 0 : index
    %get3A_1 = arith.constant 0 : index
    %get3A_2 = vector.load %arg1[%get3A, %get3A_0, %get3A_1] : memref<2x1000x128xf32, #tpu.memory_space<vmem>>, vector<1x1000x128xf32>
    %get3A_3 = vector.shape_cast %get3A_2 : vector<1x1000x128xf32> to vector<1000x128xf32>
    %get3A_4 = arith.constant 1 : index
    %get3A_5 = arith.constant 0 : index
    %get3A_6 = arith.constant 0 : index
    %get3A_7 = vector.load %arg1[%get3A_4, %get3A_5, %get3A_6] : memref<2x1000x128xf32, #tpu.memory_space<vmem>>, vector<1x1000x128xf32>
    %get3A_8 = vector.shape_cast %get3A_7 : vector<1x1000x128xf32> to vector<1000x128xf32>
    %add3A = arith.addf %get3A_3, %get3A_8 : vector<1000x128xf32>
    %get3A_9 = arith.constant 0 : index
    %get3A_10 = arith.constant 0 : index
    %get3A_11 = vector.load %arg2[%get3A_9, %get3A_10] : memref<1x128xf32, #tpu.memory_space<vmem>>, vector<1x128xf32>
    %add3A_12 = vector.broadcast %get3A_11 : vector<1x128xf32> to vector<1000x128xf32>
    %add3A_13 = arith.addf %add3A, %add3A_12 : vector<1000x128xf32>
    %swap3A = arith.constant 0 : index
    %swap3A_14 = arith.constant 0 : index
    %swap3A_15 = vector.load %arg3[%swap3A, %swap3A_14] : memref<1000x128xf32, #tpu.memory_space<vmem>>, vector<1000x128xf32>
    tpu.vector_store %arg3[%swap3A, %swap3A_14], %add3A_13 {strides = array<i32>} : memref<1000x128xf32, #tpu.memory_space<vmem>>, vector<1000x128xf32>,
    return
  }
  func.func @transform_0(%arg0: i32) -> (i32, i32, i32) {
    %c0_i32 = arith.constant 0 : i32
    %c0_i32_0 = arith.constant 0 : i32
    %c0_i32_1 = arith.constant 0 : i32
    return %c0_i32, %arg0, %c0_i32_0 : i32, i32, i32
  }
  func.func @transform_1(%arg0: i32) -> (i32, i32) {
    %c0_i32 = arith.constant 0 : i32
    %c0_i32_0 = arith.constant 0 : i32
    %c0_i32_1 = arith.constant 0 : i32
    return %c0_i32, %c0_i32_0 : i32, i32
  }
  func.func @transform_2(%arg0: i32) -> (i32, i32) {
    %c0_i32 = arith.constant 0 : i32
    %c0_i32_0 = arith.constant 0 : i32
    return %arg0, %c0_i32 : i32, i32
  }
}

</mosaic_0001>

<sc_bundles>
// kernel: kernel.12.cloned.1.call-start
scs
__scs_entry_jumppad:
0x0: {  	(pc) =	sbr.rel $0x88, $3  }
0x1: {  	(tag) =	ssettag $0x0;
	lr =	simm.s32 $0x1  }
0x2: {  	[smem:$0x3F99] =	sst lr;
	_ =	strace $0xD0000000  }
0x3: {  	_ = 	snop  }
0x4: {  	_ = 	snop  }
0x5: {  	_ = 	snop  }
0x6: {  	_ = 	snop  }
0x7: {  	_ = 	snop  }
__scs_overlays_trampoline_lowered:
0x8: {  	[smem:$0x3FA8] =	sst s0  }
0x9: {  	[smem:$0x3FA9] =	sst s1  }
0xa: {  	[smem:$0x3FAA] =	sst s2  }
0xb: {  	[smem:$0x3FAB] =	sst s3  }
0xc: {  	[smem:$0x3FAC] =	sst s4  }
0xd: {  	[smem:$0x3FAD] =	sst s5  }
0xe: {  	[smem:$0x3FAE] =	sst s6  }
0xf: {  	[smem:$0x3FAF] =	sst s7  }
0x10: {  	[smem:$0x3FB0] =	sst s8  }
0x11: {  	[smem:$0x3FB1] =	sst s9;
	s0 =	simm.s32 @!p0 $0x0  }
0x12: {  	s1 =	sld [smem:$0x3F97];
	s0 =	simm.s32 @p0 $0x1  }
0x13: {  	[smem:$0x3FB2] =	sst s0;
	s0 =	simm.s32 @!p1 $0x0  }
0x14: {  	s2 =	sld [smem:$0x3F96];
	s0 =	simm.s32 @p1 $0x1  }
0x15: {  	[smem:$0x3FB3] =	sst s0;
	s0 =	simm.s32 @!p2 $0x0  }
0x16: {  	s3 =	sld [smem:$0x3FDB];
	s0 =	simm.s32 @p2 $0x1  }
0x17: {  	s4 =	simm.s32 $0x1BF5;
	[smem:$0x3FB5] =	sst s0  }
0x18: {  	s0 =	sld [smem:$0x3F98];
	_ =	swait.ge [sflag:s4], $0x0  }
0x19: {  	s7 =	sld [smem:$0x3F99]  }
0x1a: {  	s8 =	sadd.s32 $0xFFFFE003, lr  }
0x1b: {  	s9 =	sadd.s32 $0xFFFFFEF7, lr;
	s5 =	simm.s32 $0xFFFFFFFF;
	p2 =	slt.u32 s8, $0xFFFFF086  }
0x1c: {  	p1 =	slt.u32 s9, $0xF7A;
	s5 =	simm.s32 @!p2 $0x0  }
0x1d: {  	s5 =	simm.s32 @p1 $0x1;
	p0 =	seq.s32 s7, s2  }
0x1e: {  	s7 =	smul.u32 @!p0 $0xF7A, s2;
	p2 =	seq.s32 @!p0 s5, $0x0  }
0x1f: {  	s9 =	smul.u32 $0xF7A, s1;
	s8 =	simm.s32 @!p0 $0x1BF5;
	p2 =	por !p2, p0  }
0x20: {  	[sflag:s8] =	ssyncset.s32 @!p0 $0xFFFFF086;
	s6 =	sadd.s32 @!p0 s3, s7;
	s7 =	simm.s32 @!p0 $0x108  }
0x21: {  	s3 =	sadd.s32 s3, s9;
	s6 =	sadd.s32 @!p0 $0x88, s6;
	s7 =	simm.s32 @p2 $0x1082  }
0x22: {  	[simem:s7], [sflag:s8] =	dma.local @!p0 [hbm:s6], $0xF7A  }
0x23: {  	s9 =	sor.u32 $0xD0000000, s2;
	s6 =	simm.s32 $0x108;
	_ =	swait.ge @!p0 [sflag:s8], $0x0  }
0x24: {  	s3 =	sadd.s32 $0x88, s3;
	s6 =	simm.s32 @!p1 $0x1082;
	[sflag:s4] =	ssyncset.s32 $0xFFFFF086  }
0x25: {  	[simem:s6], [sflag:s4] =	dma.local [hbm:s3], $0xF7A  }
0x26: {  	[smem:$0x3F99] =	sst s1;
	(tag) =	ssettag s2;
	_ =	strace s9  }
0x27: {  	s1 =	sld [smem:$0x3FA9]  }
0x28: {  	s2 =	sld [smem:$0x3FAA]  }
0x29: {  	s4 =	sld [smem:$0x3FAC]  }
0x2a: {  	p0 =	seq.s32 s5, $0x0;
	s5 =	sld [smem:$0x3FAD]  }
0x2b: {  	s6 =	sld [smem:$0x3FAE]  }
0x2c: {  	s7 =	sld [smem:$0x3FAF]  }
0x2d: {  	s3 =	simm.s32 $0x108;
	s8 =	sld [smem:$0x3FB0]  }
0x2e: {  	s3 =	simm.s32 @!p0 $0x1082;
	s9 =	sld [smem:$0x3FB1]  }
0x2f: {  	lr =	sadd.s32 s0, s3;
	s0 =	sld [smem:$0x3FA8]  }
0x30: {  	s3 =	sld [smem:$0x3FAB]  }
0x31: {  	[smem:$0x3FB4] =	sst s10  }
0x32: {  	s10 =	sld [smem:$0x3FB2];
	_ =	sdelay $0x3  }
0x33: {  	p0 =	seq.s32 s10, $0x1;
	s10 =	sld [smem:$0x3FB4];
	_ =	sdelay $0x3  }
0x34: {  	[smem:$0x3FB4] =	sst s10  }
0x35: {  	s10 =	sld [smem:$0x3FB3];
	_ =	sdelay $0x3  }
0x36: {  	p1 =	seq.s32 s10, $0x1;
	s10 =	sld [smem:$0x3FB4];
	_ =	sdelay $0x3  }
0x37: {  	[smem:$0x3FB4] =	sst s10  }
0x38: {  	s10 =	sld [smem:$0x3FB5]  }
0x39: {  	_ = 	snop;
	(pc) =	sbr.ind lr, $3  }
0x3a: {  	_ = 	snop  }
0x3b: {  	_ = 	snop  }
0x3c: {  	p2 =	seq.s32 s10, $0x1;
	s10 =	sld [smem:$0x3FB4]  }
0x3d: {  	_ =	shalt  }
0x3e: {  	_ =	shalt  }
0x3f: {  	_ =	shalt  }
0x40: {  	_ =	shalt  }
0x41: {  	_ =	shalt  }
0x42: {  	_ =	shalt  }
0x43: {  	_ =	shalt  }
0x44: {  	_ =	shalt  }
0x45: {  	_ =	shalt  }
0x46: {  	_ =	shalt  }
0x47: {  	_ =	shalt  }
0x48: {  	_ =	shalt  }
0x49: {  	_ =	shalt  }
0x4a: {  	_ =	shalt  }
0x4b: {  	_ =	shalt  }
0x4c: {  	_ =	shalt  }
0x4d: {  	_ =	shalt  }
0x4e: {  	_ =	shalt  }
0x4f: {  	_ =	shalt  }
0x50: {  	_ =	shalt  }
0x51: {  	_ =	shalt  }
0x52: {  	_ =	shalt  }
0x53: {  	_ =	shalt  }
0x54: {  	_ =	shalt  }
0x55: {  	_ =	shalt  }
0x56: {  	_ =	shalt  }
0x57: {  	_ =	shalt  }
0x58: {  	_ =	shalt  }
0x59: {  	_ =	shalt  }
0x5a: {  	_ =	shalt  }
0x5b: {  	_ =	shalt  }
0x5c: {  	_ =	shalt  }
0x5d: {  	_ =	shalt  }
0x5e: {  	_ =	shalt  }
0x5f: {  	_ =	shalt  }
0x60: {  	_ =	shalt  }
0x61: {  	_ =	shalt  }
0x62: {  	_ =	shalt  }
0x63: {  	_ =	shalt  }
0x64: {  	_ =	shalt  }
0x65: {  	_ =	shalt  }
0x66: {  	_ =	shalt  }
0x67: {  	_ =	shalt  }
0x68: {  	_ =	shalt  }
0x69: {  	_ =	shalt  }
0x6a: {  	_ =	shalt  }
0x6b: {  	_ =	shalt  }
0x6c: {  	_ =	shalt  }
0x6d: {  	_ =	shalt  }
0x6e: {  	_ =	shalt  }
0x6f: {  	_ =	shalt  }
0x70: {  	_ =	shalt  }
0x71: {  	_ =	shalt  }
0x72: {  	_ =	shalt  }
0x73: {  	_ =	shalt  }
0x74: {  	_ =	shalt  }
0x75: {  	_ =	shalt  }
0x76: {  	_ =	shalt  }
0x77: {  	_ =	shalt  }
0x78: {  	_ =	shalt  }
0x79: {  	_ =	shalt  }
0x7a: {  	_ =	shalt  }
0x7b: {  	_ =	shalt  }
0x7c: {  	_ =	shalt  }
0x7d: {  	_ =	shalt  }
0x7e: {  	_ =	shalt  }
0x7f: {  	_ =	shalt  }
0x80: {  	_ =	shalt  }
0x81: {  	_ =	shalt  }
0x82: {  	_ =	shalt  }
0x83: {  	_ =	shalt  }
0x84: {  	_ =	shalt  }
0x85: {  	_ =	shalt  }
0x86: {  	_ =	shalt  }
0x87: {  	_ =	shalt  }
.Lfunc_end0:
.L_simem_size_0:
called_computation.1_lowered:
.L_overlay_start_0:
0x88: {  	s2 =	sld [smem:$0x3FD9]  }
0x89: {  	s3 =	sld [smem:$0x3FFE];
	_ =	sdelay $0x1  }
0x8a: {  	s1 =	srdreg.scid  }
0x8b: {  	s0 =	sand.u32 $0x1, s1  }
0x8c: {  	s17 =	sshll.u32 s0, $0xA;
	s2 =	sadd.s32 s3, s2  }
0x8d: {  	s2 =	sadd.s32 s2, s17  }
0x8e: {  	[smem:$0x3FC0] =	sst s2  }
0x8f: {  	_ = 	snop  }
0x90: {  	s2 =	sld [smem:$0x3FD0];
	(tm) =	ssettm $0x1  }
0x91: {  	s18 =	sld [smem:$0x3FFB];
	_ =	sdelay $0x3  }
0x92: {  	_ =	strace s18  }
0x93: {  	s3 =	sld [smem:$0x3FFC];
	_ =	sdelay $0x3  }
0x94: {  	_ =	strace s3  }
0x95: {  	s3 =	sld [smem:$0x3FFD];
	_ =	sdelay $0x3  }
0x96: {  	_ =	strace s3  }
0x97: {  	_ =	strace $0x8FFFFFFF  }
0x98: {  	s19 =	sld [smem:$0x3FDB];
	_ =	sdelay $0x1  }
0x99: {  	s4 =	simm.s32 $_scs_section_size  }
0x9a: {  	s5 =	simm.s32 $_size__tile_overlayer_lowered;
	s6 =	simm.s32 $_tile_overlayer_lowered  }
0x9b: {  	s22 =	simm.s32 $0x1BFF;
	s21 =	sshll.u32 s6, $0x1;
	s3 =	sadd.s32 s4, s19  }
0x9c: {  	s7 =	simm.s32 $0x0;
	s20 =	sshll.u32 s5, $0x1;
	s5 =	sadd.s32 s21, s3  }
0x9d: {  	[timem:s7], [sflag:s22] =	dma.local [hbm:s5], s20  }
0x9e: {  	_ =	swait.ge [sflag:s22], s20  }
0x9f: {  	s4 =	ssub.s32 $0x0, s20;
	[sflag:s22] =	ssyncset.done $0x0  }
0xa0: {  	[sflag:s22] =	ssyncadd.s32 s4;
	_ =	sdelay $0x1  }
0xa1: {  	s23 =	simm.s32 $0x1B8B  }
0xa2: {  	_ =	swait.ge [sflag:s23], $0x1  }
0xa3: {  	[sflag:s23] =	ssyncset.done $0x0  }
0xa4: {  	s25 =	simm.s32 $0x1B8E;
	s24 =	sld [smem:$0x3FFE];
	[sflag:s23] =	ssyncadd.s32 $0xFFFFFFFF  }
0xa5: {  	s26 =	simm.s32 $execute0_lowered;
	[smem:$0x3FD2] =	sst s25  }
0xa6: {  	s5 =	sshll.u32 s26, $0x1;
	_ =	strace $0x80000049;
	[dreg:$0x1] =	wrdreg $0xFFFFFFFF  }
0xa7: {  	s28 =	simm.s32 $_size_execute0_lowered;
	s3 =	sadd.s32 s3, s5;
	[dreg:$0x0] =	wrdreg $0x0  }
0xa8: {  	s5 =	sshll.u32 s28, $0x1;
	[dreg:$0x2] =	wrdreg s3  }
0xa9: {  	[dreg:$0x3] =	wrdreg s5  }
0xaa: {  	[dreg:$0x4] =	wrdreg $0xC0  }
0xab: {  	_ =	task [dreg:s7], $0x5FFFF  }
0xac: {  	[dreg:$0x1] =	wrdreg $0xFFFFFFFF  }
0xad: {  	[dreg:$0x0] =	wrdreg $0x60  }
0xae: {  	[dreg:$0x2] =	wrdreg s2  }
0xaf: {  	[dreg:$0x3] =	wrdreg s24  }
0xb0: {  	[dreg:$0x4] =	wrdreg $0xB0000  }
0xb1: {  	[dreg:$0x5] =	wrdreg $0x9  }
0xb2: {  	_ =	task.clear_ibuf [dreg:s7], $0x6FFFF;
	_ =	strace $0x90000049  }
0xb3: {  	s29 =	simm.s32 $0x9;
	_ =	strace $0x8000004B  }
0xb4: {  	_ =	swait.ge [sflag:s29], $0x1  }
0xb5: {  	[sflag:s29] =	ssyncadd.s32 $0xFFFFFFFF  }
0xb6: {  	_ =	strace $0x9000004B  }
0xb7: {  	_ =	sfence  }
0xb8: {  	s30 =	sld [smem:$0x0];
	_ =	sdelay $0x2  }
0xb9: {  	s31 =	sshll.u32 s1, $0xD;
	s1 =	sshrl.u32 s1, $0x2  }
0xba: {  	s3 =	sand.u32 $0x4000, s31;
	s1 =	sadd.s32 s1, s30  }
0xbb: {  	s0 =	sor.u32 s3, s0;
	s1 =	sshll.u32 s1, $0x11  }
0xbc: {  	s0 =	sor.u32 s1, s0  }
0xbd: {  	s0 =	sadd.s32 $0x8F2B, s0  }
0xbe: {  	[sflag:s0] =	ssyncadd.remote.s32 $0x1  }
0xbf: {  	_ =	sfence.sel $0xFFFF  }
0xc0: {  	[dreg:$0x0] =	wrdreg $0xFFFFFFFF;
	(pc) =	sbr.abs _section_cstart, $3  }
0xc1: {  	[dreg:$0x1] =	wrdreg $0xFFFFFFFF  }
0xc2: {  	_ =	task.clear_ibuf [dreg:s7], $0x2FFFF;
	_ =	strace $0x9FFFFFFF  }
0xc3: {  	(tm) =	ssettm $0x7FFFFFFF  }
tec
execute0_lowered:
.L_overlay_start_1:
0x0: {  	(tag) =	ssettag $0x1  }
0x1: {  	s0 =	rddreg [dreg:$0x0]  }
0x2: {  	s1 =	rddreg [dreg:$0x1];
	s2 =	srdreg.scid  }
0x3: {  	s3 =	rddreg [dreg:$0x2];
	s12 =	stileid.u32  }
0x4: {  	s4 =	simm.s32 $0x0;
	s29 =	simm.s32 $0xA;
	s8 =	smul.u32 $0x13C00, s12  }
0x5: {  	s31 =	simm.s32 $0x9;
	s30 =	simm.s32 $0x5;
	s9 =	smul.u32 $0x4F000, s12  }
0x6: {  	s2 =	sand.u32 $0x1, s2;
	[smem:$0x7FF] =	sst s4;
	s15 =	smul.u32 $0xC00, s12  }
0x7: {  	s5 =	sadd.s32 $0x16400, s1;
	s6 =	sadd.s32 $0x2400, s1;
	s7 =	smul.u32 $0x13C000, s2  }
0x8: {  	_ =	strace $0x8000004A;
	s23 =	ssub.s32 $0x2, s2;
	p0 =	seq.s32 s2, $0x1  }
0x9: {  	s2 =	simm.s32 $0x3;
	s9 =	sshrl.u32 s9, $0x2;
	s11 =	sshrl.u32 s23, $0x1  }
0xa: {  	s7 =	sadd.s32 s8, s7;
	s13 =	sadd.s32 s9, s3;
	s8 =	ssub.s32 s23, s11  }
0xb: {  	s9 =	smul.u32 $0x1280, s12;
	s24 =	sadd.s32 $0x2780, s13;
	[dreg:$0x4] =	wrdreg s13  }
0xc: {  	s11 =	smul.u32 $0x180, s12;
	s25 =	sadd.s32 $0x4F00, s13;
	[dreg:$0x5] =	wrdreg s24  }
0xd: {  	s12 =	sshrl.u32 s15, $0x3;
	s26 =	sadd.s32 $0x7680, s13;
	[dreg:$0x6] =	wrdreg s25  }
0xe: {  	s10 =	sshrl.u32 s7, $0x3;
	s28 =	sadd.s32 $0x9E00, s13;
	[dreg:$0x7] =	wrdreg s26  }
0xf: {  	s14 =	sadd.s32 $0xED00, s13;
	s22 =	sadd.s32 $0x12840, s12;
	[dreg:$0x8] =	wrdreg s28  }
0x10: {  	s1 =	sadd.s32 s10, s1;
	s10 =	sadd.s32 $0xC580, s13;
	[dreg:$0xa] =	wrdreg s14  }
0x11: {  	s16 =	sadd.s32 s5, s9;
	s17 =	sadd.s32 s6, s9;
	s18 =	sor.u32 $0x40, s9  }
0x12: {  	s24 =	sadd.s32 s5, s22;
	s25 =	sadd.s32 s6, s22;
	[dreg:$0x9] =	wrdreg s10  }
0x13: {  	s26 =	smax.u32 s8, $0x1;
	s28 =	sadd.s32 $0x11480, s13;
	[dreg:$0xb] =	wrdreg s16  }
0x14: {  	s14 =	simm.s32 $0x800;
	s8 =	simm.s32 $0x7;
	[dreg:$0xc] =	wrdreg s17  }
0x15: {  	s19 =	sadd.s32 s5, s18;
	s10 =	sadd.s32 $0x12800, s11;
	[dreg:$0x11] =	wrdreg s24  }
0x16: {  	s20 =	sadd.s32 s6, s18;
	[dreg:$0x12] =	wrdreg s25;
	s1 =	sadd.s32 $0x2A400, s1  }
0x17: {  	[dreg:$0x14] =	wrdreg s26;
	s24 =	sadd.s32 $0x80, s9;
	s25 =	sadd.s32 $0x94400, s15  }
0x18: {  	[dreg:$0x15] =	wrdreg s28;
	s15 =	simm.s32 $0x2800;
	s17 =	simm.s32 $0x4800  }
.Ltmp0:
0x19: {  	s16 =	simm.s32 $0x2;
	[dreg:$0xd] =	wrdreg s19;
	(pc) =	sbr.rel .LBB2_1-.Ltmp0, $4  }
0x1a: {  	s18 =	simm.s32 $0x4;
	s9 =	simm.s32 $0x8;
	[dreg:$0xe] =	wrdreg s20  }
0x1b: {  	s21 =	sadd.s32 s5, s10;
	s23 =	sadd.s32 s6, s10;
	[dreg:$0x13] =	wrdreg s1  }
0x1c: {  	s1 =	simm.s32 $0x40;
	s19 =	simm.s32 $0x6800;
	[dreg:$0xf] =	wrdreg s21  }
0x1d: {  	v0 =	vimm.f32 $0.0e+00;
	s20 =	simm.s32 $0x6;
	[dreg:$0x10] =	wrdreg s23;
	s21 =	simm.s32 $0x1  }
.LBB2_10:
0x1e: {  	_ =	swait.ge [sflag:s30], $0x2000  }
0x1f: {  	[sflag:s30] =	ssyncset.done $0x0  }
0x20: {  	[sflag:s30] =	ssyncadd.s32 $0xFFFFE000  }
0x21: {  	_ =	swait.ge [sflag:s20], $0x2000  }
0x22: {  	[sflag:s20] =	ssyncset.done $0x0  }
0x23: {  	[sflag:s20] =	ssyncadd.s32 $0xFFFFE000  }
0x24: {  	_ =	swait.ge [sflag:s8], $0x2000  }
0x25: {  	[sflag:s8] =	ssyncset.done $0x0  }
0x26: {  	[sflag:s8] =	ssyncadd.s32 $0xFFFFE000  }
0x27: {  	_ =	swait.ge [sflag:s9], $0x2000  }
0x28: {  	[sflag:s9] =	ssyncset.done $0x0  }
0x29: {  	[sflag:s9] =	ssyncadd.s32 $0xFFFFE000  }
.LBB2_11:
0x2a: {  	s7 =	stileid.u32;
	[bflag:$0x0] =	sbarrier.arrive $0xFFFF  }
0x2b: {  	s7 =	sshll.u32 s7, $0x6;
	s13 =	rddreg [dreg:$0x4]  }
0x2c: {  	s11 =	rddreg [dreg:$0x13];
	s7 =	sor.u32 $0x1C0A, s7;
	s10 =	sshrl.u32 s13, $0x3  }
0x2d: {  	[hbm:s11], [sflag:s7] =	dma.local [spmem:s10], $0x2780  }
0x2e: {  	_ =	swait.ge [sflag:s29], $0x2780  }
0x2f: {  	s4 =	sadd.s32 $0x1, s4;
	s28 =	rddreg [dreg:$0x14]  }
0x30: {  	p1 =	sne.s32 s4, s28  }
.Ltmp1:
0x31: {  	_ = 	snop;
	(pc) =	sbr.rel @!p1 .LBB2_12-.Ltmp1, $3  }
0x32: {  	_ =	sdelay $0x1  }
0x33: {  	[sflag:s29] =	ssyncset.done $0x0  }
0x34: {  	[sflag:s29] =	ssyncadd.s32 $0xFFFFD880  }
.LBB2_1:
0x35: {  	s10 =	simm.s32 $0x0;
	s11 =	simm.s32 $0x200  }
.LBB2_2:
0x36: {  	p1 =	sne.s32 s11, $0x9C00;
	[tilespmem:s10+$0x8870] =	vst v0  }
0x37: {  	[tilespmem:s10+$0x8800] =	vst v0  }
0x38: {  	[tilespmem:s10+$0x8810] =	vst v0  }
.Ltmp2:
0x39: {  	[tilespmem:s10+$0x8820] =	vst v0;
	(pc) =	sbr.rel @p1 .LBB2_2-.Ltmp2, $4  }
0x3a: {  	[tilespmem:s10+$0x8830] =	vst v0  }
0x3b: {  	[tilespmem:s10+$0x8840] =	vst v0  }
0x3c: {  	[tilespmem:s10+$0x8850] =	vst v0  }
0x3d: {  	[tilespmem:s10+$0x8860] =	vst v0;
	s10 =	sshra.s32 s11, $0x2;
	s11 =	sadd.s32 $0x200, s11  }
0x3e: {  	[tilespmem:s10+$0x8870] =	vst v0  }
0x3f: {  	[tilespmem:s10+$0x8800] =	vst v0  }
0x40: {  	[tilespmem:s10+$0x8810] =	vst v0  }
0x41: {  	[tilespmem:s10+$0x8820] =	vst v0  }
0x42: {  	[tilespmem:s10+$0x8830] =	vst v0  }
0x43: {  	[tilespmem:s10+$0x8840] =	vst v0  }
0x44: {  	[tilespmem:s10+$0x8850] =	vst v0  }
0x45: {  	[tilespmem:s10+$0x8860] =	vst v0;
	s11 =	simm.s32 $0x8800  }
0x46: {  	[spmem:s13] =	stream.linear.scatter [tilespmem:s11], [sflag:$0xA], $0x2780, $0x38;
	[tilespmem:$0x1EC00] =	vst v63  }
0x47: {  	_ =	swait.ge [sflag:s29], $0x2780  }
0x48: {  	[sflag:s29] =	ssyncset.done $0x0  }
0x49: {  	s7 =	rddreg [dreg:$0x5];
	[sflag:s29] =	ssyncadd.s32 $0xFFFFD880  }
0x4a: {  	[spmem:s7] =	stream.linear.scatter [tilespmem:s11], [sflag:$0xA], $0x2780, $0x38;
	[tilespmem:$0x1EC00] =	vst v63  }
0x4b: {  	_ =	swait.ge [sflag:s29], $0x2780  }
0x4c: {  	[sflag:s29] =	ssyncset.done $0x0  }
0x4d: {  	s12 =	rddreg [dreg:$0x6];
	[sflag:s29] =	ssyncadd.s32 $0xFFFFD880  }
0x4e: {  	[spmem:s12] =	stream.linear.scatter [tilespmem:s11], [sflag:$0xA], $0x2780, $0x38;
	[tilespmem:$0x1EC00] =	vst v63  }
0x4f: {  	_ =	swait.ge [sflag:s29], $0x2780  }
0x50: {  	[sflag:s29] =	ssyncset.done $0x0  }
0x51: {  	s13 =	rddreg [dreg:$0x7];
	[sflag:s29] =	ssyncadd.s32 $0xFFFFD880  }
0x52: {  	[spmem:s13] =	stream.linear.scatter [tilespmem:s11], [sflag:$0xA], $0x2780, $0x38;
	[tilespmem:$0x1EC00] =	vst v63  }
0x53: {  	_ =	swait.ge [sflag:s29], $0x2780  }
0x54: {  	[sflag:s29] =	ssyncset.done $0x0  }
0x55: {  	s22 =	rddreg [dreg:$0x8];
	[sflag:s29] =	ssyncadd.s32 $0xFFFFD880  }
0x56: {  	[spmem:s22] =	stream.linear.scatter [tilespmem:s11], [sflag:$0xA], $0x2780, $0x38;
	[tilespmem:$0x1EC00] =	vst v63  }
0x57: {  	_ =	swait.ge [sflag:s29], $0x2780  }
0x58: {  	[sflag:s29] =	ssyncset.done $0x0  }
0x59: {  	s23 =	rddreg [dreg:$0x9];
	[sflag:s29] =	ssyncadd.s32 $0xFFFFD880  }
0x5a: {  	[spmem:s23] =	stream.linear.scatter [tilespmem:s11], [sflag:$0xA], $0x2780, $0x38;
	[tilespmem:$0x1EC00] =	vst v63  }
0x5b: {  	_ =	swait.ge [sflag:s29], $0x2780  }
0x5c: {  	[sflag:s29] =	ssyncset.done $0x0  }
0x5d: {  	s26 =	rddreg [dreg:$0xa];
	[sflag:s29] =	ssyncadd.s32 $0xFFFFD880  }
0x5e: {  	[spmem:s26] =	stream.linear.scatter [tilespmem:s11], [sflag:$0xA], $0x2780, $0x38;
	[tilespmem:$0x1EC00] =	vst v63  }
0x5f: {  	_ =	swait.ge [sflag:s29], $0x2780  }
0x60: {  	[sflag:s29] =	ssyncset.done $0x0  }
0x61: {  	s28 =	rddreg [dreg:$0x15];
	[sflag:s29] =	ssyncadd.s32 $0xFFFFD880  }
0x62: {  	[spmem:s28] =	stream.linear.scatter [tilespmem:s11], [sflag:$0xA], $0x2780, $0x38;
	[tilespmem:$0x1EC00] =	vst v63  }
.Ltmp3:
0x63: {  	_ =	swait.ge [sflag:s29], $0x2780;
	(pc) =	sbr.rel @!p0 .LBB2_4-.Ltmp3, $4  }
0x64: {  	[sflag:s29] =	ssyncset.done $0x0  }
0x65: {  	[sflag:s29] =	ssyncadd.s32 $0xFFFFD880  }
0x66: {  	[bflag:$0x0] =	sbarrier.arrive $0xFFFF  }
0x67: {  	s10 =	simm.s32 $0x0  }
0x68: {  	s7 =	rddreg [dreg:$0xf]  }
0x69: {  	[tilespmem:s10], [sflag:$0x9] =	stream.linear.gather [hbm4b:s7+s10], $0x200, $0x38;
	[tilespmem:$0x1EC00] =	vst v63  }
0x6a: {  	s28 =	rddreg [dreg:$0x10];
	s11 =	simm.s32 $0x400  }
0x6b: {  	[tilespmem:s11], [sflag:$0x9] =	stream.linear.gather [hbm4b:s28+s10], $0x200, $0x38;
	[tilespmem:$0x1EC00] =	vst v63  }
0x6c: {  	_ =	swait.ge [sflag:s31], $0x200  }
0x6d: {  	[sflag:s31] =	ssyncset.done $0x0  }
0x6e: {  	[sflag:s31] =	ssyncadd.s32 $0xFFFFFE00  }
0x6f: {  	_ =	swait.ge [sflag:s31], $0x200  }
0x70: {  	[sflag:s31] =	ssyncset.done $0x0  }
0x71: {  	s11 =	simm.s32 $0x800;
	[sflag:s31] =	ssyncadd.s32 $0xFFFFFE00  }
0x72: {  	[tilespmem:s11], [sflag:$0x1] =	stream.indirect.gather [hbm4b:s0+s1], $0x80, s10, s1, $0xb8;
	[tilespmem:$0x1EC00] =	vst v63  }
0x73: {  	s12 =	simm.s32 $0x80  }
0x74: {  	[tilespmem:s15], [sflag:$0x2] =	stream.indirect.gather [hbm4b:s0+s1], $0x80, s12, s1, $0xb8;
	[tilespmem:$0x1EC00] =	vst v63  }
0x75: {  	s13 =	simm.s32 $0x100  }
0x76: {  	[tilespmem:s17], [sflag:$0x3] =	stream.indirect.gather [hbm4b:s0+s1], $0x80, s13, s1, $0xb8;
	[tilespmem:$0x1EC00] =	vst v63  }
0x77: {  	s22 =	simm.s32 $0x180  }
0x78: {  	[tilespmem:s19], [sflag:$0x4] =	stream.indirect.gather [hbm4b:s0+s1], $0x80, s22, s1, $0xb8;
	[tilespmem:$0x1EC00] =	vst v63  }
0x79: {  	s23 =	rddreg [dreg:$0x11];
	s12 =	simm.s32 $0x200  }
0x7a: {  	[tilespmem:s12], [sflag:$0x9] =	stream.linear.gather [hbm4b:s23+s10], $0x200, $0x38;
	[tilespmem:$0x1EC00] =	vst v63  }
0x7b: {  	s28 =	simm.s32 $0x600;
	s26 =	rddreg [dreg:$0x12];
	s12 =	simm.s32 $0x0  }
0x7c: {  	[tilespmem:s28], [sflag:$0x9] =	stream.linear.gather [hbm4b:s26+s10], $0x200, $0x38;
	[tilespmem:$0x1EC00] =	vst v63  }
.LBB2_8:
0x7d: {  	_ =	swait.ge [sflag:s21], $0x2000  }
0x7e: {  	s22 =	sand.u32 $0x200, s12;
	[sflag:s21] =	ssyncset.done $0x0  }
0x7f: {  	s13 =	sor.u32 $0x400, s22;
	[sflag:s21] =	ssyncadd.s32 $0xFFFFE000  }
0x80: {  	[spmem:s3] =	stream.indirect.scatter.add.f32 [tilespmem:s14], [sflag:$0x5], $0x80, s13, s1, $0xb8;
	[tilespmem:$0x1EC00] =	vst v63  }
0x81: {  	_ =	swait.ge [sflag:s16], $0x2000  }
0x82: {  	[sflag:s16] =	ssyncset.done $0x0  }
0x83: {  	s7 =	sor.u32 $0x480, s22;
	[sflag:s16] =	ssyncadd.s32 $0xFFFFE000  }
0x84: {  	[spmem:s3] =	stream.indirect.scatter.add.f32 [tilespmem:s15], [sflag:$0x6], $0x80, s7, s1, $0xb8;
	[tilespmem:$0x1EC00] =	vst v63  }
0x85: {  	_ =	swait.ge [sflag:s2], $0x2000  }
0x86: {  	[sflag:s2] =	ssyncset.done $0x0  }
0x87: {  	p1 =	seq.s32 s10, $0x5;
	s26 =	sor.u32 $0x500, s22;
	[sflag:s2] =	ssyncadd.s32 $0xFFFFE000  }
0x88: {  	[spmem:s3] =	stream.indirect.scatter.add.f32 [tilespmem:s17], [sflag:$0x7], $0x80, s26, s1, $0xb8;
	[tilespmem:$0x1EC00] =	vst v63  }
.Ltmp4:
0x89: {  	_ = 	snop;
	(pc) =	sbr.rel @p1 .LBB2_10-.Ltmp4, $4  }
0x8a: {  	_ =	swait.ge [sflag:s18], $0x2000  }
0x8b: {  	[sflag:s18] =	ssyncset.done $0x0  }
0x8c: {  	s28 =	sor.u32 $0x580, s22;
	[sflag:s18] =	ssyncadd.s32 $0xFFFFE000  }
0x8d: {  	[spmem:s3] =	stream.indirect.scatter.add.f32 [tilespmem:s19], [sflag:$0x8], $0x80, s28, s1, $0xb8;
	[tilespmem:$0x1EC00] =	vst v63  }
0x8e: {  	_ =	swait.ge [sflag:s31], $0x200  }
0x8f: {  	[sflag:s31] =	ssyncset.done $0x0  }
0x90: {  	[sflag:s31] =	ssyncadd.s32 $0xFFFFFE00  }
0x91: {  	_ =	swait.ge [sflag:s31], $0x200  }
0x92: {  	[sflag:s31] =	ssyncset.done $0x0  }
0x93: {  	[sflag:s31] =	ssyncadd.s32 $0xFFFFFE00  }
0x94: {  	_ =	swait.ge [sflag:s30], $0x2000  }
0x95: {  	s7 =	sshrl.u32 s11, $0x2;
	[sflag:s30] =	ssyncset.done $0x0  }
0x96: {  	s7 =	sand.u32 $0x200, s7;
	[sflag:s30] =	ssyncadd.s32 $0xFFFFE000  }
0x97: {  	[tilespmem:s14], [sflag:$0x1] =	stream.indirect.gather [hbm4b:s0+s1], $0x80, s7, s1, $0xb8;
	[tilespmem:$0x1EC00] =	vst v63  }
0x98: {  	_ =	swait.ge [sflag:s20], $0x2000  }
0x99: {  	[sflag:s20] =	ssyncset.done $0x0  }
0x9a: {  	s23 =	sor.u32 $0x80, s7;
	[sflag:s20] =	ssyncadd.s32 $0xFFFFE000  }
0x9b: {  	[tilespmem:s15], [sflag:$0x2] =	stream.indirect.gather [hbm4b:s0+s1], $0x80, s23, s1, $0xb8;
	[tilespmem:$0x1EC00] =	vst v63  }
0x9c: {  	_ =	swait.ge [sflag:s8], $0x2000  }
0x9d: {  	[sflag:s8] =	ssyncset.done $0x0  }
0x9e: {  	s28 =	sor.u32 $0x100, s7;
	[sflag:s8] =	ssyncadd.s32 $0xFFFFE000  }
0x9f: {  	[tilespmem:s17], [sflag:$0x3] =	stream.indirect.gather [hbm4b:s0+s1], $0x80, s28, s1, $0xb8;
	[tilespmem:$0x1EC00] =	vst v63  }
0xa0: {  	_ =	swait.ge [sflag:s9], $0x2000  }
0xa1: {  	[sflag:s9] =	ssyncset.done $0x0  }
0xa2: {  	p1 =	sgt.u32 s10, $0x3;
	s7 =	sor.u32 $0x180, s7;
	[sflag:s9] =	ssyncadd.s32 $0xFFFFE000  }
0xa3: {  	[tilespmem:s19], [sflag:$0x4] =	stream.indirect.gather [hbm4b:s0+s1], $0x80, s7, s1, $0xb8;
	[tilespmem:$0x1EC00] =	vst v63  }
0xa4: {  	s7 =	sadd.s32 @!p1 s12, s25  }
0xa5: {  	s7 =	sand.u32 @!p1 $0xFFC00, s7  }
0xa6: {  	s7 =	sor.u32 @!p1 s22, s7  }
0xa7: {  	s7 =	sshrl.u32 @!p1 s7, $0x3  }
0xa8: {  	s26 =	simm.s32 @!p1 $0x0;
	s23 =	sadd.s32 @!p1 s5, s7  }
0xa9: {  	[tilespmem:s22], [sflag:$0x9] =	stream.linear.gather @!p1 [hbm4b:s23+s26], $0x200, $0x38;
	[tilespmem:$0x1EC00] =	vst v63  }
0xaa: {  	s10 =	sadd.s32 $0x1, s10;
	s7 =	sadd.s32 @!p1 s6, s7  }
0xab: {  	[tilespmem:s13], [sflag:$0x9] =	stream.linear.gather @!p1 [hbm4b:s7+s26], $0x200, $0x38;
	[tilespmem:$0x1EC00] =	vst v63  }
0xac: {  	p1 =	seq.s32 s10, $0x6  }
.Ltmp5:
0xad: {  	_ = 	snop;
	(pc) =	sbr.rel @!p1 .LBB2_8-.Ltmp5, $4  }
.Ltmp6:
0xae: {  	_ = 	snop;
	(pc) =	sbr.rel @p1 .LBB2_11-.Ltmp6, $4  }
0xaf: {  	_ = 	snop  }
0xb0: {  	_ = 	snop  }
0xb1: {  	s11 =	sadd.s32 $0x800, s11;
	s12 =	sadd.s32 $0x200, s12  }
0xb2: {  	_ = 	snop  }
.LBB2_4:
0xb3: {  	s7 =	rddreg [dreg:$0xb]  }
0xb4: {  	[tilespmem:s10], [sflag:$0x9] =	stream.linear.gather [hbm4b:s7+s10], $0x200, $0x38;
	[tilespmem:$0x1EC00] =	vst v63  }
0xb5: {  	s28 =	rddreg [dreg:$0xc];
	s11 =	simm.s32 $0x400  }
0xb6: {  	[tilespmem:s11], [sflag:$0x9] =	stream.linear.gather [hbm4b:s28+s10], $0x200, $0x38;
	[tilespmem:$0x1EC00] =	vst v63  }
0xb7: {  	_ =	swait.ge [sflag:s31], $0x200  }
0xb8: {  	[sflag:s31] =	ssyncset.done $0x0  }
0xb9: {  	[sflag:s31] =	ssyncadd.s32 $0xFFFFFE00  }
0xba: {  	_ =	swait.ge [sflag:s31], $0x200  }
0xbb: {  	[sflag:s31] =	ssyncset.done $0x0  }
0xbc: {  	s11 =	simm.s32 $0x800;
	[sflag:s31] =	ssyncadd.s32 $0xFFFFFE00  }
0xbd: {  	[tilespmem:s11], [sflag:$0x1] =	stream.indirect.gather [hbm4b:s0+s1], $0x80, s10, s1, $0xb8;
	[tilespmem:$0x1EC00] =	vst v63  }
0xbe: {  	s12 =	simm.s32 $0x80  }
0xbf: {  	[tilespmem:s15], [sflag:$0x2] =	stream.indirect.gather [hbm4b:s0+s1], $0x80, s12, s1, $0xb8;
	[tilespmem:$0x1EC00] =	vst v63  }
0xc0: {  	s13 =	simm.s32 $0x100  }
0xc1: {  	[tilespmem:s17], [sflag:$0x3] =	stream.indirect.gather [hbm4b:s0+s1], $0x80, s13, s1, $0xb8;
	[tilespmem:$0x1EC00] =	vst v63  }
0xc2: {  	s22 =	simm.s32 $0x180  }
0xc3: {  	[tilespmem:s19], [sflag:$0x4] =	stream.indirect.gather [hbm4b:s0+s1], $0x80, s22, s1, $0xb8;
	[tilespmem:$0x1EC00] =	vst v63  }
0xc4: {  	s28 =	simm.s32 $0x600;
	s23 =	rddreg [dreg:$0xd];
	s12 =	simm.s32 $0x200  }
0xc5: {  	[tilespmem:s12], [sflag:$0x9] =	stream.linear.gather [hbm4b:s23+s10], $0x200, $0x38;
	[tilespmem:$0x1EC00] =	vst v63  }
0xc6: {  	s26 =	rddreg [dreg:$0xe];
	s13 =	simm.s32 $0x0;
	s12 =	simm.s32 $0x0  }
0xc7: {  	[tilespmem:s28], [sflag:$0x9] =	stream.linear.gather [hbm4b:s26+s10], $0x200, $0x38;
	[tilespmem:$0x1EC00] =	vst v63  }
.LBB2_5:
0xc8: {  	_ =	swait.ge [sflag:s21], $0x2000  }
0xc9: {  	s22 =	sand.u32 $0x200, s10;
	[sflag:s21] =	ssyncset.done $0x0  }
0xca: {  	s23 =	sor.u32 $0x400, s22;
	[sflag:s21] =	ssyncadd.s32 $0xFFFFE000  }
0xcb: {  	[spmem:s3] =	stream.indirect.scatter.add.f32 [tilespmem:s14], [sflag:$0x5], $0x80, s23, s1, $0xb8;
	[tilespmem:$0x1EC00] =	vst v63  }
0xcc: {  	_ =	swait.ge [sflag:s16], $0x2000  }
0xcd: {  	[sflag:s16] =	ssyncset.done $0x0  }
0xce: {  	s26 =	sor.u32 $0x480, s22;
	[sflag:s16] =	ssyncadd.s32 $0xFFFFE000  }
0xcf: {  	[spmem:s3] =	stream.indirect.scatter.add.f32 [tilespmem:s15], [sflag:$0x6], $0x80, s26, s1, $0xb8;
	[tilespmem:$0x1EC00] =	vst v63  }
0xd0: {  	_ =	swait.ge [sflag:s2], $0x2000  }
0xd1: {  	[sflag:s2] =	ssyncset.done $0x0  }
0xd2: {  	p1 =	seq.s32 s12, $0x1240;
	s7 =	sor.u32 $0x500, s22;
	[sflag:s2] =	ssyncadd.s32 $0xFFFFE000  }
0xd3: {  	[spmem:s3] =	stream.indirect.scatter.add.f32 [tilespmem:s17], [sflag:$0x7], $0x80, s7, s1, $0xb8;
	[tilespmem:$0x1EC00] =	vst v63  }
.Ltmp7:
0xd4: {  	_ = 	snop;
	(pc) =	sbr.rel @p1 .LBB2_10-.Ltmp7, $4  }
0xd5: {  	_ =	swait.ge [sflag:s18], $0x2000  }
0xd6: {  	[sflag:s18] =	ssyncset.done $0x0  }
0xd7: {  	s28 =	sor.u32 $0x580, s22;
	[sflag:s18] =	ssyncadd.s32 $0xFFFFE000  }
0xd8: {  	[spmem:s3] =	stream.indirect.scatter.add.f32 [tilespmem:s19], [sflag:$0x8], $0x80, s28, s1, $0xb8;
	[tilespmem:$0x1EC00] =	vst v63  }
0xd9: {  	_ =	swait.ge [sflag:s31], $0x200  }
0xda: {  	[sflag:s31] =	ssyncset.done $0x0  }
0xdb: {  	[sflag:s31] =	ssyncadd.s32 $0xFFFFFE00  }
0xdc: {  	_ =	swait.ge [sflag:s31], $0x200  }
0xdd: {  	[sflag:s31] =	ssyncset.done $0x0  }
0xde: {  	[sflag:s31] =	ssyncadd.s32 $0xFFFFFE00  }
0xdf: {  	_ =	swait.ge [sflag:s30], $0x2000  }
0xe0: {  	s26 =	sshrl.u32 s11, $0x2;
	[sflag:s30] =	ssyncset.done $0x0  }
0xe1: {  	s26 =	sand.u32 $0x200, s26;
	[sflag:s30] =	ssyncadd.s32 $0xFFFFE000  }
0xe2: {  	[tilespmem:s14], [sflag:$0x1] =	stream.indirect.gather [hbm4b:s0+s1], $0x80, s26, s1, $0xb8;
	[tilespmem:$0x1EC00] =	vst v63  }
0xe3: {  	_ =	swait.ge [sflag:s20], $0x2000  }
0xe4: {  	[sflag:s20] =	ssyncset.done $0x0  }
0xe5: {  	s7 =	sor.u32 $0x80, s26;
	[sflag:s20] =	ssyncadd.s32 $0xFFFFE000  }
0xe6: {  	[tilespmem:s15], [sflag:$0x2] =	stream.indirect.gather [hbm4b:s0+s1], $0x80, s7, s1, $0xb8;
	[tilespmem:$0x1EC00] =	vst v63  }
0xe7: {  	_ =	swait.ge [sflag:s8], $0x2000  }
0xe8: {  	p1 =	sgt.u32 s13, $0x47;
	[sflag:s8] =	ssyncset.done $0x0  }
0xe9: {  	s28 =	sor.u32 $0x100, s26;
	s7 =	sadd.s32 @!p1 s12, s24;
	[sflag:s8] =	ssyncadd.s32 $0xFFFFE000  }
0xea: {  	[tilespmem:s17], [sflag:$0x3] =	stream.indirect.gather [hbm4b:s0+s1], $0x80, s28, s1, $0xb8;
	[tilespmem:$0x1EC00] =	vst v63  }
0xeb: {  	s7 =	sand.u32 @!p1 $0x3FF80, s7;
	_ =	swait.ge [sflag:s9], $0x2000  }
0xec: {  	s28 =	sor.u32 $0x180, s26;
	s26 =	sand.u32 @!p1 $0x40, s12;
	[sflag:s9] =	ssyncset.done $0x0  }
0xed: {  	s7 =	sor.u32 @!p1 s26, s7;
	[sflag:s9] =	ssyncadd.s32 $0xFFFFE000  }
0xee: {  	[tilespmem:s19], [sflag:$0x4] =	stream.indirect.gather [hbm4b:s0+s1], $0x80, s28, s1, $0xb8;
	[tilespmem:$0x1EC00] =	vst v63  }
0xef: {  	s26 =	sadd.s32 @!p1 s5, s7;
	s28 =	simm.s32 @!p1 $0x0  }
0xf0: {  	[tilespmem:s22], [sflag:$0x9] =	stream.linear.gather @!p1 [hbm4b:s26+s28], $0x200, $0x38;
	[tilespmem:$0x1EC00] =	vst v63  }
0xf1: {  	s12 =	sadd.s32 $0x40, s12;
	s7 =	sadd.s32 @!p1 s6, s7  }
0xf2: {  	[tilespmem:s23], [sflag:$0x9] =	stream.linear.gather @!p1 [hbm4b:s7+s28], $0x200, $0x38;
	[tilespmem:$0x1EC00] =	vst v63  }
0xf3: {  	p1 =	seq.s32 s12, $0x1280  }
.Ltmp8:
0xf4: {  	_ = 	snop;
	(pc) =	sbr.rel @!p1 .LBB2_5-.Ltmp8, $4  }
.Ltmp9:
0xf5: {  	_ = 	snop;
	(pc) =	sbr.rel @p1 .LBB2_11-.Ltmp9, $4  }
0xf6: {  	_ = 	snop  }
0xf7: {  	_ = 	snop  }
0xf8: {  	s11 =	sadd.s32 $0x800, s11;
	s10 =	sadd.s32 $0x200, s10;
	s13 =	sadd.s32 $0x1, s13  }
0xf9: {  	_ = 	snop  }
.LBB2_12:
0xfa: {  	_ =	sfence.sel $0x180000  }
0xfb: {  	[bflag:$0x0] =	sbarrier.arrive $0xFFFF  }
0xfc: {  	_ =	strace $0x9000004A  }
0xfd: {  	s0 =	stileid.u32;
	[bflag:$0x2] =	sbarrier.arrive $0xFFFF  }
0xfe: {  	p0 =	sne.s32 s0, $0x0;
	s0 =	rddreg [dreg:$0x3]  }
0xff: {  	s0 =	sadd.s32 @!p0 $0x100000, s0  }
0x100: {  	[sflag:s0] =	ssyncadd.tile.s32 @!p0 $0x1;
	_ =	shalt  }
.Lfunc_end2:
_tile_overlayer_lowered:
.L_overlay_start_2:
0x101: {  	(tag) =	ssettag $0x2  }
0x102: {  	s0 =	rddreg [dreg:$0x0];
	s2 =	stileid.u32  }
0x103: {  	s1 =	rddreg [dreg:$0x1];
	p0 =	sne.s32 s2, $0x0  }
0x104: {  	s3 =	rddreg [dreg:$0x2];
	[bflag:$0x3] =	sbarrier.arrive $0xFFFF;
	s2 =	simm.s32 @!p0 $0x1C0A  }
0x105: {  	[timem:s3], [sflag:s2] =	dma.local @!p0 [hbm:s0], s1  }
0x106: {  	s0 =	simm.s32 @!p0 $0xA  }
0x107: {  	_ =	swait.ge @!p0 [sflag:s0], s1  }
0x108: {  	s1 =	ssub.s32 @!p0 $0x0, s1;
	[sflag:s0] =	ssyncset.done @!p0 $0x0  }
0x109: {  	[sflag:s0] =	ssyncadd.s32 @!p0 s1  }
0x10a: {  	[bflag:$0x3] =	sbarrier.arrive $0xFFFF  }
0x10b: {  	_ =	shalt  }

// kernel: kernel.15.cloned.1.call-start
scs
__scs_entry_jumppad:
0x0: {  	(pc) =	sbr.rel $0x88, $3  }
0x1: {  	(tag) =	ssettag $0x0;
	lr =	simm.s32 $0x1  }
0x2: {  	[smem:$0x3F99] =	sst lr;
	_ =	strace $0xD0000000  }
0x3: {  	_ = 	snop  }
0x4: {  	_ = 	snop  }
0x5: {  	_ = 	snop  }
0x6: {  	_ = 	snop  }
0x7: {  	_ = 	snop  }
__scs_overlays_trampoline_lowered:
0x8: {  	[smem:$0x3FA8] =	sst s0  }
0x9: {  	[smem:$0x3FA9] =	sst s1  }
0xa: {  	[smem:$0x3FAA] =	sst s2  }
0xb: {  	[smem:$0x3FAB] =	sst s3  }
0xc: {  	[smem:$0x3FAC] =	sst s4  }
0xd: {  	[smem:$0x3FAD] =	sst s5  }
0xe: {  	[smem:$0x3FAE] =	sst s6  }
0xf: {  	[smem:$0x3FAF] =	sst s7  }
0x10: {  	[smem:$0x3FB0] =	sst s8  }
0x11: {  	[smem:$0x3FB1] =	sst s9;
	s0 =	simm.s32 @!p0 $0x0  }
0x12: {  	s1 =	sld [smem:$0x3F97];
	s0 =	simm.s32 @p0 $0x1  }
0x13: {  	[smem:$0x3FB2] =	sst s0;
	s0 =	simm.s32 @!p1 $0x0  }
0x14: {  	s2 =	sld [smem:$0x3F96];
	s0 =	simm.s32 @p1 $0x1  }
0x15: {  	[smem:$0x3FB3] =	sst s0;
	s0 =	simm.s32 @!p2 $0x0  }
0x16: {  	s3 =	sld [smem:$0x3FDB];
	s0 =	simm.s32 @p2 $0x1  }
0x17: {  	s4 =	simm.s32 $0x1BF5;
	[smem:$0x3FB5] =	sst s0  }
0x18: {  	s0 =	sld [smem:$0x3F98];
	_ =	swait.ge [sflag:s4], $0x0  }
0x19: {  	s7 =	sld [smem:$0x3F99]  }
0x1a: {  	s8 =	sadd.s32 $0xFFFFE003, lr  }
0x1b: {  	s9 =	sadd.s32 $0xFFFFFEF7, lr;
	s5 =	simm.s32 $0xFFFFFFFF;
	p2 =	slt.u32 s8, $0xFFFFF086  }
0x1c: {  	p1 =	slt.u32 s9, $0xF7A;
	s5 =	simm.s32 @!p2 $0x0  }
0x1d: {  	s5 =	simm.s32 @p1 $0x1;
	p0 =	seq.s32 s7, s2  }
0x1e: {  	s7 =	smul.u32 @!p0 $0xF7A, s2;
	p2 =	seq.s32 @!p0 s5, $0x0  }
0x1f: {  	s9 =	smul.u32 $0xF7A, s1;
	s8 =	simm.s32 @!p0 $0x1BF5;
	p2 =	por !p2, p0  }
0x20: {  	[sflag:s8] =	ssyncset.s32 @!p0 $0xFFFFF086;
	s6 =	sadd.s32 @!p0 s3, s7;
	s7 =	simm.s32 @!p0 $0x108  }
0x21: {  	s3 =	sadd.s32 s3, s9;
	s6 =	sadd.s32 @!p0 $0x88, s6;
	s7 =	simm.s32 @p2 $0x1082  }
0x22: {  	[simem:s7], [sflag:s8] =	dma.local @!p0 [hbm:s6], $0xF7A  }
0x23: {  	s9 =	sor.u32 $0xD0000000, s2;
	s6 =	simm.s32 $0x108;
	_ =	swait.ge @!p0 [sflag:s8], $0x0  }
0x24: {  	s3 =	sadd.s32 $0x88, s3;
	s6 =	simm.s32 @!p1 $0x1082;
	[sflag:s4] =	ssyncset.s32 $0xFFFFF086  }
0x25: {  	[simem:s6], [sflag:s4] =	dma.local [hbm:s3], $0xF7A  }
0x26: {  	[smem:$0x3F99] =	sst s1;
	(tag) =	ssettag s2;
	_ =	strace s9  }
0x27: {  	s1 =	sld [smem:$0x3FA9]  }
0x28: {  	s2 =	sld [smem:$0x3FAA]  }
0x29: {  	s4 =	sld [smem:$0x3FAC]  }
0x2a: {  	p0 =	seq.s32 s5, $0x0;
	s5 =	sld [smem:$0x3FAD]  }
0x2b: {  	s6 =	sld [smem:$0x3FAE]  }
0x2c: {  	s7 =	sld [smem:$0x3FAF]  }
0x2d: {  	s3 =	simm.s32 $0x108;
	s8 =	sld [smem:$0x3FB0]  }
0x2e: {  	s3 =	simm.s32 @!p0 $0x1082;
	s9 =	sld [smem:$0x3FB1]  }
0x2f: {  	lr =	sadd.s32 s0, s3;
	s0 =	sld [smem:$0x3FA8]  }
0x30: {  	s3 =	sld [smem:$0x3FAB]  }
0x31: {  	[smem:$0x3FB4] =	sst s10  }
0x32: {  	s10 =	sld [smem:$0x3FB2];
	_ =	sdelay $0x3  }
0x33: {  	p0 =	seq.s32 s10, $0x1;
	s10 =	sld [smem:$0x3FB4];
	_ =	sdelay $0x3  }
0x34: {  	[smem:$0x3FB4] =	sst s10  }
0x35: {  	s10 =	sld [smem:$0x3FB3];
	_ =	sdelay $0x3  }
0x36: {  	p1 =	seq.s32 s10, $0x1;
	s10 =	sld [smem:$0x3FB4];
	_ =	sdelay $0x3  }
0x37: {  	[smem:$0x3FB4] =	sst s10  }
0x38: {  	s10 =	sld [smem:$0x3FB5]  }
0x39: {  	_ = 	snop;
	(pc) =	sbr.ind lr, $3  }
0x3a: {  	_ = 	snop  }
0x3b: {  	_ = 	snop  }
0x3c: {  	p2 =	seq.s32 s10, $0x1;
	s10 =	sld [smem:$0x3FB4]  }
0x3d: {  	_ =	shalt  }
0x3e: {  	_ =	shalt  }
0x3f: {  	_ =	shalt  }
0x40: {  	_ =	shalt  }
0x41: {  	_ =	shalt  }
0x42: {  	_ =	shalt  }
0x43: {  	_ =	shalt  }
0x44: {  	_ =	shalt  }
0x45: {  	_ =	shalt  }
0x46: {  	_ =	shalt  }
0x47: {  	_ =	shalt  }
0x48: {  	_ =	shalt  }
0x49: {  	_ =	shalt  }
0x4a: {  	_ =	shalt  }
0x4b: {  	_ =	shalt  }
0x4c: {  	_ =	shalt  }
0x4d: {  	_ =	shalt  }
0x4e: {  	_ =	shalt  }
0x4f: {  	_ =	shalt  }
0x50: {  	_ =	shalt  }
0x51: {  	_ =	shalt  }
0x52: {  	_ =	shalt  }
0x53: {  	_ =	shalt  }
0x54: {  	_ =	shalt  }
0x55: {  	_ =	shalt  }
0x56: {  	_ =	shalt  }
0x57: {  	_ =	shalt  }
0x58: {  	_ =	shalt  }
0x59: {  	_ =	shalt  }
0x5a: {  	_ =	shalt  }
0x5b: {  	_ =	shalt  }
0x5c: {  	_ =	shalt  }
0x5d: {  	_ =	shalt  }
0x5e: {  	_ =	shalt  }
0x5f: {  	_ =	shalt  }
0x60: {  	_ =	shalt  }
0x61: {  	_ =	shalt  }
0x62: {  	_ =	shalt  }
0x63: {  	_ =	shalt  }
0x64: {  	_ =	shalt  }
0x65: {  	_ =	shalt  }
0x66: {  	_ =	shalt  }
0x67: {  	_ =	shalt  }
0x68: {  	_ =	shalt  }
0x69: {  	_ =	shalt  }
0x6a: {  	_ =	shalt  }
0x6b: {  	_ =	shalt  }
0x6c: {  	_ =	shalt  }
0x6d: {  	_ =	shalt  }
0x6e: {  	_ =	shalt  }
0x6f: {  	_ =	shalt  }
0x70: {  	_ =	shalt  }
0x71: {  	_ =	shalt  }
0x72: {  	_ =	shalt  }
0x73: {  	_ =	shalt  }
0x74: {  	_ =	shalt  }
0x75: {  	_ =	shalt  }
0x76: {  	_ =	shalt  }
0x77: {  	_ =	shalt  }
0x78: {  	_ =	shalt  }
0x79: {  	_ =	shalt  }
0x7a: {  	_ =	shalt  }
0x7b: {  	_ =	shalt  }
0x7c: {  	_ =	shalt  }
0x7d: {  	_ =	shalt  }
0x7e: {  	_ =	shalt  }
0x7f: {  	_ =	shalt  }
0x80: {  	_ =	shalt  }
0x81: {  	_ =	shalt  }
0x82: {  	_ =	shalt  }
0x83: {  	_ =	shalt  }
0x84: {  	_ =	shalt  }
0x85: {  	_ =	shalt  }
0x86: {  	_ =	shalt  }
0x87: {  	_ =	shalt  }
.Lfunc_end0:
.L_simem_size_0:
called_computation.2_lowered:
.L_overlay_start_0:
0x88: {  	s2 =	sld [smem:$0x3FD9]  }
0x89: {  	s3 =	sld [smem:$0x3FFE];
	_ =	sdelay $0x1  }
0x8a: {  	s1 =	srdreg.scid  }
0x8b: {  	s0 =	sand.u32 $0x1, s1  }
0x8c: {  	s17 =	sshll.u32 s0, $0xA;
	s2 =	sadd.s32 s3, s2  }
0x8d: {  	s2 =	sadd.s32 s2, s17  }
0x8e: {  	[smem:$0x3FC0] =	sst s2  }
0x8f: {  	_ = 	snop  }
0x90: {  	s2 =	sld [smem:$0x3FD0];
	(tm) =	ssettm $0x1  }
0x91: {  	s18 =	sld [smem:$0x3FFB];
	_ =	sdelay $0x3  }
0x92: {  	_ =	strace s18  }
0x93: {  	s3 =	sld [smem:$0x3FFC];
	_ =	sdelay $0x3  }
0x94: {  	_ =	strace s3  }
0x95: {  	s3 =	sld [smem:$0x3FFD];
	_ =	sdelay $0x3  }
0x96: {  	_ =	strace s3  }
0x97: {  	_ =	strace $0x8FFFFFFF  }
0x98: {  	s19 =	sld [smem:$0x3FDB];
	_ =	sdelay $0x1  }
0x99: {  	s4 =	simm.s32 $_scs_section_size  }
0x9a: {  	s5 =	simm.s32 $_size__tile_overlayer_lowered;
	s6 =	simm.s32 $_tile_overlayer_lowered  }
0x9b: {  	s22 =	simm.s32 $0x1BFF;
	s21 =	sshll.u32 s6, $0x1;
	s3 =	sadd.s32 s4, s19  }
0x9c: {  	s7 =	simm.s32 $0x0;
	s20 =	sshll.u32 s5, $0x1;
	s5 =	sadd.s32 s21, s3  }
0x9d: {  	[timem:s7], [sflag:s22] =	dma.local [hbm:s5], s20  }
0x9e: {  	_ =	swait.ge [sflag:s22], s20  }
0x9f: {  	s4 =	ssub.s32 $0x0, s20;
	[sflag:s22] =	ssyncset.done $0x0  }
0xa0: {  	[sflag:s22] =	ssyncadd.s32 s4;
	_ =	sdelay $0x1  }
0xa1: {  	s23 =	simm.s32 $0x1B8B  }
0xa2: {  	_ =	swait.ge [sflag:s23], $0x1  }
0xa3: {  	[sflag:s23] =	ssyncset.done $0x0  }
0xa4: {  	s25 =	simm.s32 $0x1B8E;
	s24 =	sld [smem:$0x3FFE];
	[sflag:s23] =	ssyncadd.s32 $0xFFFFFFFF  }
0xa5: {  	s26 =	simm.s32 $execute0_lowered;
	[smem:$0x3FD2] =	sst s25  }
0xa6: {  	s5 =	sshll.u32 s26, $0x1;
	_ =	strace $0x8000004C;
	[dreg:$0x1] =	wrdreg $0xFFFFFFFF  }
0xa7: {  	s28 =	simm.s32 $_size_execute0_lowered;
	s3 =	sadd.s32 s3, s5;
	[dreg:$0x0] =	wrdreg $0x0  }
0xa8: {  	s5 =	sshll.u32 s28, $0x1;
	[dreg:$0x2] =	wrdreg s3  }
0xa9: {  	[dreg:$0x3] =	wrdreg s5  }
0xaa: {  	[dreg:$0x4] =	wrdreg $0xC0  }
0xab: {  	_ =	task [dreg:s7], $0x5FFFF  }
0xac: {  	[dreg:$0x1] =	wrdreg $0xFFFFFFFF  }
0xad: {  	[dreg:$0x0] =	wrdreg $0x60  }
0xae: {  	[dreg:$0x2] =	wrdreg s2  }
0xaf: {  	[dreg:$0x3] =	wrdreg s24  }
0xb0: {  	[dreg:$0x4] =	wrdreg $0xB0000  }
0xb1: {  	[dreg:$0x5] =	wrdreg $0x9  }
0xb2: {  	_ =	task.clear_ibuf [dreg:s7], $0x6FFFF;
	_ =	strace $0x9000004C  }
0xb3: {  	s29 =	simm.s32 $0x9;
	_ =	strace $0x8000004E  }
0xb4: {  	_ =	swait.ge [sflag:s29], $0x1  }
0xb5: {  	[sflag:s29] =	ssyncadd.s32 $0xFFFFFFFF  }
0xb6: {  	_ =	strace $0x9000004E  }
0xb7: {  	_ =	sfence  }
0xb8: {  	s30 =	sld [smem:$0x0];
	_ =	sdelay $0x2  }
0xb9: {  	s31 =	sshll.u32 s1, $0xD;
	s1 =	sshrl.u32 s1, $0x2  }
0xba: {  	s3 =	sand.u32 $0x4000, s31;
	s1 =	sadd.s32 s1, s30  }
0xbb: {  	s0 =	sor.u32 s3, s0;
	s1 =	sshll.u32 s1, $0x11  }
0xbc: {  	s0 =	sor.u32 s1, s0  }
0xbd: {  	s0 =	sadd.s32 $0x8F2B, s0  }
0xbe: {  	[sflag:s0] =	ssyncadd.remote.s32 $0x1  }
0xbf: {  	_ =	sfence.sel $0xFFFF  }
0xc0: {  	[dreg:$0x0] =	wrdreg $0xFFFFFFFF;
	(pc) =	sbr.abs _section_cstart, $3  }
0xc1: {  	[dreg:$0x1] =	wrdreg $0xFFFFFFFF  }
0xc2: {  	_ =	task.clear_ibuf [dreg:s7], $0x2FFFF;
	_ =	strace $0x9FFFFFFF  }
0xc3: {  	(tm) =	ssettm $0x7FFFFFFF  }
tec
execute0_lowered:
.L_overlay_start_1:
0x0: {  	(tag) =	ssettag $0x1  }
0x1: {  	s0 =	rddreg [dreg:$0x0]  }
0x2: {  	s1 =	rddreg [dreg:$0x1];
	s2 =	srdreg.scid  }
0x3: {  	s3 =	rddreg [dreg:$0x2];
	s12 =	stileid.u32  }
0x4: {  	s4 =	simm.s32 $0x0;
	s29 =	simm.s32 $0xA;
	s8 =	smul.u32 $0x13C00, s12  }
0x5: {  	s31 =	simm.s32 $0x9;
	s30 =	simm.s32 $0x5;
	s9 =	smul.u32 $0x4F000, s12  }
0x6: {  	s2 =	sand.u32 $0x1, s2;
	[smem:$0x7FF] =	sst s4;
	s15 =	smul.u32 $0xC00, s12  }
0x7: {  	s5 =	sadd.s32 $0x16400, s1;
	s6 =	sadd.s32 $0x2400, s1;
	s7 =	smul.u32 $0x13C000, s2  }
0x8: {  	_ =	strace $0x8000004D;
	s23 =	ssub.s32 $0x2, s2;
	p0 =	seq.s32 s2, $0x1  }
0x9: {  	s2 =	simm.s32 $0x3;
	s9 =	sshrl.u32 s9, $0x2;
	s11 =	sshrl.u32 s23, $0x1  }
0xa: {  	s7 =	sadd.s32 s8, s7;
	s13 =	sadd.s32 s9, s3;
	s8 =	ssub.s32 s23, s11  }
0xb: {  	s9 =	smul.u32 $0x1280, s12;
	s24 =	sadd.s32 $0x2780, s13;
	[dreg:$0x4] =	wrdreg s13  }
0xc: {  	s11 =	smul.u32 $0x180, s12;
	s25 =	sadd.s32 $0x4F00, s13;
	[dreg:$0x5] =	wrdreg s24  }
0xd: {  	s12 =	sshrl.u32 s15, $0x3;
	s26 =	sadd.s32 $0x7680, s13;
	[dreg:$0x6] =	wrdreg s25  }
0xe: {  	s10 =	sshrl.u32 s7, $0x3;
	s28 =	sadd.s32 $0x9E00, s13;
	[dreg:$0x7] =	wrdreg s26  }
0xf: {  	s14 =	sadd.s32 $0xED00, s13;
	s22 =	sadd.s32 $0x12840, s12;
	[dreg:$0x8] =	wrdreg s28  }
0x10: {  	s1 =	sadd.s32 s10, s1;
	s10 =	sadd.s32 $0xC580, s13;
	[dreg:$0xa] =	wrdreg s14  }
0x11: {  	s16 =	sadd.s32 s5, s9;
	s17 =	sadd.s32 s6, s9;
	s18 =	sor.u32 $0x40, s9  }
0x12: {  	s24 =	sadd.s32 s5, s22;
	s25 =	sadd.s32 s6, s22;
	[dreg:$0x9] =	wrdreg s10  }
0x13: {  	s26 =	smax.u32 s8, $0x1;
	s28 =	sadd.s32 $0x11480, s13;
	[dreg:$0xb] =	wrdreg s16  }
0x14: {  	s14 =	simm.s32 $0x800;
	s8 =	simm.s32 $0x7;
	[dreg:$0xc] =	wrdreg s17  }
0x15: {  	s19 =	sadd.s32 s5, s18;
	s10 =	sadd.s32 $0x12800, s11;
	[dreg:$0x11] =	wrdreg s24  }
0x16: {  	s20 =	sadd.s32 s6, s18;
	[dreg:$0x12] =	wrdreg s25;
	s1 =	sadd.s32 $0x2A400, s1  }
0x17: {  	[dreg:$0x14] =	wrdreg s26;
	s24 =	sadd.s32 $0x80, s9;
	s25 =	sadd.s32 $0x94400, s15  }
0x18: {  	[dreg:$0x15] =	wrdreg s28;
	s15 =	simm.s32 $0x2800;
	s17 =	simm.s32 $0x4800  }
.Ltmp0:
0x19: {  	s16 =	simm.s32 $0x2;
	[dreg:$0xd] =	wrdreg s19;
	(pc) =	sbr.rel .LBB2_1-.Ltmp0, $4  }
0x1a: {  	s18 =	simm.s32 $0x4;
	s9 =	simm.s32 $0x8;
	[dreg:$0xe] =	wrdreg s20  }
0x1b: {  	s21 =	sadd.s32 s5, s10;
	s23 =	sadd.s32 s6, s10;
	[dreg:$0x13] =	wrdreg s1  }
0x1c: {  	s1 =	simm.s32 $0x40;
	s19 =	simm.s32 $0x6800;
	[dreg:$0xf] =	wrdreg s21  }
0x1d: {  	v0 =	vimm.f32 $0.0e+00;
	s20 =	simm.s32 $0x6;
	[dreg:$0x10] =	wrdreg s23;
	s21 =	simm.s32 $0x1  }
.LBB2_10:
0x1e: {  	_ =	swait.ge [sflag:s30], $0x2000  }
0x1f: {  	[sflag:s30] =	ssyncset.done $0x0  }
0x20: {  	[sflag:s30] =	ssyncadd.s32 $0xFFFFE000  }
0x21: {  	_ =	swait.ge [sflag:s20], $0x2000  }
0x22: {  	[sflag:s20] =	ssyncset.done $0x0  }
0x23: {  	[sflag:s20] =	ssyncadd.s32 $0xFFFFE000  }
0x24: {  	_ =	swait.ge [sflag:s8], $0x2000  }
0x25: {  	[sflag:s8] =	ssyncset.done $0x0  }
0x26: {  	[sflag:s8] =	ssyncadd.s32 $0xFFFFE000  }
0x27: {  	_ =	swait.ge [sflag:s9], $0x2000  }
0x28: {  	[sflag:s9] =	ssyncset.done $0x0  }
0x29: {  	[sflag:s9] =	ssyncadd.s32 $0xFFFFE000  }
.LBB2_11:
0x2a: {  	s7 =	stileid.u32;
	[bflag:$0x0] =	sbarrier.arrive $0xFFFF  }
0x2b: {  	s7 =	sshll.u32 s7, $0x6;
	s13 =	rddreg [dreg:$0x4]  }
0x2c: {  	s11 =	rddreg [dreg:$0x13];
	s7 =	sor.u32 $0x1C0A, s7;
	s10 =	sshrl.u32 s13, $0x3  }
0x2d: {  	[hbm:s11], [sflag:s7] =	dma.local [spmem:s10], $0x2780  }
0x2e: {  	_ =	swait.ge [sflag:s29], $0x2780  }
0x2f: {  	s4 =	sadd.s32 $0x1, s4;
	s28 =	rddreg [dreg:$0x14]  }
0x30: {  	p1 =	sne.s32 s4, s28  }
.Ltmp1:
0x31: {  	_ = 	snop;
	(pc) =	sbr.rel @!p1 .LBB2_12-.Ltmp1, $3  }
0x32: {  	_ =	sdelay $0x1  }
0x33: {  	[sflag:s29] =	ssyncset.done $0x0  }
0x34: {  	[sflag:s29] =	ssyncadd.s32 $0xFFFFD880  }
.LBB2_1:
0x35: {  	s10 =	simm.s32 $0x0;
	s11 =	simm.s32 $0x200  }
.LBB2_2:
0x36: {  	p1 =	sne.s32 s11, $0x9C00;
	[tilespmem:s10+$0x8870] =	vst v0  }
0x37: {  	[tilespmem:s10+$0x8800] =	vst v0  }
0x38: {  	[tilespmem:s10+$0x8810] =	vst v0  }
.Ltmp2:
0x39: {  	[tilespmem:s10+$0x8820] =	vst v0;
	(pc) =	sbr.rel @p1 .LBB2_2-.Ltmp2, $4  }
0x3a: {  	[tilespmem:s10+$0x8830] =	vst v0  }
0x3b: {  	[tilespmem:s10+$0x8840] =	vst v0  }
0x3c: {  	[tilespmem:s10+$0x8850] =	vst v0  }
0x3d: {  	[tilespmem:s10+$0x8860] =	vst v0;
	s10 =	sshra.s32 s11, $0x2;
	s11 =	sadd.s32 $0x200, s11  }
0x3e: {  	[tilespmem:s10+$0x8870] =	vst v0  }
0x3f: {  	[tilespmem:s10+$0x8800] =	vst v0  }
0x40: {  	[tilespmem:s10+$0x8810] =	vst v0  }
0x41: {  	[tilespmem:s10+$0x8820] =	vst v0  }
0x42: {  	[tilespmem:s10+$0x8830] =	vst v0  }
0x43: {  	[tilespmem:s10+$0x8840] =	vst v0  }
0x44: {  	[tilespmem:s10+$0x8850] =	vst v0  }
0x45: {  	[tilespmem:s10+$0x8860] =	vst v0;
	s11 =	simm.s32 $0x8800  }
0x46: {  	[spmem:s13] =	stream.linear.scatter [tilespmem:s11], [sflag:$0xA], $0x2780, $0x38;
	[tilespmem:$0x1EC00] =	vst v63  }
0x47: {  	_ =	swait.ge [sflag:s29], $0x2780  }
0x48: {  	[sflag:s29] =	ssyncset.done $0x0  }
0x49: {  	s7 =	rddreg [dreg:$0x5];
	[sflag:s29] =	ssyncadd.s32 $0xFFFFD880  }
0x4a: {  	[spmem:s7] =	stream.linear.scatter [tilespmem:s11], [sflag:$0xA], $0x2780, $0x38;
	[tilespmem:$0x1EC00] =	vst v63  }
0x4b: {  	_ =	swait.ge [sflag:s29], $0x2780  }
0x4c: {  	[sflag:s29] =	ssyncset.done $0x0  }
0x4d: {  	s12 =	rddreg [dreg:$0x6];
	[sflag:s29] =	ssyncadd.s32 $0xFFFFD880  }
0x4e: {  	[spmem:s12] =	stream.linear.scatter [tilespmem:s11], [sflag:$0xA], $0x2780, $0x38;
	[tilespmem:$0x1EC00] =	vst v63  }
0x4f: {  	_ =	swait.ge [sflag:s29], $0x2780  }
0x50: {  	[sflag:s29] =	ssyncset.done $0x0  }
0x51: {  	s13 =	rddreg [dreg:$0x7];
	[sflag:s29] =	ssyncadd.s32 $0xFFFFD880  }
0x52: {  	[spmem:s13] =	stream.linear.scatter [tilespmem:s11], [sflag:$0xA], $0x2780, $0x38;
	[tilespmem:$0x1EC00] =	vst v63  }
0x53: {  	_ =	swait.ge [sflag:s29], $0x2780  }
0x54: {  	[sflag:s29] =	ssyncset.done $0x0  }
0x55: {  	s22 =	rddreg [dreg:$0x8];
	[sflag:s29] =	ssyncadd.s32 $0xFFFFD880  }
0x56: {  	[spmem:s22] =	stream.linear.scatter [tilespmem:s11], [sflag:$0xA], $0x2780, $0x38;
	[tilespmem:$0x1EC00] =	vst v63  }
0x57: {  	_ =	swait.ge [sflag:s29], $0x2780  }
0x58: {  	[sflag:s29] =	ssyncset.done $0x0  }
0x59: {  	s23 =	rddreg [dreg:$0x9];
	[sflag:s29] =	ssyncadd.s32 $0xFFFFD880  }
0x5a: {  	[spmem:s23] =	stream.linear.scatter [tilespmem:s11], [sflag:$0xA], $0x2780, $0x38;
	[tilespmem:$0x1EC00] =	vst v63  }
0x5b: {  	_ =	swait.ge [sflag:s29], $0x2780  }
0x5c: {  	[sflag:s29] =	ssyncset.done $0x0  }
0x5d: {  	s26 =	rddreg [dreg:$0xa];
	[sflag:s29] =	ssyncadd.s32 $0xFFFFD880  }
0x5e: {  	[spmem:s26] =	stream.linear.scatter [tilespmem:s11], [sflag:$0xA], $0x2780, $0x38;
	[tilespmem:$0x1EC00] =	vst v63  }
0x5f: {  	_ =	swait.ge [sflag:s29], $0x2780  }
0x60: {  	[sflag:s29] =	ssyncset.done $0x0  }
0x61: {  	s28 =	rddreg [dreg:$0x15];
	[sflag:s29] =	ssyncadd.s32 $0xFFFFD880  }
0x62: {  	[spmem:s28] =	stream.linear.scatter [tilespmem:s11], [sflag:$0xA], $0x2780, $0x38;
	[tilespmem:$0x1EC00] =	vst v63  }
.Ltmp3:
0x63: {  	_ =	swait.ge [sflag:s29], $0x2780;
	(pc) =	sbr.rel @!p0 .LBB2_4-.Ltmp3, $4  }
0x64: {  	[sflag:s29] =	ssyncset.done $0x0  }
0x65: {  	[sflag:s29] =	ssyncadd.s32 $0xFFFFD880  }
0x66: {  	[bflag:$0x0] =	sbarrier.arrive $0xFFFF  }
0x67: {  	s10 =	simm.s32 $0x0  }
0x68: {  	s7 =	rddreg [dreg:$0xf]  }
0x69: {  	[tilespmem:s10], [sflag:$0x9] =	stream.linear.gather [hbm4b:s7+s10], $0x200, $0x38;
	[tilespmem:$0x1EC00] =	vst v63  }
0x6a: {  	s28 =	rddreg [dreg:$0x10];
	s11 =	simm.s32 $0x400  }
0x6b: {  	[tilespmem:s11], [sflag:$0x9] =	stream.linear.gather [hbm4b:s28+s10], $0x200, $0x38;
	[tilespmem:$0x1EC00] =	vst v63  }
0x6c: {  	_ =	swait.ge [sflag:s31], $0x200  }
0x6d: {  	[sflag:s31] =	ssyncset.done $0x0  }
0x6e: {  	[sflag:s31] =	ssyncadd.s32 $0xFFFFFE00  }
0x6f: {  	_ =	swait.ge [sflag:s31], $0x200  }
0x70: {  	[sflag:s31] =	ssyncset.done $0x0  }
0x71: {  	s11 =	simm.s32 $0x800;
	[sflag:s31] =	ssyncadd.s32 $0xFFFFFE00  }
0x72: {  	[tilespmem:s11], [sflag:$0x1] =	stream.indirect.gather [hbm4b:s0+s1], $0x80, s10, s1, $0xb8;
	[tilespmem:$0x1EC00] =	vst v63  }
0x73: {  	s12 =	simm.s32 $0x80  }
0x74: {  	[tilespmem:s15], [sflag:$0x2] =	stream.indirect.gather [hbm4b:s0+s1], $0x80, s12, s1, $0xb8;
	[tilespmem:$0x1EC00] =	vst v63  }
0x75: {  	s13 =	simm.s32 $0x100  }
0x76: {  	[tilespmem:s17], [sflag:$0x3] =	stream.indirect.gather [hbm4b:s0+s1], $0x80, s13, s1, $0xb8;
	[tilespmem:$0x1EC00] =	vst v63  }
0x77: {  	s22 =	simm.s32 $0x180  }
0x78: {  	[tilespmem:s19], [sflag:$0x4] =	stream.indirect.gather [hbm4b:s0+s1], $0x80, s22, s1, $0xb8;
	[tilespmem:$0x1EC00] =	vst v63  }
0x79: {  	s23 =	rddreg [dreg:$0x11];
	s12 =	simm.s32 $0x200  }
0x7a: {  	[tilespmem:s12], [sflag:$0x9] =	stream.linear.gather [hbm4b:s23+s10], $0x200, $0x38;
	[tilespmem:$0x1EC00] =	vst v63  }
0x7b: {  	s28 =	simm.s32 $0x600;
	s26 =	rddreg [dreg:$0x12];
	s12 =	simm.s32 $0x0  }
0x7c: {  	[tilespmem:s28], [sflag:$0x9] =	stream.linear.gather [hbm4b:s26+s10], $0x200, $0x38;
	[tilespmem:$0x1EC00] =	vst v63  }
.LBB2_8:
0x7d: {  	_ =	swait.ge [sflag:s21], $0x2000  }
0x7e: {  	s22 =	sand.u32 $0x200, s12;
	[sflag:s21] =	ssyncset.done $0x0  }
0x7f: {  	s13 =	sor.u32 $0x400, s22;
	[sflag:s21] =	ssyncadd.s32 $0xFFFFE000  }
0x80: {  	[spmem:s3] =	stream.indirect.scatter.add.f32 [tilespmem:s14], [sflag:$0x5], $0x80, s13, s1, $0xb8;
	[tilespmem:$0x1EC00] =	vst v63  }
0x81: {  	_ =	swait.ge [sflag:s16], $0x2000  }
0x82: {  	[sflag:s16] =	ssyncset.done $0x0  }
0x83: {  	s7 =	sor.u32 $0x480, s22;
	[sflag:s16] =	ssyncadd.s32 $0xFFFFE000  }
0x84: {  	[spmem:s3] =	stream.indirect.scatter.add.f32 [tilespmem:s15], [sflag:$0x6], $0x80, s7, s1, $0xb8;
	[tilespmem:$0x1EC00] =	vst v63  }
0x85: {  	_ =	swait.ge [sflag:s2], $0x2000  }
0x86: {  	[sflag:s2] =	ssyncset.done $0x0  }
0x87: {  	p1 =	seq.s32 s10, $0x5;
	s26 =	sor.u32 $0x500, s22;
	[sflag:s2] =	ssyncadd.s32 $0xFFFFE000  }
0x88: {  	[spmem:s3] =	stream.indirect.scatter.add.f32 [tilespmem:s17], [sflag:$0x7], $0x80, s26, s1, $0xb8;
	[tilespmem:$0x1EC00] =	vst v63  }
.Ltmp4:
0x89: {  	_ = 	snop;
	(pc) =	sbr.rel @p1 .LBB2_10-.Ltmp4, $4  }
0x8a: {  	_ =	swait.ge [sflag:s18], $0x2000  }
0x8b: {  	[sflag:s18] =	ssyncset.done $0x0  }
0x8c: {  	s28 =	sor.u32 $0x580, s22;
	[sflag:s18] =	ssyncadd.s32 $0xFFFFE000  }
0x8d: {  	[spmem:s3] =	stream.indirect.scatter.add.f32 [tilespmem:s19], [sflag:$0x8], $0x80, s28, s1, $0xb8;
	[tilespmem:$0x1EC00] =	vst v63  }
0x8e: {  	_ =	swait.ge [sflag:s31], $0x200  }
0x8f: {  	[sflag:s31] =	ssyncset.done $0x0  }
0x90: {  	[sflag:s31] =	ssyncadd.s32 $0xFFFFFE00  }
0x91: {  	_ =	swait.ge [sflag:s31], $0x200  }
0x92: {  	[sflag:s31] =	ssyncset.done $0x0  }
0x93: {  	[sflag:s31] =	ssyncadd.s32 $0xFFFFFE00  }
0x94: {  	_ =	swait.ge [sflag:s30], $0x2000  }
0x95: {  	s7 =	sshrl.u32 s11, $0x2;
	[sflag:s30] =	ssyncset.done $0x0  }
0x96: {  	s7 =	sand.u32 $0x200, s7;
	[sflag:s30] =	ssyncadd.s32 $0xFFFFE000  }
0x97: {  	[tilespmem:s14], [sflag:$0x1] =	stream.indirect.gather [hbm4b:s0+s1], $0x80, s7, s1, $0xb8;
	[tilespmem:$0x1EC00] =	vst v63  }
0x98: {  	_ =	swait.ge [sflag:s20], $0x2000  }
0x99: {  	[sflag:s20] =	ssyncset.done $0x0  }
0x9a: {  	s23 =	sor.u32 $0x80, s7;
	[sflag:s20] =	ssyncadd.s32 $0xFFFFE000  }
0x9b: {  	[tilespmem:s15], [sflag:$0x2] =	stream.indirect.gather [hbm4b:s0+s1], $0x80, s23, s1, $0xb8;
	[tilespmem:$0x1EC00] =	vst v63  }
0x9c: {  	_ =	swait.ge [sflag:s8], $0x2000  }
0x9d: {  	[sflag:s8] =	ssyncset.done $0x0  }
0x9e: {  	s28 =	sor.u32 $0x100, s7;
	[sflag:s8] =	ssyncadd.s32 $0xFFFFE000  }
0x9f: {  	[tilespmem:s17], [sflag:$0x3] =	stream.indirect.gather [hbm4b:s0+s1], $0x80, s28, s1, $0xb8;
	[tilespmem:$0x1EC00] =	vst v63  }
0xa0: {  	_ =	swait.ge [sflag:s9], $0x2000  }
0xa1: {  	[sflag:s9] =	ssyncset.done $0x0  }
0xa2: {  	p1 =	sgt.u32 s10, $0x3;
	s7 =	sor.u32 $0x180, s7;
	[sflag:s9] =	ssyncadd.s32 $0xFFFFE000  }
0xa3: {  	[tilespmem:s19], [sflag:$0x4] =	stream.indirect.gather [hbm4b:s0+s1], $0x80, s7, s1, $0xb8;
	[tilespmem:$0x1EC00] =	vst v63  }
0xa4: {  	s7 =	sadd.s32 @!p1 s12, s25  }
0xa5: {  	s7 =	sand.u32 @!p1 $0xFFC00, s7  }
0xa6: {  	s7 =	sor.u32 @!p1 s22, s7  }
0xa7: {  	s7 =	sshrl.u32 @!p1 s7, $0x3  }
0xa8: {  	s26 =	simm.s32 @!p1 $0x0;
	s23 =	sadd.s32 @!p1 s5, s7  }
0xa9: {  	[tilespmem:s22], [sflag:$0x9] =	stream.linear.gather @!p1 [hbm4b:s23+s26], $0x200, $0x38;
	[tilespmem:$0x1EC00] =	vst v63  }
0xaa: {  	s10 =	sadd.s32 $0x1, s10;
	s7 =	sadd.s32 @!p1 s6, s7  }
0xab: {  	[tilespmem:s13], [sflag:$0x9] =	stream.linear.gather @!p1 [hbm4b:s7+s26], $0x200, $0x38;
	[tilespmem:$0x1EC00] =	vst v63  }
0xac: {  	p1 =	seq.s32 s10, $0x6  }
.Ltmp5:
0xad: {  	_ = 	snop;
	(pc) =	sbr.rel @!p1 .LBB2_8-.Ltmp5, $4  }
.Ltmp6:
0xae: {  	_ = 	snop;
	(pc) =	sbr.rel @p1 .LBB2_11-.Ltmp6, $4  }
0xaf: {  	_ = 	snop  }
0xb0: {  	_ = 	snop  }
0xb1: {  	s11 =	sadd.s32 $0x800, s11;
	s12 =	sadd.s32 $0x200, s12  }
0xb2: {  	_ = 	snop  }
.LBB2_4:
0xb3: {  	s7 =	rddreg [dreg:$0xb]  }
0xb4: {  	[tilespmem:s10], [sflag:$0x9] =	stream.linear.gather [hbm4b:s7+s10], $0x200, $0x38;
	[tilespmem:$0x1EC00] =	vst v63  }
0xb5: {  	s28 =	rddreg [dreg:$0xc];
	s11 =	simm.s32 $0x400  }
0xb6: {  	[tilespmem:s11], [sflag:$0x9] =	stream.linear.gather [hbm4b:s28+s10], $0x200, $0x38;
	[tilespmem:$0x1EC00] =	vst v63  }
0xb7: {  	_ =	swait.ge [sflag:s31], $0x200  }
0xb8: {  	[sflag:s31] =	ssyncset.done $0x0  }
0xb9: {  	[sflag:s31] =	ssyncadd.s32 $0xFFFFFE00  }
0xba: {  	_ =	swait.ge [sflag:s31], $0x200  }
0xbb: {  	[sflag:s31] =	ssyncset.done $0x0  }
0xbc: {  	s11 =	simm.s32 $0x800;
	[sflag:s31] =	ssyncadd.s32 $0xFFFFFE00  }
0xbd: {  	[tilespmem:s11], [sflag:$0x1] =	stream.indirect.gather [hbm4b:s0+s1], $0x80, s10, s1, $0xb8;
	[tilespmem:$0x1EC00] =	vst v63  }
0xbe: {  	s12 =	simm.s32 $0x80  }
0xbf: {  	[tilespmem:s15], [sflag:$0x2] =	stream.indirect.gather [hbm4b:s0+s1], $0x80, s12, s1, $0xb8;
	[tilespmem:$0x1EC00] =	vst v63  }
0xc0: {  	s13 =	simm.s32 $0x100  }
0xc1: {  	[tilespmem:s17], [sflag:$0x3] =	stream.indirect.gather [hbm4b:s0+s1], $0x80, s13, s1, $0xb8;
	[tilespmem:$0x1EC00] =	vst v63  }
0xc2: {  	s22 =	simm.s32 $0x180  }
0xc3: {  	[tilespmem:s19], [sflag:$0x4] =	stream.indirect.gather [hbm4b:s0+s1], $0x80, s22, s1, $0xb8;
	[tilespmem:$0x1EC00] =	vst v63  }
0xc4: {  	s28 =	simm.s32 $0x600;
	s23 =	rddreg [dreg:$0xd];
	s12 =	simm.s32 $0x200  }
0xc5: {  	[tilespmem:s12], [sflag:$0x9] =	stream.linear.gather [hbm4b:s23+s10], $0x200, $0x38;
	[tilespmem:$0x1EC00] =	vst v63  }
0xc6: {  	s26 =	rddreg [dreg:$0xe];
	s13 =	simm.s32 $0x0;
	s12 =	simm.s32 $0x0  }
0xc7: {  	[tilespmem:s28], [sflag:$0x9] =	stream.linear.gather [hbm4b:s26+s10], $0x200, $0x38;
	[tilespmem:$0x1EC00] =	vst v63  }
.LBB2_5:
0xc8: {  	_ =	swait.ge [sflag:s21], $0x2000  }
0xc9: {  	s22 =	sand.u32 $0x200, s10;
	[sflag:s21] =	ssyncset.done $0x0  }
0xca: {  	s23 =	sor.u32 $0x400, s22;
	[sflag:s21] =	ssyncadd.s32 $0xFFFFE000  }
0xcb: {  	[spmem:s3] =	stream.indirect.scatter.add.f32 [tilespmem:s14], [sflag:$0x5], $0x80, s23, s1, $0xb8;
	[tilespmem:$0x1EC00] =	vst v63  }
0xcc: {  	_ =	swait.ge [sflag:s16], $0x2000  }
0xcd: {  	[sflag:s16] =	ssyncset.done $0x0  }
0xce: {  	s26 =	sor.u32 $0x480, s22;
	[sflag:s16] =	ssyncadd.s32 $0xFFFFE000  }
0xcf: {  	[spmem:s3] =	stream.indirect.scatter.add.f32 [tilespmem:s15], [sflag:$0x6], $0x80, s26, s1, $0xb8;
	[tilespmem:$0x1EC00] =	vst v63  }
0xd0: {  	_ =	swait.ge [sflag:s2], $0x2000  }
0xd1: {  	[sflag:s2] =	ssyncset.done $0x0  }
0xd2: {  	p1 =	seq.s32 s12, $0x1240;
	s7 =	sor.u32 $0x500, s22;
	[sflag:s2] =	ssyncadd.s32 $0xFFFFE000  }
0xd3: {  	[spmem:s3] =	stream.indirect.scatter.add.f32 [tilespmem:s17], [sflag:$0x7], $0x80, s7, s1, $0xb8;
	[tilespmem:$0x1EC00] =	vst v63  }
.Ltmp7:
0xd4: {  	_ = 	snop;
	(pc) =	sbr.rel @p1 .LBB2_10-.Ltmp7, $4  }
0xd5: {  	_ =	swait.ge [sflag:s18], $0x2000  }
0xd6: {  	[sflag:s18] =	ssyncset.done $0x0  }
0xd7: {  	s28 =	sor.u32 $0x580, s22;
	[sflag:s18] =	ssyncadd.s32 $0xFFFFE000  }
0xd8: {  	[spmem:s3] =	stream.indirect.scatter.add.f32 [tilespmem:s19], [sflag:$0x8], $0x80, s28, s1, $0xb8;
	[tilespmem:$0x1EC00] =	vst v63  }
0xd9: {  	_ =	swait.ge [sflag:s31], $0x200  }
0xda: {  	[sflag:s31] =	ssyncset.done $0x0  }
0xdb: {  	[sflag:s31] =	ssyncadd.s32 $0xFFFFFE00  }
0xdc: {  	_ =	swait.ge [sflag:s31], $0x200  }
0xdd: {  	[sflag:s31] =	ssyncset.done $0x0  }
0xde: {  	[sflag:s31] =	ssyncadd.s32 $0xFFFFFE00  }
0xdf: {  	_ =	swait.ge [sflag:s30], $0x2000  }
0xe0: {  	s26 =	sshrl.u32 s11, $0x2;
	[sflag:s30] =	ssyncset.done $0x0  }
0xe1: {  	s26 =	sand.u32 $0x200, s26;
	[sflag:s30] =	ssyncadd.s32 $0xFFFFE000  }
0xe2: {  	[tilespmem:s14], [sflag:$0x1] =	stream.indirect.gather [hbm4b:s0+s1], $0x80, s26, s1, $0xb8;
	[tilespmem:$0x1EC00] =	vst v63  }
0xe3: {  	_ =	swait.ge [sflag:s20], $0x2000  }
0xe4: {  	[sflag:s20] =	ssyncset.done $0x0  }
0xe5: {  	s7 =	sor.u32 $0x80, s26;
	[sflag:s20] =	ssyncadd.s32 $0xFFFFE000  }
0xe6: {  	[tilespmem:s15], [sflag:$0x2] =	stream.indirect.gather [hbm4b:s0+s1], $0x80, s7, s1, $0xb8;
	[tilespmem:$0x1EC00] =	vst v63  }
0xe7: {  	_ =	swait.ge [sflag:s8], $0x2000  }
0xe8: {  	p1 =	sgt.u32 s13, $0x47;
	[sflag:s8] =	ssyncset.done $0x0  }
0xe9: {  	s28 =	sor.u32 $0x100, s26;
	s7 =	sadd.s32 @!p1 s12, s24;
	[sflag:s8] =	ssyncadd.s32 $0xFFFFE000  }
0xea: {  	[tilespmem:s17], [sflag:$0x3] =	stream.indirect.gather [hbm4b:s0+s1], $0x80, s28, s1, $0xb8;
	[tilespmem:$0x1EC00] =	vst v63  }
0xeb: {  	s7 =	sand.u32 @!p1 $0x3FF80, s7;
	_ =	swait.ge [sflag:s9], $0x2000  }
0xec: {  	s28 =	sor.u32 $0x180, s26;
	s26 =	sand.u32 @!p1 $0x40, s12;
	[sflag:s9] =	ssyncset.done $0x0  }
0xed: {  	s7 =	sor.u32 @!p1 s26, s7;
	[sflag:s9] =	ssyncadd.s32 $0xFFFFE000  }
0xee: {  	[tilespmem:s19], [sflag:$0x4] =	stream.indirect.gather [hbm4b:s0+s1], $0x80, s28, s1, $0xb8;
	[tilespmem:$0x1EC00] =	vst v63  }
0xef: {  	s26 =	sadd.s32 @!p1 s5, s7;
	s28 =	simm.s32 @!p1 $0x0  }
0xf0: {  	[tilespmem:s22], [sflag:$0x9] =	stream.linear.gather @!p1 [hbm4b:s26+s28], $0x200, $0x38;
	[tilespmem:$0x1EC00] =	vst v63  }
0xf1: {  	s12 =	sadd.s32 $0x40, s12;
	s7 =	sadd.s32 @!p1 s6, s7  }
0xf2: {  	[tilespmem:s23], [sflag:$0x9] =	stream.linear.gather @!p1 [hbm4b:s7+s28], $0x200, $0x38;
	[tilespmem:$0x1EC00] =	vst v63  }
0xf3: {  	p1 =	seq.s32 s12, $0x1280  }
.Ltmp8:
0xf4: {  	_ = 	snop;
	(pc) =	sbr.rel @!p1 .LBB2_5-.Ltmp8, $4  }
.Ltmp9:
0xf5: {  	_ = 	snop;
	(pc) =	sbr.rel @p1 .LBB2_11-.Ltmp9, $4  }
0xf6: {  	_ = 	snop  }
0xf7: {  	_ = 	snop  }
0xf8: {  	s11 =	sadd.s32 $0x800, s11;
	s10 =	sadd.s32 $0x200, s10;
	s13 =	sadd.s32 $0x1, s13  }
0xf9: {  	_ = 	snop  }
.LBB2_12:
0xfa: {  	_ =	sfence.sel $0x180000  }
0xfb: {  	[bflag:$0x0] =	sbarrier.arrive $0xFFFF  }
0xfc: {  	_ =	strace $0x9000004D  }
0xfd: {  	s0 =	stileid.u32;
	[bflag:$0x2] =	sbarrier.arrive $0xFFFF  }
0xfe: {  	p0 =	sne.s32 s0, $0x0;
	s0 =	rddreg [dreg:$0x3]  }
0xff: {  	s0 =	sadd.s32 @!p0 $0x100000, s0  }
0x100: {  	[sflag:s0] =	ssyncadd.tile.s32 @!p0 $0x1;
	_ =	shalt  }
.Lfunc_end2:
_tile_overlayer_lowered:
.L_overlay_start_2:
0x101: {  	(tag) =	ssettag $0x2  }
0x102: {  	s0 =	rddreg [dreg:$0x0];
	s2 =	stileid.u32  }
0x103: {  	s1 =	rddreg [dreg:$0x1];
	p0 =	sne.s32 s2, $0x0  }
0x104: {  	s3 =	rddreg [dreg:$0x2];
	[bflag:$0x3] =	sbarrier.arrive $0xFFFF;
	s2 =	simm.s32 @!p0 $0x1C0A  }
0x105: {  	[timem:s3], [sflag:s2] =	dma.local @!p0 [hbm:s0], s1  }
0x106: {  	s0 =	simm.s32 @!p0 $0xA  }
0x107: {  	_ =	swait.ge @!p0 [sflag:s0], s1  }
0x108: {  	s1 =	ssub.s32 @!p0 $0x0, s1;
	[sflag:s0] =	ssyncset.done @!p0 $0x0  }
0x109: {  	[sflag:s0] =	ssyncadd.s32 @!p0 s1  }
0x10a: {  	[bflag:$0x3] =	sbarrier.arrive $0xFFFF  }
0x10b: {  	_ =	shalt  }

// kernel: kernel.9.cloned.1.call-start
scs
__scs_entry_jumppad:
0x0: {  	(pc) =	sbr.rel $0x88, $3  }
0x1: {  	(tag) =	ssettag $0x0;
	lr =	simm.s32 $0x1  }
0x2: {  	[smem:$0x3F99] =	sst lr;
	_ =	strace $0xD0000000  }
0x3: {  	_ = 	snop  }
0x4: {  	_ = 	snop  }
0x5: {  	_ = 	snop  }
0x6: {  	_ = 	snop  }
0x7: {  	_ = 	snop  }
__scs_overlays_trampoline_lowered:
0x8: {  	[smem:$0x3FA8] =	sst s0  }
0x9: {  	[smem:$0x3FA9] =	sst s1  }
0xa: {  	[smem:$0x3FAA] =	sst s2  }
0xb: {  	[smem:$0x3FAB] =	sst s3  }
0xc: {  	[smem:$0x3FAC] =	sst s4  }
0xd: {  	[smem:$0x3FAD] =	sst s5  }
0xe: {  	[smem:$0x3FAE] =	sst s6  }
0xf: {  	[smem:$0x3FAF] =	sst s7  }
0x10: {  	[smem:$0x3FB0] =	sst s8  }
0x11: {  	[smem:$0x3FB1] =	sst s9;
	s0 =	simm.s32 @!p0 $0x0  }
0x12: {  	s1 =	sld [smem:$0x3F97];
	s0 =	simm.s32 @p0 $0x1  }
0x13: {  	[smem:$0x3FB2] =	sst s0;
	s0 =	simm.s32 @!p1 $0x0  }
0x14: {  	s2 =	sld [smem:$0x3F96];
	s0 =	simm.s32 @p1 $0x1  }
0x15: {  	[smem:$0x3FB3] =	sst s0;
	s0 =	simm.s32 @!p2 $0x0  }
0x16: {  	s3 =	sld [smem:$0x3FDB];
	s0 =	simm.s32 @p2 $0x1  }
0x17: {  	s4 =	simm.s32 $0x1BF5;
	[smem:$0x3FB5] =	sst s0  }
0x18: {  	s0 =	sld [smem:$0x3F98];
	_ =	swait.ge [sflag:s4], $0x0  }
0x19: {  	s7 =	sld [smem:$0x3F99]  }
0x1a: {  	s8 =	sadd.s32 $0xFFFFE003, lr  }
0x1b: {  	s9 =	sadd.s32 $0xFFFFFEF7, lr;
	s5 =	simm.s32 $0xFFFFFFFF;
	p2 =	slt.u32 s8, $0xFFFFF086  }
0x1c: {  	p1 =	slt.u32 s9, $0xF7A;
	s5 =	simm.s32 @!p2 $0x0  }
0x1d: {  	s5 =	simm.s32 @p1 $0x1;
	p0 =	seq.s32 s7, s2  }
0x1e: {  	s7 =	smul.u32 @!p0 $0xF7A, s2;
	p2 =	seq.s32 @!p0 s5, $0x0  }
0x1f: {  	s9 =	smul.u32 $0xF7A, s1;
	s8 =	simm.s32 @!p0 $0x1BF5;
	p2 =	por !p2, p0  }
0x20: {  	[sflag:s8] =	ssyncset.s32 @!p0 $0xFFFFF086;
	s6 =	sadd.s32 @!p0 s3, s7;
	s7 =	simm.s32 @!p0 $0x108  }
0x21: {  	s3 =	sadd.s32 s3, s9;
	s6 =	sadd.s32 @!p0 $0x88, s6;
	s7 =	simm.s32 @p2 $0x1082  }
0x22: {  	[simem:s7], [sflag:s8] =	dma.local @!p0 [hbm:s6], $0xF7A  }
0x23: {  	s9 =	sor.u32 $0xD0000000, s2;
	s6 =	simm.s32 $0x108;
	_ =	swait.ge @!p0 [sflag:s8], $0x0  }
0x24: {  	s3 =	sadd.s32 $0x88, s3;
	s6 =	simm.s32 @!p1 $0x1082;
	[sflag:s4] =	ssyncset.s32 $0xFFFFF086  }
0x25: {  	[simem:s6], [sflag:s4] =	dma.local [hbm:s3], $0xF7A  }
0x26: {  	[smem:$0x3F99] =	sst s1;
	(tag) =	ssettag s2;
	_ =	strace s9  }
0x27: {  	s1 =	sld [smem:$0x3FA9]  }
0x28: {  	s2 =	sld [smem:$0x3FAA]  }
0x29: {  	s4 =	sld [smem:$0x3FAC]  }
0x2a: {  	p0 =	seq.s32 s5, $0x0;
	s5 =	sld [smem:$0x3FAD]  }
0x2b: {  	s6 =	sld [smem:$0x3FAE]  }
0x2c: {  	s7 =	sld [smem:$0x3FAF]  }
0x2d: {  	s3 =	simm.s32 $0x108;
	s8 =	sld [smem:$0x3FB0]  }
0x2e: {  	s3 =	simm.s32 @!p0 $0x1082;
	s9 =	sld [smem:$0x3FB1]  }
0x2f: {  	lr =	sadd.s32 s0, s3;
	s0 =	sld [smem:$0x3FA8]  }
0x30: {  	s3 =	sld [smem:$0x3FAB]  }
0x31: {  	[smem:$0x3FB4] =	sst s10  }
0x32: {  	s10 =	sld [smem:$0x3FB2];
	_ =	sdelay $0x3  }
0x33: {  	p0 =	seq.s32 s10, $0x1;
	s10 =	sld [smem:$0x3FB4];
	_ =	sdelay $0x3  }
0x34: {  	[smem:$0x3FB4] =	sst s10  }
0x35: {  	s10 =	sld [smem:$0x3FB3];
	_ =	sdelay $0x3  }
0x36: {  	p1 =	seq.s32 s10, $0x1;
	s10 =	sld [smem:$0x3FB4];
	_ =	sdelay $0x3  }
0x37: {  	[smem:$0x3FB4] =	sst s10  }
0x38: {  	s10 =	sld [smem:$0x3FB5]  }
0x39: {  	_ = 	snop;
	(pc) =	sbr.ind lr, $3  }
0x3a: {  	_ = 	snop  }
0x3b: {  	_ = 	snop  }
0x3c: {  	p2 =	seq.s32 s10, $0x1;
	s10 =	sld [smem:$0x3FB4]  }
0x3d: {  	_ =	shalt  }
0x3e: {  	_ =	shalt  }
0x3f: {  	_ =	shalt  }
0x40: {  	_ =	shalt  }
0x41: {  	_ =	shalt  }
0x42: {  	_ =	shalt  }
0x43: {  	_ =	shalt  }
0x44: {  	_ =	shalt  }
0x45: {  	_ =	shalt  }
0x46: {  	_ =	shalt  }
0x47: {  	_ =	shalt  }
0x48: {  	_ =	shalt  }
0x49: {  	_ =	shalt  }
0x4a: {  	_ =	shalt  }
0x4b: {  	_ =	shalt  }
0x4c: {  	_ =	shalt  }
0x4d: {  	_ =	shalt  }
0x4e: {  	_ =	shalt  }
0x4f: {  	_ =	shalt  }
0x50: {  	_ =	shalt  }
0x51: {  	_ =	shalt  }
0x52: {  	_ =	shalt  }
0x53: {  	_ =	shalt  }
0x54: {  	_ =	shalt  }
0x55: {  	_ =	shalt  }
0x56: {  	_ =	shalt  }
0x57: {  	_ =	shalt  }
0x58: {  	_ =	shalt  }
0x59: {  	_ =	shalt  }
0x5a: {  	_ =	shalt  }
0x5b: {  	_ =	shalt  }
0x5c: {  	_ =	shalt  }
0x5d: {  	_ =	shalt  }
0x5e: {  	_ =	shalt  }
0x5f: {  	_ =	shalt  }
0x60: {  	_ =	shalt  }
0x61: {  	_ =	shalt  }
0x62: {  	_ =	shalt  }
0x63: {  	_ =	shalt  }
0x64: {  	_ =	shalt  }
0x65: {  	_ =	shalt  }
0x66: {  	_ =	shalt  }
0x67: {  	_ =	shalt  }
0x68: {  	_ =	shalt  }
0x69: {  	_ =	shalt  }
0x6a: {  	_ =	shalt  }
0x6b: {  	_ =	shalt  }
0x6c: {  	_ =	shalt  }
0x6d: {  	_ =	shalt  }
0x6e: {  	_ =	shalt  }
0x6f: {  	_ =	shalt  }
0x70: {  	_ =	shalt  }
0x71: {  	_ =	shalt  }
0x72: {  	_ =	shalt  }
0x73: {  	_ =	shalt  }
0x74: {  	_ =	shalt  }
0x75: {  	_ =	shalt  }
0x76: {  	_ =	shalt  }
0x77: {  	_ =	shalt  }
0x78: {  	_ =	shalt  }
0x79: {  	_ =	shalt  }
0x7a: {  	_ =	shalt  }
0x7b: {  	_ =	shalt  }
0x7c: {  	_ =	shalt  }
0x7d: {  	_ =	shalt  }
0x7e: {  	_ =	shalt  }
0x7f: {  	_ =	shalt  }
0x80: {  	_ =	shalt  }
0x81: {  	_ =	shalt  }
0x82: {  	_ =	shalt  }
0x83: {  	_ =	shalt  }
0x84: {  	_ =	shalt  }
0x85: {  	_ =	shalt  }
0x86: {  	_ =	shalt  }
0x87: {  	_ =	shalt  }
.Lfunc_end0:
.L_simem_size_0:
called_computation_lowered:
.L_overlay_start_0:
0x88: {  	s2 =	sld [smem:$0x3FD9]  }
0x89: {  	s3 =	sld [smem:$0x3FFE];
	_ =	sdelay $0x1  }
0x8a: {  	s1 =	srdreg.scid  }
0x8b: {  	s0 =	sand.u32 $0x1, s1  }
0x8c: {  	s17 =	sshll.u32 s0, $0xA;
	s2 =	sadd.s32 s3, s2  }
0x8d: {  	s2 =	sadd.s32 s2, s17  }
0x8e: {  	[smem:$0x3FC0] =	sst s2  }
0x8f: {  	_ = 	snop  }
0x90: {  	s2 =	sld [smem:$0x3FD0];
	(tm) =	ssettm $0x1  }
0x91: {  	s18 =	sld [smem:$0x3FFB];
	_ =	sdelay $0x3  }
0x92: {  	_ =	strace s18  }
0x93: {  	s3 =	sld [smem:$0x3FFC];
	_ =	sdelay $0x3  }
0x94: {  	_ =	strace s3  }
0x95: {  	s3 =	sld [smem:$0x3FFD];
	_ =	sdelay $0x3  }
0x96: {  	_ =	strace s3  }
0x97: {  	_ =	strace $0x8FFFFFFF  }
0x98: {  	s19 =	sld [smem:$0x3FDB];
	_ =	sdelay $0x1  }
0x99: {  	s4 =	simm.s32 $_scs_section_size  }
0x9a: {  	s5 =	simm.s32 $_size__tile_overlayer_lowered;
	s6 =	simm.s32 $_tile_overlayer_lowered  }
0x9b: {  	s22 =	simm.s32 $0x1BFF;
	s21 =	sshll.u32 s6, $0x1;
	s3 =	sadd.s32 s4, s19  }
0x9c: {  	s7 =	simm.s32 $0x0;
	s20 =	sshll.u32 s5, $0x1;
	s5 =	sadd.s32 s21, s3  }
0x9d: {  	[timem:s7], [sflag:s22] =	dma.local [hbm:s5], s20  }
0x9e: {  	_ =	swait.ge [sflag:s22], s20  }
0x9f: {  	s4 =	ssub.s32 $0x0, s20;
	[sflag:s22] =	ssyncset.done $0x0  }
0xa0: {  	[sflag:s22] =	ssyncadd.s32 s4;
	_ =	sdelay $0x1  }
0xa1: {  	s23 =	simm.s32 $0x1B8B  }
0xa2: {  	_ =	swait.ge [sflag:s23], $0x1  }
0xa3: {  	[sflag:s23] =	ssyncset.done $0x0  }
0xa4: {  	s25 =	simm.s32 $0x1B8E;
	s24 =	sld [smem:$0x3FFE];
	[sflag:s23] =	ssyncadd.s32 $0xFFFFFFFF  }
0xa5: {  	s26 =	simm.s32 $execute0_lowered;
	[smem:$0x3FD2] =	sst s25  }
0xa6: {  	s5 =	sshll.u32 s26, $0x1;
	_ =	strace $0x80000046;
	[dreg:$0x1] =	wrdreg $0xFFFFFFFF  }
0xa7: {  	s28 =	simm.s32 $_size_execute0_lowered;
	s3 =	sadd.s32 s3, s5;
	[dreg:$0x0] =	wrdreg $0x0  }
0xa8: {  	s5 =	sshll.u32 s28, $0x1;
	[dreg:$0x2] =	wrdreg s3  }
0xa9: {  	[dreg:$0x3] =	wrdreg s5  }
0xaa: {  	[dreg:$0x4] =	wrdreg $0xC0  }
0xab: {  	_ =	task [dreg:s7], $0x5FFFF  }
0xac: {  	[dreg:$0x1] =	wrdreg $0xFFFFFFFF  }
0xad: {  	[dreg:$0x0] =	wrdreg $0x60  }
0xae: {  	[dreg:$0x2] =	wrdreg s2  }
0xaf: {  	[dreg:$0x3] =	wrdreg s24  }
0xb0: {  	[dreg:$0x4] =	wrdreg $0xB0000  }
0xb1: {  	[dreg:$0x5] =	wrdreg $0x9  }
0xb2: {  	_ =	task.clear_ibuf [dreg:s7], $0x6FFFF;
	_ =	strace $0x90000046  }
0xb3: {  	s29 =	simm.s32 $0x9;
	_ =	strace $0x80000048  }
0xb4: {  	_ =	swait.ge [sflag:s29], $0x1  }
0xb5: {  	[sflag:s29] =	ssyncadd.s32 $0xFFFFFFFF  }
0xb6: {  	_ =	strace $0x90000048  }
0xb7: {  	_ =	sfence  }
0xb8: {  	s30 =	sld [smem:$0x0];
	_ =	sdelay $0x2  }
0xb9: {  	s31 =	sshll.u32 s1, $0xD;
	s1 =	sshrl.u32 s1, $0x2  }
0xba: {  	s3 =	sand.u32 $0x4000, s31;
	s1 =	sadd.s32 s1, s30  }
0xbb: {  	s0 =	sor.u32 s3, s0;
	s1 =	sshll.u32 s1, $0x11  }
0xbc: {  	s0 =	sor.u32 s1, s0  }
0xbd: {  	s0 =	sadd.s32 $0x8F2B, s0  }
0xbe: {  	[sflag:s0] =	ssyncadd.remote.s32 $0x1  }
0xbf: {  	_ =	sfence.sel $0xFFFF  }
0xc0: {  	[dreg:$0x0] =	wrdreg $0xFFFFFFFF;
	(pc) =	sbr.abs _section_cstart, $3  }
0xc1: {  	[dreg:$0x1] =	wrdreg $0xFFFFFFFF  }
0xc2: {  	_ =	task.clear_ibuf [dreg:s7], $0x2FFFF;
	_ =	strace $0x9FFFFFFF  }
0xc3: {  	(tm) =	ssettm $0x7FFFFFFF  }
tec
execute0_lowered:
.L_overlay_start_1:
0x0: {  	(tag) =	ssettag $0x1  }
0x1: {  	s0 =	rddreg [dreg:$0x0]  }
0x2: {  	s1 =	rddreg [dreg:$0x1];
	s2 =	srdreg.scid  }
0x3: {  	s3 =	rddreg [dreg:$0x2];
	s12 =	stileid.u32  }
0x4: {  	s4 =	simm.s32 $0x0;
	s29 =	simm.s32 $0xA;
	s8 =	smul.u32 $0x13C00, s12  }
0x5: {  	s31 =	simm.s32 $0x9;
	s30 =	simm.s32 $0x5;
	s9 =	smul.u32 $0x4F000, s12  }
0x6: {  	s2 =	sand.u32 $0x1, s2;
	[smem:$0x7FF] =	sst s4;
	s15 =	smul.u32 $0xC00, s12  }
0x7: {  	s5 =	sadd.s32 $0x16400, s1;
	s6 =	sadd.s32 $0x2400, s1;
	s7 =	smul.u32 $0x13C000, s2  }
0x8: {  	_ =	strace $0x80000047;
	s23 =	ssub.s32 $0x2, s2;
	p0 =	seq.s32 s2, $0x1  }
0x9: {  	s2 =	simm.s32 $0x3;
	s9 =	sshrl.u32 s9, $0x2;
	s11 =	sshrl.u32 s23, $0x1  }
0xa: {  	s7 =	sadd.s32 s8, s7;
	s13 =	sadd.s32 s9, s3;
	s8 =	ssub.s32 s23, s11  }
0xb: {  	s9 =	smul.u32 $0x1280, s12;
	s24 =	sadd.s32 $0x2780, s13;
	[dreg:$0x4] =	wrdreg s13  }
0xc: {  	s11 =	smul.u32 $0x180, s12;
	s25 =	sadd.s32 $0x4F00, s13;
	[dreg:$0x5] =	wrdreg s24  }
0xd: {  	s12 =	sshrl.u32 s15, $0x3;
	s26 =	sadd.s32 $0x7680, s13;
	[dreg:$0x6] =	wrdreg s25  }
0xe: {  	s10 =	sshrl.u32 s7, $0x3;
	s28 =	sadd.s32 $0x9E00, s13;
	[dreg:$0x7] =	wrdreg s26  }
0xf: {  	s14 =	sadd.s32 $0xED00, s13;
	s22 =	sadd.s32 $0x12840, s12;
	[dreg:$0x8] =	wrdreg s28  }
0x10: {  	s1 =	sadd.s32 s10, s1;
	s10 =	sadd.s32 $0xC580, s13;
	[dreg:$0xa] =	wrdreg s14  }
0x11: {  	s16 =	sadd.s32 s5, s9;
	s17 =	sadd.s32 s6, s9;
	s18 =	sor.u32 $0x40, s9  }
0x12: {  	s24 =	sadd.s32 s5, s22;
	s25 =	sadd.s32 s6, s22;
	[dreg:$0x9] =	wrdreg s10  }
0x13: {  	s26 =	smax.u32 s8, $0x1;
	s28 =	sadd.s32 $0x11480, s13;
	[dreg:$0xb] =	wrdreg s16  }
0x14: {  	s14 =	simm.s32 $0x800;
	s8 =	simm.s32 $0x7;
	[dreg:$0xc] =	wrdreg s17  }
0x15: {  	s19 =	sadd.s32 s5, s18;
	s10 =	sadd.s32 $0x12800, s11;
	[dreg:$0x11] =	wrdreg s24  }
0x16: {  	s20 =	sadd.s32 s6, s18;
	[dreg:$0x12] =	wrdreg s25;
	s1 =	sadd.s32 $0x2A400, s1  }
0x17: {  	[dreg:$0x14] =	wrdreg s26;
	s24 =	sadd.s32 $0x80, s9;
	s25 =	sadd.s32 $0x94400, s15  }
0x18: {  	[dreg:$0x15] =	wrdreg s28;
	s15 =	simm.s32 $0x2800;
	s17 =	simm.s32 $0x4800  }
.Ltmp0:
0x19: {  	s16 =	simm.s32 $0x2;
	[dreg:$0xd] =	wrdreg s19;
	(pc) =	sbr.rel .LBB2_1-.Ltmp0, $4  }
0x1a: {  	s18 =	simm.s32 $0x4;
	s9 =	simm.s32 $0x8;
	[dreg:$0xe] =	wrdreg s20  }
0x1b: {  	s21 =	sadd.s32 s5, s10;
	s23 =	sadd.s32 s6, s10;
	[dreg:$0x13] =	wrdreg s1  }
0x1c: {  	s1 =	simm.s32 $0x40;
	s19 =	simm.s32 $0x6800;
	[dreg:$0xf] =	wrdreg s21  }
0x1d: {  	v0 =	vimm.f32 $0.0e+00;
	s20 =	simm.s32 $0x6;
	[dreg:$0x10] =	wrdreg s23;
	s21 =	simm.s32 $0x1  }
.LBB2_10:
0x1e: {  	_ =	swait.ge [sflag:s30], $0x2000  }
0x1f: {  	[sflag:s30] =	ssyncset.done $0x0  }
0x20: {  	[sflag:s30] =	ssyncadd.s32 $0xFFFFE000  }
0x21: {  	_ =	swait.ge [sflag:s20], $0x2000  }
0x22: {  	[sflag:s20] =	ssyncset.done $0x0  }
0x23: {  	[sflag:s20] =	ssyncadd.s32 $0xFFFFE000  }
0x24: {  	_ =	swait.ge [sflag:s8], $0x2000  }
0x25: {  	[sflag:s8] =	ssyncset.done $0x0  }
0x26: {  	[sflag:s8] =	ssyncadd.s32 $0xFFFFE000  }
0x27: {  	_ =	swait.ge [sflag:s9], $0x2000  }
0x28: {  	[sflag:s9] =	ssyncset.done $0x0  }
0x29: {  	[sflag:s9] =	ssyncadd.s32 $0xFFFFE000  }
.LBB2_11:
0x2a: {  	s7 =	stileid.u32;
	[bflag:$0x0] =	sbarrier.arrive $0xFFFF  }
0x2b: {  	s7 =	sshll.u32 s7, $0x6;
	s13 =	rddreg [dreg:$0x4]  }
0x2c: {  	s11 =	rddreg [dreg:$0x13];
	s7 =	sor.u32 $0x1C0A, s7;
	s10 =	sshrl.u32 s13, $0x3  }
0x2d: {  	[hbm:s11], [sflag:s7] =	dma.local [spmem:s10], $0x2780  }
0x2e: {  	_ =	swait.ge [sflag:s29], $0x2780  }
0x2f: {  	s4 =	sadd.s32 $0x1, s4;
	s28 =	rddreg [dreg:$0x14]  }
0x30: {  	p1 =	sne.s32 s4, s28  }
.Ltmp1:
0x31: {  	_ = 	snop;
	(pc) =	sbr.rel @!p1 .LBB2_12-.Ltmp1, $3  }
0x32: {  	_ =	sdelay $0x1  }
0x33: {  	[sflag:s29] =	ssyncset.done $0x0  }
0x34: {  	[sflag:s29] =	ssyncadd.s32 $0xFFFFD880  }
.LBB2_1:
0x35: {  	s10 =	simm.s32 $0x0;
	s11 =	simm.s32 $0x200  }
.LBB2_2:
0x36: {  	p1 =	sne.s32 s11, $0x9C00;
	[tilespmem:s10+$0x8870] =	vst v0  }
0x37: {  	[tilespmem:s10+$0x8800] =	vst v0  }
0x38: {  	[tilespmem:s10+$0x8810] =	vst v0  }
.Ltmp2:
0x39: {  	[tilespmem:s10+$0x8820] =	vst v0;
	(pc) =	sbr.rel @p1 .LBB2_2-.Ltmp2, $4  }
0x3a: {  	[tilespmem:s10+$0x8830] =	vst v0  }
0x3b: {  	[tilespmem:s10+$0x8840] =	vst v0  }
0x3c: {  	[tilespmem:s10+$0x8850] =	vst v0  }
0x3d: {  	[tilespmem:s10+$0x8860] =	vst v0;
	s10 =	sshra.s32 s11, $0x2;
	s11 =	sadd.s32 $0x200, s11  }
0x3e: {  	[tilespmem:s10+$0x8870] =	vst v0  }
0x3f: {  	[tilespmem:s10+$0x8800] =	vst v0  }
0x40: {  	[tilespmem:s10+$0x8810] =	vst v0  }
0x41: {  	[tilespmem:s10+$0x8820] =	vst v0  }
0x42: {  	[tilespmem:s10+$0x8830] =	vst v0  }
0x43: {  	[tilespmem:s10+$0x8840] =	vst v0  }
0x44: {  	[tilespmem:s10+$0x8850] =	vst v0  }
0x45: {  	[tilespmem:s10+$0x8860] =	vst v0;
	s11 =	simm.s32 $0x8800  }
0x46: {  	[spmem:s13] =	stream.linear.scatter [tilespmem:s11], [sflag:$0xA], $0x2780, $0x38;
	[tilespmem:$0x1EC00] =	vst v63  }
0x47: {  	_ =	swait.ge [sflag:s29], $0x2780  }
0x48: {  	[sflag:s29] =	ssyncset.done $0x0  }
0x49: {  	s7 =	rddreg [dreg:$0x5];
	[sflag:s29] =	ssyncadd.s32 $0xFFFFD880  }
0x4a: {  	[spmem:s7] =	stream.linear.scatter [tilespmem:s11], [sflag:$0xA], $0x2780, $0x38;
	[tilespmem:$0x1EC00] =	vst v63  }
0x4b: {  	_ =	swait.ge [sflag:s29], $0x2780  }
0x4c: {  	[sflag:s29] =	ssyncset.done $0x0  }
0x4d: {  	s12 =	rddreg [dreg:$0x6];
	[sflag:s29] =	ssyncadd.s32 $0xFFFFD880  }
0x4e: {  	[spmem:s12] =	stream.linear.scatter [tilespmem:s11], [sflag:$0xA], $0x2780, $0x38;
	[tilespmem:$0x1EC00] =	vst v63  }
0x4f: {  	_ =	swait.ge [sflag:s29], $0x2780  }
0x50: {  	[sflag:s29] =	ssyncset.done $0x0  }
0x51: {  	s13 =	rddreg [dreg:$0x7];
	[sflag:s29] =	ssyncadd.s32 $0xFFFFD880  }
0x52: {  	[spmem:s13] =	stream.linear.scatter [tilespmem:s11], [sflag:$0xA], $0x2780, $0x38;
	[tilespmem:$0x1EC00] =	vst v63  }
0x53: {  	_ =	swait.ge [sflag:s29], $0x2780  }
0x54: {  	[sflag:s29] =	ssyncset.done $0x0  }
0x55: {  	s22 =	rddreg [dreg:$0x8];
	[sflag:s29] =	ssyncadd.s32 $0xFFFFD880  }
0x56: {  	[spmem:s22] =	stream.linear.scatter [tilespmem:s11], [sflag:$0xA], $0x2780, $0x38;
	[tilespmem:$0x1EC00] =	vst v63  }
0x57: {  	_ =	swait.ge [sflag:s29], $0x2780  }
0x58: {  	[sflag:s29] =	ssyncset.done $0x0  }
0x59: {  	s23 =	rddreg [dreg:$0x9];
	[sflag:s29] =	ssyncadd.s32 $0xFFFFD880  }
0x5a: {  	[spmem:s23] =	stream.linear.scatter [tilespmem:s11], [sflag:$0xA], $0x2780, $0x38;
	[tilespmem:$0x1EC00] =	vst v63  }
0x5b: {  	_ =	swait.ge [sflag:s29], $0x2780  }
0x5c: {  	[sflag:s29] =	ssyncset.done $0x0  }
0x5d: {  	s26 =	rddreg [dreg:$0xa];
	[sflag:s29] =	ssyncadd.s32 $0xFFFFD880  }
0x5e: {  	[spmem:s26] =	stream.linear.scatter [tilespmem:s11], [sflag:$0xA], $0x2780, $0x38;
	[tilespmem:$0x1EC00] =	vst v63  }
0x5f: {  	_ =	swait.ge [sflag:s29], $0x2780  }
0x60: {  	[sflag:s29] =	ssyncset.done $0x0  }
0x61: {  	s28 =	rddreg [dreg:$0x15];
	[sflag:s29] =	ssyncadd.s32 $0xFFFFD880  }
0x62: {  	[spmem:s28] =	stream.linear.scatter [tilespmem:s11], [sflag:$0xA], $0x2780, $0x38;
	[tilespmem:$0x1EC00] =	vst v63  }
.Ltmp3:
0x63: {  	_ =	swait.ge [sflag:s29], $0x2780;
	(pc) =	sbr.rel @!p0 .LBB2_4-.Ltmp3, $4  }
0x64: {  	[sflag:s29] =	ssyncset.done $0x0  }
0x65: {  	[sflag:s29] =	ssyncadd.s32 $0xFFFFD880  }
0x66: {  	[bflag:$0x0] =	sbarrier.arrive $0xFFFF  }
0x67: {  	s10 =	simm.s32 $0x0  }
0x68: {  	s7 =	rddreg [dreg:$0xf]  }
0x69: {  	[tilespmem:s10], [sflag:$0x9] =	stream.linear.gather [hbm4b:s7+s10], $0x200, $0x38;
	[tilespmem:$0x1EC00] =	vst v63  }
0x6a: {  	s28 =	rddreg [dreg:$0x10];
	s11 =	simm.s32 $0x400  }
0x6b: {  	[tilespmem:s11], [sflag:$0x9] =	stream.linear.gather [hbm4b:s28+s10], $0x200, $0x38;
	[tilespmem:$0x1EC00] =	vst v63  }
0x6c: {  	_ =	swait.ge [sflag:s31], $0x200  }
0x6d: {  	[sflag:s31] =	ssyncset.done $0x0  }
0x6e: {  	[sflag:s31] =	ssyncadd.s32 $0xFFFFFE00  }
0x6f: {  	_ =	swait.ge [sflag:s31], $0x200  }
0x70: {  	[sflag:s31] =	ssyncset.done $0x0  }
0x71: {  	s11 =	simm.s32 $0x800;
	[sflag:s31] =	ssyncadd.s32 $0xFFFFFE00  }
0x72: {  	[tilespmem:s11], [sflag:$0x1] =	stream.indirect.gather [hbm4b:s0+s1], $0x80, s10, s1, $0xb8;
	[tilespmem:$0x1EC00] =	vst v63  }
0x73: {  	s12 =	simm.s32 $0x80  }
0x74: {  	[tilespmem:s15], [sflag:$0x2] =	stream.indirect.gather [hbm4b:s0+s1], $0x80, s12, s1, $0xb8;
	[tilespmem:$0x1EC00] =	vst v63  }
0x75: {  	s13 =	simm.s32 $0x100  }
0x76: {  	[tilespmem:s17], [sflag:$0x3] =	stream.indirect.gather [hbm4b:s0+s1], $0x80, s13, s1, $0xb8;
	[tilespmem:$0x1EC00] =	vst v63  }
0x77: {  	s22 =	simm.s32 $0x180  }
0x78: {  	[tilespmem:s19], [sflag:$0x4] =	stream.indirect.gather [hbm4b:s0+s1], $0x80, s22, s1, $0xb8;
	[tilespmem:$0x1EC00] =	vst v63  }
0x79: {  	s23 =	rddreg [dreg:$0x11];
	s12 =	simm.s32 $0x200  }
0x7a: {  	[tilespmem:s12], [sflag:$0x9] =	stream.linear.gather [hbm4b:s23+s10], $0x200, $0x38;
	[tilespmem:$0x1EC00] =	vst v63  }
0x7b: {  	s28 =	simm.s32 $0x600;
	s26 =	rddreg [dreg:$0x12];
	s12 =	simm.s32 $0x0  }
0x7c: {  	[tilespmem:s28], [sflag:$0x9] =	stream.linear.gather [hbm4b:s26+s10], $0x200, $0x38;
	[tilespmem:$0x1EC00] =	vst v63  }
.LBB2_8:
0x7d: {  	_ =	swait.ge [sflag:s21], $0x2000  }
0x7e: {  	s22 =	sand.u32 $0x200, s12;
	[sflag:s21] =	ssyncset.done $0x0  }
0x7f: {  	s13 =	sor.u32 $0x400, s22;
	[sflag:s21] =	ssyncadd.s32 $0xFFFFE000  }
0x80: {  	[spmem:s3] =	stream.indirect.scatter.add.f32 [tilespmem:s14], [sflag:$0x5], $0x80, s13, s1, $0xb8;
	[tilespmem:$0x1EC00] =	vst v63  }
0x81: {  	_ =	swait.ge [sflag:s16], $0x2000  }
0x82: {  	[sflag:s16] =	ssyncset.done $0x0  }
0x83: {  	s7 =	sor.u32 $0x480, s22;
	[sflag:s16] =	ssyncadd.s32 $0xFFFFE000  }
0x84: {  	[spmem:s3] =	stream.indirect.scatter.add.f32 [tilespmem:s15], [sflag:$0x6], $0x80, s7, s1, $0xb8;
	[tilespmem:$0x1EC00] =	vst v63  }
0x85: {  	_ =	swait.ge [sflag:s2], $0x2000  }
0x86: {  	[sflag:s2] =	ssyncset.done $0x0  }
0x87: {  	p1 =	seq.s32 s10, $0x5;
	s26 =	sor.u32 $0x500, s22;
	[sflag:s2] =	ssyncadd.s32 $0xFFFFE000  }
0x88: {  	[spmem:s3] =	stream.indirect.scatter.add.f32 [tilespmem:s17], [sflag:$0x7], $0x80, s26, s1, $0xb8;
	[tilespmem:$0x1EC00] =	vst v63  }
.Ltmp4:
0x89: {  	_ = 	snop;
	(pc) =	sbr.rel @p1 .LBB2_10-.Ltmp4, $4  }
0x8a: {  	_ =	swait.ge [sflag:s18], $0x2000  }
0x8b: {  	[sflag:s18] =	ssyncset.done $0x0  }
0x8c: {  	s28 =	sor.u32 $0x580, s22;
	[sflag:s18] =	ssyncadd.s32 $0xFFFFE000  }
0x8d: {  	[spmem:s3] =	stream.indirect.scatter.add.f32 [tilespmem:s19], [sflag:$0x8], $0x80, s28, s1, $0xb8;
	[tilespmem:$0x1EC00] =	vst v63  }
0x8e: {  	_ =	swait.ge [sflag:s31], $0x200  }
0x8f: {  	[sflag:s31] =	ssyncset.done $0x0  }
0x90: {  	[sflag:s31] =	ssyncadd.s32 $0xFFFFFE00  }
0x91: {  	_ =	swait.ge [sflag:s31], $0x200  }
0x92: {  	[sflag:s31] =	ssyncset.done $0x0  }
0x93: {  	[sflag:s31] =	ssyncadd.s32 $0xFFFFFE00  }
0x94: {  	_ =	swait.ge [sflag:s30], $0x2000  }
0x95: {  	s7 =	sshrl.u32 s11, $0x2;
	[sflag:s30] =	ssyncset.done $0x0  }
0x96: {  	s7 =	sand.u32 $0x200, s7;
	[sflag:s30] =	ssyncadd.s32 $0xFFFFE000  }
0x97: {  	[tilespmem:s14], [sflag:$0x1] =	stream.indirect.gather [hbm4b:s0+s1], $0x80, s7, s1, $0xb8;
	[tilespmem:$0x1EC00] =	vst v63  }
0x98: {  	_ =	swait.ge [sflag:s20], $0x2000  }
0x99: {  	[sflag:s20] =	ssyncset.done $0x0  }
0x9a: {  	s23 =	sor.u32 $0x80, s7;
	[sflag:s20] =	ssyncadd.s32 $0xFFFFE000  }
0x9b: {  	[tilespmem:s15], [sflag:$0x2] =	stream.indirect.gather [hbm4b:s0+s1], $0x80, s23, s1, $0xb8;
	[tilespmem:$0x1EC00] =	vst v63  }
0x9c: {  	_ =	swait.ge [sflag:s8], $0x2000  }
0x9d: {  	[sflag:s8] =	ssyncset.done $0x0  }
0x9e: {  	s28 =	sor.u32 $0x100, s7;
	[sflag:s8] =	ssyncadd.s32 $0xFFFFE000  }
0x9f: {  	[tilespmem:s17], [sflag:$0x3] =	stream.indirect.gather [hbm4b:s0+s1], $0x80, s28, s1, $0xb8;
	[tilespmem:$0x1EC00] =	vst v63  }
0xa0: {  	_ =	swait.ge [sflag:s9], $0x2000  }
0xa1: {  	[sflag:s9] =	ssyncset.done $0x0  }
0xa2: {  	p1 =	sgt.u32 s10, $0x3;
	s7 =	sor.u32 $0x180, s7;
	[sflag:s9] =	ssyncadd.s32 $0xFFFFE000  }
0xa3: {  	[tilespmem:s19], [sflag:$0x4] =	stream.indirect.gather [hbm4b:s0+s1], $0x80, s7, s1, $0xb8;
	[tilespmem:$0x1EC00] =	vst v63  }
0xa4: {  	s7 =	sadd.s32 @!p1 s12, s25  }
0xa5: {  	s7 =	sand.u32 @!p1 $0xFFC00, s7  }
0xa6: {  	s7 =	sor.u32 @!p1 s22, s7  }
0xa7: {  	s7 =	sshrl.u32 @!p1 s7, $0x3  }
0xa8: {  	s26 =	simm.s32 @!p1 $0x0;
	s23 =	sadd.s32 @!p1 s5, s7  }
0xa9: {  	[tilespmem:s22], [sflag:$0x9] =	stream.linear.gather @!p1 [hbm4b:s23+s26], $0x200, $0x38;
	[tilespmem:$0x1EC00] =	vst v63  }
0xaa: {  	s10 =	sadd.s32 $0x1, s10;
	s7 =	sadd.s32 @!p1 s6, s7  }
0xab: {  	[tilespmem:s13], [sflag:$0x9] =	stream.linear.gather @!p1 [hbm4b:s7+s26], $0x200, $0x38;
	[tilespmem:$0x1EC00] =	vst v63  }
0xac: {  	p1 =	seq.s32 s10, $0x6  }
.Ltmp5:
0xad: {  	_ = 	snop;
	(pc) =	sbr.rel @!p1 .LBB2_8-.Ltmp5, $4  }
.Ltmp6:
0xae: {  	_ = 	snop;
	(pc) =	sbr.rel @p1 .LBB2_11-.Ltmp6, $4  }
0xaf: {  	_ = 	snop  }
0xb0: {  	_ = 	snop  }
0xb1: {  	s11 =	sadd.s32 $0x800, s11;
	s12 =	sadd.s32 $0x200, s12  }
0xb2: {  	_ = 	snop  }
.LBB2_4:
0xb3: {  	s7 =	rddreg [dreg:$0xb]  }
0xb4: {  	[tilespmem:s10], [sflag:$0x9] =	stream.linear.gather [hbm4b:s7+s10], $0x200, $0x38;
	[tilespmem:$0x1EC00] =	vst v63  }
0xb5: {  	s28 =	rddreg [dreg:$0xc];
	s11 =	simm.s32 $0x400  }
0xb6: {  	[tilespmem:s11], [sflag:$0x9] =	stream.linear.gather [hbm4b:s28+s10], $0x200, $0x38;
	[tilespmem:$0x1EC00] =	vst v63  }
0xb7: {  	_ =	swait.ge [sflag:s31], $0x200  }
0xb8: {  	[sflag:s31] =	ssyncset.done $0x0  }
0xb9: {  	[sflag:s31] =	ssyncadd.s32 $0xFFFFFE00  }
0xba: {  	_ =	swait.ge [sflag:s31], $0x200  }
0xbb: {  	[sflag:s31] =	ssyncset.done $0x0  }
0xbc: {  	s11 =	simm.s32 $0x800;
	[sflag:s31] =	ssyncadd.s32 $0xFFFFFE00  }
0xbd: {  	[tilespmem:s11], [sflag:$0x1] =	stream.indirect.gather [hbm4b:s0+s1], $0x80, s10, s1, $0xb8;
	[tilespmem:$0x1EC00] =	vst v63  }
0xbe: {  	s12 =	simm.s32 $0x80  }
0xbf: {  	[tilespmem:s15], [sflag:$0x2] =	stream.indirect.gather [hbm4b:s0+s1], $0x80, s12, s1, $0xb8;
	[tilespmem:$0x1EC00] =	vst v63  }
0xc0: {  	s13 =	simm.s32 $0x100  }
0xc1: {  	[tilespmem:s17], [sflag:$0x3] =	stream.indirect.gather [hbm4b:s0+s1], $0x80, s13, s1, $0xb8;
	[tilespmem:$0x1EC00] =	vst v63  }
0xc2: {  	s22 =	simm.s32 $0x180  }
0xc3: {  	[tilespmem:s19], [sflag:$0x4] =	stream.indirect.gather [hbm4b:s0+s1], $0x80, s22, s1, $0xb8;
	[tilespmem:$0x1EC00] =	vst v63  }
0xc4: {  	s28 =	simm.s32 $0x600;
	s23 =	rddreg [dreg:$0xd];
	s12 =	simm.s32 $0x200  }
0xc5: {  	[tilespmem:s12], [sflag:$0x9] =	stream.linear.gather [hbm4b:s23+s10], $0x200, $0x38;
	[tilespmem:$0x1EC00] =	vst v63  }
0xc6: {  	s26 =	rddreg [dreg:$0xe];
	s13 =	simm.s32 $0x0;
	s12 =	simm.s32 $0x0  }
0xc7: {  	[tilespmem:s28], [sflag:$0x9] =	stream.linear.gather [hbm4b:s26+s10], $0x200, $0x38;
	[tilespmem:$0x1EC00] =	vst v63  }
.LBB2_5:
0xc8: {  	_ =	swait.ge [sflag:s21], $0x2000  }
0xc9: {  	s22 =	sand.u32 $0x200, s10;
	[sflag:s21] =	ssyncset.done $0x0  }
0xca: {  	s23 =	sor.u32 $0x400, s22;
	[sflag:s21] =	ssyncadd.s32 $0xFFFFE000  }
0xcb: {  	[spmem:s3] =	stream.indirect.scatter.add.f32 [tilespmem:s14], [sflag:$0x5], $0x80, s23, s1, $0xb8;
	[tilespmem:$0x1EC00] =	vst v63  }
0xcc: {  	_ =	swait.ge [sflag:s16], $0x2000  }
0xcd: {  	[sflag:s16] =	ssyncset.done $0x0  }
0xce: {  	s26 =	sor.u32 $0x480, s22;
	[sflag:s16] =	ssyncadd.s32 $0xFFFFE000  }
0xcf: {  	[spmem:s3] =	stream.indirect.scatter.add.f32 [tilespmem:s15], [sflag:$0x6], $0x80, s26, s1, $0xb8;
	[tilespmem:$0x1EC00] =	vst v63  }
0xd0: {  	_ =	swait.ge [sflag:s2], $0x2000  }
0xd1: {  	[sflag:s2] =	ssyncset.done $0x0  }
0xd2: {  	p1 =	seq.s32 s12, $0x1240;
	s7 =	sor.u32 $0x500, s22;
	[sflag:s2] =	ssyncadd.s32 $0xFFFFE000  }
0xd3: {  	[spmem:s3] =	stream.indirect.scatter.add.f32 [tilespmem:s17], [sflag:$0x7], $0x80, s7, s1, $0xb8;
	[tilespmem:$0x1EC00] =	vst v63  }
.Ltmp7:
0xd4: {  	_ = 	snop;
	(pc) =	sbr.rel @p1 .LBB2_10-.Ltmp7, $4  }
0xd5: {  	_ =	swait.ge [sflag:s18], $0x2000  }
0xd6: {  	[sflag:s18] =	ssyncset.done $0x0  }
0xd7: {  	s28 =	sor.u32 $0x580, s22;
	[sflag:s18] =	ssyncadd.s32 $0xFFFFE000  }
0xd8: {  	[spmem:s3] =	stream.indirect.scatter.add.f32 [tilespmem:s19], [sflag:$0x8], $0x80, s28, s1, $0xb8;
	[tilespmem:$0x1EC00] =	vst v63  }
0xd9: {  	_ =	swait.ge [sflag:s31], $0x200  }
0xda: {  	[sflag:s31] =	ssyncset.done $0x0  }
0xdb: {  	[sflag:s31] =	ssyncadd.s32 $0xFFFFFE00  }
0xdc: {  	_ =	swait.ge [sflag:s31], $0x200  }
0xdd: {  	[sflag:s31] =	ssyncset.done $0x0  }
0xde: {  	[sflag:s31] =	ssyncadd.s32 $0xFFFFFE00  }
0xdf: {  	_ =	swait.ge [sflag:s30], $0x2000  }
0xe0: {  	s26 =	sshrl.u32 s11, $0x2;
	[sflag:s30] =	ssyncset.done $0x0  }
0xe1: {  	s26 =	sand.u32 $0x200, s26;
	[sflag:s30] =	ssyncadd.s32 $0xFFFFE000  }
0xe2: {  	[tilespmem:s14], [sflag:$0x1] =	stream.indirect.gather [hbm4b:s0+s1], $0x80, s26, s1, $0xb8;
	[tilespmem:$0x1EC00] =	vst v63  }
0xe3: {  	_ =	swait.ge [sflag:s20], $0x2000  }
0xe4: {  	[sflag:s20] =	ssyncset.done $0x0  }
0xe5: {  	s7 =	sor.u32 $0x80, s26;
	[sflag:s20] =	ssyncadd.s32 $0xFFFFE000  }
0xe6: {  	[tilespmem:s15], [sflag:$0x2] =	stream.indirect.gather [hbm4b:s0+s1], $0x80, s7, s1, $0xb8;
	[tilespmem:$0x1EC00] =	vst v63  }
0xe7: {  	_ =	swait.ge [sflag:s8], $0x2000  }
0xe8: {  	p1 =	sgt.u32 s13, $0x47;
	[sflag:s8] =	ssyncset.done $0x0  }
0xe9: {  	s28 =	sor.u32 $0x100, s26;
	s7 =	sadd.s32 @!p1 s12, s24;
	[sflag:s8] =	ssyncadd.s32 $0xFFFFE000  }
0xea: {  	[tilespmem:s17], [sflag:$0x3] =	stream.indirect.gather [hbm4b:s0+s1], $0x80, s28, s1, $0xb8;
	[tilespmem:$0x1EC00] =	vst v63  }
0xeb: {  	s7 =	sand.u32 @!p1 $0x3FF80, s7;
	_ =	swait.ge [sflag:s9], $0x2000  }
0xec: {  	s28 =	sor.u32 $0x180, s26;
	s26 =	sand.u32 @!p1 $0x40, s12;
	[sflag:s9] =	ssyncset.done $0x0  }
0xed: {  	s7 =	sor.u32 @!p1 s26, s7;
	[sflag:s9] =	ssyncadd.s32 $0xFFFFE000  }
0xee: {  	[tilespmem:s19], [sflag:$0x4] =	stream.indirect.gather [hbm4b:s0+s1], $0x80, s28, s1, $0xb8;
	[tilespmem:$0x1EC00] =	vst v63  }
0xef: {  	s26 =	sadd.s32 @!p1 s5, s7;
	s28 =	simm.s32 @!p1 $0x0  }
0xf0: {  	[tilespmem:s22], [sflag:$0x9] =	stream.linear.gather @!p1 [hbm4b:s26+s28], $0x200, $0x38;
	[tilespmem:$0x1EC00] =	vst v63  }
0xf1: {  	s12 =	sadd.s32 $0x40, s12;
	s7 =	sadd.s32 @!p1 s6, s7  }
0xf2: {  	[tilespmem:s23], [sflag:$0x9] =	stream.linear.gather @!p1 [hbm4b:s7+s28], $0x200, $0x38;
	[tilespmem:$0x1EC00] =	vst v63  }
0xf3: {  	p1 =	seq.s32 s12, $0x1280  }
.Ltmp8:
0xf4: {  	_ = 	snop;
	(pc) =	sbr.rel @!p1 .LBB2_5-.Ltmp8, $4  }
.Ltmp9:
0xf5: {  	_ = 	snop;
	(pc) =	sbr.rel @p1 .LBB2_11-.Ltmp9, $4  }
0xf6: {  	_ = 	snop  }
0xf7: {  	_ = 	snop  }
0xf8: {  	s11 =	sadd.s32 $0x800, s11;
	s10 =	sadd.s32 $0x200, s10;
	s13 =	sadd.s32 $0x1, s13  }
0xf9: {  	_ = 	snop  }
.LBB2_12:
0xfa: {  	_ =	sfence.sel $0x180000  }
0xfb: {  	[bflag:$0x0] =	sbarrier.arrive $0xFFFF  }
0xfc: {  	_ =	strace $0x90000047  }
0xfd: {  	s0 =	stileid.u32;
	[bflag:$0x2] =	sbarrier.arrive $0xFFFF  }
0xfe: {  	p0 =	sne.s32 s0, $0x0;
	s0 =	rddreg [dreg:$0x3]  }
0xff: {  	s0 =	sadd.s32 @!p0 $0x100000, s0  }
0x100: {  	[sflag:s0] =	ssyncadd.tile.s32 @!p0 $0x1;
	_ =	shalt  }
.Lfunc_end2:
_tile_overlayer_lowered:
.L_overlay_start_2:
0x101: {  	(tag) =	ssettag $0x2  }
0x102: {  	s0 =	rddreg [dreg:$0x0];
	s2 =	stileid.u32  }
0x103: {  	s1 =	rddreg [dreg:$0x1];
	p0 =	sne.s32 s2, $0x0  }
0x104: {  	s3 =	rddreg [dreg:$0x2];
	[bflag:$0x3] =	sbarrier.arrive $0xFFFF;
	s2 =	simm.s32 @!p0 $0x1C0A  }
0x105: {  	[timem:s3], [sflag:s2] =	dma.local @!p0 [hbm:s0], s1  }
0x106: {  	s0 =	simm.s32 @!p0 $0xA  }
0x107: {  	_ =	swait.ge @!p0 [sflag:s0], s1  }
0x108: {  	s1 =	ssub.s32 @!p0 $0x0, s1;
	[sflag:s0] =	ssyncset.done @!p0 $0x0  }
0x109: {  	[sflag:s0] =	ssyncadd.s32 @!p0 s1  }
0x10a: {  	[bflag:$0x3] =	sbarrier.arrive $0xFFFF  }
0x10b: {  	_ =	shalt  }

</sc_bundles>
